<compile_context>
chip_gen: v7x
topology: tpu7x:2x2x1
jax: 0.10.2.dev20260603
libtpu: 0.0.44.dev20260713+nightly
codegen_flags: <defaults>
</compile_context>

<pallas_src>
import functools

import jax
import jax.numpy as jnp
from jax import lax
from jax.experimental import pallas as pl
from jax.experimental.pallas import tpu as pltpu
from jax.experimental.pallas import tpu_sc as plsc

N = 10000
E = 320000
B = 8
NPER = 1250
NH = 64
K = 625

NTILES = 32
EPT = E // NTILES
CH = 125
NCH = EPT // CH
ZROWS = 1000

_MESH = plsc.VectorSubcoreMesh(core_axis_name="c", subcore_axis_name="s")


_D = 4


def _sc_degree_body(c3, zeros_hbm, ones_hbm, out, cidx, ones_v, dsem, deg_sh):
    cid = lax.axis_index("c")
    sid = lax.axis_index("s")
    wid = cid * 16 + sid
    pltpu.sync_copy(c3.at[wid], cidx)
    pltpu.sync_copy(ones_hbm, ones_v)

    @pl.when(sid < N // ZROWS)
    def _():
        pltpu.sync_copy(zeros_hbm, deg_sh.at[pl.ds(sid * ZROWS, ZROWS)])

    plsc.subcore_barrier()

    def body(j, _):
        b = lax.rem(j, _D)

        @pl.when(j >= _D)
        def _():
            pltpu.make_async_copy(ones_v, deg_sh.at[cidx.at[j - _D]],
                                  dsem.at[b]).wait()

        pltpu.async_copy(ones_v, deg_sh.at[cidx.at[j]], dsem.at[b], add=True)
        return _

    lax.fori_loop(0, NCH, body, None)
    for j in range(NCH - _D, NCH):
        pltpu.make_async_copy(ones_v, deg_sh.at[cidx.at[j]],
                              dsem.at[j % _D]).wait()
    plsc.subcore_barrier()

    @pl.when(sid < N // ZROWS)
    def _():
        pltpu.sync_copy(deg_sh.at[pl.ds(sid * ZROWS, ZROWS)],
                        out.at[cid, pl.ds(sid * ZROWS, ZROWS)])


_W1 = 16

_sc_degree = pl.kernel(
    _sc_degree_body,
    out_type=jax.ShapeDtypeStruct((2, N, _W1), jnp.float32),
    mesh=_MESH,
    compiler_params=pltpu.CompilerParams(use_tc_tiling_on_sc=False),
    scratch_types=[
        pltpu.VMEM((NCH, CH), jnp.int32),
        pltpu.VMEM((CH, _W1), jnp.float32),
        pltpu.SemaphoreType.DMA((_D,)),
        pltpu.VMEM_SHARED((N, _W1), jnp.float32),
    ],
)


def _sc_scatter_body(u, r3, c3, zeros_hbm, out, ridx, cidx, rows, gsem, ssem,
                     s_sh):
    cid = lax.axis_index("c")
    sid = lax.axis_index("s")
    wid = cid * 16 + sid
    pltpu.sync_copy(r3.at[wid], ridx)
    pltpu.sync_copy(c3.at[wid], cidx)

    @pl.when(sid < N // ZROWS)
    def _():
        pltpu.sync_copy(zeros_hbm, s_sh.at[pl.ds(sid * ZROWS, ZROWS)])

    plsc.subcore_barrier()

    for j in range(_D):
        pltpu.async_copy(u.at[ridx.at[j]], rows.at[j], gsem.at[j])

    def body(j, _):
        b = lax.rem(j, _D)
        pltpu.make_async_copy(u.at[ridx.at[j]], rows.at[b], gsem.at[b]).wait()
        pltpu.async_copy(rows.at[b], s_sh.at[cidx.at[j]], ssem.at[b], add=True)

        @pl.when(j + _D < NCH)
        def _():
            pltpu.make_async_copy(rows.at[b], s_sh.at[cidx.at[j]],
                                  ssem.at[b]).wait()
            pltpu.async_copy(u.at[ridx.at[j + _D]], rows.at[b], gsem.at[b])
        return _

    lax.fori_loop(0, NCH, body, None)
    for j in range(NCH - _D, NCH):
        b = j % _D
        pltpu.make_async_copy(rows.at[b], s_sh.at[cidx.at[j]],
                              ssem.at[b]).wait()
    plsc.subcore_barrier()

    @pl.when(sid < N // ZROWS)
    def _():
        pltpu.sync_copy(s_sh.at[pl.ds(sid * ZROWS, ZROWS)],
                        out.at[cid, pl.ds(sid * ZROWS, ZROWS)])


def _make_sc_scatter(w):
    return pl.kernel(
        _sc_scatter_body,
        out_type=jax.ShapeDtypeStruct((2, N, w), jnp.float32),
        mesh=_MESH,
        compiler_params=pltpu.CompilerParams(use_tc_tiling_on_sc=False),
        scratch_types=[
            pltpu.VMEM((NCH, CH), jnp.int32),
            pltpu.VMEM((NCH, CH), jnp.int32),
            pltpu.VMEM((_D, CH, w), jnp.float32),
            pltpu.SemaphoreType.DMA((_D,)),
            pltpu.SemaphoreType.DMA((_D,)),
            pltpu.VMEM_SHARED((N, w), jnp.float32),
        ],
    )


_sc_scatter64 = _make_sc_scatter(NH)
_sc_scatter16 = _make_sc_scatter(_W1)


_R = 1000


def _tc1_body(degp, x, w1, dinv, u1):
    deg = degp[0] + degp[1] + 1.0
    di = lax.rsqrt(deg)
    dinv[...] = di
    u1[...] = jnp.dot(x[...], w1[...], preferred_element_type=jnp.float32) * di


def _tc_layer_body(sp, uprev, dinv, b, wnext, hprev, unext):
    h = jnp.maximum(dinv[...] * (sp[0] + sp[1] + uprev[...]) + b[...], 0.0)
    hprev[...] = h
    unext[...] = jnp.dot(h, wnext[...], preferred_element_type=jnp.float32) * dinv[...]


def _tc_score_body(sp, u3, dinv, b3, h1, h2, wsa, wsb, wsc, h3, us):
    h = jnp.maximum(dinv[...] * (sp[0] + sp[1] + u3[...]) + b3[...], 0.0)
    h3[...] = h
    s = (jnp.dot(h1[...], wsa[...], preferred_element_type=jnp.float32)
         + jnp.dot(h2[...], wsb[...], preferred_element_type=jnp.float32)
         + jnp.dot(h, wsc[...], preferred_element_type=jnp.float32))
    us[...] = jnp.broadcast_to(s * dinv[...], (s.shape[0], _W1))


def _full_spec(shape):
    return pl.BlockSpec(shape, lambda i: tuple(0 for _ in shape))


_tc1 = pl.pallas_call(
    _tc1_body,
    grid=(N // _R,),
    in_specs=[pl.BlockSpec((2, _R, 1), lambda i: (0, i, 0)),
              pl.BlockSpec((_R, 128), lambda i: (i, 0)),
              _full_spec((128, NH))],
    out_specs=[pl.BlockSpec((_R, 1), lambda i: (i, 0)),
               pl.BlockSpec((_R, NH), lambda i: (i, 0))],
    out_shape=[jax.ShapeDtypeStruct((N, 1), jnp.float32),
               jax.ShapeDtypeStruct((N, NH), jnp.float32)],
)

_tc_layer = pl.pallas_call(
    _tc_layer_body,
    grid=(N // _R,),
    in_specs=[pl.BlockSpec((2, _R, NH), lambda i: (0, i, 0)),
              pl.BlockSpec((_R, NH), lambda i: (i, 0)),
              pl.BlockSpec((_R, 1), lambda i: (i, 0)),
              _full_spec((1, NH)),
              _full_spec((NH, NH))],
    out_specs=[pl.BlockSpec((_R, NH), lambda i: (i, 0)),
               pl.BlockSpec((_R, NH), lambda i: (i, 0))],
    out_shape=[jax.ShapeDtypeStruct((N, NH), jnp.float32),
               jax.ShapeDtypeStruct((N, NH), jnp.float32)],
)

_tc_score = pl.pallas_call(
    _tc_score_body,
    grid=(N // _R,),
    in_specs=[pl.BlockSpec((2, _R, NH), lambda i: (0, i, 0)),
              pl.BlockSpec((_R, NH), lambda i: (i, 0)),
              pl.BlockSpec((_R, 1), lambda i: (i, 0)),
              _full_spec((1, NH)),
              pl.BlockSpec((_R, NH), lambda i: (i, 0)),
              pl.BlockSpec((_R, NH), lambda i: (i, 0)),
              _full_spec((NH, 1)),
              _full_spec((NH, 1)),
              _full_spec((NH, 1))],
    out_specs=[pl.BlockSpec((_R, NH), lambda i: (i, 0)),
               pl.BlockSpec((_R, _W1), lambda i: (i, 0))],
    out_shape=[jax.ShapeDtypeStruct((N, NH), jnp.float32),
               jax.ShapeDtypeStruct((N, _W1), jnp.float32)],
)


def _tc_mask_body(ssp, us, dinv, bs, gsel, negadd):
    score = dinv[...] * (ssp[0] + ssp[1] + us[...]) + bs[...]

    bits = lax.bitcast_convert_type(score, jnp.uint32)
    top = jnp.uint32(0x80000000)
    ukey = bits ^ jnp.where(bits >= top, jnp.uint32(0xFFFFFFFF), top)

    t = jnp.zeros((B, 1), jnp.uint32)
    for b in range(31, -1, -1):
        cand = t | jnp.uint32(1 << b)
        cnt = jnp.sum((ukey >= cand).astype(jnp.int32), axis=1, keepdims=True)
        t = jnp.where(cnt >= K, cand, t)

    gt = ukey > t
    tie = ukey == t
    r = K - jnp.sum(gt.astype(jnp.int32), axis=1, keepdims=True)
    idx = lax.broadcasted_iota(jnp.int32, (B, NPER), 1)
    lo = jnp.zeros((B, 1), jnp.int32)
    hi = jnp.full((B, 1), NPER - 1, jnp.int32)
    for _ in range(11):
        mid = (lo + hi) // 2
        cnt = jnp.sum((tie & (idx <= mid)).astype(jnp.int32), axis=1,
                      keepdims=True)
        ok = cnt >= r
        hi = jnp.where(ok, mid, hi)
        lo = jnp.where(ok, lo, mid + 1)
    mask = gt | (tie & (idx <= lo))

    gsel[...] = jnp.where(mask, jnp.tanh(score), 0.0)
    negadd[...] = jnp.where(mask, 0.0, jnp.float32(-3.4e38))


_tc_mask = pl.pallas_call(
    _tc_mask_body,
    out_shape=[jax.ShapeDtypeStruct((B, NPER), jnp.float32),
               jax.ShapeDtypeStruct((B, NPER), jnp.float32)],
)


def _tc_pool_body(h1, h2, h3, gsel, neg, wg, bg, wl2, bl2, wl3, bl3, out):
    g2 = gsel[0]
    n2 = neg[0]
    parts = []
    vs = [h[0] * g2 for h in (h1, h2, h3)]
    for v in vs:
        parts.append(jnp.max(v + n2, axis=0, keepdims=True))
    for v in vs:
        parts.append(jnp.sum(v, axis=0, keepdims=True) * (1.0 / K))
    xg = jnp.concatenate(parts, axis=1)
    y = jnp.maximum(jnp.dot(xg, wg[...], preferred_element_type=jnp.float32)
                    + bg[...], 0.0)
    y = jnp.maximum(jnp.dot(y, wl2[...], preferred_element_type=jnp.float32)
                    + bl2[...], 0.0)
    y = jnp.dot(y, wl3[...], preferred_element_type=jnp.float32) + bl3[...]
    z = y - jnp.max(y, axis=1, keepdims=True)
    out[0] = z - jnp.log(jnp.sum(jnp.exp(z), axis=1, keepdims=True))


_tc_pool = pl.pallas_call(
    _tc_pool_body,
    grid=(B,),
    in_specs=[pl.BlockSpec((1, NPER, NH), lambda g: (g, 0, 0)),
              pl.BlockSpec((1, NPER, NH), lambda g: (g, 0, 0)),
              pl.BlockSpec((1, NPER, NH), lambda g: (g, 0, 0)),
              pl.BlockSpec((1, NPER, 1), lambda g: (g, 0, 0)),
              pl.BlockSpec((1, NPER, 1), lambda g: (g, 0, 0)),
              _full_spec((6 * NH, NH)),
              _full_spec((1, NH)),
              _full_spec((NH, NH // 2)),
              _full_spec((1, NH // 2)),
              _full_spec((NH // 2, 10)),
              _full_spec((1, 10))],
    out_specs=pl.BlockSpec((1, 1, 10), lambda g: (g, 0, 0)),
    out_shape=jax.ShapeDtypeStruct((B, 1, 10), jnp.float32),
)


def kernel(x, edge_index, batch, batch_size, edge_attr, W1, b1, W2, b2, W3, b3,
           Ws, bs, Wg, bg, Wl2, bl2, Wl3, bl3):
    del batch, batch_size, edge_attr
    r3 = edge_index[0].astype(jnp.int32).reshape(NTILES, NCH, CH)
    c3 = edge_index[1].astype(jnp.int32).reshape(NTILES, NCH, CH)
    z64 = jnp.zeros((ZROWS, NH), jnp.float32)
    z16 = jnp.zeros((ZROWS, _W1), jnp.float32)
    ones16 = jnp.ones((CH, _W1), jnp.float32)

    degp = _sc_degree(c3, z16, ones16)
    dinv, u1 = _tc1(degp[:, :, 0:1], x, W1)

    s1 = _sc_scatter64(u1, r3, c3, z64)
    h1, u2 = _tc_layer(s1, u1, dinv, b1.reshape(1, NH), W2)

    s2 = _sc_scatter64(u2, r3, c3, z64)
    h2, u3 = _tc_layer(s2, u2, dinv, b2.reshape(1, NH), W3)

    s3 = _sc_scatter64(u3, r3, c3, z64)
    h3, us = _tc_score(s3, u3, dinv, b3.reshape(1, NH), h1, h2,
                       Ws[0:NH], Ws[NH:2 * NH], Ws[2 * NH:3 * NH])

    ss = _sc_scatter16(us, r3, c3, z16)

    gsel, negadd = _tc_mask(ss[:, :, 0].reshape(2, B, NPER),
                            us[:, 0].reshape(B, NPER),
                            dinv.reshape(B, NPER),
                            bs.reshape(1, 1))
    out = _tc_pool(
        h1.reshape(B, NPER, NH), h2.reshape(B, NPER, NH),
        h3.reshape(B, NPER, NH),
        gsel.reshape(B, NPER, 1), negadd.reshape(B, NPER, 1),
        Wg, bg.reshape(1, NH),
        Wl2, bl2.reshape(1, NH // 2),
        Wl3, bl3.reshape(1, 10))
    return out.reshape(B, 10)

# --- scband reference (transcript-rebuilt; emitter-appended) ---
"""Pipeline reference for scband-sagpool-net-29892972380782 (READ-ONLY COPY).

The authoritative reference and input builder live on the scoring server;
editing this copy changes nothing except your own understanding.
"""

import jax, jax.numpy as jnp
import numpy as np

N = 10000
E = 320000
B = 8
NPER = N // B
NF = 128
NH = 64
NC = 10
RATIO = 0.5
K = int(np.ceil(RATIO * NPER))


def _gcn(x, edge_index, W, b):
    # GCNConv: D^-1/2 (A + I) D^-1/2 X W + b
    n = x.shape[0]
    sl = jnp.arange(n)
    r = jnp.concatenate([edge_index[0], sl])
    c = jnp.concatenate([edge_index[1], sl])
    deg = jnp.zeros((n,), x.dtype).at[c].add(1.0)
    dinv = 1.0 / jnp.sqrt(deg)
    norm = dinv[r] * dinv[c]
    h = x @ W
    out = jnp.zeros((n, W.shape[1]), x.dtype).at[c].add(h[r] * norm[:, None])
    return out + b


def setup_inputs(seed: int = 0):
    key = jax.random.key(seed)
    ks = jax.random.split(key, 20)
    x = jax.random.normal(ks[0], (N, NF), dtype=jnp.float32)
    edge_index = jax.random.randint(ks[1], (2, E), 0, N)
    batch = jnp.repeat(jnp.arange(B, dtype=jnp.int32), NPER)
    edge_attr = jax.random.normal(ks[2], (E, 4), dtype=jnp.float32)

    def lin(k, i, o):
        s = 1.0 / np.sqrt(i)
        return jax.random.uniform(k, (i, o), minval=-s, maxval=s, dtype=jnp.float32)

    W1 = lin(ks[3], NF, NH); b1 = jnp.zeros((NH,), jnp.float32)
    W2 = lin(ks[4], NH, NH); b2 = jnp.zeros((NH,), jnp.float32)
    W3 = lin(ks[5], NH, NH); b3 = jnp.zeros((NH,), jnp.float32)
    Ws = lin(ks[6], 3 * NH, 1); bs = jnp.zeros((1,), jnp.float32)
    Wg = lin(ks[7], 6 * NH, NH); bg = jnp.zeros((NH,), jnp.float32)
    Wl2 = lin(ks[8], NH, NH // 2); bl2 = jnp.zeros((NH // 2,), jnp.float32)
    Wl3 = lin(ks[9], NH // 2, NC); bl3 = jnp.zeros((NC,), jnp.float32)
    return {"x": x, "edge_index": edge_index, "batch": batch, "batch_size": B,
            "edge_attr": edge_attr, "W1": W1, "b1": b1, "W2": W2, "b2": b2,
            "W3": W3, "b3": b3, "Ws": Ws, "bs": bs, "Wg": Wg, "bg": bg,
            "Wl2": Wl2, "bl2": bl2, "Wl3": Wl3, "bl3": bl3}


def reference(x, edge_index, batch, batch_size, edge_attr, W1, b1, W2, b2, W3, b3,
              Ws, bs, Wg, bg, Wl2, bl2, Wl3, bl3):
    # is_hierarchical=False (global) path
    h1 = jax.nn.relu(_gcn(x, edge_index, W1, b1))
    h2 = jax.nn.relu(_gcn(h1, edge_index, W2, b2))
    h3 = jax.nn.relu(_gcn(h2, edge_index, W3, b3))
    xc = jnp.concatenate([h1, h2, h3], axis=1)  # [N, 3*NH]
    # SAGPool(nhid*3): score via GCNConv(3*NH -> 1), per-graph top-k, tanh gating
    score = _gcn(xc, edge_index, Ws, bs)[:, 0]  # [N]
    sr = score.reshape(B, NPER)
    _, idx = jax.lax.top_k(sr, K)
    perm = (idx + jnp.arange(B)[:, None] * NPER).reshape(-1)
    xp = xc[perm] * jnp.tanh(score[perm])[:, None]
    bp = batch[perm]
    # gmp / gap (filtered edge_index/edge_attr are not used downstream in global path)
    gm = jax.ops.segment_max(xp, bp, num_segments=B)
    gs = jax.ops.segment_sum(xp, bp, num_segments=B)
    cnt = jax.ops.segment_sum(jnp.ones((xp.shape[0],), xp.dtype), bp, num_segments=B)
    ga = gs / cnt[:, None]
    xg = jnp.concatenate([gm, ga], axis=1)  # [B, 6*NH]
    xg = jax.nn.relu(xg @ Wg + bg)
    # dropout is identity in eval mode
    xg = jax.nn.relu(xg @ Wl2 + bl2)
    return jax.nn.log_softmax(xg @ Wl3 + bl3, axis=-1)

if __name__ == "__main__":
    import jax
    _d = setup_inputs()
    print(jax.jit(kernel)(*tuple(_d.values())))

</pallas_src>

<mosaic_0001>
#map = affine_map<(d0, d1) -> (0, 0, 0)>
#map1 = affine_map<(d0, d1) -> (0, 0)>
module attributes {stable_mosaic.version = 14 : i64} {
  func.func @_sc_degree_body(%arg0: i32, %arg1: i32, %arg2: memref<32x80x125xi32, #tpu.memory_space<hbm>>, %arg3: memref<1000x16xf32, #tpu.memory_space<hbm>>, %arg4: memref<125x16xf32, #tpu.memory_space<hbm>>, %arg5: memref<2x10000x16xf32, #tpu.memory_space<hbm>>, %arg6: memref<80x125xi32, #tpu.memory_space<vmem>>, %arg7: memref<125x16xf32, #tpu.memory_space<vmem>>, %arg8: memref<4x!tpu.dma_semaphore, #tpu.memory_space<semaphore_mem>>, %arg9: memref<10000x16xf32, #tpu.memory_space<vmem_shared>>) attributes {dimension_semantics = [#tpu.dimension_semantics<core_parallel>, #tpu.dimension_semantics<subcore_parallel>], iteration_bounds = array<i64: 2, 16>, scalar_prefetch = 0 : i64, scratch_operands = 4 : i64, tpu.core_type = #tpu.core_type<sc_vector_subcore>, window_params = [{transform_indices = #map}, {transform_indices = #map1}, {transform_indices = #map1}, {transform_indices = #map}]} {
    %mul3A = arith.constant 16 : i32
    %mul3A_0 = arith.muli %arg0, %mul3A : i32
    %add3A = arith.addi %mul3A_0, %arg1 : i32
    "tpu.region"() ({
      %run_scoped3A = tpu.sem_alloc : memref<!tpu.dma_semaphore, #tpu.memory_space<semaphore_mem>>
      %dma_start3A = arith.constant 0 : i32
      %dma_start3A_52 = arith.constant 0 : i32
      %dma_start3A_53 = tpu.memref_slice %arg2[%add3A, %dma_start3A, %dma_start3A_52] : memref<32x80x125xi32, #tpu.memory_space<hbm>> -> memref<1x80x125xi32, #tpu.memory_space<hbm>>
      %dma_start3A_54 = tpu.memref_squeeze %dma_start3A_53 : memref<1x80x125xi32, #tpu.memory_space<hbm>> -> memref<80x125xi32, #tpu.memory_space<hbm>>
      %dma_start3A_55 = arith.constant 0 : i32
      %dma_start3A_56 = arith.constant 0 : i32
      %dma_start3A_57 = tpu.memref_slice %arg2[%add3A, %dma_start3A_55, %dma_start3A_56] : memref<32x80x125xi32, #tpu.memory_space<hbm>> -> memref<1x80x125xi32, #tpu.memory_space<hbm>>
      %dma_start3A_58 = tpu.memref_squeeze %dma_start3A_57 : memref<1x80x125xi32, #tpu.memory_space<hbm>> -> memref<80x125xi32, #tpu.memory_space<hbm>>
      tpu.enqueue_dma source(%dma_start3A_58 : memref<80x125xi32, #tpu.memory_space<hbm>>) target(%arg6 : memref<80x125xi32, #tpu.memory_space<vmem>>) target_semaphore(%run_scoped3A : memref<!tpu.dma_semaphore, #tpu.memory_space<semaphore_mem>>)
      %dma_wait3A_59 = arith.constant 0 : i32
      %dma_wait3A_60 = arith.constant 0 : i32
      %dma_wait3A_61 = tpu.memref_slice %arg2[%add3A, %dma_wait3A_59, %dma_wait3A_60] : memref<32x80x125xi32, #tpu.memory_space<hbm>> -> memref<1x80x125xi32, #tpu.memory_space<hbm>>
      %dma_wait3A_62 = tpu.memref_squeeze %dma_wait3A_61 : memref<1x80x125xi32, #tpu.memory_space<hbm>> -> memref<80x125xi32, #tpu.memory_space<hbm>>
      %dma_wait3A_63 = arith.constant 0 : i32
      %dma_wait3A_64 = arith.constant 0 : i32
      %dma_wait3A_65 = tpu.memref_slice %arg2[%add3A, %dma_wait3A_63, %dma_wait3A_64] : memref<32x80x125xi32, #tpu.memory_space<hbm>> -> memref<1x80x125xi32, #tpu.memory_space<hbm>>
      %dma_wait3A_66 = tpu.memref_squeeze %dma_wait3A_65 : memref<1x80x125xi32, #tpu.memory_space<hbm>> -> memref<80x125xi32, #tpu.memory_space<hbm>>
      tpu.wait_dma2 semaphore(%run_scoped3A : memref<!tpu.dma_semaphore, #tpu.memory_space<semaphore_mem>>) src(%dma_wait3A_66 : memref<80x125xi32, #tpu.memory_space<hbm>>) dst(%arg6 : memref<80x125xi32, #tpu.memory_space<vmem>>)
      tpu.yield
    }) : () -> ()
    "tpu.region"() ({
      %run_scoped3A = tpu.sem_alloc : memref<!tpu.dma_semaphore, #tpu.memory_space<semaphore_mem>>
      tpu.enqueue_dma source(%arg4 : memref<125x16xf32, #tpu.memory_space<hbm>>) target(%arg7 : memref<125x16xf32, #tpu.memory_space<vmem>>) target_semaphore(%run_scoped3A : memref<!tpu.dma_semaphore, #tpu.memory_space<semaphore_mem>>)
      tpu.wait_dma2 semaphore(%run_scoped3A : memref<!tpu.dma_semaphore, #tpu.memory_space<semaphore_mem>>) src(%arg4 : memref<125x16xf32, #tpu.memory_space<hbm>>) dst(%arg7 : memref<125x16xf32, #tpu.memory_space<vmem>>)
      tpu.yield
    }) : () -> ()
    %lt3A = arith.constant 10 : i32
    %lt3A_1 = arith.cmpi slt, %arg1, %lt3A : i32
    %convert_element_type3A = arith.extui %lt3A_1 : i1 to i32
    %cond3A = arith.constant 0 : i32
    %cond3A_2 = arith.cmpi ne, %convert_element_type3A, %cond3A : i32
    scf.if %cond3A_2 {
      %mul3A_52 = arith.constant 1000 : i32
      %mul3A_53 = arith.muli %arg1, %mul3A_52 : i32
      "tpu.region"() ({
        %run_scoped3A = tpu.sem_alloc : memref<!tpu.dma_semaphore, #tpu.memory_space<semaphore_mem>>
        %dma_start3A = arith.constant 0 : i32
        %dma_start3A_54 = tpu.memref_slice %arg9[%mul3A_53, %dma_start3A] : memref<10000x16xf32, #tpu.memory_space<vmem_shared>> -> memref<1000x16xf32, #tpu.memory_space<vmem_shared>>
        tpu.enqueue_dma source(%arg3 : memref<1000x16xf32, #tpu.memory_space<hbm>>) target(%dma_start3A_54 : memref<1000x16xf32, #tpu.memory_space<vmem_shared>>) target_semaphore(%run_scoped3A : memref<!tpu.dma_semaphore, #tpu.memory_space<semaphore_mem>>)
        %dma_wait3A_55 = arith.constant 0 : i32
        %dma_wait3A_56 = tpu.memref_slice %arg9[%mul3A_53, %dma_wait3A_55] : memref<10000x16xf32, #tpu.memory_space<vmem_shared>> -> memref<1000x16xf32, #tpu.memory_space<vmem_shared>>
        tpu.wait_dma2 semaphore(%run_scoped3A : memref<!tpu.dma_semaphore, #tpu.memory_space<semaphore_mem>>) src(%arg3 : memref<1000x16xf32, #tpu.memory_space<hbm>>) dst(%dma_wait3A_56 : memref<1000x16xf32, #tpu.memory_space<vmem_shared>>)
        tpu.yield
      }) : () -> ()
    } else {
    }
    %barrier3A = arith.constant 0 : index
    tpu.barrier barrier_id(%barrier3A)
    %scan3A = arith.constant 0 : i32
    %scan3A_3 = arith.constant 80 : i32
    %scan3A_4 = arith.addi %scan3A, %scan3A_3 : i32
    %scan3A_5 = arith.constant 1 : i32
    scf.for %scan3A_52 = %scan3A to %scan3A_4 step %scan3A_5  : i32 {
      %rem3A = arith.constant 4 : i32
      %rem3A_53 = arith.remsi %scan3A_52, %rem3A : i32
      %ge3A = arith.constant 4 : i32
      %ge3A_54 = arith.cmpi sge, %scan3A_52, %ge3A : i32
      %convert_element_type3A_55 = arith.extui %ge3A_54 : i1 to i32
      %cond3A_56 = arith.constant 0 : i32
      %cond3A_57 = arith.cmpi ne, %convert_element_type3A_55, %cond3A_56 : i32
      scf.if %cond3A_57 {
        %sub3A = arith.constant 4 : i32
        %sub3A_65 = arith.subi %scan3A_52, %sub3A : i32
        %dma_wait3A_66 = arith.constant 0 : i32
        %dma_wait3A_67 = tpu.memref_slice %arg6[%sub3A_65, %dma_wait3A_66] : memref<80x125xi32, #tpu.memory_space<vmem>> -> memref<1x125xi32, #tpu.memory_space<vmem>>
        %dma_wait3A_68 = tpu.memref_squeeze %dma_wait3A_67 : memref<1x125xi32, #tpu.memory_space<vmem>> -> memref<125xi32, #tpu.memory_space<vmem>>
        %dma_wait3A_69 = arith.constant 0 : i32
        %dma_wait3A_70 = arith.constant 0 : i32
        %dma_wait3A_71 = tpu.memref_slice %arg9[%dma_wait3A_69, %dma_wait3A_70] : memref<10000x16xf32, #tpu.memory_space<vmem_shared>> -> memref<10000x16xf32, #tpu.memory_space<vmem_shared>>
        %dma_wait3A_72 = tpu.memref_slice %arg8[%rem3A_53] : memref<4x!tpu.dma_semaphore, #tpu.memory_space<semaphore_mem>> -> memref<1x!tpu.dma_semaphore, #tpu.memory_space<semaphore_mem>>
        %dma_wait3A_73 = tpu.memref_squeeze %dma_wait3A_72 : memref<1x!tpu.dma_semaphore, #tpu.memory_space<semaphore_mem>> -> memref<!tpu.dma_semaphore, #tpu.memory_space<semaphore_mem>>
        tpu.wait_indirect_dma semaphore(%dma_wait3A_73 : memref<!tpu.dma_semaphore, #tpu.memory_space<semaphore_mem>>) src(%arg7 : memref<125x16xf32, #tpu.memory_space<vmem>>) dst(%dma_wait3A_71 : memref<10000x16xf32, #tpu.memory_space<vmem_shared>>)
      } else {
      }
      %dma_start3A = arith.constant 0 : i32
      %dma_start3A_58 = tpu.memref_slice %arg6[%scan3A_52, %dma_start3A] : memref<80x125xi32, #tpu.memory_space<vmem>> -> memref<1x125xi32, #tpu.memory_space<vmem>>
      %dma_start3A_59 = tpu.memref_squeeze %dma_start3A_58 : memref<1x125xi32, #tpu.memory_space<vmem>> -> memref<125xi32, #tpu.memory_space<vmem>>
      %dma_start3A_60 = arith.constant 0 : i32
      %dma_start3A_61 = arith.constant 0 : i32
      %dma_start3A_62 = tpu.memref_slice %arg9[%dma_start3A_60, %dma_start3A_61] : memref<10000x16xf32, #tpu.memory_space<vmem_shared>> -> memref<10000x16xf32, #tpu.memory_space<vmem_shared>>
      %dma_start3A_63 = tpu.memref_slice %arg8[%rem3A_53] : memref<4x!tpu.dma_semaphore, #tpu.memory_space<semaphore_mem>> -> memref<1x!tpu.dma_semaphore, #tpu.memory_space<semaphore_mem>>
      %dma_start3A_64 = tpu.memref_squeeze %dma_start3A_63 : memref<1x!tpu.dma_semaphore, #tpu.memory_space<semaphore_mem>> -> memref<!tpu.dma_semaphore, #tpu.memory_space<semaphore_mem>>
      tpu.enqueue_indirect_dma source(%arg7 : memref<125x16xf32, #tpu.memory_space<vmem>>) target(%dma_start3A_62 : memref<10000x16xf32, #tpu.memory_space<vmem_shared>>) offsets(%dma_start3A_59 : memref<125xi32, #tpu.memory_space<vmem>>) semaphore(%dma_start3A_64 : memref<!tpu.dma_semaphore, #tpu.memory_space<semaphore_mem>>) {add = true}
    }
    %scan3A_6 = arith.constant 80 : i32
    %dma_wait3A = arith.constant 76 : i32
    %dma_wait3A_7 = arith.constant 0 : i32
    %dma_wait3A_8 = arith.constant 0 : i32
    %dma_wait3A_9 = tpu.memref_slice %arg6[%dma_wait3A, %dma_wait3A_8] : memref<80x125xi32, #tpu.memory_space<vmem>> -> memref<1x125xi32, #tpu.memory_space<vmem>>
    %dma_wait3A_10 = tpu.memref_squeeze %dma_wait3A_9 : memref<1x125xi32, #tpu.memory_space<vmem>> -> memref<125xi32, #tpu.memory_space<vmem>>
    %dma_wait3A_11 = arith.constant 0 : i32
    %dma_wait3A_12 = arith.constant 0 : i32
    %dma_wait3A_13 = tpu.memref_slice %arg9[%dma_wait3A_11, %dma_wait3A_12] : memref<10000x16xf32, #tpu.memory_space<vmem_shared>> -> memref<10000x16xf32, #tpu.memory_space<vmem_shared>>
    %dma_wait3A_14 = tpu.memref_slice %arg8[%dma_wait3A_7] : memref<4x!tpu.dma_semaphore, #tpu.memory_space<semaphore_mem>> -> memref<1x!tpu.dma_semaphore, #tpu.memory_space<semaphore_mem>>
    %dma_wait3A_15 = tpu.memref_squeeze %dma_wait3A_14 : memref<1x!tpu.dma_semaphore, #tpu.memory_space<semaphore_mem>> -> memref<!tpu.dma_semaphore, #tpu.memory_space<semaphore_mem>>
    tpu.wait_indirect_dma semaphore(%dma_wait3A_15 : memref<!tpu.dma_semaphore, #tpu.memory_space<semaphore_mem>>) src(%arg7 : memref<125x16xf32, #tpu.memory_space<vmem>>) dst(%dma_wait3A_13 : memref<10000x16xf32, #tpu.memory_space<vmem_shared>>)
    %dma_wait3A_16 = arith.constant 77 : i32
    %dma_wait3A_17 = arith.constant 1 : i32
    %dma_wait3A_18 = arith.constant 0 : i32
    %dma_wait3A_19 = tpu.memref_slice %arg6[%dma_wait3A_16, %dma_wait3A_18] : memref<80x125xi32, #tpu.memory_space<vmem>> -> memref<1x125xi32, #tpu.memory_space<vmem>>
    %dma_wait3A_20 = tpu.memref_squeeze %dma_wait3A_19 : memref<1x125xi32, #tpu.memory_space<vmem>> -> memref<125xi32, #tpu.memory_space<vmem>>
    %dma_wait3A_21 = arith.constant 0 : i32
    %dma_wait3A_22 = arith.constant 0 : i32
    %dma_wait3A_23 = tpu.memref_slice %arg9[%dma_wait3A_21, %dma_wait3A_22] : memref<10000x16xf32, #tpu.memory_space<vmem_shared>> -> memref<10000x16xf32, #tpu.memory_space<vmem_shared>>
    %dma_wait3A_24 = tpu.memref_slice %arg8[%dma_wait3A_17] : memref<4x!tpu.dma_semaphore, #tpu.memory_space<semaphore_mem>> -> memref<1x!tpu.dma_semaphore, #tpu.memory_space<semaphore_mem>>
    %dma_wait3A_25 = tpu.memref_squeeze %dma_wait3A_24 : memref<1x!tpu.dma_semaphore, #tpu.memory_space<semaphore_mem>> -> memref<!tpu.dma_semaphore, #tpu.memory_space<semaphore_mem>>
    tpu.wait_indirect_dma semaphore(%dma_wait3A_25 : memref<!tpu.dma_semaphore, #tpu.memory_space<semaphore_mem>>) src(%arg7 : memref<125x16xf32, #tpu.memory_space<vmem>>) dst(%dma_wait3A_23 : memref<10000x16xf32, #tpu.memory_space<vmem_shared>>)
    %dma_wait3A_26 = arith.constant 78 : i32
    %dma_wait3A_27 = arith.constant 2 : i32
    %dma_wait3A_28 = arith.constant 0 : i32
    %dma_wait3A_29 = tpu.memref_slice %arg6[%dma_wait3A_26, %dma_wait3A_28] : memref<80x125xi32, #tpu.memory_space<vmem>> -> memref<1x125xi32, #tpu.memory_space<vmem>>
    %dma_wait3A_30 = tpu.memref_squeeze %dma_wait3A_29 : memref<1x125xi32, #tpu.memory_space<vmem>> -> memref<125xi32, #tpu.memory_space<vmem>>
    %dma_wait3A_31 = arith.constant 0 : i32
    %dma_wait3A_32 = arith.constant 0 : i32
    %dma_wait3A_33 = tpu.memref_slice %arg9[%dma_wait3A_31, %dma_wait3A_32] : memref<10000x16xf32, #tpu.memory_space<vmem_shared>> -> memref<10000x16xf32, #tpu.memory_space<vmem_shared>>
    %dma_wait3A_34 = tpu.memref_slice %arg8[%dma_wait3A_27] : memref<4x!tpu.dma_semaphore, #tpu.memory_space<semaphore_mem>> -> memref<1x!tpu.dma_semaphore, #tpu.memory_space<semaphore_mem>>
    %dma_wait3A_35 = tpu.memref_squeeze %dma_wait3A_34 : memref<1x!tpu.dma_semaphore, #tpu.memory_space<semaphore_mem>> -> memref<!tpu.dma_semaphore, #tpu.memory_space<semaphore_mem>>
    tpu.wait_indirect_dma semaphore(%dma_wait3A_35 : memref<!tpu.dma_semaphore, #tpu.memory_space<semaphore_mem>>) src(%arg7 : memref<125x16xf32, #tpu.memory_space<vmem>>) dst(%dma_wait3A_33 : memref<10000x16xf32, #tpu.memory_space<vmem_shared>>)
    %dma_wait3A_36 = arith.constant 79 : i32
    %dma_wait3A_37 = arith.constant 3 : i32
    %dma_wait3A_38 = arith.constant 0 : i32
    %dma_wait3A_39 = tpu.memref_slice %arg6[%dma_wait3A_36, %dma_wait3A_38] : memref<80x125xi32, #tpu.memory_space<vmem>> -> memref<1x125xi32, #tpu.memory_space<vmem>>
    %dma_wait3A_40 = tpu.memref_squeeze %dma_wait3A_39 : memref<1x125xi32, #tpu.memory_space<vmem>> -> memref<125xi32, #tpu.memory_space<vmem>>
    %dma_wait3A_41 = arith.constant 0 : i32
    %dma_wait3A_42 = arith.constant 0 : i32
    %dma_wait3A_43 = tpu.memref_slice %arg9[%dma_wait3A_41, %dma_wait3A_42] : memref<10000x16xf32, #tpu.memory_space<vmem_shared>> -> memref<10000x16xf32, #tpu.memory_space<vmem_shared>>
    %dma_wait3A_44 = tpu.memref_slice %arg8[%dma_wait3A_37] : memref<4x!tpu.dma_semaphore, #tpu.memory_space<semaphore_mem>> -> memref<1x!tpu.dma_semaphore, #tpu.memory_space<semaphore_mem>>
    %dma_wait3A_45 = tpu.memref_squeeze %dma_wait3A_44 : memref<1x!tpu.dma_semaphore, #tpu.memory_space<semaphore_mem>> -> memref<!tpu.dma_semaphore, #tpu.memory_space<semaphore_mem>>
    tpu.wait_indirect_dma semaphore(%dma_wait3A_45 : memref<!tpu.dma_semaphore, #tpu.memory_space<semaphore_mem>>) src(%arg7 : memref<125x16xf32, #tpu.memory_space<vmem>>) dst(%dma_wait3A_43 : memref<10000x16xf32, #tpu.memory_space<vmem_shared>>)
    %barrier3A_46 = arith.constant 0 : index
    tpu.barrier barrier_id(%barrier3A_46)
    %lt3A_47 = arith.constant 10 : i32
    %lt3A_48 = arith.cmpi slt, %arg1, %lt3A_47 : i32
    %convert_element_type3A_49 = arith.extui %lt3A_48 : i1 to i32
    %cond3A_50 = arith.constant 0 : i32
    %cond3A_51 = arith.cmpi ne, %convert_element_type3A_49, %cond3A_50 : i32
    scf.if %cond3A_51 {
      %mul3A_52 = arith.constant 1000 : i32
      %mul3A_53 = arith.muli %arg1, %mul3A_52 : i32
      %mul3A_54 = arith.constant 1000 : i32
      %mul3A_55 = arith.muli %arg1, %mul3A_54 : i32
      "tpu.region"() ({
        %run_scoped3A = tpu.sem_alloc : memref<!tpu.dma_semaphore, #tpu.memory_space<semaphore_mem>>
        %dma_start3A = arith.constant 0 : i32
        %dma_start3A_56 = tpu.memref_slice %arg5[%arg0, %mul3A_55, %dma_start3A] : memref<2x10000x16xf32, #tpu.memory_space<hbm>> -> memref<1x1000x16xf32, #tpu.memory_space<hbm>>
        %dma_start3A_57 = tpu.memref_squeeze %dma_start3A_56 : memref<1x1000x16xf32, #tpu.memory_space<hbm>> -> memref<1000x16xf32, #tpu.memory_space<hbm>>
        %dma_start3A_58 = arith.constant 0 : i32
        %dma_start3A_59 = tpu.memref_slice %arg9[%mul3A_53, %dma_start3A_58] : memref<10000x16xf32, #tpu.memory_space<vmem_shared>> -> memref<1000x16xf32, #tpu.memory_space<vmem_shared>>
        tpu.enqueue_dma source(%dma_start3A_59 : memref<1000x16xf32, #tpu.memory_space<vmem_shared>>) target(%dma_start3A_57 : memref<1000x16xf32, #tpu.memory_space<hbm>>) target_semaphore(%run_scoped3A : memref<!tpu.dma_semaphore, #tpu.memory_space<semaphore_mem>>)
        %dma_wait3A_60 = arith.constant 0 : i32
        %dma_wait3A_61 = tpu.memref_slice %arg5[%arg0, %mul3A_55, %dma_wait3A_60] : memref<2x10000x16xf32, #tpu.memory_space<hbm>> -> memref<1x1000x16xf32, #tpu.memory_space<hbm>>
        %dma_wait3A_62 = tpu.memref_squeeze %dma_wait3A_61 : memref<1x1000x16xf32, #tpu.memory_space<hbm>> -> memref<1000x16xf32, #tpu.memory_space<hbm>>
        %dma_wait3A_63 = arith.constant 0 : i32
        %dma_wait3A_64 = tpu.memref_slice %arg9[%mul3A_53, %dma_wait3A_63] : memref<10000x16xf32, #tpu.memory_space<vmem_shared>> -> memref<1000x16xf32, #tpu.memory_space<vmem_shared>>
        tpu.wait_dma2 semaphore(%run_scoped3A : memref<!tpu.dma_semaphore, #tpu.memory_space<semaphore_mem>>) src(%dma_wait3A_64 : memref<1000x16xf32, #tpu.memory_space<vmem_shared>>) dst(%dma_wait3A_62 : memref<1000x16xf32, #tpu.memory_space<hbm>>)
        tpu.yield
      }) : () -> ()
    } else {
    }
    return
  }
}

#map = affine_map<(d0, d1) -> (0, 0)>
#map1 = affine_map<(d0, d1) -> (0, 0, 0)>
module attributes {stable_mosaic.version = 14 : i64} {
  func.func @_sc_scatter_body(%arg0: i32, %arg1: i32, %arg2: memref<10000x64xf32, #tpu.memory_space<hbm>>, %arg3: memref<32x80x125xi32, #tpu.memory_space<hbm>>, %arg4: memref<32x80x125xi32, #tpu.memory_space<hbm>>, %arg5: memref<1000x64xf32, #tpu.memory_space<hbm>>, %arg6: memref<2x10000x64xf32, #tpu.memory_space<hbm>>, %arg7: memref<80x125xi32, #tpu.memory_space<vmem>>, %arg8: memref<80x125xi32, #tpu.memory_space<vmem>>, %arg9: memref<4x125x64xf32, #tpu.memory_space<vmem>>, %arg10: memref<4x!tpu.dma_semaphore, #tpu.memory_space<semaphore_mem>>, %arg11: memref<4x!tpu.dma_semaphore, #tpu.memory_space<semaphore_mem>>, %arg12: memref<10000x64xf32, #tpu.memory_space<vmem_shared>>) attributes {dimension_semantics = [#tpu.dimension_semantics<core_parallel>, #tpu.dimension_semantics<subcore_parallel>], iteration_bounds = array<i64: 2, 16>, scalar_prefetch = 0 : i64, scratch_operands = 6 : i64, tpu.core_type = #tpu.core_type<sc_vector_subcore>, window_params = [{transform_indices = #map}, {transform_indices = #map1}, {transform_indices = #map1}, {transform_indices = #map}, {transform_indices = #map1}]} {
    %mul3A = arith.constant 16 : i32
    %mul3A_0 = arith.muli %arg0, %mul3A : i32
    %add3A = arith.addi %mul3A_0, %arg1 : i32
    "tpu.region"() ({
      %run_scoped3A = tpu.sem_alloc : memref<!tpu.dma_semaphore, #tpu.memory_space<semaphore_mem>>
      %dma_start3A_131 = arith.constant 0 : i32
      %dma_start3A_132 = arith.constant 0 : i32
      %dma_start3A_133 = tpu.memref_slice %arg3[%add3A, %dma_start3A_131, %dma_start3A_132] : memref<32x80x125xi32, #tpu.memory_space<hbm>> -> memref<1x80x125xi32, #tpu.memory_space<hbm>>
      %dma_start3A_134 = tpu.memref_squeeze %dma_start3A_133 : memref<1x80x125xi32, #tpu.memory_space<hbm>> -> memref<80x125xi32, #tpu.memory_space<hbm>>
      %dma_start3A_135 = arith.constant 0 : i32
      %dma_start3A_136 = arith.constant 0 : i32
      %dma_start3A_137 = tpu.memref_slice %arg3[%add3A, %dma_start3A_135, %dma_start3A_136] : memref<32x80x125xi32, #tpu.memory_space<hbm>> -> memref<1x80x125xi32, #tpu.memory_space<hbm>>
      %dma_start3A_138 = tpu.memref_squeeze %dma_start3A_137 : memref<1x80x125xi32, #tpu.memory_space<hbm>> -> memref<80x125xi32, #tpu.memory_space<hbm>>
      tpu.enqueue_dma source(%dma_start3A_138 : memref<80x125xi32, #tpu.memory_space<hbm>>) target(%arg7 : memref<80x125xi32, #tpu.memory_space<vmem>>) target_semaphore(%run_scoped3A : memref<!tpu.dma_semaphore, #tpu.memory_space<semaphore_mem>>)
      %dma_wait3A_139 = arith.constant 0 : i32
      %dma_wait3A_140 = arith.constant 0 : i32
      %dma_wait3A_141 = tpu.memref_slice %arg3[%add3A, %dma_wait3A_139, %dma_wait3A_140] : memref<32x80x125xi32, #tpu.memory_space<hbm>> -> memref<1x80x125xi32, #tpu.memory_space<hbm>>
      %dma_wait3A_142 = tpu.memref_squeeze %dma_wait3A_141 : memref<1x80x125xi32, #tpu.memory_space<hbm>> -> memref<80x125xi32, #tpu.memory_space<hbm>>
      %dma_wait3A_143 = arith.constant 0 : i32
      %dma_wait3A_144 = arith.constant 0 : i32
      %dma_wait3A_145 = tpu.memref_slice %arg3[%add3A, %dma_wait3A_143, %dma_wait3A_144] : memref<32x80x125xi32, #tpu.memory_space<hbm>> -> memref<1x80x125xi32, #tpu.memory_space<hbm>>
      %dma_wait3A_146 = tpu.memref_squeeze %dma_wait3A_145 : memref<1x80x125xi32, #tpu.memory_space<hbm>> -> memref<80x125xi32, #tpu.memory_space<hbm>>
      tpu.wait_dma2 semaphore(%run_scoped3A : memref<!tpu.dma_semaphore, #tpu.memory_space<semaphore_mem>>) src(%dma_wait3A_146 : memref<80x125xi32, #tpu.memory_space<hbm>>) dst(%arg7 : memref<80x125xi32, #tpu.memory_space<vmem>>)
      tpu.yield
    }) : () -> ()
    "tpu.region"() ({
      %run_scoped3A = tpu.sem_alloc : memref<!tpu.dma_semaphore, #tpu.memory_space<semaphore_mem>>
      %dma_start3A_131 = arith.constant 0 : i32
      %dma_start3A_132 = arith.constant 0 : i32
      %dma_start3A_133 = tpu.memref_slice %arg4[%add3A, %dma_start3A_131, %dma_start3A_132] : memref<32x80x125xi32, #tpu.memory_space<hbm>> -> memref<1x80x125xi32, #tpu.memory_space<hbm>>
      %dma_start3A_134 = tpu.memref_squeeze %dma_start3A_133 : memref<1x80x125xi32, #tpu.memory_space<hbm>> -> memref<80x125xi32, #tpu.memory_space<hbm>>
      %dma_start3A_135 = arith.constant 0 : i32
      %dma_start3A_136 = arith.constant 0 : i32
      %dma_start3A_137 = tpu.memref_slice %arg4[%add3A, %dma_start3A_135, %dma_start3A_136] : memref<32x80x125xi32, #tpu.memory_space<hbm>> -> memref<1x80x125xi32, #tpu.memory_space<hbm>>
      %dma_start3A_138 = tpu.memref_squeeze %dma_start3A_137 : memref<1x80x125xi32, #tpu.memory_space<hbm>> -> memref<80x125xi32, #tpu.memory_space<hbm>>
      tpu.enqueue_dma source(%dma_start3A_138 : memref<80x125xi32, #tpu.memory_space<hbm>>) target(%arg8 : memref<80x125xi32, #tpu.memory_space<vmem>>) target_semaphore(%run_scoped3A : memref<!tpu.dma_semaphore, #tpu.memory_space<semaphore_mem>>)
      %dma_wait3A_139 = arith.constant 0 : i32
      %dma_wait3A_140 = arith.constant 0 : i32
      %dma_wait3A_141 = tpu.memref_slice %arg4[%add3A, %dma_wait3A_139, %dma_wait3A_140] : memref<32x80x125xi32, #tpu.memory_space<hbm>> -> memref<1x80x125xi32, #tpu.memory_space<hbm>>
      %dma_wait3A_142 = tpu.memref_squeeze %dma_wait3A_141 : memref<1x80x125xi32, #tpu.memory_space<hbm>> -> memref<80x125xi32, #tpu.memory_space<hbm>>
      %dma_wait3A_143 = arith.constant 0 : i32
      %dma_wait3A_144 = arith.constant 0 : i32
      %dma_wait3A_145 = tpu.memref_slice %arg4[%add3A, %dma_wait3A_143, %dma_wait3A_144] : memref<32x80x125xi32, #tpu.memory_space<hbm>> -> memref<1x80x125xi32, #tpu.memory_space<hbm>>
      %dma_wait3A_146 = tpu.memref_squeeze %dma_wait3A_145 : memref<1x80x125xi32, #tpu.memory_space<hbm>> -> memref<80x125xi32, #tpu.memory_space<hbm>>
      tpu.wait_dma2 semaphore(%run_scoped3A : memref<!tpu.dma_semaphore, #tpu.memory_space<semaphore_mem>>) src(%dma_wait3A_146 : memref<80x125xi32, #tpu.memory_space<hbm>>) dst(%arg8 : memref<80x125xi32, #tpu.memory_space<vmem>>)
      tpu.yield
    }) : () -> ()
    %lt3A = arith.constant 10 : i32
    %lt3A_1 = arith.cmpi slt, %arg1, %lt3A : i32
    %convert_element_type3A = arith.extui %lt3A_1 : i1 to i32
    %cond3A = arith.constant 0 : i32
    %cond3A_2 = arith.cmpi ne, %convert_element_type3A, %cond3A : i32
    scf.if %cond3A_2 {
      %mul3A_131 = arith.constant 1000 : i32
      %mul3A_132 = arith.muli %arg1, %mul3A_131 : i32
      "tpu.region"() ({
        %run_scoped3A = tpu.sem_alloc : memref<!tpu.dma_semaphore, #tpu.memory_space<semaphore_mem>>
        %dma_start3A_133 = arith.constant 0 : i32
        %dma_start3A_134 = tpu.memref_slice %arg12[%mul3A_132, %dma_start3A_133] : memref<10000x64xf32, #tpu.memory_space<vmem_shared>> -> memref<1000x64xf32, #tpu.memory_space<vmem_shared>>
        tpu.enqueue_dma source(%arg5 : memref<1000x64xf32, #tpu.memory_space<hbm>>) target(%dma_start3A_134 : memref<1000x64xf32, #tpu.memory_space<vmem_shared>>) target_semaphore(%run_scoped3A : memref<!tpu.dma_semaphore, #tpu.memory_space<semaphore_mem>>)
        %dma_wait3A_135 = arith.constant 0 : i32
        %dma_wait3A_136 = tpu.memref_slice %arg12[%mul3A_132, %dma_wait3A_135] : memref<10000x64xf32, #tpu.memory_space<vmem_shared>> -> memref<1000x64xf32, #tpu.memory_space<vmem_shared>>
        tpu.wait_dma2 semaphore(%run_scoped3A : memref<!tpu.dma_semaphore, #tpu.memory_space<semaphore_mem>>) src(%arg5 : memref<1000x64xf32, #tpu.memory_space<hbm>>) dst(%dma_wait3A_136 : memref<1000x64xf32, #tpu.memory_space<vmem_shared>>)
        tpu.yield
      }) : () -> ()
    } else {
    }
    %barrier3A = arith.constant 0 : index
    tpu.barrier barrier_id(%barrier3A)
    %dma_start3A = arith.constant 0 : i32
    %dma_start3A_3 = arith.constant 0 : i32
    %dma_start3A_4 = arith.constant 0 : i32
    %dma_start3A_5 = arith.constant 0 : i32
    %dma_start3A_6 = arith.constant 0 : i32
    %dma_start3A_7 = tpu.memref_slice %arg9[%dma_start3A_3, %dma_start3A_5, %dma_start3A_6] : memref<4x125x64xf32, #tpu.memory_space<vmem>> -> memref<1x125x64xf32, #tpu.memory_space<vmem>>
    %dma_start3A_8 = tpu.memref_squeeze %dma_start3A_7 : memref<1x125x64xf32, #tpu.memory_space<vmem>> -> memref<125x64xf32, #tpu.memory_space<vmem>>
    %dma_start3A_9 = arith.constant 0 : i32
    %dma_start3A_10 = tpu.memref_slice %arg7[%dma_start3A, %dma_start3A_9] : memref<80x125xi32, #tpu.memory_space<vmem>> -> memref<1x125xi32, #tpu.memory_space<vmem>>
    %dma_start3A_11 = tpu.memref_squeeze %dma_start3A_10 : memref<1x125xi32, #tpu.memory_space<vmem>> -> memref<125xi32, #tpu.memory_space<vmem>>
    %dma_start3A_12 = arith.constant 0 : i32
    %dma_start3A_13 = arith.constant 0 : i32
    %dma_start3A_14 = tpu.memref_slice %arg2[%dma_start3A_12, %dma_start3A_13] : memref<10000x64xf32, #tpu.memory_space<hbm>> -> memref<10000x64xf32, #tpu.memory_space<hbm>>
    %dma_start3A_15 = tpu.memref_slice %arg10[%dma_start3A_4] : memref<4x!tpu.dma_semaphore, #tpu.memory_space<semaphore_mem>> -> memref<1x!tpu.dma_semaphore, #tpu.memory_space<semaphore_mem>>
    %dma_start3A_16 = tpu.memref_squeeze %dma_start3A_15 : memref<1x!tpu.dma_semaphore, #tpu.memory_space<semaphore_mem>> -> memref<!tpu.dma_semaphore, #tpu.memory_space<semaphore_mem>>
    tpu.enqueue_indirect_dma source(%dma_start3A_14 : memref<10000x64xf32, #tpu.memory_space<hbm>>) target(%dma_start3A_8 : memref<125x64xf32, #tpu.memory_space<vmem>>) offsets(%dma_start3A_11 : memref<125xi32, #tpu.memory_space<vmem>>) semaphore(%dma_start3A_16 : memref<!tpu.dma_semaphore, #tpu.memory_space<semaphore_mem>>)
    %dma_start3A_17 = arith.constant 1 : i32
    %dma_start3A_18 = arith.constant 1 : i32
    %dma_start3A_19 = arith.constant 1 : i32
    %dma_start3A_20 = arith.constant 0 : i32
    %dma_start3A_21 = arith.constant 0 : i32
    %dma_start3A_22 = tpu.memref_slice %arg9[%dma_start3A_18, %dma_start3A_20, %dma_start3A_21] : memref<4x125x64xf32, #tpu.memory_space<vmem>> -> memref<1x125x64xf32, #tpu.memory_space<vmem>>
    %dma_start3A_23 = tpu.memref_squeeze %dma_start3A_22 : memref<1x125x64xf32, #tpu.memory_space<vmem>> -> memref<125x64xf32, #tpu.memory_space<vmem>>
    %dma_start3A_24 = arith.constant 0 : i32
    %dma_start3A_25 = tpu.memref_slice %arg7[%dma_start3A_17, %dma_start3A_24] : memref<80x125xi32, #tpu.memory_space<vmem>> -> memref<1x125xi32, #tpu.memory_space<vmem>>
    %dma_start3A_26 = tpu.memref_squeeze %dma_start3A_25 : memref<1x125xi32, #tpu.memory_space<vmem>> -> memref<125xi32, #tpu.memory_space<vmem>>
    %dma_start3A_27 = arith.constant 0 : i32
    %dma_start3A_28 = arith.constant 0 : i32
    %dma_start3A_29 = tpu.memref_slice %arg2[%dma_start3A_27, %dma_start3A_28] : memref<10000x64xf32, #tpu.memory_space<hbm>> -> memref<10000x64xf32, #tpu.memory_space<hbm>>
    %dma_start3A_30 = tpu.memref_slice %arg10[%dma_start3A_19] : memref<4x!tpu.dma_semaphore, #tpu.memory_space<semaphore_mem>> -> memref<1x!tpu.dma_semaphore, #tpu.memory_space<semaphore_mem>>
    %dma_start3A_31 = tpu.memref_squeeze %dma_start3A_30 : memref<1x!tpu.dma_semaphore, #tpu.memory_space<semaphore_mem>> -> memref<!tpu.dma_semaphore, #tpu.memory_space<semaphore_mem>>
    tpu.enqueue_indirect_dma source(%dma_start3A_29 : memref<10000x64xf32, #tpu.memory_space<hbm>>) target(%dma_start3A_23 : memref<125x64xf32, #tpu.memory_space<vmem>>) offsets(%dma_start3A_26 : memref<125xi32, #tpu.memory_space<vmem>>) semaphore(%dma_start3A_31 : memref<!tpu.dma_semaphore, #tpu.memory_space<semaphore_mem>>)
    %dma_start3A_32 = arith.constant 2 : i32
    %dma_start3A_33 = arith.constant 2 : i32
    %dma_start3A_34 = arith.constant 2 : i32
    %dma_start3A_35 = arith.constant 0 : i32
    %dma_start3A_36 = arith.constant 0 : i32
    %dma_start3A_37 = tpu.memref_slice %arg9[%dma_start3A_33, %dma_start3A_35, %dma_start3A_36] : memref<4x125x64xf32, #tpu.memory_space<vmem>> -> memref<1x125x64xf32, #tpu.memory_space<vmem>>
    %dma_start3A_38 = tpu.memref_squeeze %dma_start3A_37 : memref<1x125x64xf32, #tpu.memory_space<vmem>> -> memref<125x64xf32, #tpu.memory_space<vmem>>
    %dma_start3A_39 = arith.constant 0 : i32
    %dma_start3A_40 = tpu.memref_slice %arg7[%dma_start3A_32, %dma_start3A_39] : memref<80x125xi32, #tpu.memory_space<vmem>> -> memref<1x125xi32, #tpu.memory_space<vmem>>
    %dma_start3A_41 = tpu.memref_squeeze %dma_start3A_40 : memref<1x125xi32, #tpu.memory_space<vmem>> -> memref<125xi32, #tpu.memory_space<vmem>>
    %dma_start3A_42 = arith.constant 0 : i32
    %dma_start3A_43 = arith.constant 0 : i32
    %dma_start3A_44 = tpu.memref_slice %arg2[%dma_start3A_42, %dma_start3A_43] : memref<10000x64xf32, #tpu.memory_space<hbm>> -> memref<10000x64xf32, #tpu.memory_space<hbm>>
    %dma_start3A_45 = tpu.memref_slice %arg10[%dma_start3A_34] : memref<4x!tpu.dma_semaphore, #tpu.memory_space<semaphore_mem>> -> memref<1x!tpu.dma_semaphore, #tpu.memory_space<semaphore_mem>>
    %dma_start3A_46 = tpu.memref_squeeze %dma_start3A_45 : memref<1x!tpu.dma_semaphore, #tpu.memory_space<semaphore_mem>> -> memref<!tpu.dma_semaphore, #tpu.memory_space<semaphore_mem>>
    tpu.enqueue_indirect_dma source(%dma_start3A_44 : memref<10000x64xf32, #tpu.memory_space<hbm>>) target(%dma_start3A_38 : memref<125x64xf32, #tpu.memory_space<vmem>>) offsets(%dma_start3A_41 : memref<125xi32, #tpu.memory_space<vmem>>) semaphore(%dma_start3A_46 : memref<!tpu.dma_semaphore, #tpu.memory_space<semaphore_mem>>)
    %dma_start3A_47 = arith.constant 3 : i32
    %dma_start3A_48 = arith.constant 3 : i32
    %dma_start3A_49 = arith.constant 3 : i32
    %dma_start3A_50 = arith.constant 0 : i32
    %dma_start3A_51 = arith.constant 0 : i32
    %dma_start3A_52 = tpu.memref_slice %arg9[%dma_start3A_48, %dma_start3A_50, %dma_start3A_51] : memref<4x125x64xf32, #tpu.memory_space<vmem>> -> memref<1x125x64xf32, #tpu.memory_space<vmem>>
    %dma_start3A_53 = tpu.memref_squeeze %dma_start3A_52 : memref<1x125x64xf32, #tpu.memory_space<vmem>> -> memref<125x64xf32, #tpu.memory_space<vmem>>
    %dma_start3A_54 = arith.constant 0 : i32
    %dma_start3A_55 = tpu.memref_slice %arg7[%dma_start3A_47, %dma_start3A_54] : memref<80x125xi32, #tpu.memory_space<vmem>> -> memref<1x125xi32, #tpu.memory_space<vmem>>
    %dma_start3A_56 = tpu.memref_squeeze %dma_start3A_55 : memref<1x125xi32, #tpu.memory_space<vmem>> -> memref<125xi32, #tpu.memory_space<vmem>>
    %dma_start3A_57 = arith.constant 0 : i32
    %dma_start3A_58 = arith.constant 0 : i32
    %dma_start3A_59 = tpu.memref_slice %arg2[%dma_start3A_57, %dma_start3A_58] : memref<10000x64xf32, #tpu.memory_space<hbm>> -> memref<10000x64xf32, #tpu.memory_space<hbm>>
    %dma_start3A_60 = tpu.memref_slice %arg10[%dma_start3A_49] : memref<4x!tpu.dma_semaphore, #tpu.memory_space<semaphore_mem>> -> memref<1x!tpu.dma_semaphore, #tpu.memory_space<semaphore_mem>>
    %dma_start3A_61 = tpu.memref_squeeze %dma_start3A_60 : memref<1x!tpu.dma_semaphore, #tpu.memory_space<semaphore_mem>> -> memref<!tpu.dma_semaphore, #tpu.memory_space<semaphore_mem>>
    tpu.enqueue_indirect_dma source(%dma_start3A_59 : memref<10000x64xf32, #tpu.memory_space<hbm>>) target(%dma_start3A_53 : memref<125x64xf32, #tpu.memory_space<vmem>>) offsets(%dma_start3A_56 : memref<125xi32, #tpu.memory_space<vmem>>) semaphore(%dma_start3A_61 : memref<!tpu.dma_semaphore, #tpu.memory_space<semaphore_mem>>)
    %scan3A = arith.constant 0 : i32
    %scan3A_62 = arith.constant 80 : i32
    %scan3A_63 = arith.addi %scan3A, %scan3A_62 : i32
    %scan3A_64 = arith.constant 1 : i32
    scf.for %scan3A_131 = %scan3A to %scan3A_63 step %scan3A_64  : i32 {
      %rem3A = arith.constant 4 : i32
      %rem3A_132 = arith.remsi %scan3A_131, %rem3A : i32
      %dma_wait3A_133 = arith.constant 0 : i32
      %dma_wait3A_134 = arith.constant 0 : i32
      %dma_wait3A_135 = tpu.memref_slice %arg9[%rem3A_132, %dma_wait3A_133, %dma_wait3A_134] : memref<4x125x64xf32, #tpu.memory_space<vmem>> -> memref<1x125x64xf32, #tpu.memory_space<vmem>>
      %dma_wait3A_136 = tpu.memref_squeeze %dma_wait3A_135 : memref<1x125x64xf32, #tpu.memory_space<vmem>> -> memref<125x64xf32, #tpu.memory_space<vmem>>
      %dma_wait3A_137 = arith.constant 0 : i32
      %dma_wait3A_138 = tpu.memref_slice %arg7[%scan3A_131, %dma_wait3A_137] : memref<80x125xi32, #tpu.memory_space<vmem>> -> memref<1x125xi32, #tpu.memory_space<vmem>>
      %dma_wait3A_139 = tpu.memref_squeeze %dma_wait3A_138 : memref<1x125xi32, #tpu.memory_space<vmem>> -> memref<125xi32, #tpu.memory_space<vmem>>
      %dma_wait3A_140 = arith.constant 0 : i32
      %dma_wait3A_141 = arith.constant 0 : i32
      %dma_wait3A_142 = tpu.memref_slice %arg2[%dma_wait3A_140, %dma_wait3A_141] : memref<10000x64xf32, #tpu.memory_space<hbm>> -> memref<10000x64xf32, #tpu.memory_space<hbm>>
      %dma_wait3A_143 = tpu.memref_slice %arg10[%rem3A_132] : memref<4x!tpu.dma_semaphore, #tpu.memory_space<semaphore_mem>> -> memref<1x!tpu.dma_semaphore, #tpu.memory_space<semaphore_mem>>
      %dma_wait3A_144 = tpu.memref_squeeze %dma_wait3A_143 : memref<1x!tpu.dma_semaphore, #tpu.memory_space<semaphore_mem>> -> memref<!tpu.dma_semaphore, #tpu.memory_space<semaphore_mem>>
      tpu.wait_indirect_dma semaphore(%dma_wait3A_144 : memref<!tpu.dma_semaphore, #tpu.memory_space<semaphore_mem>>) src(%dma_wait3A_142 : memref<10000x64xf32, #tpu.memory_space<hbm>>) dst(%dma_wait3A_136 : memref<125x64xf32, #tpu.memory_space<vmem>>)
      %dma_start3A_145 = arith.constant 0 : i32
      %dma_start3A_146 = arith.constant 0 : i32
      %dma_start3A_147 = tpu.memref_slice %arg9[%rem3A_132, %dma_start3A_145, %dma_start3A_146] : memref<4x125x64xf32, #tpu.memory_space<vmem>> -> memref<1x125x64xf32, #tpu.memory_space<vmem>>
      %dma_start3A_148 = tpu.memref_squeeze %dma_start3A_147 : memref<1x125x64xf32, #tpu.memory_space<vmem>> -> memref<125x64xf32, #tpu.memory_space<vmem>>
      %dma_start3A_149 = arith.constant 0 : i32
      %dma_start3A_150 = tpu.memref_slice %arg8[%scan3A_131, %dma_start3A_149] : memref<80x125xi32, #tpu.memory_space<vmem>> -> memref<1x125xi32, #tpu.memory_space<vmem>>
      %dma_start3A_151 = tpu.memref_squeeze %dma_start3A_150 : memref<1x125xi32, #tpu.memory_space<vmem>> -> memref<125xi32, #tpu.memory_space<vmem>>
      %dma_start3A_152 = arith.constant 0 : i32
      %dma_start3A_153 = arith.constant 0 : i32
      %dma_start3A_154 = tpu.memref_slice %arg12[%dma_start3A_152, %dma_start3A_153] : memref<10000x64xf32, #tpu.memory_space<vmem_shared>> -> memref<10000x64xf32, #tpu.memory_space<vmem_shared>>
      %dma_start3A_155 = tpu.memref_slice %arg11[%rem3A_132] : memref<4x!tpu.dma_semaphore, #tpu.memory_space<semaphore_mem>> -> memref<1x!tpu.dma_semaphore, #tpu.memory_space<semaphore_mem>>
      %dma_start3A_156 = tpu.memref_squeeze %dma_start3A_155 : memref<1x!tpu.dma_semaphore, #tpu.memory_space<semaphore_mem>> -> memref<!tpu.dma_semaphore, #tpu.memory_space<semaphore_mem>>
      tpu.enqueue_indirect_dma source(%dma_start3A_148 : memref<125x64xf32, #tpu.memory_space<vmem>>) target(%dma_start3A_154 : memref<10000x64xf32, #tpu.memory_space<vmem_shared>>) offsets(%dma_start3A_151 : memref<125xi32, #tpu.memory_space<vmem>>) semaphore(%dma_start3A_156 : memref<!tpu.dma_semaphore, #tpu.memory_space<semaphore_mem>>) {add = true}
      %add3A_157 = arith.constant 4 : i32
      %add3A_158 = arith.addi %scan3A_131, %add3A_157 : i32
      %lt3A_159 = arith.constant 80 : i32
      %lt3A_160 = arith.cmpi slt, %add3A_158, %lt3A_159 : i32
      %convert_element_type3A_161 = arith.extui %lt3A_160 : i1 to i32
      %cond3A_162 = arith.constant 0 : i32
      %cond3A_163 = arith.cmpi ne, %convert_element_type3A_161, %cond3A_162 : i32
      scf.if %cond3A_163 {
        %dma_wait3A_164 = arith.constant 0 : i32
        %dma_wait3A_165 = arith.constant 0 : i32
        %dma_wait3A_166 = tpu.memref_slice %arg9[%rem3A_132, %dma_wait3A_164, %dma_wait3A_165] : memref<4x125x64xf32, #tpu.memory_space<vmem>> -> memref<1x125x64xf32, #tpu.memory_space<vmem>>
        %dma_wait3A_167 = tpu.memref_squeeze %dma_wait3A_166 : memref<1x125x64xf32, #tpu.memory_space<vmem>> -> memref<125x64xf32, #tpu.memory_space<vmem>>
        %dma_wait3A_168 = arith.constant 0 : i32
        %dma_wait3A_169 = tpu.memref_slice %arg8[%scan3A_131, %dma_wait3A_168] : memref<80x125xi32, #tpu.memory_space<vmem>> -> memref<1x125xi32, #tpu.memory_space<vmem>>
        %dma_wait3A_170 = tpu.memref_squeeze %dma_wait3A_169 : memref<1x125xi32, #tpu.memory_space<vmem>> -> memref<125xi32, #tpu.memory_space<vmem>>
        %dma_wait3A_171 = arith.constant 0 : i32
        %dma_wait3A_172 = arith.constant 0 : i32
        %dma_wait3A_173 = tpu.memref_slice %arg12[%dma_wait3A_171, %dma_wait3A_172] : memref<10000x64xf32, #tpu.memory_space<vmem_shared>> -> memref<10000x64xf32, #tpu.memory_space<vmem_shared>>
        %dma_wait3A_174 = tpu.memref_slice %arg11[%rem3A_132] : memref<4x!tpu.dma_semaphore, #tpu.memory_space<semaphore_mem>> -> memref<1x!tpu.dma_semaphore, #tpu.memory_space<semaphore_mem>>
        %dma_wait3A_175 = tpu.memref_squeeze %dma_wait3A_174 : memref<1x!tpu.dma_semaphore, #tpu.memory_space<semaphore_mem>> -> memref<!tpu.dma_semaphore, #tpu.memory_space<semaphore_mem>>
        tpu.wait_indirect_dma semaphore(%dma_wait3A_175 : memref<!tpu.dma_semaphore, #tpu.memory_space<semaphore_mem>>) src(%dma_wait3A_167 : memref<125x64xf32, #tpu.memory_space<vmem>>) dst(%dma_wait3A_173 : memref<10000x64xf32, #tpu.memory_space<vmem_shared>>)
        %add3A_176 = arith.constant 4 : i32
        %add3A_177 = arith.addi %scan3A_131, %add3A_176 : i32
        %dma_start3A_178 = arith.constant 0 : i32
        %dma_start3A_179 = arith.constant 0 : i32
        %dma_start3A_180 = tpu.memref_slice %arg9[%rem3A_132, %dma_start3A_178, %dma_start3A_179] : memref<4x125x64xf32, #tpu.memory_space<vmem>> -> memref<1x125x64xf32, #tpu.memory_space<vmem>>
        %dma_start3A_181 = tpu.memref_squeeze %dma_start3A_180 : memref<1x125x64xf32, #tpu.memory_space<vmem>> -> memref<125x64xf32, #tpu.memory_space<vmem>>
        %dma_start3A_182 = arith.constant 0 : i32
        %dma_start3A_183 = tpu.memref_slice %arg7[%add3A_177, %dma_start3A_182] : memref<80x125xi32, #tpu.memory_space<vmem>> -> memref<1x125xi32, #tpu.memory_space<vmem>>
        %dma_start3A_184 = tpu.memref_squeeze %dma_start3A_183 : memref<1x125xi32, #tpu.memory_space<vmem>> -> memref<125xi32, #tpu.memory_space<vmem>>
        %dma_start3A_185 = arith.constant 0 : i32
        %dma_start3A_186 = arith.constant 0 : i32
        %dma_start3A_187 = tpu.memref_slice %arg2[%dma_start3A_185, %dma_start3A_186] : memref<10000x64xf32, #tpu.memory_space<hbm>> -> memref<10000x64xf32, #tpu.memory_space<hbm>>
        %dma_start3A_188 = tpu.memref_slice %arg10[%rem3A_132] : memref<4x!tpu.dma_semaphore, #tpu.memory_space<semaphore_mem>> -> memref<1x!tpu.dma_semaphore, #tpu.memory_space<semaphore_mem>>
        %dma_start3A_189 = tpu.memref_squeeze %dma_start3A_188 : memref<1x!tpu.dma_semaphore, #tpu.memory_space<semaphore_mem>> -> memref<!tpu.dma_semaphore, #tpu.memory_space<semaphore_mem>>
        tpu.enqueue_indirect_dma source(%dma_start3A_187 : memref<10000x64xf32, #tpu.memory_space<hbm>>) target(%dma_start3A_181 : memref<125x64xf32, #tpu.memory_space<vmem>>) offsets(%dma_start3A_184 : memref<125xi32, #tpu.memory_space<vmem>>) semaphore(%dma_start3A_189 : memref<!tpu.dma_semaphore, #tpu.memory_space<semaphore_mem>>)
      } else {
      }
    }
    %scan3A_65 = arith.constant 80 : i32
    %dma_wait3A = arith.constant 0 : i32
    %dma_wait3A_66 = arith.constant 76 : i32
    %dma_wait3A_67 = arith.constant 0 : i32
    %dma_wait3A_68 = arith.constant 0 : i32
    %dma_wait3A_69 = arith.constant 0 : i32
    %dma_wait3A_70 = tpu.memref_slice %arg9[%dma_wait3A, %dma_wait3A_68, %dma_wait3A_69] : memref<4x125x64xf32, #tpu.memory_space<vmem>> -> memref<1x125x64xf32, #tpu.memory_space<vmem>>
    %dma_wait3A_71 = tpu.memref_squeeze %dma_wait3A_70 : memref<1x125x64xf32, #tpu.memory_space<vmem>> -> memref<125x64xf32, #tpu.memory_space<vmem>>
    %dma_wait3A_72 = arith.constant 0 : i32
    %dma_wait3A_73 = tpu.memref_slice %arg8[%dma_wait3A_66, %dma_wait3A_72] : memref<80x125xi32, #tpu.memory_space<vmem>> -> memref<1x125xi32, #tpu.memory_space<vmem>>
    %dma_wait3A_74 = tpu.memref_squeeze %dma_wait3A_73 : memref<1x125xi32, #tpu.memory_space<vmem>> -> memref<125xi32, #tpu.memory_space<vmem>>
    %dma_wait3A_75 = arith.constant 0 : i32
    %dma_wait3A_76 = arith.constant 0 : i32
    %dma_wait3A_77 = tpu.memref_slice %arg12[%dma_wait3A_75, %dma_wait3A_76] : memref<10000x64xf32, #tpu.memory_space<vmem_shared>> -> memref<10000x64xf32, #tpu.memory_space<vmem_shared>>
    %dma_wait3A_78 = tpu.memref_slice %arg11[%dma_wait3A_67] : memref<4x!tpu.dma_semaphore, #tpu.memory_space<semaphore_mem>> -> memref<1x!tpu.dma_semaphore, #tpu.memory_space<semaphore_mem>>
    %dma_wait3A_79 = tpu.memref_squeeze %dma_wait3A_78 : memref<1x!tpu.dma_semaphore, #tpu.memory_space<semaphore_mem>> -> memref<!tpu.dma_semaphore, #tpu.memory_space<semaphore_mem>>
    tpu.wait_indirect_dma semaphore(%dma_wait3A_79 : memref<!tpu.dma_semaphore, #tpu.memory_space<semaphore_mem>>) src(%dma_wait3A_71 : memref<125x64xf32, #tpu.memory_space<vmem>>) dst(%dma_wait3A_77 : memref<10000x64xf32, #tpu.memory_space<vmem_shared>>)
    %dma_wait3A_80 = arith.constant 1 : i32
    %dma_wait3A_81 = arith.constant 77 : i32
    %dma_wait3A_82 = arith.constant 1 : i32
    %dma_wait3A_83 = arith.constant 0 : i32
    %dma_wait3A_84 = arith.constant 0 : i32
    %dma_wait3A_85 = tpu.memref_slice %arg9[%dma_wait3A_80, %dma_wait3A_83, %dma_wait3A_84] : memref<4x125x64xf32, #tpu.memory_space<vmem>> -> memref<1x125x64xf32, #tpu.memory_space<vmem>>
    %dma_wait3A_86 = tpu.memref_squeeze %dma_wait3A_85 : memref<1x125x64xf32, #tpu.memory_space<vmem>> -> memref<125x64xf32, #tpu.memory_space<vmem>>
    %dma_wait3A_87 = arith.constant 0 : i32
    %dma_wait3A_88 = tpu.memref_slice %arg8[%dma_wait3A_81, %dma_wait3A_87] : memref<80x125xi32, #tpu.memory_space<vmem>> -> memref<1x125xi32, #tpu.memory_space<vmem>>
    %dma_wait3A_89 = tpu.memref_squeeze %dma_wait3A_88 : memref<1x125xi32, #tpu.memory_space<vmem>> -> memref<125xi32, #tpu.memory_space<vmem>>
    %dma_wait3A_90 = arith.constant 0 : i32
    %dma_wait3A_91 = arith.constant 0 : i32
    %dma_wait3A_92 = tpu.memref_slice %arg12[%dma_wait3A_90, %dma_wait3A_91] : memref<10000x64xf32, #tpu.memory_space<vmem_shared>> -> memref<10000x64xf32, #tpu.memory_space<vmem_shared>>
    %dma_wait3A_93 = tpu.memref_slice %arg11[%dma_wait3A_82] : memref<4x!tpu.dma_semaphore, #tpu.memory_space<semaphore_mem>> -> memref<1x!tpu.dma_semaphore, #tpu.memory_space<semaphore_mem>>
    %dma_wait3A_94 = tpu.memref_squeeze %dma_wait3A_93 : memref<1x!tpu.dma_semaphore, #tpu.memory_space<semaphore_mem>> -> memref<!tpu.dma_semaphore, #tpu.memory_space<semaphore_mem>>
    tpu.wait_indirect_dma semaphore(%dma_wait3A_94 : memref<!tpu.dma_semaphore, #tpu.memory_space<semaphore_mem>>) src(%dma_wait3A_86 : memref<125x64xf32, #tpu.memory_space<vmem>>) dst(%dma_wait3A_92 : memref<10000x64xf32, #tpu.memory_space<vmem_shared>>)
    %dma_wait3A_95 = arith.constant 2 : i32
    %dma_wait3A_96 = arith.constant 78 : i32
    %dma_wait3A_97 = arith.constant 2 : i32
    %dma_wait3A_98 = arith.constant 0 : i32
    %dma_wait3A_99 = arith.constant 0 : i32
    %dma_wait3A_100 = tpu.memref_slice %arg9[%dma_wait3A_95, %dma_wait3A_98, %dma_wait3A_99] : memref<4x125x64xf32, #tpu.memory_space<vmem>> -> memref<1x125x64xf32, #tpu.memory_space<vmem>>
    %dma_wait3A_101 = tpu.memref_squeeze %dma_wait3A_100 : memref<1x125x64xf32, #tpu.memory_space<vmem>> -> memref<125x64xf32, #tpu.memory_space<vmem>>
    %dma_wait3A_102 = arith.constant 0 : i32
    %dma_wait3A_103 = tpu.memref_slice %arg8[%dma_wait3A_96, %dma_wait3A_102] : memref<80x125xi32, #tpu.memory_space<vmem>> -> memref<1x125xi32, #tpu.memory_space<vmem>>
    %dma_wait3A_104 = tpu.memref_squeeze %dma_wait3A_103 : memref<1x125xi32, #tpu.memory_space<vmem>> -> memref<125xi32, #tpu.memory_space<vmem>>
    %dma_wait3A_105 = arith.constant 0 : i32
    %dma_wait3A_106 = arith.constant 0 : i32
    %dma_wait3A_107 = tpu.memref_slice %arg12[%dma_wait3A_105, %dma_wait3A_106] : memref<10000x64xf32, #tpu.memory_space<vmem_shared>> -> memref<10000x64xf32, #tpu.memory_space<vmem_shared>>
    %dma_wait3A_108 = tpu.memref_slice %arg11[%dma_wait3A_97] : memref<4x!tpu.dma_semaphore, #tpu.memory_space<semaphore_mem>> -> memref<1x!tpu.dma_semaphore, #tpu.memory_space<semaphore_mem>>
    %dma_wait3A_109 = tpu.memref_squeeze %dma_wait3A_108 : memref<1x!tpu.dma_semaphore, #tpu.memory_space<semaphore_mem>> -> memref<!tpu.dma_semaphore, #tpu.memory_space<semaphore_mem>>
    tpu.wait_indirect_dma semaphore(%dma_wait3A_109 : memref<!tpu.dma_semaphore, #tpu.memory_space<semaphore_mem>>) src(%dma_wait3A_101 : memref<125x64xf32, #tpu.memory_space<vmem>>) dst(%dma_wait3A_107 : memref<10000x64xf32, #tpu.memory_space<vmem_shared>>)
    %dma_wait3A_110 = arith.constant 3 : i32
    %dma_wait3A_111 = arith.constant 79 : i32
    %dma_wait3A_112 = arith.constant 3 : i32
    %dma_wait3A_113 = arith.constant 0 : i32
    %dma_wait3A_114 = arith.constant 0 : i32
    %dma_wait3A_115 = tpu.memref_slice %arg9[%dma_wait3A_110, %dma_wait3A_113, %dma_wait3A_114] : memref<4x125x64xf32, #tpu.memory_space<vmem>> -> memref<1x125x64xf32, #tpu.memory_space<vmem>>
    %dma_wait3A_116 = tpu.memref_squeeze %dma_wait3A_115 : memref<1x125x64xf32, #tpu.memory_space<vmem>> -> memref<125x64xf32, #tpu.memory_space<vmem>>
    %dma_wait3A_117 = arith.constant 0 : i32
    %dma_wait3A_118 = tpu.memref_slice %arg8[%dma_wait3A_111, %dma_wait3A_117] : memref<80x125xi32, #tpu.memory_space<vmem>> -> memref<1x125xi32, #tpu.memory_space<vmem>>
    %dma_wait3A_119 = tpu.memref_squeeze %dma_wait3A_118 : memref<1x125xi32, #tpu.memory_space<vmem>> -> memref<125xi32, #tpu.memory_space<vmem>>
    %dma_wait3A_120 = arith.constant 0 : i32
    %dma_wait3A_121 = arith.constant 0 : i32
    %dma_wait3A_122 = tpu.memref_slice %arg12[%dma_wait3A_120, %dma_wait3A_121] : memref<10000x64xf32, #tpu.memory_space<vmem_shared>> -> memref<10000x64xf32, #tpu.memory_space<vmem_shared>>
    %dma_wait3A_123 = tpu.memref_slice %arg11[%dma_wait3A_112] : memref<4x!tpu.dma_semaphore, #tpu.memory_space<semaphore_mem>> -> memref<1x!tpu.dma_semaphore, #tpu.memory_space<semaphore_mem>>
    %dma_wait3A_124 = tpu.memref_squeeze %dma_wait3A_123 : memref<1x!tpu.dma_semaphore, #tpu.memory_space<semaphore_mem>> -> memref<!tpu.dma_semaphore, #tpu.memory_space<semaphore_mem>>
    tpu.wait_indirect_dma semaphore(%dma_wait3A_124 : memref<!tpu.dma_semaphore, #tpu.memory_space<semaphore_mem>>) src(%dma_wait3A_116 : memref<125x64xf32, #tpu.memory_space<vmem>>) dst(%dma_wait3A_122 : memref<10000x64xf32, #tpu.memory_space<vmem_shared>>)
    %barrier3A_125 = arith.constant 0 : index
    tpu.barrier barrier_id(%barrier3A_125)
    %lt3A_126 = arith.constant 10 : i32
    %lt3A_127 = arith.cmpi slt, %arg1, %lt3A_126 : i32
    %convert_element_type3A_128 = arith.extui %lt3A_127 : i1 to i32
    %cond3A_129 = arith.constant 0 : i32
    %cond3A_130 = arith.cmpi ne, %convert_element_type3A_128, %cond3A_129 : i32
    scf.if %cond3A_130 {
      %mul3A_131 = arith.constant 1000 : i32
      %mul3A_132 = arith.muli %arg1, %mul3A_131 : i32
      %mul3A_133 = arith.constant 1000 : i32
      %mul3A_134 = arith.muli %arg1, %mul3A_133 : i32
      "tpu.region"() ({
        %run_scoped3A = tpu.sem_alloc : memref<!tpu.dma_semaphore, #tpu.memory_space<semaphore_mem>>
        %dma_start3A_135 = arith.constant 0 : i32
        %dma_start3A_136 = tpu.memref_slice %arg6[%arg0, %mul3A_134, %dma_start3A_135] : memref<2x10000x64xf32, #tpu.memory_space<hbm>> -> memref<1x1000x64xf32, #tpu.memory_space<hbm>>
        %dma_start3A_137 = tpu.memref_squeeze %dma_start3A_136 : memref<1x1000x64xf32, #tpu.memory_space<hbm>> -> memref<1000x64xf32, #tpu.memory_space<hbm>>
        %dma_start3A_138 = arith.constant 0 : i32
        %dma_start3A_139 = tpu.memref_slice %arg12[%mul3A_132, %dma_start3A_138] : memref<10000x64xf32, #tpu.memory_space<vmem_shared>> -> memref<1000x64xf32, #tpu.memory_space<vmem_shared>>
        tpu.enqueue_dma source(%dma_start3A_139 : memref<1000x64xf32, #tpu.memory_space<vmem_shared>>) target(%dma_start3A_137 : memref<1000x64xf32, #tpu.memory_space<hbm>>) target_semaphore(%run_scoped3A : memref<!tpu.dma_semaphore, #tpu.memory_space<semaphore_mem>>)
        %dma_wait3A_140 = arith.constant 0 : i32
        %dma_wait3A_141 = tpu.memref_slice %arg6[%arg0, %mul3A_134, %dma_wait3A_140] : memref<2x10000x64xf32, #tpu.memory_space<hbm>> -> memref<1x1000x64xf32, #tpu.memory_space<hbm>>
        %dma_wait3A_142 = tpu.memref_squeeze %dma_wait3A_141 : memref<1x1000x64xf32, #tpu.memory_space<hbm>> -> memref<1000x64xf32, #tpu.memory_space<hbm>>
        %dma_wait3A_143 = arith.constant 0 : i32
        %dma_wait3A_144 = tpu.memref_slice %arg12[%mul3A_132, %dma_wait3A_143] : memref<10000x64xf32, #tpu.memory_space<vmem_shared>> -> memref<1000x64xf32, #tpu.memory_space<vmem_shared>>
        tpu.wait_dma2 semaphore(%run_scoped3A : memref<!tpu.dma_semaphore, #tpu.memory_space<semaphore_mem>>) src(%dma_wait3A_144 : memref<1000x64xf32, #tpu.memory_space<vmem_shared>>) dst(%dma_wait3A_142 : memref<1000x64xf32, #tpu.memory_space<hbm>>)
        tpu.yield
      }) : () -> ()
    } else {
    }
    return
  }
}

#map = affine_map<(d0, d1) -> (0, 0)>
#map1 = affine_map<(d0, d1) -> (0, 0, 0)>
module attributes {stable_mosaic.version = 14 : i64} {
  func.func @_sc_scatter_body(%arg0: i32, %arg1: i32, %arg2: memref<10000x64xf32, #tpu.memory_space<hbm>>, %arg3: memref<32x80x125xi32, #tpu.memory_space<hbm>>, %arg4: memref<32x80x125xi32, #tpu.memory_space<hbm>>, %arg5: memref<1000x64xf32, #tpu.memory_space<hbm>>, %arg6: memref<2x10000x64xf32, #tpu.memory_space<hbm>>, %arg7: memref<80x125xi32, #tpu.memory_space<vmem>>, %arg8: memref<80x125xi32, #tpu.memory_space<vmem>>, %arg9: memref<4x125x64xf32, #tpu.memory_space<vmem>>, %arg10: memref<4x!tpu.dma_semaphore, #tpu.memory_space<semaphore_mem>>, %arg11: memref<4x!tpu.dma_semaphore, #tpu.memory_space<semaphore_mem>>, %arg12: memref<10000x64xf32, #tpu.memory_space<vmem_shared>>) attributes {dimension_semantics = [#tpu.dimension_semantics<core_parallel>, #tpu.dimension_semantics<subcore_parallel>], iteration_bounds = array<i64: 2, 16>, scalar_prefetch = 0 : i64, scratch_operands = 6 : i64, tpu.core_type = #tpu.core_type<sc_vector_subcore>, window_params = [{transform_indices = #map}, {transform_indices = #map1}, {transform_indices = #map1}, {transform_indices = #map}, {transform_indices = #map1}]} {
    %mul3A = arith.constant 16 : i32
    %mul3A_0 = arith.muli %arg0, %mul3A : i32
    %add3A = arith.addi %mul3A_0, %arg1 : i32
    "tpu.region"() ({
      %run_scoped3A = tpu.sem_alloc : memref<!tpu.dma_semaphore, #tpu.memory_space<semaphore_mem>>
      %dma_start3A_131 = arith.constant 0 : i32
      %dma_start3A_132 = arith.constant 0 : i32
      %dma_start3A_133 = tpu.memref_slice %arg3[%add3A, %dma_start3A_131, %dma_start3A_132] : memref<32x80x125xi32, #tpu.memory_space<hbm>> -> memref<1x80x125xi32, #tpu.memory_space<hbm>>
      %dma_start3A_134 = tpu.memref_squeeze %dma_start3A_133 : memref<1x80x125xi32, #tpu.memory_space<hbm>> -> memref<80x125xi32, #tpu.memory_space<hbm>>
      %dma_start3A_135 = arith.constant 0 : i32
      %dma_start3A_136 = arith.constant 0 : i32
      %dma_start3A_137 = tpu.memref_slice %arg3[%add3A, %dma_start3A_135, %dma_start3A_136] : memref<32x80x125xi32, #tpu.memory_space<hbm>> -> memref<1x80x125xi32, #tpu.memory_space<hbm>>
      %dma_start3A_138 = tpu.memref_squeeze %dma_start3A_137 : memref<1x80x125xi32, #tpu.memory_space<hbm>> -> memref<80x125xi32, #tpu.memory_space<hbm>>
      tpu.enqueue_dma source(%dma_start3A_138 : memref<80x125xi32, #tpu.memory_space<hbm>>) target(%arg7 : memref<80x125xi32, #tpu.memory_space<vmem>>) target_semaphore(%run_scoped3A : memref<!tpu.dma_semaphore, #tpu.memory_space<semaphore_mem>>)
      %dma_wait3A_139 = arith.constant 0 : i32
      %dma_wait3A_140 = arith.constant 0 : i32
      %dma_wait3A_141 = tpu.memref_slice %arg3[%add3A, %dma_wait3A_139, %dma_wait3A_140] : memref<32x80x125xi32, #tpu.memory_space<hbm>> -> memref<1x80x125xi32, #tpu.memory_space<hbm>>
      %dma_wait3A_142 = tpu.memref_squeeze %dma_wait3A_141 : memref<1x80x125xi32, #tpu.memory_space<hbm>> -> memref<80x125xi32, #tpu.memory_space<hbm>>
      %dma_wait3A_143 = arith.constant 0 : i32
      %dma_wait3A_144 = arith.constant 0 : i32
      %dma_wait3A_145 = tpu.memref_slice %arg3[%add3A, %dma_wait3A_143, %dma_wait3A_144] : memref<32x80x125xi32, #tpu.memory_space<hbm>> -> memref<1x80x125xi32, #tpu.memory_space<hbm>>
      %dma_wait3A_146 = tpu.memref_squeeze %dma_wait3A_145 : memref<1x80x125xi32, #tpu.memory_space<hbm>> -> memref<80x125xi32, #tpu.memory_space<hbm>>
      tpu.wait_dma2 semaphore(%run_scoped3A : memref<!tpu.dma_semaphore, #tpu.memory_space<semaphore_mem>>) src(%dma_wait3A_146 : memref<80x125xi32, #tpu.memory_space<hbm>>) dst(%arg7 : memref<80x125xi32, #tpu.memory_space<vmem>>)
      tpu.yield
    }) : () -> ()
    "tpu.region"() ({
      %run_scoped3A = tpu.sem_alloc : memref<!tpu.dma_semaphore, #tpu.memory_space<semaphore_mem>>
      %dma_start3A_131 = arith.constant 0 : i32
      %dma_start3A_132 = arith.constant 0 : i32
      %dma_start3A_133 = tpu.memref_slice %arg4[%add3A, %dma_start3A_131, %dma_start3A_132] : memref<32x80x125xi32, #tpu.memory_space<hbm>> -> memref<1x80x125xi32, #tpu.memory_space<hbm>>
      %dma_start3A_134 = tpu.memref_squeeze %dma_start3A_133 : memref<1x80x125xi32, #tpu.memory_space<hbm>> -> memref<80x125xi32, #tpu.memory_space<hbm>>
      %dma_start3A_135 = arith.constant 0 : i32
      %dma_start3A_136 = arith.constant 0 : i32
      %dma_start3A_137 = tpu.memref_slice %arg4[%add3A, %dma_start3A_135, %dma_start3A_136] : memref<32x80x125xi32, #tpu.memory_space<hbm>> -> memref<1x80x125xi32, #tpu.memory_space<hbm>>
      %dma_start3A_138 = tpu.memref_squeeze %dma_start3A_137 : memref<1x80x125xi32, #tpu.memory_space<hbm>> -> memref<80x125xi32, #tpu.memory_space<hbm>>
      tpu.enqueue_dma source(%dma_start3A_138 : memref<80x125xi32, #tpu.memory_space<hbm>>) target(%arg8 : memref<80x125xi32, #tpu.memory_space<vmem>>) target_semaphore(%run_scoped3A : memref<!tpu.dma_semaphore, #tpu.memory_space<semaphore_mem>>)
      %dma_wait3A_139 = arith.constant 0 : i32
      %dma_wait3A_140 = arith.constant 0 : i32
      %dma_wait3A_141 = tpu.memref_slice %arg4[%add3A, %dma_wait3A_139, %dma_wait3A_140] : memref<32x80x125xi32, #tpu.memory_space<hbm>> -> memref<1x80x125xi32, #tpu.memory_space<hbm>>
      %dma_wait3A_142 = tpu.memref_squeeze %dma_wait3A_141 : memref<1x80x125xi32, #tpu.memory_space<hbm>> -> memref<80x125xi32, #tpu.memory_space<hbm>>
      %dma_wait3A_143 = arith.constant 0 : i32
      %dma_wait3A_144 = arith.constant 0 : i32
      %dma_wait3A_145 = tpu.memref_slice %arg4[%add3A, %dma_wait3A_143, %dma_wait3A_144] : memref<32x80x125xi32, #tpu.memory_space<hbm>> -> memref<1x80x125xi32, #tpu.memory_space<hbm>>
      %dma_wait3A_146 = tpu.memref_squeeze %dma_wait3A_145 : memref<1x80x125xi32, #tpu.memory_space<hbm>> -> memref<80x125xi32, #tpu.memory_space<hbm>>
      tpu.wait_dma2 semaphore(%run_scoped3A : memref<!tpu.dma_semaphore, #tpu.memory_space<semaphore_mem>>) src(%dma_wait3A_146 : memref<80x125xi32, #tpu.memory_space<hbm>>) dst(%arg8 : memref<80x125xi32, #tpu.memory_space<vmem>>)
      tpu.yield
    }) : () -> ()
    %lt3A = arith.constant 10 : i32
    %lt3A_1 = arith.cmpi slt, %arg1, %lt3A : i32
    %convert_element_type3A = arith.extui %lt3A_1 : i1 to i32
    %cond3A = arith.constant 0 : i32
    %cond3A_2 = arith.cmpi ne, %convert_element_type3A, %cond3A : i32
    scf.if %cond3A_2 {
      %mul3A_131 = arith.constant 1000 : i32
      %mul3A_132 = arith.muli %arg1, %mul3A_131 : i32
      "tpu.region"() ({
        %run_scoped3A = tpu.sem_alloc : memref<!tpu.dma_semaphore, #tpu.memory_space<semaphore_mem>>
        %dma_start3A_133 = arith.constant 0 : i32
        %dma_start3A_134 = tpu.memref_slice %arg12[%mul3A_132, %dma_start3A_133] : memref<10000x64xf32, #tpu.memory_space<vmem_shared>> -> memref<1000x64xf32, #tpu.memory_space<vmem_shared>>
        tpu.enqueue_dma source(%arg5 : memref<1000x64xf32, #tpu.memory_space<hbm>>) target(%dma_start3A_134 : memref<1000x64xf32, #tpu.memory_space<vmem_shared>>) target_semaphore(%run_scoped3A : memref<!tpu.dma_semaphore, #tpu.memory_space<semaphore_mem>>)
        %dma_wait3A_135 = arith.constant 0 : i32
        %dma_wait3A_136 = tpu.memref_slice %arg12[%mul3A_132, %dma_wait3A_135] : memref<10000x64xf32, #tpu.memory_space<vmem_shared>> -> memref<1000x64xf32, #tpu.memory_space<vmem_shared>>
        tpu.wait_dma2 semaphore(%run_scoped3A : memref<!tpu.dma_semaphore, #tpu.memory_space<semaphore_mem>>) src(%arg5 : memref<1000x64xf32, #tpu.memory_space<hbm>>) dst(%dma_wait3A_136 : memref<1000x64xf32, #tpu.memory_space<vmem_shared>>)
        tpu.yield
      }) : () -> ()
    } else {
    }
    %barrier3A = arith.constant 0 : index
    tpu.barrier barrier_id(%barrier3A)
    %dma_start3A = arith.constant 0 : i32
    %dma_start3A_3 = arith.constant 0 : i32
    %dma_start3A_4 = arith.constant 0 : i32
    %dma_start3A_5 = arith.constant 0 : i32
    %dma_start3A_6 = arith.constant 0 : i32
    %dma_start3A_7 = tpu.memref_slice %arg9[%dma_start3A_3, %dma_start3A_5, %dma_start3A_6] : memref<4x125x64xf32, #tpu.memory_space<vmem>> -> memref<1x125x64xf32, #tpu.memory_space<vmem>>
    %dma_start3A_8 = tpu.memref_squeeze %dma_start3A_7 : memref<1x125x64xf32, #tpu.memory_space<vmem>> -> memref<125x64xf32, #tpu.memory_space<vmem>>
    %dma_start3A_9 = arith.constant 0 : i32
    %dma_start3A_10 = tpu.memref_slice %arg7[%dma_start3A, %dma_start3A_9] : memref<80x125xi32, #tpu.memory_space<vmem>> -> memref<1x125xi32, #tpu.memory_space<vmem>>
    %dma_start3A_11 = tpu.memref_squeeze %dma_start3A_10 : memref<1x125xi32, #tpu.memory_space<vmem>> -> memref<125xi32, #tpu.memory_space<vmem>>
    %dma_start3A_12 = arith.constant 0 : i32
    %dma_start3A_13 = arith.constant 0 : i32
    %dma_start3A_14 = tpu.memref_slice %arg2[%dma_start3A_12, %dma_start3A_13] : memref<10000x64xf32, #tpu.memory_space<hbm>> -> memref<10000x64xf32, #tpu.memory_space<hbm>>
    %dma_start3A_15 = tpu.memref_slice %arg10[%dma_start3A_4] : memref<4x!tpu.dma_semaphore, #tpu.memory_space<semaphore_mem>> -> memref<1x!tpu.dma_semaphore, #tpu.memory_space<semaphore_mem>>
    %dma_start3A_16 = tpu.memref_squeeze %dma_start3A_15 : memref<1x!tpu.dma_semaphore, #tpu.memory_space<semaphore_mem>> -> memref<!tpu.dma_semaphore, #tpu.memory_space<semaphore_mem>>
    tpu.enqueue_indirect_dma source(%dma_start3A_14 : memref<10000x64xf32, #tpu.memory_space<hbm>>) target(%dma_start3A_8 : memref<125x64xf32, #tpu.memory_space<vmem>>) offsets(%dma_start3A_11 : memref<125xi32, #tpu.memory_space<vmem>>) semaphore(%dma_start3A_16 : memref<!tpu.dma_semaphore, #tpu.memory_space<semaphore_mem>>)
    %dma_start3A_17 = arith.constant 1 : i32
    %dma_start3A_18 = arith.constant 1 : i32
    %dma_start3A_19 = arith.constant 1 : i32
    %dma_start3A_20 = arith.constant 0 : i32
    %dma_start3A_21 = arith.constant 0 : i32
    %dma_start3A_22 = tpu.memref_slice %arg9[%dma_start3A_18, %dma_start3A_20, %dma_start3A_21] : memref<4x125x64xf32, #tpu.memory_space<vmem>> -> memref<1x125x64xf32, #tpu.memory_space<vmem>>
    %dma_start3A_23 = tpu.memref_squeeze %dma_start3A_22 : memref<1x125x64xf32, #tpu.memory_space<vmem>> -> memref<125x64xf32, #tpu.memory_space<vmem>>
    %dma_start3A_24 = arith.constant 0 : i32
    %dma_start3A_25 = tpu.memref_slice %arg7[%dma_start3A_17, %dma_start3A_24] : memref<80x125xi32, #tpu.memory_space<vmem>> -> memref<1x125xi32, #tpu.memory_space<vmem>>
    %dma_start3A_26 = tpu.memref_squeeze %dma_start3A_25 : memref<1x125xi32, #tpu.memory_space<vmem>> -> memref<125xi32, #tpu.memory_space<vmem>>
    %dma_start3A_27 = arith.constant 0 : i32
    %dma_start3A_28 = arith.constant 0 : i32
    %dma_start3A_29 = tpu.memref_slice %arg2[%dma_start3A_27, %dma_start3A_28] : memref<10000x64xf32, #tpu.memory_space<hbm>> -> memref<10000x64xf32, #tpu.memory_space<hbm>>
    %dma_start3A_30 = tpu.memref_slice %arg10[%dma_start3A_19] : memref<4x!tpu.dma_semaphore, #tpu.memory_space<semaphore_mem>> -> memref<1x!tpu.dma_semaphore, #tpu.memory_space<semaphore_mem>>
    %dma_start3A_31 = tpu.memref_squeeze %dma_start3A_30 : memref<1x!tpu.dma_semaphore, #tpu.memory_space<semaphore_mem>> -> memref<!tpu.dma_semaphore, #tpu.memory_space<semaphore_mem>>
    tpu.enqueue_indirect_dma source(%dma_start3A_29 : memref<10000x64xf32, #tpu.memory_space<hbm>>) target(%dma_start3A_23 : memref<125x64xf32, #tpu.memory_space<vmem>>) offsets(%dma_start3A_26 : memref<125xi32, #tpu.memory_space<vmem>>) semaphore(%dma_start3A_31 : memref<!tpu.dma_semaphore, #tpu.memory_space<semaphore_mem>>)
    %dma_start3A_32 = arith.constant 2 : i32
    %dma_start3A_33 = arith.constant 2 : i32
    %dma_start3A_34 = arith.constant 2 : i32
    %dma_start3A_35 = arith.constant 0 : i32
    %dma_start3A_36 = arith.constant 0 : i32
    %dma_start3A_37 = tpu.memref_slice %arg9[%dma_start3A_33, %dma_start3A_35, %dma_start3A_36] : memref<4x125x64xf32, #tpu.memory_space<vmem>> -> memref<1x125x64xf32, #tpu.memory_space<vmem>>
    %dma_start3A_38 = tpu.memref_squeeze %dma_start3A_37 : memref<1x125x64xf32, #tpu.memory_space<vmem>> -> memref<125x64xf32, #tpu.memory_space<vmem>>
    %dma_start3A_39 = arith.constant 0 : i32
    %dma_start3A_40 = tpu.memref_slice %arg7[%dma_start3A_32, %dma_start3A_39] : memref<80x125xi32, #tpu.memory_space<vmem>> -> memref<1x125xi32, #tpu.memory_space<vmem>>
    %dma_start3A_41 = tpu.memref_squeeze %dma_start3A_40 : memref<1x125xi32, #tpu.memory_space<vmem>> -> memref<125xi32, #tpu.memory_space<vmem>>
    %dma_start3A_42 = arith.constant 0 : i32
    %dma_start3A_43 = arith.constant 0 : i32
    %dma_start3A_44 = tpu.memref_slice %arg2[%dma_start3A_42, %dma_start3A_43] : memref<10000x64xf32, #tpu.memory_space<hbm>> -> memref<10000x64xf32, #tpu.memory_space<hbm>>
    %dma_start3A_45 = tpu.memref_slice %arg10[%dma_start3A_34] : memref<4x!tpu.dma_semaphore, #tpu.memory_space<semaphore_mem>> -> memref<1x!tpu.dma_semaphore, #tpu.memory_space<semaphore_mem>>
    %dma_start3A_46 = tpu.memref_squeeze %dma_start3A_45 : memref<1x!tpu.dma_semaphore, #tpu.memory_space<semaphore_mem>> -> memref<!tpu.dma_semaphore, #tpu.memory_space<semaphore_mem>>
    tpu.enqueue_indirect_dma source(%dma_start3A_44 : memref<10000x64xf32, #tpu.memory_space<hbm>>) target(%dma_start3A_38 : memref<125x64xf32, #tpu.memory_space<vmem>>) offsets(%dma_start3A_41 : memref<125xi32, #tpu.memory_space<vmem>>) semaphore(%dma_start3A_46 : memref<!tpu.dma_semaphore, #tpu.memory_space<semaphore_mem>>)
    %dma_start3A_47 = arith.constant 3 : i32
    %dma_start3A_48 = arith.constant 3 : i32
    %dma_start3A_49 = arith.constant 3 : i32
    %dma_start3A_50 = arith.constant 0 : i32
    %dma_start3A_51 = arith.constant 0 : i32
    %dma_start3A_52 = tpu.memref_slice %arg9[%dma_start3A_48, %dma_start3A_50, %dma_start3A_51] : memref<4x125x64xf32, #tpu.memory_space<vmem>> -> memref<1x125x64xf32, #tpu.memory_space<vmem>>
    %dma_start3A_53 = tpu.memref_squeeze %dma_start3A_52 : memref<1x125x64xf32, #tpu.memory_space<vmem>> -> memref<125x64xf32, #tpu.memory_space<vmem>>
    %dma_start3A_54 = arith.constant 0 : i32
    %dma_start3A_55 = tpu.memref_slice %arg7[%dma_start3A_47, %dma_start3A_54] : memref<80x125xi32, #tpu.memory_space<vmem>> -> memref<1x125xi32, #tpu.memory_space<vmem>>
    %dma_start3A_56 = tpu.memref_squeeze %dma_start3A_55 : memref<1x125xi32, #tpu.memory_space<vmem>> -> memref<125xi32, #tpu.memory_space<vmem>>
    %dma_start3A_57 = arith.constant 0 : i32
    %dma_start3A_58 = arith.constant 0 : i32
    %dma_start3A_59 = tpu.memref_slice %arg2[%dma_start3A_57, %dma_start3A_58] : memref<10000x64xf32, #tpu.memory_space<hbm>> -> memref<10000x64xf32, #tpu.memory_space<hbm>>
    %dma_start3A_60 = tpu.memref_slice %arg10[%dma_start3A_49] : memref<4x!tpu.dma_semaphore, #tpu.memory_space<semaphore_mem>> -> memref<1x!tpu.dma_semaphore, #tpu.memory_space<semaphore_mem>>
    %dma_start3A_61 = tpu.memref_squeeze %dma_start3A_60 : memref<1x!tpu.dma_semaphore, #tpu.memory_space<semaphore_mem>> -> memref<!tpu.dma_semaphore, #tpu.memory_space<semaphore_mem>>
    tpu.enqueue_indirect_dma source(%dma_start3A_59 : memref<10000x64xf32, #tpu.memory_space<hbm>>) target(%dma_start3A_53 : memref<125x64xf32, #tpu.memory_space<vmem>>) offsets(%dma_start3A_56 : memref<125xi32, #tpu.memory_space<vmem>>) semaphore(%dma_start3A_61 : memref<!tpu.dma_semaphore, #tpu.memory_space<semaphore_mem>>)
    %scan3A = arith.constant 0 : i32
    %scan3A_62 = arith.constant 80 : i32
    %scan3A_63 = arith.addi %scan3A, %scan3A_62 : i32
    %scan3A_64 = arith.constant 1 : i32
    scf.for %scan3A_131 = %scan3A to %scan3A_63 step %scan3A_64  : i32 {
      %rem3A = arith.constant 4 : i32
      %rem3A_132 = arith.remsi %scan3A_131, %rem3A : i32
      %dma_wait3A_133 = arith.constant 0 : i32
      %dma_wait3A_134 = arith.constant 0 : i32
      %dma_wait3A_135 = tpu.memref_slice %arg9[%rem3A_132, %dma_wait3A_133, %dma_wait3A_134] : memref<4x125x64xf32, #tpu.memory_space<vmem>> -> memref<1x125x64xf32, #tpu.memory_space<vmem>>
      %dma_wait3A_136 = tpu.memref_squeeze %dma_wait3A_135 : memref<1x125x64xf32, #tpu.memory_space<vmem>> -> memref<125x64xf32, #tpu.memory_space<vmem>>
      %dma_wait3A_137 = arith.constant 0 : i32
      %dma_wait3A_138 = tpu.memref_slice %arg7[%scan3A_131, %dma_wait3A_137] : memref<80x125xi32, #tpu.memory_space<vmem>> -> memref<1x125xi32, #tpu.memory_space<vmem>>
      %dma_wait3A_139 = tpu.memref_squeeze %dma_wait3A_138 : memref<1x125xi32, #tpu.memory_space<vmem>> -> memref<125xi32, #tpu.memory_space<vmem>>
      %dma_wait3A_140 = arith.constant 0 : i32
      %dma_wait3A_141 = arith.constant 0 : i32
      %dma_wait3A_142 = tpu.memref_slice %arg2[%dma_wait3A_140, %dma_wait3A_141] : memref<10000x64xf32, #tpu.memory_space<hbm>> -> memref<10000x64xf32, #tpu.memory_space<hbm>>
      %dma_wait3A_143 = tpu.memref_slice %arg10[%rem3A_132] : memref<4x!tpu.dma_semaphore, #tpu.memory_space<semaphore_mem>> -> memref<1x!tpu.dma_semaphore, #tpu.memory_space<semaphore_mem>>
      %dma_wait3A_144 = tpu.memref_squeeze %dma_wait3A_143 : memref<1x!tpu.dma_semaphore, #tpu.memory_space<semaphore_mem>> -> memref<!tpu.dma_semaphore, #tpu.memory_space<semaphore_mem>>
      tpu.wait_indirect_dma semaphore(%dma_wait3A_144 : memref<!tpu.dma_semaphore, #tpu.memory_space<semaphore_mem>>) src(%dma_wait3A_142 : memref<10000x64xf32, #tpu.memory_space<hbm>>) dst(%dma_wait3A_136 : memref<125x64xf32, #tpu.memory_space<vmem>>)
      %dma_start3A_145 = arith.constant 0 : i32
      %dma_start3A_146 = arith.constant 0 : i32
      %dma_start3A_147 = tpu.memref_slice %arg9[%rem3A_132, %dma_start3A_145, %dma_start3A_146] : memref<4x125x64xf32, #tpu.memory_space<vmem>> -> memref<1x125x64xf32, #tpu.memory_space<vmem>>
      %dma_start3A_148 = tpu.memref_squeeze %dma_start3A_147 : memref<1x125x64xf32, #tpu.memory_space<vmem>> -> memref<125x64xf32, #tpu.memory_space<vmem>>
      %dma_start3A_149 = arith.constant 0 : i32
      %dma_start3A_150 = tpu.memref_slice %arg8[%scan3A_131, %dma_start3A_149] : memref<80x125xi32, #tpu.memory_space<vmem>> -> memref<1x125xi32, #tpu.memory_space<vmem>>
      %dma_start3A_151 = tpu.memref_squeeze %dma_start3A_150 : memref<1x125xi32, #tpu.memory_space<vmem>> -> memref<125xi32, #tpu.memory_space<vmem>>
      %dma_start3A_152 = arith.constant 0 : i32
      %dma_start3A_153 = arith.constant 0 : i32
      %dma_start3A_154 = tpu.memref_slice %arg12[%dma_start3A_152, %dma_start3A_153] : memref<10000x64xf32, #tpu.memory_space<vmem_shared>> -> memref<10000x64xf32, #tpu.memory_space<vmem_shared>>
      %dma_start3A_155 = tpu.memref_slice %arg11[%rem3A_132] : memref<4x!tpu.dma_semaphore, #tpu.memory_space<semaphore_mem>> -> memref<1x!tpu.dma_semaphore, #tpu.memory_space<semaphore_mem>>
      %dma_start3A_156 = tpu.memref_squeeze %dma_start3A_155 : memref<1x!tpu.dma_semaphore, #tpu.memory_space<semaphore_mem>> -> memref<!tpu.dma_semaphore, #tpu.memory_space<semaphore_mem>>
      tpu.enqueue_indirect_dma source(%dma_start3A_148 : memref<125x64xf32, #tpu.memory_space<vmem>>) target(%dma_start3A_154 : memref<10000x64xf32, #tpu.memory_space<vmem_shared>>) offsets(%dma_start3A_151 : memref<125xi32, #tpu.memory_space<vmem>>) semaphore(%dma_start3A_156 : memref<!tpu.dma_semaphore, #tpu.memory_space<semaphore_mem>>) {add = true}
      %add3A_157 = arith.constant 4 : i32
      %add3A_158 = arith.addi %scan3A_131, %add3A_157 : i32
      %lt3A_159 = arith.constant 80 : i32
      %lt3A_160 = arith.cmpi slt, %add3A_158, %lt3A_159 : i32
      %convert_element_type3A_161 = arith.extui %lt3A_160 : i1 to i32
      %cond3A_162 = arith.constant 0 : i32
      %cond3A_163 = arith.cmpi ne, %convert_element_type3A_161, %cond3A_162 : i32
      scf.if %cond3A_163 {
        %dma_wait3A_164 = arith.constant 0 : i32
        %dma_wait3A_165 = arith.constant 0 : i32
        %dma_wait3A_166 = tpu.memref_slice %arg9[%rem3A_132, %dma_wait3A_164, %dma_wait3A_165] : memref<4x125x64xf32, #tpu.memory_space<vmem>> -> memref<1x125x64xf32, #tpu.memory_space<vmem>>
        %dma_wait3A_167 = tpu.memref_squeeze %dma_wait3A_166 : memref<1x125x64xf32, #tpu.memory_space<vmem>> -> memref<125x64xf32, #tpu.memory_space<vmem>>
        %dma_wait3A_168 = arith.constant 0 : i32
        %dma_wait3A_169 = tpu.memref_slice %arg8[%scan3A_131, %dma_wait3A_168] : memref<80x125xi32, #tpu.memory_space<vmem>> -> memref<1x125xi32, #tpu.memory_space<vmem>>
        %dma_wait3A_170 = tpu.memref_squeeze %dma_wait3A_169 : memref<1x125xi32, #tpu.memory_space<vmem>> -> memref<125xi32, #tpu.memory_space<vmem>>
        %dma_wait3A_171 = arith.constant 0 : i32
        %dma_wait3A_172 = arith.constant 0 : i32
        %dma_wait3A_173 = tpu.memref_slice %arg12[%dma_wait3A_171, %dma_wait3A_172] : memref<10000x64xf32, #tpu.memory_space<vmem_shared>> -> memref<10000x64xf32, #tpu.memory_space<vmem_shared>>
        %dma_wait3A_174 = tpu.memref_slice %arg11[%rem3A_132] : memref<4x!tpu.dma_semaphore, #tpu.memory_space<semaphore_mem>> -> memref<1x!tpu.dma_semaphore, #tpu.memory_space<semaphore_mem>>
        %dma_wait3A_175 = tpu.memref_squeeze %dma_wait3A_174 : memref<1x!tpu.dma_semaphore, #tpu.memory_space<semaphore_mem>> -> memref<!tpu.dma_semaphore, #tpu.memory_space<semaphore_mem>>
        tpu.wait_indirect_dma semaphore(%dma_wait3A_175 : memref<!tpu.dma_semaphore, #tpu.memory_space<semaphore_mem>>) src(%dma_wait3A_167 : memref<125x64xf32, #tpu.memory_space<vmem>>) dst(%dma_wait3A_173 : memref<10000x64xf32, #tpu.memory_space<vmem_shared>>)
        %add3A_176 = arith.constant 4 : i32
        %add3A_177 = arith.addi %scan3A_131, %add3A_176 : i32
        %dma_start3A_178 = arith.constant 0 : i32
        %dma_start3A_179 = arith.constant 0 : i32
        %dma_start3A_180 = tpu.memref_slice %arg9[%rem3A_132, %dma_start3A_178, %dma_start3A_179] : memref<4x125x64xf32, #tpu.memory_space<vmem>> -> memref<1x125x64xf32, #tpu.memory_space<vmem>>
        %dma_start3A_181 = tpu.memref_squeeze %dma_start3A_180 : memref<1x125x64xf32, #tpu.memory_space<vmem>> -> memref<125x64xf32, #tpu.memory_space<vmem>>
        %dma_start3A_182 = arith.constant 0 : i32
        %dma_start3A_183 = tpu.memref_slice %arg7[%add3A_177, %dma_start3A_182] : memref<80x125xi32, #tpu.memory_space<vmem>> -> memref<1x125xi32, #tpu.memory_space<vmem>>
        %dma_start3A_184 = tpu.memref_squeeze %dma_start3A_183 : memref<1x125xi32, #tpu.memory_space<vmem>> -> memref<125xi32, #tpu.memory_space<vmem>>
        %dma_start3A_185 = arith.constant 0 : i32
        %dma_start3A_186 = arith.constant 0 : i32
        %dma_start3A_187 = tpu.memref_slice %arg2[%dma_start3A_185, %dma_start3A_186] : memref<10000x64xf32, #tpu.memory_space<hbm>> -> memref<10000x64xf32, #tpu.memory_space<hbm>>
        %dma_start3A_188 = tpu.memref_slice %arg10[%rem3A_132] : memref<4x!tpu.dma_semaphore, #tpu.memory_space<semaphore_mem>> -> memref<1x!tpu.dma_semaphore, #tpu.memory_space<semaphore_mem>>
        %dma_start3A_189 = tpu.memref_squeeze %dma_start3A_188 : memref<1x!tpu.dma_semaphore, #tpu.memory_space<semaphore_mem>> -> memref<!tpu.dma_semaphore, #tpu.memory_space<semaphore_mem>>
        tpu.enqueue_indirect_dma source(%dma_start3A_187 : memref<10000x64xf32, #tpu.memory_space<hbm>>) target(%dma_start3A_181 : memref<125x64xf32, #tpu.memory_space<vmem>>) offsets(%dma_start3A_184 : memref<125xi32, #tpu.memory_space<vmem>>) semaphore(%dma_start3A_189 : memref<!tpu.dma_semaphore, #tpu.memory_space<semaphore_mem>>)
      } else {
      }
    }
    %scan3A_65 = arith.constant 80 : i32
    %dma_wait3A = arith.constant 0 : i32
    %dma_wait3A_66 = arith.constant 76 : i32
    %dma_wait3A_67 = arith.constant 0 : i32
    %dma_wait3A_68 = arith.constant 0 : i32
    %dma_wait3A_69 = arith.constant 0 : i32
    %dma_wait3A_70 = tpu.memref_slice %arg9[%dma_wait3A, %dma_wait3A_68, %dma_wait3A_69] : memref<4x125x64xf32, #tpu.memory_space<vmem>> -> memref<1x125x64xf32, #tpu.memory_space<vmem>>
    %dma_wait3A_71 = tpu.memref_squeeze %dma_wait3A_70 : memref<1x125x64xf32, #tpu.memory_space<vmem>> -> memref<125x64xf32, #tpu.memory_space<vmem>>
    %dma_wait3A_72 = arith.constant 0 : i32
    %dma_wait3A_73 = tpu.memref_slice %arg8[%dma_wait3A_66, %dma_wait3A_72] : memref<80x125xi32, #tpu.memory_space<vmem>> -> memref<1x125xi32, #tpu.memory_space<vmem>>
    %dma_wait3A_74 = tpu.memref_squeeze %dma_wait3A_73 : memref<1x125xi32, #tpu.memory_space<vmem>> -> memref<125xi32, #tpu.memory_space<vmem>>
    %dma_wait3A_75 = arith.constant 0 : i32
    %dma_wait3A_76 = arith.constant 0 : i32
    %dma_wait3A_77 = tpu.memref_slice %arg12[%dma_wait3A_75, %dma_wait3A_76] : memref<10000x64xf32, #tpu.memory_space<vmem_shared>> -> memref<10000x64xf32, #tpu.memory_space<vmem_shared>>
    %dma_wait3A_78 = tpu.memref_slice %arg11[%dma_wait3A_67] : memref<4x!tpu.dma_semaphore, #tpu.memory_space<semaphore_mem>> -> memref<1x!tpu.dma_semaphore, #tpu.memory_space<semaphore_mem>>
    %dma_wait3A_79 = tpu.memref_squeeze %dma_wait3A_78 : memref<1x!tpu.dma_semaphore, #tpu.memory_space<semaphore_mem>> -> memref<!tpu.dma_semaphore, #tpu.memory_space<semaphore_mem>>
    tpu.wait_indirect_dma semaphore(%dma_wait3A_79 : memref<!tpu.dma_semaphore, #tpu.memory_space<semaphore_mem>>) src(%dma_wait3A_71 : memref<125x64xf32, #tpu.memory_space<vmem>>) dst(%dma_wait3A_77 : memref<10000x64xf32, #tpu.memory_space<vmem_shared>>)
    %dma_wait3A_80 = arith.constant 1 : i32
    %dma_wait3A_81 = arith.constant 77 : i32
    %dma_wait3A_82 = arith.constant 1 : i32
    %dma_wait3A_83 = arith.constant 0 : i32
    %dma_wait3A_84 = arith.constant 0 : i32
    %dma_wait3A_85 = tpu.memref_slice %arg9[%dma_wait3A_80, %dma_wait3A_83, %dma_wait3A_84] : memref<4x125x64xf32, #tpu.memory_space<vmem>> -> memref<1x125x64xf32, #tpu.memory_space<vmem>>
    %dma_wait3A_86 = tpu.memref_squeeze %dma_wait3A_85 : memref<1x125x64xf32, #tpu.memory_space<vmem>> -> memref<125x64xf32, #tpu.memory_space<vmem>>
    %dma_wait3A_87 = arith.constant 0 : i32
    %dma_wait3A_88 = tpu.memref_slice %arg8[%dma_wait3A_81, %dma_wait3A_87] : memref<80x125xi32, #tpu.memory_space<vmem>> -> memref<1x125xi32, #tpu.memory_space<vmem>>
    %dma_wait3A_89 = tpu.memref_squeeze %dma_wait3A_88 : memref<1x125xi32, #tpu.memory_space<vmem>> -> memref<125xi32, #tpu.memory_space<vmem>>
    %dma_wait3A_90 = arith.constant 0 : i32
    %dma_wait3A_91 = arith.constant 0 : i32
    %dma_wait3A_92 = tpu.memref_slice %arg12[%dma_wait3A_90, %dma_wait3A_91] : memref<10000x64xf32, #tpu.memory_space<vmem_shared>> -> memref<10000x64xf32, #tpu.memory_space<vmem_shared>>
    %dma_wait3A_93 = tpu.memref_slice %arg11[%dma_wait3A_82] : memref<4x!tpu.dma_semaphore, #tpu.memory_space<semaphore_mem>> -> memref<1x!tpu.dma_semaphore, #tpu.memory_space<semaphore_mem>>
    %dma_wait3A_94 = tpu.memref_squeeze %dma_wait3A_93 : memref<1x!tpu.dma_semaphore, #tpu.memory_space<semaphore_mem>> -> memref<!tpu.dma_semaphore, #tpu.memory_space<semaphore_mem>>
    tpu.wait_indirect_dma semaphore(%dma_wait3A_94 : memref<!tpu.dma_semaphore, #tpu.memory_space<semaphore_mem>>) src(%dma_wait3A_86 : memref<125x64xf32, #tpu.memory_space<vmem>>) dst(%dma_wait3A_92 : memref<10000x64xf32, #tpu.memory_space<vmem_shared>>)
    %dma_wait3A_95 = arith.constant 2 : i32
    %dma_wait3A_96 = arith.constant 78 : i32
    %dma_wait3A_97 = arith.constant 2 : i32
    %dma_wait3A_98 = arith.constant 0 : i32
    %dma_wait3A_99 = arith.constant 0 : i32
    %dma_wait3A_100 = tpu.memref_slice %arg9[%dma_wait3A_95, %dma_wait3A_98, %dma_wait3A_99] : memref<4x125x64xf32, #tpu.memory_space<vmem>> -> memref<1x125x64xf32, #tpu.memory_space<vmem>>
    %dma_wait3A_101 = tpu.memref_squeeze %dma_wait3A_100 : memref<1x125x64xf32, #tpu.memory_space<vmem>> -> memref<125x64xf32, #tpu.memory_space<vmem>>
    %dma_wait3A_102 = arith.constant 0 : i32
    %dma_wait3A_103 = tpu.memref_slice %arg8[%dma_wait3A_96, %dma_wait3A_102] : memref<80x125xi32, #tpu.memory_space<vmem>> -> memref<1x125xi32, #tpu.memory_space<vmem>>
    %dma_wait3A_104 = tpu.memref_squeeze %dma_wait3A_103 : memref<1x125xi32, #tpu.memory_space<vmem>> -> memref<125xi32, #tpu.memory_space<vmem>>
    %dma_wait3A_105 = arith.constant 0 : i32
    %dma_wait3A_106 = arith.constant 0 : i32
    %dma_wait3A_107 = tpu.memref_slice %arg12[%dma_wait3A_105, %dma_wait3A_106] : memref<10000x64xf32, #tpu.memory_space<vmem_shared>> -> memref<10000x64xf32, #tpu.memory_space<vmem_shared>>
    %dma_wait3A_108 = tpu.memref_slice %arg11[%dma_wait3A_97] : memref<4x!tpu.dma_semaphore, #tpu.memory_space<semaphore_mem>> -> memref<1x!tpu.dma_semaphore, #tpu.memory_space<semaphore_mem>>
    %dma_wait3A_109 = tpu.memref_squeeze %dma_wait3A_108 : memref<1x!tpu.dma_semaphore, #tpu.memory_space<semaphore_mem>> -> memref<!tpu.dma_semaphore, #tpu.memory_space<semaphore_mem>>
    tpu.wait_indirect_dma semaphore(%dma_wait3A_109 : memref<!tpu.dma_semaphore, #tpu.memory_space<semaphore_mem>>) src(%dma_wait3A_101 : memref<125x64xf32, #tpu.memory_space<vmem>>) dst(%dma_wait3A_107 : memref<10000x64xf32, #tpu.memory_space<vmem_shared>>)
    %dma_wait3A_110 = arith.constant 3 : i32
    %dma_wait3A_111 = arith.constant 79 : i32
    %dma_wait3A_112 = arith.constant 3 : i32
    %dma_wait3A_113 = arith.constant 0 : i32
    %dma_wait3A_114 = arith.constant 0 : i32
    %dma_wait3A_115 = tpu.memref_slice %arg9[%dma_wait3A_110, %dma_wait3A_113, %dma_wait3A_114] : memref<4x125x64xf32, #tpu.memory_space<vmem>> -> memref<1x125x64xf32, #tpu.memory_space<vmem>>
    %dma_wait3A_116 = tpu.memref_squeeze %dma_wait3A_115 : memref<1x125x64xf32, #tpu.memory_space<vmem>> -> memref<125x64xf32, #tpu.memory_space<vmem>>
    %dma_wait3A_117 = arith.constant 0 : i32
    %dma_wait3A_118 = tpu.memref_slice %arg8[%dma_wait3A_111, %dma_wait3A_117] : memref<80x125xi32, #tpu.memory_space<vmem>> -> memref<1x125xi32, #tpu.memory_space<vmem>>
    %dma_wait3A_119 = tpu.memref_squeeze %dma_wait3A_118 : memref<1x125xi32, #tpu.memory_space<vmem>> -> memref<125xi32, #tpu.memory_space<vmem>>
    %dma_wait3A_120 = arith.constant 0 : i32
    %dma_wait3A_121 = arith.constant 0 : i32
    %dma_wait3A_122 = tpu.memref_slice %arg12[%dma_wait3A_120, %dma_wait3A_121] : memref<10000x64xf32, #tpu.memory_space<vmem_shared>> -> memref<10000x64xf32, #tpu.memory_space<vmem_shared>>
    %dma_wait3A_123 = tpu.memref_slice %arg11[%dma_wait3A_112] : memref<4x!tpu.dma_semaphore, #tpu.memory_space<semaphore_mem>> -> memref<1x!tpu.dma_semaphore, #tpu.memory_space<semaphore_mem>>
    %dma_wait3A_124 = tpu.memref_squeeze %dma_wait3A_123 : memref<1x!tpu.dma_semaphore, #tpu.memory_space<semaphore_mem>> -> memref<!tpu.dma_semaphore, #tpu.memory_space<semaphore_mem>>
    tpu.wait_indirect_dma semaphore(%dma_wait3A_124 : memref<!tpu.dma_semaphore, #tpu.memory_space<semaphore_mem>>) src(%dma_wait3A_116 : memref<125x64xf32, #tpu.memory_space<vmem>>) dst(%dma_wait3A_122 : memref<10000x64xf32, #tpu.memory_space<vmem_shared>>)
    %barrier3A_125 = arith.constant 0 : index
    tpu.barrier barrier_id(%barrier3A_125)
    %lt3A_126 = arith.constant 10 : i32
    %lt3A_127 = arith.cmpi slt, %arg1, %lt3A_126 : i32
    %convert_element_type3A_128 = arith.extui %lt3A_127 : i1 to i32
    %cond3A_129 = arith.constant 0 : i32
    %cond3A_130 = arith.cmpi ne, %convert_element_type3A_128, %cond3A_129 : i32
    scf.if %cond3A_130 {
      %mul3A_131 = arith.constant 1000 : i32
      %mul3A_132 = arith.muli %arg1, %mul3A_131 : i32
      %mul3A_133 = arith.constant 1000 : i32
      %mul3A_134 = arith.muli %arg1, %mul3A_133 : i32
      "tpu.region"() ({
        %run_scoped3A = tpu.sem_alloc : memref<!tpu.dma_semaphore, #tpu.memory_space<semaphore_mem>>
        %dma_start3A_135 = arith.constant 0 : i32
        %dma_start3A_136 = tpu.memref_slice %arg6[%arg0, %mul3A_134, %dma_start3A_135] : memref<2x10000x64xf32, #tpu.memory_space<hbm>> -> memref<1x1000x64xf32, #tpu.memory_space<hbm>>
        %dma_start3A_137 = tpu.memref_squeeze %dma_start3A_136 : memref<1x1000x64xf32, #tpu.memory_space<hbm>> -> memref<1000x64xf32, #tpu.memory_space<hbm>>
        %dma_start3A_138 = arith.constant 0 : i32
        %dma_start3A_139 = tpu.memref_slice %arg12[%mul3A_132, %dma_start3A_138] : memref<10000x64xf32, #tpu.memory_space<vmem_shared>> -> memref<1000x64xf32, #tpu.memory_space<vmem_shared>>
        tpu.enqueue_dma source(%dma_start3A_139 : memref<1000x64xf32, #tpu.memory_space<vmem_shared>>) target(%dma_start3A_137 : memref<1000x64xf32, #tpu.memory_space<hbm>>) target_semaphore(%run_scoped3A : memref<!tpu.dma_semaphore, #tpu.memory_space<semaphore_mem>>)
        %dma_wait3A_140 = arith.constant 0 : i32
        %dma_wait3A_141 = tpu.memref_slice %arg6[%arg0, %mul3A_134, %dma_wait3A_140] : memref<2x10000x64xf32, #tpu.memory_space<hbm>> -> memref<1x1000x64xf32, #tpu.memory_space<hbm>>
        %dma_wait3A_142 = tpu.memref_squeeze %dma_wait3A_141 : memref<1x1000x64xf32, #tpu.memory_space<hbm>> -> memref<1000x64xf32, #tpu.memory_space<hbm>>
        %dma_wait3A_143 = arith.constant 0 : i32
        %dma_wait3A_144 = tpu.memref_slice %arg12[%mul3A_132, %dma_wait3A_143] : memref<10000x64xf32, #tpu.memory_space<vmem_shared>> -> memref<1000x64xf32, #tpu.memory_space<vmem_shared>>
        tpu.wait_dma2 semaphore(%run_scoped3A : memref<!tpu.dma_semaphore, #tpu.memory_space<semaphore_mem>>) src(%dma_wait3A_144 : memref<1000x64xf32, #tpu.memory_space<vmem_shared>>) dst(%dma_wait3A_142 : memref<1000x64xf32, #tpu.memory_space<hbm>>)
        tpu.yield
      }) : () -> ()
    } else {
    }
    return
  }
}

#map = affine_map<(d0, d1) -> (0, 0)>
#map1 = affine_map<(d0, d1) -> (0, 0, 0)>
module attributes {stable_mosaic.version = 14 : i64} {
  func.func @_sc_scatter_body(%arg0: i32, %arg1: i32, %arg2: memref<10000x64xf32, #tpu.memory_space<hbm>>, %arg3: memref<32x80x125xi32, #tpu.memory_space<hbm>>, %arg4: memref<32x80x125xi32, #tpu.memory_space<hbm>>, %arg5: memref<1000x64xf32, #tpu.memory_space<hbm>>, %arg6: memref<2x10000x64xf32, #tpu.memory_space<hbm>>, %arg7: memref<80x125xi32, #tpu.memory_space<vmem>>, %arg8: memref<80x125xi32, #tpu.memory_space<vmem>>, %arg9: memref<4x125x64xf32, #tpu.memory_space<vmem>>, %arg10: memref<4x!tpu.dma_semaphore, #tpu.memory_space<semaphore_mem>>, %arg11: memref<4x!tpu.dma_semaphore, #tpu.memory_space<semaphore_mem>>, %arg12: memref<10000x64xf32, #tpu.memory_space<vmem_shared>>) attributes {dimension_semantics = [#tpu.dimension_semantics<core_parallel>, #tpu.dimension_semantics<subcore_parallel>], iteration_bounds = array<i64: 2, 16>, scalar_prefetch = 0 : i64, scratch_operands = 6 : i64, tpu.core_type = #tpu.core_type<sc_vector_subcore>, window_params = [{transform_indices = #map}, {transform_indices = #map1}, {transform_indices = #map1}, {transform_indices = #map}, {transform_indices = #map1}]} {
    %mul3A = arith.constant 16 : i32
    %mul3A_0 = arith.muli %arg0, %mul3A : i32
    %add3A = arith.addi %mul3A_0, %arg1 : i32
    "tpu.region"() ({
      %run_scoped3A = tpu.sem_alloc : memref<!tpu.dma_semaphore, #tpu.memory_space<semaphore_mem>>
      %dma_start3A_131 = arith.constant 0 : i32
      %dma_start3A_132 = arith.constant 0 : i32
      %dma_start3A_133 = tpu.memref_slice %arg3[%add3A, %dma_start3A_131, %dma_start3A_132] : memref<32x80x125xi32, #tpu.memory_space<hbm>> -> memref<1x80x125xi32, #tpu.memory_space<hbm>>
      %dma_start3A_134 = tpu.memref_squeeze %dma_start3A_133 : memref<1x80x125xi32, #tpu.memory_space<hbm>> -> memref<80x125xi32, #tpu.memory_space<hbm>>
      %dma_start3A_135 = arith.constant 0 : i32
      %dma_start3A_136 = arith.constant 0 : i32
      %dma_start3A_137 = tpu.memref_slice %arg3[%add3A, %dma_start3A_135, %dma_start3A_136] : memref<32x80x125xi32, #tpu.memory_space<hbm>> -> memref<1x80x125xi32, #tpu.memory_space<hbm>>
      %dma_start3A_138 = tpu.memref_squeeze %dma_start3A_137 : memref<1x80x125xi32, #tpu.memory_space<hbm>> -> memref<80x125xi32, #tpu.memory_space<hbm>>
      tpu.enqueue_dma source(%dma_start3A_138 : memref<80x125xi32, #tpu.memory_space<hbm>>) target(%arg7 : memref<80x125xi32, #tpu.memory_space<vmem>>) target_semaphore(%run_scoped3A : memref<!tpu.dma_semaphore, #tpu.memory_space<semaphore_mem>>)
      %dma_wait3A_139 = arith.constant 0 : i32
      %dma_wait3A_140 = arith.constant 0 : i32
      %dma_wait3A_141 = tpu.memref_slice %arg3[%add3A, %dma_wait3A_139, %dma_wait3A_140] : memref<32x80x125xi32, #tpu.memory_space<hbm>> -> memref<1x80x125xi32, #tpu.memory_space<hbm>>
      %dma_wait3A_142 = tpu.memref_squeeze %dma_wait3A_141 : memref<1x80x125xi32, #tpu.memory_space<hbm>> -> memref<80x125xi32, #tpu.memory_space<hbm>>
      %dma_wait3A_143 = arith.constant 0 : i32
      %dma_wait3A_144 = arith.constant 0 : i32
      %dma_wait3A_145 = tpu.memref_slice %arg3[%add3A, %dma_wait3A_143, %dma_wait3A_144] : memref<32x80x125xi32, #tpu.memory_space<hbm>> -> memref<1x80x125xi32, #tpu.memory_space<hbm>>
      %dma_wait3A_146 = tpu.memref_squeeze %dma_wait3A_145 : memref<1x80x125xi32, #tpu.memory_space<hbm>> -> memref<80x125xi32, #tpu.memory_space<hbm>>
      tpu.wait_dma2 semaphore(%run_scoped3A : memref<!tpu.dma_semaphore, #tpu.memory_space<semaphore_mem>>) src(%dma_wait3A_146 : memref<80x125xi32, #tpu.memory_space<hbm>>) dst(%arg7 : memref<80x125xi32, #tpu.memory_space<vmem>>)
      tpu.yield
    }) : () -> ()
    "tpu.region"() ({
      %run_scoped3A = tpu.sem_alloc : memref<!tpu.dma_semaphore, #tpu.memory_space<semaphore_mem>>
      %dma_start3A_131 = arith.constant 0 : i32
      %dma_start3A_132 = arith.constant 0 : i32
      %dma_start3A_133 = tpu.memref_slice %arg4[%add3A, %dma_start3A_131, %dma_start3A_132] : memref<32x80x125xi32, #tpu.memory_space<hbm>> -> memref<1x80x125xi32, #tpu.memory_space<hbm>>
      %dma_start3A_134 = tpu.memref_squeeze %dma_start3A_133 : memref<1x80x125xi32, #tpu.memory_space<hbm>> -> memref<80x125xi32, #tpu.memory_space<hbm>>
      %dma_start3A_135 = arith.constant 0 : i32
      %dma_start3A_136 = arith.constant 0 : i32
      %dma_start3A_137 = tpu.memref_slice %arg4[%add3A, %dma_start3A_135, %dma_start3A_136] : memref<32x80x125xi32, #tpu.memory_space<hbm>> -> memref<1x80x125xi32, #tpu.memory_space<hbm>>
      %dma_start3A_138 = tpu.memref_squeeze %dma_start3A_137 : memref<1x80x125xi32, #tpu.memory_space<hbm>> -> memref<80x125xi32, #tpu.memory_space<hbm>>
      tpu.enqueue_dma source(%dma_start3A_138 : memref<80x125xi32, #tpu.memory_space<hbm>>) target(%arg8 : memref<80x125xi32, #tpu.memory_space<vmem>>) target_semaphore(%run_scoped3A : memref<!tpu.dma_semaphore, #tpu.memory_space<semaphore_mem>>)
      %dma_wait3A_139 = arith.constant 0 : i32
      %dma_wait3A_140 = arith.constant 0 : i32
      %dma_wait3A_141 = tpu.memref_slice %arg4[%add3A, %dma_wait3A_139, %dma_wait3A_140] : memref<32x80x125xi32, #tpu.memory_space<hbm>> -> memref<1x80x125xi32, #tpu.memory_space<hbm>>
      %dma_wait3A_142 = tpu.memref_squeeze %dma_wait3A_141 : memref<1x80x125xi32, #tpu.memory_space<hbm>> -> memref<80x125xi32, #tpu.memory_space<hbm>>
      %dma_wait3A_143 = arith.constant 0 : i32
      %dma_wait3A_144 = arith.constant 0 : i32
      %dma_wait3A_145 = tpu.memref_slice %arg4[%add3A, %dma_wait3A_143, %dma_wait3A_144] : memref<32x80x125xi32, #tpu.memory_space<hbm>> -> memref<1x80x125xi32, #tpu.memory_space<hbm>>
      %dma_wait3A_146 = tpu.memref_squeeze %dma_wait3A_145 : memref<1x80x125xi32, #tpu.memory_space<hbm>> -> memref<80x125xi32, #tpu.memory_space<hbm>>
      tpu.wait_dma2 semaphore(%run_scoped3A : memref<!tpu.dma_semaphore, #tpu.memory_space<semaphore_mem>>) src(%dma_wait3A_146 : memref<80x125xi32, #tpu.memory_space<hbm>>) dst(%arg8 : memref<80x125xi32, #tpu.memory_space<vmem>>)
      tpu.yield
    }) : () -> ()
    %lt3A = arith.constant 10 : i32
    %lt3A_1 = arith.cmpi slt, %arg1, %lt3A : i32
    %convert_element_type3A = arith.extui %lt3A_1 : i1 to i32
    %cond3A = arith.constant 0 : i32
    %cond3A_2 = arith.cmpi ne, %convert_element_type3A, %cond3A : i32
    scf.if %cond3A_2 {
      %mul3A_131 = arith.constant 1000 : i32
      %mul3A_132 = arith.muli %arg1, %mul3A_131 : i32
      "tpu.region"() ({
        %run_scoped3A = tpu.sem_alloc : memref<!tpu.dma_semaphore, #tpu.memory_space<semaphore_mem>>
        %dma_start3A_133 = arith.constant 0 : i32
        %dma_start3A_134 = tpu.memref_slice %arg12[%mul3A_132, %dma_start3A_133] : memref<10000x64xf32, #tpu.memory_space<vmem_shared>> -> memref<1000x64xf32, #tpu.memory_space<vmem_shared>>
        tpu.enqueue_dma source(%arg5 : memref<1000x64xf32, #tpu.memory_space<hbm>>) target(%dma_start3A_134 : memref<1000x64xf32, #tpu.memory_space<vmem_shared>>) target_semaphore(%run_scoped3A : memref<!tpu.dma_semaphore, #tpu.memory_space<semaphore_mem>>)
        %dma_wait3A_135 = arith.constant 0 : i32
        %dma_wait3A_136 = tpu.memref_slice %arg12[%mul3A_132, %dma_wait3A_135] : memref<10000x64xf32, #tpu.memory_space<vmem_shared>> -> memref<1000x64xf32, #tpu.memory_space<vmem_shared>>
        tpu.wait_dma2 semaphore(%run_scoped3A : memref<!tpu.dma_semaphore, #tpu.memory_space<semaphore_mem>>) src(%arg5 : memref<1000x64xf32, #tpu.memory_space<hbm>>) dst(%dma_wait3A_136 : memref<1000x64xf32, #tpu.memory_space<vmem_shared>>)
        tpu.yield
      }) : () -> ()
    } else {
    }
    %barrier3A = arith.constant 0 : index
    tpu.barrier barrier_id(%barrier3A)
    %dma_start3A = arith.constant 0 : i32
    %dma_start3A_3 = arith.constant 0 : i32
    %dma_start3A_4 = arith.constant 0 : i32
    %dma_start3A_5 = arith.constant 0 : i32
    %dma_start3A_6 = arith.constant 0 : i32
    %dma_start3A_7 = tpu.memref_slice %arg9[%dma_start3A_3, %dma_start3A_5, %dma_start3A_6] : memref<4x125x64xf32, #tpu.memory_space<vmem>> -> memref<1x125x64xf32, #tpu.memory_space<vmem>>
    %dma_start3A_8 = tpu.memref_squeeze %dma_start3A_7 : memref<1x125x64xf32, #tpu.memory_space<vmem>> -> memref<125x64xf32, #tpu.memory_space<vmem>>
    %dma_start3A_9 = arith.constant 0 : i32
    %dma_start3A_10 = tpu.memref_slice %arg7[%dma_start3A, %dma_start3A_9] : memref<80x125xi32, #tpu.memory_space<vmem>> -> memref<1x125xi32, #tpu.memory_space<vmem>>
    %dma_start3A_11 = tpu.memref_squeeze %dma_start3A_10 : memref<1x125xi32, #tpu.memory_space<vmem>> -> memref<125xi32, #tpu.memory_space<vmem>>
    %dma_start3A_12 = arith.constant 0 : i32
    %dma_start3A_13 = arith.constant 0 : i32
    %dma_start3A_14 = tpu.memref_slice %arg2[%dma_start3A_12, %dma_start3A_13] : memref<10000x64xf32, #tpu.memory_space<hbm>> -> memref<10000x64xf32, #tpu.memory_space<hbm>>
    %dma_start3A_15 = tpu.memref_slice %arg10[%dma_start3A_4] : memref<4x!tpu.dma_semaphore, #tpu.memory_space<semaphore_mem>> -> memref<1x!tpu.dma_semaphore, #tpu.memory_space<semaphore_mem>>
    %dma_start3A_16 = tpu.memref_squeeze %dma_start3A_15 : memref<1x!tpu.dma_semaphore, #tpu.memory_space<semaphore_mem>> -> memref<!tpu.dma_semaphore, #tpu.memory_space<semaphore_mem>>
    tpu.enqueue_indirect_dma source(%dma_start3A_14 : memref<10000x64xf32, #tpu.memory_space<hbm>>) target(%dma_start3A_8 : memref<125x64xf32, #tpu.memory_space<vmem>>) offsets(%dma_start3A_11 : memref<125xi32, #tpu.memory_space<vmem>>) semaphore(%dma_start3A_16 : memref<!tpu.dma_semaphore, #tpu.memory_space<semaphore_mem>>)
    %dma_start3A_17 = arith.constant 1 : i32
    %dma_start3A_18 = arith.constant 1 : i32
    %dma_start3A_19 = arith.constant 1 : i32
    %dma_start3A_20 = arith.constant 0 : i32
    %dma_start3A_21 = arith.constant 0 : i32
    %dma_start3A_22 = tpu.memref_slice %arg9[%dma_start3A_18, %dma_start3A_20, %dma_start3A_21] : memref<4x125x64xf32, #tpu.memory_space<vmem>> -> memref<1x125x64xf32, #tpu.memory_space<vmem>>
    %dma_start3A_23 = tpu.memref_squeeze %dma_start3A_22 : memref<1x125x64xf32, #tpu.memory_space<vmem>> -> memref<125x64xf32, #tpu.memory_space<vmem>>
    %dma_start3A_24 = arith.constant 0 : i32
    %dma_start3A_25 = tpu.memref_slice %arg7[%dma_start3A_17, %dma_start3A_24] : memref<80x125xi32, #tpu.memory_space<vmem>> -> memref<1x125xi32, #tpu.memory_space<vmem>>
    %dma_start3A_26 = tpu.memref_squeeze %dma_start3A_25 : memref<1x125xi32, #tpu.memory_space<vmem>> -> memref<125xi32, #tpu.memory_space<vmem>>
    %dma_start3A_27 = arith.constant 0 : i32
    %dma_start3A_28 = arith.constant 0 : i32
    %dma_start3A_29 = tpu.memref_slice %arg2[%dma_start3A_27, %dma_start3A_28] : memref<10000x64xf32, #tpu.memory_space<hbm>> -> memref<10000x64xf32, #tpu.memory_space<hbm>>
    %dma_start3A_30 = tpu.memref_slice %arg10[%dma_start3A_19] : memref<4x!tpu.dma_semaphore, #tpu.memory_space<semaphore_mem>> -> memref<1x!tpu.dma_semaphore, #tpu.memory_space<semaphore_mem>>
    %dma_start3A_31 = tpu.memref_squeeze %dma_start3A_30 : memref<1x!tpu.dma_semaphore, #tpu.memory_space<semaphore_mem>> -> memref<!tpu.dma_semaphore, #tpu.memory_space<semaphore_mem>>
    tpu.enqueue_indirect_dma source(%dma_start3A_29 : memref<10000x64xf32, #tpu.memory_space<hbm>>) target(%dma_start3A_23 : memref<125x64xf32, #tpu.memory_space<vmem>>) offsets(%dma_start3A_26 : memref<125xi32, #tpu.memory_space<vmem>>) semaphore(%dma_start3A_31 : memref<!tpu.dma_semaphore, #tpu.memory_space<semaphore_mem>>)
    %dma_start3A_32 = arith.constant 2 : i32
    %dma_start3A_33 = arith.constant 2 : i32
    %dma_start3A_34 = arith.constant 2 : i32
    %dma_start3A_35 = arith.constant 0 : i32
    %dma_start3A_36 = arith.constant 0 : i32
    %dma_start3A_37 = tpu.memref_slice %arg9[%dma_start3A_33, %dma_start3A_35, %dma_start3A_36] : memref<4x125x64xf32, #tpu.memory_space<vmem>> -> memref<1x125x64xf32, #tpu.memory_space<vmem>>
    %dma_start3A_38 = tpu.memref_squeeze %dma_start3A_37 : memref<1x125x64xf32, #tpu.memory_space<vmem>> -> memref<125x64xf32, #tpu.memory_space<vmem>>
    %dma_start3A_39 = arith.constant 0 : i32
    %dma_start3A_40 = tpu.memref_slice %arg7[%dma_start3A_32, %dma_start3A_39] : memref<80x125xi32, #tpu.memory_space<vmem>> -> memref<1x125xi32, #tpu.memory_space<vmem>>
    %dma_start3A_41 = tpu.memref_squeeze %dma_start3A_40 : memref<1x125xi32, #tpu.memory_space<vmem>> -> memref<125xi32, #tpu.memory_space<vmem>>
    %dma_start3A_42 = arith.constant 0 : i32
    %dma_start3A_43 = arith.constant 0 : i32
    %dma_start3A_44 = tpu.memref_slice %arg2[%dma_start3A_42, %dma_start3A_43] : memref<10000x64xf32, #tpu.memory_space<hbm>> -> memref<10000x64xf32, #tpu.memory_space<hbm>>
    %dma_start3A_45 = tpu.memref_slice %arg10[%dma_start3A_34] : memref<4x!tpu.dma_semaphore, #tpu.memory_space<semaphore_mem>> -> memref<1x!tpu.dma_semaphore, #tpu.memory_space<semaphore_mem>>
    %dma_start3A_46 = tpu.memref_squeeze %dma_start3A_45 : memref<1x!tpu.dma_semaphore, #tpu.memory_space<semaphore_mem>> -> memref<!tpu.dma_semaphore, #tpu.memory_space<semaphore_mem>>
    tpu.enqueue_indirect_dma source(%dma_start3A_44 : memref<10000x64xf32, #tpu.memory_space<hbm>>) target(%dma_start3A_38 : memref<125x64xf32, #tpu.memory_space<vmem>>) offsets(%dma_start3A_41 : memref<125xi32, #tpu.memory_space<vmem>>) semaphore(%dma_start3A_46 : memref<!tpu.dma_semaphore, #tpu.memory_space<semaphore_mem>>)
    %dma_start3A_47 = arith.constant 3 : i32
    %dma_start3A_48 = arith.constant 3 : i32
    %dma_start3A_49 = arith.constant 3 : i32
    %dma_start3A_50 = arith.constant 0 : i32
    %dma_start3A_51 = arith.constant 0 : i32
    %dma_start3A_52 = tpu.memref_slice %arg9[%dma_start3A_48, %dma_start3A_50, %dma_start3A_51] : memref<4x125x64xf32, #tpu.memory_space<vmem>> -> memref<1x125x64xf32, #tpu.memory_space<vmem>>
    %dma_start3A_53 = tpu.memref_squeeze %dma_start3A_52 : memref<1x125x64xf32, #tpu.memory_space<vmem>> -> memref<125x64xf32, #tpu.memory_space<vmem>>
    %dma_start3A_54 = arith.constant 0 : i32
    %dma_start3A_55 = tpu.memref_slice %arg7[%dma_start3A_47, %dma_start3A_54] : memref<80x125xi32, #tpu.memory_space<vmem>> -> memref<1x125xi32, #tpu.memory_space<vmem>>
    %dma_start3A_56 = tpu.memref_squeeze %dma_start3A_55 : memref<1x125xi32, #tpu.memory_space<vmem>> -> memref<125xi32, #tpu.memory_space<vmem>>
    %dma_start3A_57 = arith.constant 0 : i32
    %dma_start3A_58 = arith.constant 0 : i32
    %dma_start3A_59 = tpu.memref_slice %arg2[%dma_start3A_57, %dma_start3A_58] : memref<10000x64xf32, #tpu.memory_space<hbm>> -> memref<10000x64xf32, #tpu.memory_space<hbm>>
    %dma_start3A_60 = tpu.memref_slice %arg10[%dma_start3A_49] : memref<4x!tpu.dma_semaphore, #tpu.memory_space<semaphore_mem>> -> memref<1x!tpu.dma_semaphore, #tpu.memory_space<semaphore_mem>>
    %dma_start3A_61 = tpu.memref_squeeze %dma_start3A_60 : memref<1x!tpu.dma_semaphore, #tpu.memory_space<semaphore_mem>> -> memref<!tpu.dma_semaphore, #tpu.memory_space<semaphore_mem>>
    tpu.enqueue_indirect_dma source(%dma_start3A_59 : memref<10000x64xf32, #tpu.memory_space<hbm>>) target(%dma_start3A_53 : memref<125x64xf32, #tpu.memory_space<vmem>>) offsets(%dma_start3A_56 : memref<125xi32, #tpu.memory_space<vmem>>) semaphore(%dma_start3A_61 : memref<!tpu.dma_semaphore, #tpu.memory_space<semaphore_mem>>)
    %scan3A = arith.constant 0 : i32
    %scan3A_62 = arith.constant 80 : i32
    %scan3A_63 = arith.addi %scan3A, %scan3A_62 : i32
    %scan3A_64 = arith.constant 1 : i32
    scf.for %scan3A_131 = %scan3A to %scan3A_63 step %scan3A_64  : i32 {
      %rem3A = arith.constant 4 : i32
      %rem3A_132 = arith.remsi %scan3A_131, %rem3A : i32
      %dma_wait3A_133 = arith.constant 0 : i32
      %dma_wait3A_134 = arith.constant 0 : i32
      %dma_wait3A_135 = tpu.memref_slice %arg9[%rem3A_132, %dma_wait3A_133, %dma_wait3A_134] : memref<4x125x64xf32, #tpu.memory_space<vmem>> -> memref<1x125x64xf32, #tpu.memory_space<vmem>>
      %dma_wait3A_136 = tpu.memref_squeeze %dma_wait3A_135 : memref<1x125x64xf32, #tpu.memory_space<vmem>> -> memref<125x64xf32, #tpu.memory_space<vmem>>
      %dma_wait3A_137 = arith.constant 0 : i32
      %dma_wait3A_138 = tpu.memref_slice %arg7[%scan3A_131, %dma_wait3A_137] : memref<80x125xi32, #tpu.memory_space<vmem>> -> memref<1x125xi32, #tpu.memory_space<vmem>>
      %dma_wait3A_139 = tpu.memref_squeeze %dma_wait3A_138 : memref<1x125xi32, #tpu.memory_space<vmem>> -> memref<125xi32, #tpu.memory_space<vmem>>
      %dma_wait3A_140 = arith.constant 0 : i32
      %dma_wait3A_141 = arith.constant 0 : i32
      %dma_wait3A_142 = tpu.memref_slice %arg2[%dma_wait3A_140, %dma_wait3A_141] : memref<10000x64xf32, #tpu.memory_space<hbm>> -> memref<10000x64xf32, #tpu.memory_space<hbm>>
      %dma_wait3A_143 = tpu.memref_slice %arg10[%rem3A_132] : memref<4x!tpu.dma_semaphore, #tpu.memory_space<semaphore_mem>> -> memref<1x!tpu.dma_semaphore, #tpu.memory_space<semaphore_mem>>
      %dma_wait3A_144 = tpu.memref_squeeze %dma_wait3A_143 : memref<1x!tpu.dma_semaphore, #tpu.memory_space<semaphore_mem>> -> memref<!tpu.dma_semaphore, #tpu.memory_space<semaphore_mem>>
      tpu.wait_indirect_dma semaphore(%dma_wait3A_144 : memref<!tpu.dma_semaphore, #tpu.memory_space<semaphore_mem>>) src(%dma_wait3A_142 : memref<10000x64xf32, #tpu.memory_space<hbm>>) dst(%dma_wait3A_136 : memref<125x64xf32, #tpu.memory_space<vmem>>)
      %dma_start3A_145 = arith.constant 0 : i32
      %dma_start3A_146 = arith.constant 0 : i32
      %dma_start3A_147 = tpu.memref_slice %arg9[%rem3A_132, %dma_start3A_145, %dma_start3A_146] : memref<4x125x64xf32, #tpu.memory_space<vmem>> -> memref<1x125x64xf32, #tpu.memory_space<vmem>>
      %dma_start3A_148 = tpu.memref_squeeze %dma_start3A_147 : memref<1x125x64xf32, #tpu.memory_space<vmem>> -> memref<125x64xf32, #tpu.memory_space<vmem>>
      %dma_start3A_149 = arith.constant 0 : i32
      %dma_start3A_150 = tpu.memref_slice %arg8[%scan3A_131, %dma_start3A_149] : memref<80x125xi32, #tpu.memory_space<vmem>> -> memref<1x125xi32, #tpu.memory_space<vmem>>
      %dma_start3A_151 = tpu.memref_squeeze %dma_start3A_150 : memref<1x125xi32, #tpu.memory_space<vmem>> -> memref<125xi32, #tpu.memory_space<vmem>>
      %dma_start3A_152 = arith.constant 0 : i32
      %dma_start3A_153 = arith.constant 0 : i32
      %dma_start3A_154 = tpu.memref_slice %arg12[%dma_start3A_152, %dma_start3A_153] : memref<10000x64xf32, #tpu.memory_space<vmem_shared>> -> memref<10000x64xf32, #tpu.memory_space<vmem_shared>>
      %dma_start3A_155 = tpu.memref_slice %arg11[%rem3A_132] : memref<4x!tpu.dma_semaphore, #tpu.memory_space<semaphore_mem>> -> memref<1x!tpu.dma_semaphore, #tpu.memory_space<semaphore_mem>>
      %dma_start3A_156 = tpu.memref_squeeze %dma_start3A_155 : memref<1x!tpu.dma_semaphore, #tpu.memory_space<semaphore_mem>> -> memref<!tpu.dma_semaphore, #tpu.memory_space<semaphore_mem>>
      tpu.enqueue_indirect_dma source(%dma_start3A_148 : memref<125x64xf32, #tpu.memory_space<vmem>>) target(%dma_start3A_154 : memref<10000x64xf32, #tpu.memory_space<vmem_shared>>) offsets(%dma_start3A_151 : memref<125xi32, #tpu.memory_space<vmem>>) semaphore(%dma_start3A_156 : memref<!tpu.dma_semaphore, #tpu.memory_space<semaphore_mem>>) {add = true}
      %add3A_157 = arith.constant 4 : i32
      %add3A_158 = arith.addi %scan3A_131, %add3A_157 : i32
      %lt3A_159 = arith.constant 80 : i32
      %lt3A_160 = arith.cmpi slt, %add3A_158, %lt3A_159 : i32
      %convert_element_type3A_161 = arith.extui %lt3A_160 : i1 to i32
      %cond3A_162 = arith.constant 0 : i32
      %cond3A_163 = arith.cmpi ne, %convert_element_type3A_161, %cond3A_162 : i32
      scf.if %cond3A_163 {
        %dma_wait3A_164 = arith.constant 0 : i32
        %dma_wait3A_165 = arith.constant 0 : i32
        %dma_wait3A_166 = tpu.memref_slice %arg9[%rem3A_132, %dma_wait3A_164, %dma_wait3A_165] : memref<4x125x64xf32, #tpu.memory_space<vmem>> -> memref<1x125x64xf32, #tpu.memory_space<vmem>>
        %dma_wait3A_167 = tpu.memref_squeeze %dma_wait3A_166 : memref<1x125x64xf32, #tpu.memory_space<vmem>> -> memref<125x64xf32, #tpu.memory_space<vmem>>
        %dma_wait3A_168 = arith.constant 0 : i32
        %dma_wait3A_169 = tpu.memref_slice %arg8[%scan3A_131, %dma_wait3A_168] : memref<80x125xi32, #tpu.memory_space<vmem>> -> memref<1x125xi32, #tpu.memory_space<vmem>>
        %dma_wait3A_170 = tpu.memref_squeeze %dma_wait3A_169 : memref<1x125xi32, #tpu.memory_space<vmem>> -> memref<125xi32, #tpu.memory_space<vmem>>
        %dma_wait3A_171 = arith.constant 0 : i32
        %dma_wait3A_172 = arith.constant 0 : i32
        %dma_wait3A_173 = tpu.memref_slice %arg12[%dma_wait3A_171, %dma_wait3A_172] : memref<10000x64xf32, #tpu.memory_space<vmem_shared>> -> memref<10000x64xf32, #tpu.memory_space<vmem_shared>>
        %dma_wait3A_174 = tpu.memref_slice %arg11[%rem3A_132] : memref<4x!tpu.dma_semaphore, #tpu.memory_space<semaphore_mem>> -> memref<1x!tpu.dma_semaphore, #tpu.memory_space<semaphore_mem>>
        %dma_wait3A_175 = tpu.memref_squeeze %dma_wait3A_174 : memref<1x!tpu.dma_semaphore, #tpu.memory_space<semaphore_mem>> -> memref<!tpu.dma_semaphore, #tpu.memory_space<semaphore_mem>>
        tpu.wait_indirect_dma semaphore(%dma_wait3A_175 : memref<!tpu.dma_semaphore, #tpu.memory_space<semaphore_mem>>) src(%dma_wait3A_167 : memref<125x64xf32, #tpu.memory_space<vmem>>) dst(%dma_wait3A_173 : memref<10000x64xf32, #tpu.memory_space<vmem_shared>>)
        %add3A_176 = arith.constant 4 : i32
        %add3A_177 = arith.addi %scan3A_131, %add3A_176 : i32
        %dma_start3A_178 = arith.constant 0 : i32
        %dma_start3A_179 = arith.constant 0 : i32
        %dma_start3A_180 = tpu.memref_slice %arg9[%rem3A_132, %dma_start3A_178, %dma_start3A_179] : memref<4x125x64xf32, #tpu.memory_space<vmem>> -> memref<1x125x64xf32, #tpu.memory_space<vmem>>
        %dma_start3A_181 = tpu.memref_squeeze %dma_start3A_180 : memref<1x125x64xf32, #tpu.memory_space<vmem>> -> memref<125x64xf32, #tpu.memory_space<vmem>>
        %dma_start3A_182 = arith.constant 0 : i32
        %dma_start3A_183 = tpu.memref_slice %arg7[%add3A_177, %dma_start3A_182] : memref<80x125xi32, #tpu.memory_space<vmem>> -> memref<1x125xi32, #tpu.memory_space<vmem>>
        %dma_start3A_184 = tpu.memref_squeeze %dma_start3A_183 : memref<1x125xi32, #tpu.memory_space<vmem>> -> memref<125xi32, #tpu.memory_space<vmem>>
        %dma_start3A_185 = arith.constant 0 : i32
        %dma_start3A_186 = arith.constant 0 : i32
        %dma_start3A_187 = tpu.memref_slice %arg2[%dma_start3A_185, %dma_start3A_186] : memref<10000x64xf32, #tpu.memory_space<hbm>> -> memref<10000x64xf32, #tpu.memory_space<hbm>>
        %dma_start3A_188 = tpu.memref_slice %arg10[%rem3A_132] : memref<4x!tpu.dma_semaphore, #tpu.memory_space<semaphore_mem>> -> memref<1x!tpu.dma_semaphore, #tpu.memory_space<semaphore_mem>>
        %dma_start3A_189 = tpu.memref_squeeze %dma_start3A_188 : memref<1x!tpu.dma_semaphore, #tpu.memory_space<semaphore_mem>> -> memref<!tpu.dma_semaphore, #tpu.memory_space<semaphore_mem>>
        tpu.enqueue_indirect_dma source(%dma_start3A_187 : memref<10000x64xf32, #tpu.memory_space<hbm>>) target(%dma_start3A_181 : memref<125x64xf32, #tpu.memory_space<vmem>>) offsets(%dma_start3A_184 : memref<125xi32, #tpu.memory_space<vmem>>) semaphore(%dma_start3A_189 : memref<!tpu.dma_semaphore, #tpu.memory_space<semaphore_mem>>)
      } else {
      }
    }
    %scan3A_65 = arith.constant 80 : i32
    %dma_wait3A = arith.constant 0 : i32
    %dma_wait3A_66 = arith.constant 76 : i32
    %dma_wait3A_67 = arith.constant 0 : i32
    %dma_wait3A_68 = arith.constant 0 : i32
    %dma_wait3A_69 = arith.constant 0 : i32
    %dma_wait3A_70 = tpu.memref_slice %arg9[%dma_wait3A, %dma_wait3A_68, %dma_wait3A_69] : memref<4x125x64xf32, #tpu.memory_space<vmem>> -> memref<1x125x64xf32, #tpu.memory_space<vmem>>
    %dma_wait3A_71 = tpu.memref_squeeze %dma_wait3A_70 : memref<1x125x64xf32, #tpu.memory_space<vmem>> -> memref<125x64xf32, #tpu.memory_space<vmem>>
    %dma_wait3A_72 = arith.constant 0 : i32
    %dma_wait3A_73 = tpu.memref_slice %arg8[%dma_wait3A_66, %dma_wait3A_72] : memref<80x125xi32, #tpu.memory_space<vmem>> -> memref<1x125xi32, #tpu.memory_space<vmem>>
    %dma_wait3A_74 = tpu.memref_squeeze %dma_wait3A_73 : memref<1x125xi32, #tpu.memory_space<vmem>> -> memref<125xi32, #tpu.memory_space<vmem>>
    %dma_wait3A_75 = arith.constant 0 : i32
    %dma_wait3A_76 = arith.constant 0 : i32
    %dma_wait3A_77 = tpu.memref_slice %arg12[%dma_wait3A_75, %dma_wait3A_76] : memref<10000x64xf32, #tpu.memory_space<vmem_shared>> -> memref<10000x64xf32, #tpu.memory_space<vmem_shared>>
    %dma_wait3A_78 = tpu.memref_slice %arg11[%dma_wait3A_67] : memref<4x!tpu.dma_semaphore, #tpu.memory_space<semaphore_mem>> -> memref<1x!tpu.dma_semaphore, #tpu.memory_space<semaphore_mem>>
    %dma_wait3A_79 = tpu.memref_squeeze %dma_wait3A_78 : memref<1x!tpu.dma_semaphore, #tpu.memory_space<semaphore_mem>> -> memref<!tpu.dma_semaphore, #tpu.memory_space<semaphore_mem>>
    tpu.wait_indirect_dma semaphore(%dma_wait3A_79 : memref<!tpu.dma_semaphore, #tpu.memory_space<semaphore_mem>>) src(%dma_wait3A_71 : memref<125x64xf32, #tpu.memory_space<vmem>>) dst(%dma_wait3A_77 : memref<10000x64xf32, #tpu.memory_space<vmem_shared>>)
    %dma_wait3A_80 = arith.constant 1 : i32
    %dma_wait3A_81 = arith.constant 77 : i32
    %dma_wait3A_82 = arith.constant 1 : i32
    %dma_wait3A_83 = arith.constant 0 : i32
    %dma_wait3A_84 = arith.constant 0 : i32
    %dma_wait3A_85 = tpu.memref_slice %arg9[%dma_wait3A_80, %dma_wait3A_83, %dma_wait3A_84] : memref<4x125x64xf32, #tpu.memory_space<vmem>> -> memref<1x125x64xf32, #tpu.memory_space<vmem>>
    %dma_wait3A_86 = tpu.memref_squeeze %dma_wait3A_85 : memref<1x125x64xf32, #tpu.memory_space<vmem>> -> memref<125x64xf32, #tpu.memory_space<vmem>>
    %dma_wait3A_87 = arith.constant 0 : i32
    %dma_wait3A_88 = tpu.memref_slice %arg8[%dma_wait3A_81, %dma_wait3A_87] : memref<80x125xi32, #tpu.memory_space<vmem>> -> memref<1x125xi32, #tpu.memory_space<vmem>>
    %dma_wait3A_89 = tpu.memref_squeeze %dma_wait3A_88 : memref<1x125xi32, #tpu.memory_space<vmem>> -> memref<125xi32, #tpu.memory_space<vmem>>
    %dma_wait3A_90 = arith.constant 0 : i32
    %dma_wait3A_91 = arith.constant 0 : i32
    %dma_wait3A_92 = tpu.memref_slice %arg12[%dma_wait3A_90, %dma_wait3A_91] : memref<10000x64xf32, #tpu.memory_space<vmem_shared>> -> memref<10000x64xf32, #tpu.memory_space<vmem_shared>>
    %dma_wait3A_93 = tpu.memref_slice %arg11[%dma_wait3A_82] : memref<4x!tpu.dma_semaphore, #tpu.memory_space<semaphore_mem>> -> memref<1x!tpu.dma_semaphore, #tpu.memory_space<semaphore_mem>>
    %dma_wait3A_94 = tpu.memref_squeeze %dma_wait3A_93 : memref<1x!tpu.dma_semaphore, #tpu.memory_space<semaphore_mem>> -> memref<!tpu.dma_semaphore, #tpu.memory_space<semaphore_mem>>
    tpu.wait_indirect_dma semaphore(%dma_wait3A_94 : memref<!tpu.dma_semaphore, #tpu.memory_space<semaphore_mem>>) src(%dma_wait3A_86 : memref<125x64xf32, #tpu.memory_space<vmem>>) dst(%dma_wait3A_92 : memref<10000x64xf32, #tpu.memory_space<vmem_shared>>)
    %dma_wait3A_95 = arith.constant 2 : i32
    %dma_wait3A_96 = arith.constant 78 : i32
    %dma_wait3A_97 = arith.constant 2 : i32
    %dma_wait3A_98 = arith.constant 0 : i32
    %dma_wait3A_99 = arith.constant 0 : i32
    %dma_wait3A_100 = tpu.memref_slice %arg9[%dma_wait3A_95, %dma_wait3A_98, %dma_wait3A_99] : memref<4x125x64xf32, #tpu.memory_space<vmem>> -> memref<1x125x64xf32, #tpu.memory_space<vmem>>
    %dma_wait3A_101 = tpu.memref_squeeze %dma_wait3A_100 : memref<1x125x64xf32, #tpu.memory_space<vmem>> -> memref<125x64xf32, #tpu.memory_space<vmem>>
    %dma_wait3A_102 = arith.constant 0 : i32
    %dma_wait3A_103 = tpu.memref_slice %arg8[%dma_wait3A_96, %dma_wait3A_102] : memref<80x125xi32, #tpu.memory_space<vmem>> -> memref<1x125xi32, #tpu.memory_space<vmem>>
    %dma_wait3A_104 = tpu.memref_squeeze %dma_wait3A_103 : memref<1x125xi32, #tpu.memory_space<vmem>> -> memref<125xi32, #tpu.memory_space<vmem>>
    %dma_wait3A_105 = arith.constant 0 : i32
    %dma_wait3A_106 = arith.constant 0 : i32
    %dma_wait3A_107 = tpu.memref_slice %arg12[%dma_wait3A_105, %dma_wait3A_106] : memref<10000x64xf32, #tpu.memory_space<vmem_shared>> -> memref<10000x64xf32, #tpu.memory_space<vmem_shared>>
    %dma_wait3A_108 = tpu.memref_slice %arg11[%dma_wait3A_97] : memref<4x!tpu.dma_semaphore, #tpu.memory_space<semaphore_mem>> -> memref<1x!tpu.dma_semaphore, #tpu.memory_space<semaphore_mem>>
    %dma_wait3A_109 = tpu.memref_squeeze %dma_wait3A_108 : memref<1x!tpu.dma_semaphore, #tpu.memory_space<semaphore_mem>> -> memref<!tpu.dma_semaphore, #tpu.memory_space<semaphore_mem>>
    tpu.wait_indirect_dma semaphore(%dma_wait3A_109 : memref<!tpu.dma_semaphore, #tpu.memory_space<semaphore_mem>>) src(%dma_wait3A_101 : memref<125x64xf32, #tpu.memory_space<vmem>>) dst(%dma_wait3A_107 : memref<10000x64xf32, #tpu.memory_space<vmem_shared>>)
    %dma_wait3A_110 = arith.constant 3 : i32
    %dma_wait3A_111 = arith.constant 79 : i32
    %dma_wait3A_112 = arith.constant 3 : i32
    %dma_wait3A_113 = arith.constant 0 : i32
    %dma_wait3A_114 = arith.constant 0 : i32
    %dma_wait3A_115 = tpu.memref_slice %arg9[%dma_wait3A_110, %dma_wait3A_113, %dma_wait3A_114] : memref<4x125x64xf32, #tpu.memory_space<vmem>> -> memref<1x125x64xf32, #tpu.memory_space<vmem>>
    %dma_wait3A_116 = tpu.memref_squeeze %dma_wait3A_115 : memref<1x125x64xf32, #tpu.memory_space<vmem>> -> memref<125x64xf32, #tpu.memory_space<vmem>>
    %dma_wait3A_117 = arith.constant 0 : i32
    %dma_wait3A_118 = tpu.memref_slice %arg8[%dma_wait3A_111, %dma_wait3A_117] : memref<80x125xi32, #tpu.memory_space<vmem>> -> memref<1x125xi32, #tpu.memory_space<vmem>>
    %dma_wait3A_119 = tpu.memref_squeeze %dma_wait3A_118 : memref<1x125xi32, #tpu.memory_space<vmem>> -> memref<125xi32, #tpu.memory_space<vmem>>
    %dma_wait3A_120 = arith.constant 0 : i32
    %dma_wait3A_121 = arith.constant 0 : i32
    %dma_wait3A_122 = tpu.memref_slice %arg12[%dma_wait3A_120, %dma_wait3A_121] : memref<10000x64xf32, #tpu.memory_space<vmem_shared>> -> memref<10000x64xf32, #tpu.memory_space<vmem_shared>>
    %dma_wait3A_123 = tpu.memref_slice %arg11[%dma_wait3A_112] : memref<4x!tpu.dma_semaphore, #tpu.memory_space<semaphore_mem>> -> memref<1x!tpu.dma_semaphore, #tpu.memory_space<semaphore_mem>>
    %dma_wait3A_124 = tpu.memref_squeeze %dma_wait3A_123 : memref<1x!tpu.dma_semaphore, #tpu.memory_space<semaphore_mem>> -> memref<!tpu.dma_semaphore, #tpu.memory_space<semaphore_mem>>
    tpu.wait_indirect_dma semaphore(%dma_wait3A_124 : memref<!tpu.dma_semaphore, #tpu.memory_space<semaphore_mem>>) src(%dma_wait3A_116 : memref<125x64xf32, #tpu.memory_space<vmem>>) dst(%dma_wait3A_122 : memref<10000x64xf32, #tpu.memory_space<vmem_shared>>)
    %barrier3A_125 = arith.constant 0 : index
    tpu.barrier barrier_id(%barrier3A_125)
    %lt3A_126 = arith.constant 10 : i32
    %lt3A_127 = arith.cmpi slt, %arg1, %lt3A_126 : i32
    %convert_element_type3A_128 = arith.extui %lt3A_127 : i1 to i32
    %cond3A_129 = arith.constant 0 : i32
    %cond3A_130 = arith.cmpi ne, %convert_element_type3A_128, %cond3A_129 : i32
    scf.if %cond3A_130 {
      %mul3A_131 = arith.constant 1000 : i32
      %mul3A_132 = arith.muli %arg1, %mul3A_131 : i32
      %mul3A_133 = arith.constant 1000 : i32
      %mul3A_134 = arith.muli %arg1, %mul3A_133 : i32
      "tpu.region"() ({
        %run_scoped3A = tpu.sem_alloc : memref<!tpu.dma_semaphore, #tpu.memory_space<semaphore_mem>>
        %dma_start3A_135 = arith.constant 0 : i32
        %dma_start3A_136 = tpu.memref_slice %arg6[%arg0, %mul3A_134, %dma_start3A_135] : memref<2x10000x64xf32, #tpu.memory_space<hbm>> -> memref<1x1000x64xf32, #tpu.memory_space<hbm>>
        %dma_start3A_137 = tpu.memref_squeeze %dma_start3A_136 : memref<1x1000x64xf32, #tpu.memory_space<hbm>> -> memref<1000x64xf32, #tpu.memory_space<hbm>>
        %dma_start3A_138 = arith.constant 0 : i32
        %dma_start3A_139 = tpu.memref_slice %arg12[%mul3A_132, %dma_start3A_138] : memref<10000x64xf32, #tpu.memory_space<vmem_shared>> -> memref<1000x64xf32, #tpu.memory_space<vmem_shared>>
        tpu.enqueue_dma source(%dma_start3A_139 : memref<1000x64xf32, #tpu.memory_space<vmem_shared>>) target(%dma_start3A_137 : memref<1000x64xf32, #tpu.memory_space<hbm>>) target_semaphore(%run_scoped3A : memref<!tpu.dma_semaphore, #tpu.memory_space<semaphore_mem>>)
        %dma_wait3A_140 = arith.constant 0 : i32
        %dma_wait3A_141 = tpu.memref_slice %arg6[%arg0, %mul3A_134, %dma_wait3A_140] : memref<2x10000x64xf32, #tpu.memory_space<hbm>> -> memref<1x1000x64xf32, #tpu.memory_space<hbm>>
        %dma_wait3A_142 = tpu.memref_squeeze %dma_wait3A_141 : memref<1x1000x64xf32, #tpu.memory_space<hbm>> -> memref<1000x64xf32, #tpu.memory_space<hbm>>
        %dma_wait3A_143 = arith.constant 0 : i32
        %dma_wait3A_144 = tpu.memref_slice %arg12[%mul3A_132, %dma_wait3A_143] : memref<10000x64xf32, #tpu.memory_space<vmem_shared>> -> memref<1000x64xf32, #tpu.memory_space<vmem_shared>>
        tpu.wait_dma2 semaphore(%run_scoped3A : memref<!tpu.dma_semaphore, #tpu.memory_space<semaphore_mem>>) src(%dma_wait3A_144 : memref<1000x64xf32, #tpu.memory_space<vmem_shared>>) dst(%dma_wait3A_142 : memref<1000x64xf32, #tpu.memory_space<hbm>>)
        tpu.yield
      }) : () -> ()
    } else {
    }
    return
  }
}

#map = affine_map<(d0, d1) -> (0, 0)>
#map1 = affine_map<(d0, d1) -> (0, 0, 0)>
module attributes {stable_mosaic.version = 14 : i64} {
  func.func @_sc_scatter_body(%arg0: i32, %arg1: i32, %arg2: memref<10000x16xf32, #tpu.memory_space<hbm>>, %arg3: memref<32x80x125xi32, #tpu.memory_space<hbm>>, %arg4: memref<32x80x125xi32, #tpu.memory_space<hbm>>, %arg5: memref<1000x16xf32, #tpu.memory_space<hbm>>, %arg6: memref<2x10000x16xf32, #tpu.memory_space<hbm>>, %arg7: memref<80x125xi32, #tpu.memory_space<vmem>>, %arg8: memref<80x125xi32, #tpu.memory_space<vmem>>, %arg9: memref<4x125x16xf32, #tpu.memory_space<vmem>>, %arg10: memref<4x!tpu.dma_semaphore, #tpu.memory_space<semaphore_mem>>, %arg11: memref<4x!tpu.dma_semaphore, #tpu.memory_space<semaphore_mem>>, %arg12: memref<10000x16xf32, #tpu.memory_space<vmem_shared>>) attributes {dimension_semantics = [#tpu.dimension_semantics<core_parallel>, #tpu.dimension_semantics<subcore_parallel>], iteration_bounds = array<i64: 2, 16>, scalar_prefetch = 0 : i64, scratch_operands = 6 : i64, tpu.core_type = #tpu.core_type<sc_vector_subcore>, window_params = [{transform_indices = #map}, {transform_indices = #map1}, {transform_indices = #map1}, {transform_indices = #map}, {transform_indices = #map1}]} {
    %mul3A = arith.constant 16 : i32
    %mul3A_0 = arith.muli %arg0, %mul3A : i32
    %add3A = arith.addi %mul3A_0, %arg1 : i32
    "tpu.region"() ({
      %run_scoped3A = tpu.sem_alloc : memref<!tpu.dma_semaphore, #tpu.memory_space<semaphore_mem>>
      %dma_start3A_131 = arith.constant 0 : i32
      %dma_start3A_132 = arith.constant 0 : i32
      %dma_start3A_133 = tpu.memref_slice %arg3[%add3A, %dma_start3A_131, %dma_start3A_132] : memref<32x80x125xi32, #tpu.memory_space<hbm>> -> memref<1x80x125xi32, #tpu.memory_space<hbm>>
      %dma_start3A_134 = tpu.memref_squeeze %dma_start3A_133 : memref<1x80x125xi32, #tpu.memory_space<hbm>> -> memref<80x125xi32, #tpu.memory_space<hbm>>
      %dma_start3A_135 = arith.constant 0 : i32
      %dma_start3A_136 = arith.constant 0 : i32
      %dma_start3A_137 = tpu.memref_slice %arg3[%add3A, %dma_start3A_135, %dma_start3A_136] : memref<32x80x125xi32, #tpu.memory_space<hbm>> -> memref<1x80x125xi32, #tpu.memory_space<hbm>>
      %dma_start3A_138 = tpu.memref_squeeze %dma_start3A_137 : memref<1x80x125xi32, #tpu.memory_space<hbm>> -> memref<80x125xi32, #tpu.memory_space<hbm>>
      tpu.enqueue_dma source(%dma_start3A_138 : memref<80x125xi32, #tpu.memory_space<hbm>>) target(%arg7 : memref<80x125xi32, #tpu.memory_space<vmem>>) target_semaphore(%run_scoped3A : memref<!tpu.dma_semaphore, #tpu.memory_space<semaphore_mem>>)
      %dma_wait3A_139 = arith.constant 0 : i32
      %dma_wait3A_140 = arith.constant 0 : i32
      %dma_wait3A_141 = tpu.memref_slice %arg3[%add3A, %dma_wait3A_139, %dma_wait3A_140] : memref<32x80x125xi32, #tpu.memory_space<hbm>> -> memref<1x80x125xi32, #tpu.memory_space<hbm>>
      %dma_wait3A_142 = tpu.memref_squeeze %dma_wait3A_141 : memref<1x80x125xi32, #tpu.memory_space<hbm>> -> memref<80x125xi32, #tpu.memory_space<hbm>>
      %dma_wait3A_143 = arith.constant 0 : i32
      %dma_wait3A_144 = arith.constant 0 : i32
      %dma_wait3A_145 = tpu.memref_slice %arg3[%add3A, %dma_wait3A_143, %dma_wait3A_144] : memref<32x80x125xi32, #tpu.memory_space<hbm>> -> memref<1x80x125xi32, #tpu.memory_space<hbm>>
      %dma_wait3A_146 = tpu.memref_squeeze %dma_wait3A_145 : memref<1x80x125xi32, #tpu.memory_space<hbm>> -> memref<80x125xi32, #tpu.memory_space<hbm>>
      tpu.wait_dma2 semaphore(%run_scoped3A : memref<!tpu.dma_semaphore, #tpu.memory_space<semaphore_mem>>) src(%dma_wait3A_146 : memref<80x125xi32, #tpu.memory_space<hbm>>) dst(%arg7 : memref<80x125xi32, #tpu.memory_space<vmem>>)
      tpu.yield
    }) : () -> ()
    "tpu.region"() ({
      %run_scoped3A = tpu.sem_alloc : memref<!tpu.dma_semaphore, #tpu.memory_space<semaphore_mem>>
      %dma_start3A_131 = arith.constant 0 : i32
      %dma_start3A_132 = arith.constant 0 : i32
      %dma_start3A_133 = tpu.memref_slice %arg4[%add3A, %dma_start3A_131, %dma_start3A_132] : memref<32x80x125xi32, #tpu.memory_space<hbm>> -> memref<1x80x125xi32, #tpu.memory_space<hbm>>
      %dma_start3A_134 = tpu.memref_squeeze %dma_start3A_133 : memref<1x80x125xi32, #tpu.memory_space<hbm>> -> memref<80x125xi32, #tpu.memory_space<hbm>>
      %dma_start3A_135 = arith.constant 0 : i32
      %dma_start3A_136 = arith.constant 0 : i32
      %dma_start3A_137 = tpu.memref_slice %arg4[%add3A, %dma_start3A_135, %dma_start3A_136] : memref<32x80x125xi32, #tpu.memory_space<hbm>> -> memref<1x80x125xi32, #tpu.memory_space<hbm>>
      %dma_start3A_138 = tpu.memref_squeeze %dma_start3A_137 : memref<1x80x125xi32, #tpu.memory_space<hbm>> -> memref<80x125xi32, #tpu.memory_space<hbm>>
      tpu.enqueue_dma source(%dma_start3A_138 : memref<80x125xi32, #tpu.memory_space<hbm>>) target(%arg8 : memref<80x125xi32, #tpu.memory_space<vmem>>) target_semaphore(%run_scoped3A : memref<!tpu.dma_semaphore, #tpu.memory_space<semaphore_mem>>)
      %dma_wait3A_139 = arith.constant 0 : i32
      %dma_wait3A_140 = arith.constant 0 : i32
      %dma_wait3A_141 = tpu.memref_slice %arg4[%add3A, %dma_wait3A_139, %dma_wait3A_140] : memref<32x80x125xi32, #tpu.memory_space<hbm>> -> memref<1x80x125xi32, #tpu.memory_space<hbm>>
      %dma_wait3A_142 = tpu.memref_squeeze %dma_wait3A_141 : memref<1x80x125xi32, #tpu.memory_space<hbm>> -> memref<80x125xi32, #tpu.memory_space<hbm>>
      %dma_wait3A_143 = arith.constant 0 : i32
      %dma_wait3A_144 = arith.constant 0 : i32
      %dma_wait3A_145 = tpu.memref_slice %arg4[%add3A, %dma_wait3A_143, %dma_wait3A_144] : memref<32x80x125xi32, #tpu.memory_space<hbm>> -> memref<1x80x125xi32, #tpu.memory_space<hbm>>
      %dma_wait3A_146 = tpu.memref_squeeze %dma_wait3A_145 : memref<1x80x125xi32, #tpu.memory_space<hbm>> -> memref<80x125xi32, #tpu.memory_space<hbm>>
      tpu.wait_dma2 semaphore(%run_scoped3A : memref<!tpu.dma_semaphore, #tpu.memory_space<semaphore_mem>>) src(%dma_wait3A_146 : memref<80x125xi32, #tpu.memory_space<hbm>>) dst(%arg8 : memref<80x125xi32, #tpu.memory_space<vmem>>)
      tpu.yield
    }) : () -> ()
    %lt3A = arith.constant 10 : i32
    %lt3A_1 = arith.cmpi slt, %arg1, %lt3A : i32
    %convert_element_type3A = arith.extui %lt3A_1 : i1 to i32
    %cond3A = arith.constant 0 : i32
    %cond3A_2 = arith.cmpi ne, %convert_element_type3A, %cond3A : i32
    scf.if %cond3A_2 {
      %mul3A_131 = arith.constant 1000 : i32
      %mul3A_132 = arith.muli %arg1, %mul3A_131 : i32
      "tpu.region"() ({
        %run_scoped3A = tpu.sem_alloc : memref<!tpu.dma_semaphore, #tpu.memory_space<semaphore_mem>>
        %dma_start3A_133 = arith.constant 0 : i32
        %dma_start3A_134 = tpu.memref_slice %arg12[%mul3A_132, %dma_start3A_133] : memref<10000x16xf32, #tpu.memory_space<vmem_shared>> -> memref<1000x16xf32, #tpu.memory_space<vmem_shared>>
        tpu.enqueue_dma source(%arg5 : memref<1000x16xf32, #tpu.memory_space<hbm>>) target(%dma_start3A_134 : memref<1000x16xf32, #tpu.memory_space<vmem_shared>>) target_semaphore(%run_scoped3A : memref<!tpu.dma_semaphore, #tpu.memory_space<semaphore_mem>>)
        %dma_wait3A_135 = arith.constant 0 : i32
        %dma_wait3A_136 = tpu.memref_slice %arg12[%mul3A_132, %dma_wait3A_135] : memref<10000x16xf32, #tpu.memory_space<vmem_shared>> -> memref<1000x16xf32, #tpu.memory_space<vmem_shared>>
        tpu.wait_dma2 semaphore(%run_scoped3A : memref<!tpu.dma_semaphore, #tpu.memory_space<semaphore_mem>>) src(%arg5 : memref<1000x16xf32, #tpu.memory_space<hbm>>) dst(%dma_wait3A_136 : memref<1000x16xf32, #tpu.memory_space<vmem_shared>>)
        tpu.yield
      }) : () -> ()
    } else {
    }
    %barrier3A = arith.constant 0 : index
    tpu.barrier barrier_id(%barrier3A)
    %dma_start3A = arith.constant 0 : i32
    %dma_start3A_3 = arith.constant 0 : i32
    %dma_start3A_4 = arith.constant 0 : i32
    %dma_start3A_5 = arith.constant 0 : i32
    %dma_start3A_6 = arith.constant 0 : i32
    %dma_start3A_7 = tpu.memref_slice %arg9[%dma_start3A_3, %dma_start3A_5, %dma_start3A_6] : memref<4x125x16xf32, #tpu.memory_space<vmem>> -> memref<1x125x16xf32, #tpu.memory_space<vmem>>
    %dma_start3A_8 = tpu.memref_squeeze %dma_start3A_7 : memref<1x125x16xf32, #tpu.memory_space<vmem>> -> memref<125x16xf32, #tpu.memory_space<vmem>>
    %dma_start3A_9 = arith.constant 0 : i32
    %dma_start3A_10 = tpu.memref_slice %arg7[%dma_start3A, %dma_start3A_9] : memref<80x125xi32, #tpu.memory_space<vmem>> -> memref<1x125xi32, #tpu.memory_space<vmem>>
    %dma_start3A_11 = tpu.memref_squeeze %dma_start3A_10 : memref<1x125xi32, #tpu.memory_space<vmem>> -> memref<125xi32, #tpu.memory_space<vmem>>
    %dma_start3A_12 = arith.constant 0 : i32
    %dma_start3A_13 = arith.constant 0 : i32
    %dma_start3A_14 = tpu.memref_slice %arg2[%dma_start3A_12, %dma_start3A_13] : memref<10000x16xf32, #tpu.memory_space<hbm>> -> memref<10000x16xf32, #tpu.memory_space<hbm>>
    %dma_start3A_15 = tpu.memref_slice %arg10[%dma_start3A_4] : memref<4x!tpu.dma_semaphore, #tpu.memory_space<semaphore_mem>> -> memref<1x!tpu.dma_semaphore, #tpu.memory_space<semaphore_mem>>
    %dma_start3A_16 = tpu.memref_squeeze %dma_start3A_15 : memref<1x!tpu.dma_semaphore, #tpu.memory_space<semaphore_mem>> -> memref<!tpu.dma_semaphore, #tpu.memory_space<semaphore_mem>>
    tpu.enqueue_indirect_dma source(%dma_start3A_14 : memref<10000x16xf32, #tpu.memory_space<hbm>>) target(%dma_start3A_8 : memref<125x16xf32, #tpu.memory_space<vmem>>) offsets(%dma_start3A_11 : memref<125xi32, #tpu.memory_space<vmem>>) semaphore(%dma_start3A_16 : memref<!tpu.dma_semaphore, #tpu.memory_space<semaphore_mem>>)
    %dma_start3A_17 = arith.constant 1 : i32
    %dma_start3A_18 = arith.constant 1 : i32
    %dma_start3A_19 = arith.constant 1 : i32
    %dma_start3A_20 = arith.constant 0 : i32
    %dma_start3A_21 = arith.constant 0 : i32
    %dma_start3A_22 = tpu.memref_slice %arg9[%dma_start3A_18, %dma_start3A_20, %dma_start3A_21] : memref<4x125x16xf32, #tpu.memory_space<vmem>> -> memref<1x125x16xf32, #tpu.memory_space<vmem>>
    %dma_start3A_23 = tpu.memref_squeeze %dma_start3A_22 : memref<1x125x16xf32, #tpu.memory_space<vmem>> -> memref<125x16xf32, #tpu.memory_space<vmem>>
    %dma_start3A_24 = arith.constant 0 : i32
    %dma_start3A_25 = tpu.memref_slice %arg7[%dma_start3A_17, %dma_start3A_24] : memref<80x125xi32, #tpu.memory_space<vmem>> -> memref<1x125xi32, #tpu.memory_space<vmem>>
    %dma_start3A_26 = tpu.memref_squeeze %dma_start3A_25 : memref<1x125xi32, #tpu.memory_space<vmem>> -> memref<125xi32, #tpu.memory_space<vmem>>
    %dma_start3A_27 = arith.constant 0 : i32
    %dma_start3A_28 = arith.constant 0 : i32
    %dma_start3A_29 = tpu.memref_slice %arg2[%dma_start3A_27, %dma_start3A_28] : memref<10000x16xf32, #tpu.memory_space<hbm>> -> memref<10000x16xf32, #tpu.memory_space<hbm>>
    %dma_start3A_30 = tpu.memref_slice %arg10[%dma_start3A_19] : memref<4x!tpu.dma_semaphore, #tpu.memory_space<semaphore_mem>> -> memref<1x!tpu.dma_semaphore, #tpu.memory_space<semaphore_mem>>
    %dma_start3A_31 = tpu.memref_squeeze %dma_start3A_30 : memref<1x!tpu.dma_semaphore, #tpu.memory_space<semaphore_mem>> -> memref<!tpu.dma_semaphore, #tpu.memory_space<semaphore_mem>>
    tpu.enqueue_indirect_dma source(%dma_start3A_29 : memref<10000x16xf32, #tpu.memory_space<hbm>>) target(%dma_start3A_23 : memref<125x16xf32, #tpu.memory_space<vmem>>) offsets(%dma_start3A_26 : memref<125xi32, #tpu.memory_space<vmem>>) semaphore(%dma_start3A_31 : memref<!tpu.dma_semaphore, #tpu.memory_space<semaphore_mem>>)
    %dma_start3A_32 = arith.constant 2 : i32
    %dma_start3A_33 = arith.constant 2 : i32
    %dma_start3A_34 = arith.constant 2 : i32
    %dma_start3A_35 = arith.constant 0 : i32
    %dma_start3A_36 = arith.constant 0 : i32
    %dma_start3A_37 = tpu.memref_slice %arg9[%dma_start3A_33, %dma_start3A_35, %dma_start3A_36] : memref<4x125x16xf32, #tpu.memory_space<vmem>> -> memref<1x125x16xf32, #tpu.memory_space<vmem>>
    %dma_start3A_38 = tpu.memref_squeeze %dma_start3A_37 : memref<1x125x16xf32, #tpu.memory_space<vmem>> -> memref<125x16xf32, #tpu.memory_space<vmem>>
    %dma_start3A_39 = arith.constant 0 : i32
    %dma_start3A_40 = tpu.memref_slice %arg7[%dma_start3A_32, %dma_start3A_39] : memref<80x125xi32, #tpu.memory_space<vmem>> -> memref<1x125xi32, #tpu.memory_space<vmem>>
    %dma_start3A_41 = tpu.memref_squeeze %dma_start3A_40 : memref<1x125xi32, #tpu.memory_space<vmem>> -> memref<125xi32, #tpu.memory_space<vmem>>
    %dma_start3A_42 = arith.constant 0 : i32
    %dma_start3A_43 = arith.constant 0 : i32
    %dma_start3A_44 = tpu.memref_slice %arg2[%dma_start3A_42, %dma_start3A_43] : memref<10000x16xf32, #tpu.memory_space<hbm>> -> memref<10000x16xf32, #tpu.memory_space<hbm>>
    %dma_start3A_45 = tpu.memref_slice %arg10[%dma_start3A_34] : memref<4x!tpu.dma_semaphore, #tpu.memory_space<semaphore_mem>> -> memref<1x!tpu.dma_semaphore, #tpu.memory_space<semaphore_mem>>
    %dma_start3A_46 = tpu.memref_squeeze %dma_start3A_45 : memref<1x!tpu.dma_semaphore, #tpu.memory_space<semaphore_mem>> -> memref<!tpu.dma_semaphore, #tpu.memory_space<semaphore_mem>>
    tpu.enqueue_indirect_dma source(%dma_start3A_44 : memref<10000x16xf32, #tpu.memory_space<hbm>>) target(%dma_start3A_38 : memref<125x16xf32, #tpu.memory_space<vmem>>) offsets(%dma_start3A_41 : memref<125xi32, #tpu.memory_space<vmem>>) semaphore(%dma_start3A_46 : memref<!tpu.dma_semaphore, #tpu.memory_space<semaphore_mem>>)
    %dma_start3A_47 = arith.constant 3 : i32
    %dma_start3A_48 = arith.constant 3 : i32
    %dma_start3A_49 = arith.constant 3 : i32
    %dma_start3A_50 = arith.constant 0 : i32
    %dma_start3A_51 = arith.constant 0 : i32
    %dma_start3A_52 = tpu.memref_slice %arg9[%dma_start3A_48, %dma_start3A_50, %dma_start3A_51] : memref<4x125x16xf32, #tpu.memory_space<vmem>> -> memref<1x125x16xf32, #tpu.memory_space<vmem>>
    %dma_start3A_53 = tpu.memref_squeeze %dma_start3A_52 : memref<1x125x16xf32, #tpu.memory_space<vmem>> -> memref<125x16xf32, #tpu.memory_space<vmem>>
    %dma_start3A_54 = arith.constant 0 : i32
    %dma_start3A_55 = tpu.memref_slice %arg7[%dma_start3A_47, %dma_start3A_54] : memref<80x125xi32, #tpu.memory_space<vmem>> -> memref<1x125xi32, #tpu.memory_space<vmem>>
    %dma_start3A_56 = tpu.memref_squeeze %dma_start3A_55 : memref<1x125xi32, #tpu.memory_space<vmem>> -> memref<125xi32, #tpu.memory_space<vmem>>
    %dma_start3A_57 = arith.constant 0 : i32
    %dma_start3A_58 = arith.constant 0 : i32
    %dma_start3A_59 = tpu.memref_slice %arg2[%dma_start3A_57, %dma_start3A_58] : memref<10000x16xf32, #tpu.memory_space<hbm>> -> memref<10000x16xf32, #tpu.memory_space<hbm>>
    %dma_start3A_60 = tpu.memref_slice %arg10[%dma_start3A_49] : memref<4x!tpu.dma_semaphore, #tpu.memory_space<semaphore_mem>> -> memref<1x!tpu.dma_semaphore, #tpu.memory_space<semaphore_mem>>
    %dma_start3A_61 = tpu.memref_squeeze %dma_start3A_60 : memref<1x!tpu.dma_semaphore, #tpu.memory_space<semaphore_mem>> -> memref<!tpu.dma_semaphore, #tpu.memory_space<semaphore_mem>>
    tpu.enqueue_indirect_dma source(%dma_start3A_59 : memref<10000x16xf32, #tpu.memory_space<hbm>>) target(%dma_start3A_53 : memref<125x16xf32, #tpu.memory_space<vmem>>) offsets(%dma_start3A_56 : memref<125xi32, #tpu.memory_space<vmem>>) semaphore(%dma_start3A_61 : memref<!tpu.dma_semaphore, #tpu.memory_space<semaphore_mem>>)
    %scan3A = arith.constant 0 : i32
    %scan3A_62 = arith.constant 80 : i32
    %scan3A_63 = arith.addi %scan3A, %scan3A_62 : i32
    %scan3A_64 = arith.constant 1 : i32
    scf.for %scan3A_131 = %scan3A to %scan3A_63 step %scan3A_64  : i32 {
      %rem3A = arith.constant 4 : i32
      %rem3A_132 = arith.remsi %scan3A_131, %rem3A : i32
      %dma_wait3A_133 = arith.constant 0 : i32
      %dma_wait3A_134 = arith.constant 0 : i32
      %dma_wait3A_135 = tpu.memref_slice %arg9[%rem3A_132, %dma_wait3A_133, %dma_wait3A_134] : memref<4x125x16xf32, #tpu.memory_space<vmem>> -> memref<1x125x16xf32, #tpu.memory_space<vmem>>
      %dma_wait3A_136 = tpu.memref_squeeze %dma_wait3A_135 : memref<1x125x16xf32, #tpu.memory_space<vmem>> -> memref<125x16xf32, #tpu.memory_space<vmem>>
      %dma_wait3A_137 = arith.constant 0 : i32
      %dma_wait3A_138 = tpu.memref_slice %arg7[%scan3A_131, %dma_wait3A_137] : memref<80x125xi32, #tpu.memory_space<vmem>> -> memref<1x125xi32, #tpu.memory_space<vmem>>
      %dma_wait3A_139 = tpu.memref_squeeze %dma_wait3A_138 : memref<1x125xi32, #tpu.memory_space<vmem>> -> memref<125xi32, #tpu.memory_space<vmem>>
      %dma_wait3A_140 = arith.constant 0 : i32
      %dma_wait3A_141 = arith.constant 0 : i32
      %dma_wait3A_142 = tpu.memref_slice %arg2[%dma_wait3A_140, %dma_wait3A_141] : memref<10000x16xf32, #tpu.memory_space<hbm>> -> memref<10000x16xf32, #tpu.memory_space<hbm>>
      %dma_wait3A_143 = tpu.memref_slice %arg10[%rem3A_132] : memref<4x!tpu.dma_semaphore, #tpu.memory_space<semaphore_mem>> -> memref<1x!tpu.dma_semaphore, #tpu.memory_space<semaphore_mem>>
      %dma_wait3A_144 = tpu.memref_squeeze %dma_wait3A_143 : memref<1x!tpu.dma_semaphore, #tpu.memory_space<semaphore_mem>> -> memref<!tpu.dma_semaphore, #tpu.memory_space<semaphore_mem>>
      tpu.wait_indirect_dma semaphore(%dma_wait3A_144 : memref<!tpu.dma_semaphore, #tpu.memory_space<semaphore_mem>>) src(%dma_wait3A_142 : memref<10000x16xf32, #tpu.memory_space<hbm>>) dst(%dma_wait3A_136 : memref<125x16xf32, #tpu.memory_space<vmem>>)
      %dma_start3A_145 = arith.constant 0 : i32
      %dma_start3A_146 = arith.constant 0 : i32
      %dma_start3A_147 = tpu.memref_slice %arg9[%rem3A_132, %dma_start3A_145, %dma_start3A_146] : memref<4x125x16xf32, #tpu.memory_space<vmem>> -> memref<1x125x16xf32, #tpu.memory_space<vmem>>
      %dma_start3A_148 = tpu.memref_squeeze %dma_start3A_147 : memref<1x125x16xf32, #tpu.memory_space<vmem>> -> memref<125x16xf32, #tpu.memory_space<vmem>>
      %dma_start3A_149 = arith.constant 0 : i32
      %dma_start3A_150 = tpu.memref_slice %arg8[%scan3A_131, %dma_start3A_149] : memref<80x125xi32, #tpu.memory_space<vmem>> -> memref<1x125xi32, #tpu.memory_space<vmem>>
      %dma_start3A_151 = tpu.memref_squeeze %dma_start3A_150 : memref<1x125xi32, #tpu.memory_space<vmem>> -> memref<125xi32, #tpu.memory_space<vmem>>
      %dma_start3A_152 = arith.constant 0 : i32
      %dma_start3A_153 = arith.constant 0 : i32
      %dma_start3A_154 = tpu.memref_slice %arg12[%dma_start3A_152, %dma_start3A_153] : memref<10000x16xf32, #tpu.memory_space<vmem_shared>> -> memref<10000x16xf32, #tpu.memory_space<vmem_shared>>
      %dma_start3A_155 = tpu.memref_slice %arg11[%rem3A_132] : memref<4x!tpu.dma_semaphore, #tpu.memory_space<semaphore_mem>> -> memref<1x!tpu.dma_semaphore, #tpu.memory_space<semaphore_mem>>
      %dma_start3A_156 = tpu.memref_squeeze %dma_start3A_155 : memref<1x!tpu.dma_semaphore, #tpu.memory_space<semaphore_mem>> -> memref<!tpu.dma_semaphore, #tpu.memory_space<semaphore_mem>>
      tpu.enqueue_indirect_dma source(%dma_start3A_148 : memref<125x16xf32, #tpu.memory_space<vmem>>) target(%dma_start3A_154 : memref<10000x16xf32, #tpu.memory_space<vmem_shared>>) offsets(%dma_start3A_151 : memref<125xi32, #tpu.memory_space<vmem>>) semaphore(%dma_start3A_156 : memref<!tpu.dma_semaphore, #tpu.memory_space<semaphore_mem>>) {add = true}
      %add3A_157 = arith.constant 4 : i32
      %add3A_158 = arith.addi %scan3A_131, %add3A_157 : i32
      %lt3A_159 = arith.constant 80 : i32
      %lt3A_160 = arith.cmpi slt, %add3A_158, %lt3A_159 : i32
      %convert_element_type3A_161 = arith.extui %lt3A_160 : i1 to i32
      %cond3A_162 = arith.constant 0 : i32
      %cond3A_163 = arith.cmpi ne, %convert_element_type3A_161, %cond3A_162 : i32
      scf.if %cond3A_163 {
        %dma_wait3A_164 = arith.constant 0 : i32
        %dma_wait3A_165 = arith.constant 0 : i32
        %dma_wait3A_166 = tpu.memref_slice %arg9[%rem3A_132, %dma_wait3A_164, %dma_wait3A_165] : memref<4x125x16xf32, #tpu.memory_space<vmem>> -> memref<1x125x16xf32, #tpu.memory_space<vmem>>
        %dma_wait3A_167 = tpu.memref_squeeze %dma_wait3A_166 : memref<1x125x16xf32, #tpu.memory_space<vmem>> -> memref<125x16xf32, #tpu.memory_space<vmem>>
        %dma_wait3A_168 = arith.constant 0 : i32
        %dma_wait3A_169 = tpu.memref_slice %arg8[%scan3A_131, %dma_wait3A_168] : memref<80x125xi32, #tpu.memory_space<vmem>> -> memref<1x125xi32, #tpu.memory_space<vmem>>
        %dma_wait3A_170 = tpu.memref_squeeze %dma_wait3A_169 : memref<1x125xi32, #tpu.memory_space<vmem>> -> memref<125xi32, #tpu.memory_space<vmem>>
        %dma_wait3A_171 = arith.constant 0 : i32
        %dma_wait3A_172 = arith.constant 0 : i32
        %dma_wait3A_173 = tpu.memref_slice %arg12[%dma_wait3A_171, %dma_wait3A_172] : memref<10000x16xf32, #tpu.memory_space<vmem_shared>> -> memref<10000x16xf32, #tpu.memory_space<vmem_shared>>
        %dma_wait3A_174 = tpu.memref_slice %arg11[%rem3A_132] : memref<4x!tpu.dma_semaphore, #tpu.memory_space<semaphore_mem>> -> memref<1x!tpu.dma_semaphore, #tpu.memory_space<semaphore_mem>>
        %dma_wait3A_175 = tpu.memref_squeeze %dma_wait3A_174 : memref<1x!tpu.dma_semaphore, #tpu.memory_space<semaphore_mem>> -> memref<!tpu.dma_semaphore, #tpu.memory_space<semaphore_mem>>
        tpu.wait_indirect_dma semaphore(%dma_wait3A_175 : memref<!tpu.dma_semaphore, #tpu.memory_space<semaphore_mem>>) src(%dma_wait3A_167 : memref<125x16xf32, #tpu.memory_space<vmem>>) dst(%dma_wait3A_173 : memref<10000x16xf32, #tpu.memory_space<vmem_shared>>)
        %add3A_176 = arith.constant 4 : i32
        %add3A_177 = arith.addi %scan3A_131, %add3A_176 : i32
        %dma_start3A_178 = arith.constant 0 : i32
        %dma_start3A_179 = arith.constant 0 : i32
        %dma_start3A_180 = tpu.memref_slice %arg9[%rem3A_132, %dma_start3A_178, %dma_start3A_179] : memref<4x125x16xf32, #tpu.memory_space<vmem>> -> memref<1x125x16xf32, #tpu.memory_space<vmem>>
        %dma_start3A_181 = tpu.memref_squeeze %dma_start3A_180 : memref<1x125x16xf32, #tpu.memory_space<vmem>> -> memref<125x16xf32, #tpu.memory_space<vmem>>
        %dma_start3A_182 = arith.constant 0 : i32
        %dma_start3A_183 = tpu.memref_slice %arg7[%add3A_177, %dma_start3A_182] : memref<80x125xi32, #tpu.memory_space<vmem>> -> memref<1x125xi32, #tpu.memory_space<vmem>>
        %dma_start3A_184 = tpu.memref_squeeze %dma_start3A_183 : memref<1x125xi32, #tpu.memory_space<vmem>> -> memref<125xi32, #tpu.memory_space<vmem>>
        %dma_start3A_185 = arith.constant 0 : i32
        %dma_start3A_186 = arith.constant 0 : i32
        %dma_start3A_187 = tpu.memref_slice %arg2[%dma_start3A_185, %dma_start3A_186] : memref<10000x16xf32, #tpu.memory_space<hbm>> -> memref<10000x16xf32, #tpu.memory_space<hbm>>
        %dma_start3A_188 = tpu.memref_slice %arg10[%rem3A_132] : memref<4x!tpu.dma_semaphore, #tpu.memory_space<semaphore_mem>> -> memref<1x!tpu.dma_semaphore, #tpu.memory_space<semaphore_mem>>
        %dma_start3A_189 = tpu.memref_squeeze %dma_start3A_188 : memref<1x!tpu.dma_semaphore, #tpu.memory_space<semaphore_mem>> -> memref<!tpu.dma_semaphore, #tpu.memory_space<semaphore_mem>>
        tpu.enqueue_indirect_dma source(%dma_start3A_187 : memref<10000x16xf32, #tpu.memory_space<hbm>>) target(%dma_start3A_181 : memref<125x16xf32, #tpu.memory_space<vmem>>) offsets(%dma_start3A_184 : memref<125xi32, #tpu.memory_space<vmem>>) semaphore(%dma_start3A_189 : memref<!tpu.dma_semaphore, #tpu.memory_space<semaphore_mem>>)
      } else {
      }
    }
    %scan3A_65 = arith.constant 80 : i32
    %dma_wait3A = arith.constant 0 : i32
    %dma_wait3A_66 = arith.constant 76 : i32
    %dma_wait3A_67 = arith.constant 0 : i32
    %dma_wait3A_68 = arith.constant 0 : i32
    %dma_wait3A_69 = arith.constant 0 : i32
    %dma_wait3A_70 = tpu.memref_slice %arg9[%dma_wait3A, %dma_wait3A_68, %dma_wait3A_69] : memref<4x125x16xf32, #tpu.memory_space<vmem>> -> memref<1x125x16xf32, #tpu.memory_space<vmem>>
    %dma_wait3A_71 = tpu.memref_squeeze %dma_wait3A_70 : memref<1x125x16xf32, #tpu.memory_space<vmem>> -> memref<125x16xf32, #tpu.memory_space<vmem>>
    %dma_wait3A_72 = arith.constant 0 : i32
    %dma_wait3A_73 = tpu.memref_slice %arg8[%dma_wait3A_66, %dma_wait3A_72] : memref<80x125xi32, #tpu.memory_space<vmem>> -> memref<1x125xi32, #tpu.memory_space<vmem>>
    %dma_wait3A_74 = tpu.memref_squeeze %dma_wait3A_73 : memref<1x125xi32, #tpu.memory_space<vmem>> -> memref<125xi32, #tpu.memory_space<vmem>>
    %dma_wait3A_75 = arith.constant 0 : i32
    %dma_wait3A_76 = arith.constant 0 : i32
    %dma_wait3A_77 = tpu.memref_slice %arg12[%dma_wait3A_75, %dma_wait3A_76] : memref<10000x16xf32, #tpu.memory_space<vmem_shared>> -> memref<10000x16xf32, #tpu.memory_space<vmem_shared>>
    %dma_wait3A_78 = tpu.memref_slice %arg11[%dma_wait3A_67] : memref<4x!tpu.dma_semaphore, #tpu.memory_space<semaphore_mem>> -> memref<1x!tpu.dma_semaphore, #tpu.memory_space<semaphore_mem>>
    %dma_wait3A_79 = tpu.memref_squeeze %dma_wait3A_78 : memref<1x!tpu.dma_semaphore, #tpu.memory_space<semaphore_mem>> -> memref<!tpu.dma_semaphore, #tpu.memory_space<semaphore_mem>>
    tpu.wait_indirect_dma semaphore(%dma_wait3A_79 : memref<!tpu.dma_semaphore, #tpu.memory_space<semaphore_mem>>) src(%dma_wait3A_71 : memref<125x16xf32, #tpu.memory_space<vmem>>) dst(%dma_wait3A_77 : memref<10000x16xf32, #tpu.memory_space<vmem_shared>>)
    %dma_wait3A_80 = arith.constant 1 : i32
    %dma_wait3A_81 = arith.constant 77 : i32
    %dma_wait3A_82 = arith.constant 1 : i32
    %dma_wait3A_83 = arith.constant 0 : i32
    %dma_wait3A_84 = arith.constant 0 : i32
    %dma_wait3A_85 = tpu.memref_slice %arg9[%dma_wait3A_80, %dma_wait3A_83, %dma_wait3A_84] : memref<4x125x16xf32, #tpu.memory_space<vmem>> -> memref<1x125x16xf32, #tpu.memory_space<vmem>>
    %dma_wait3A_86 = tpu.memref_squeeze %dma_wait3A_85 : memref<1x125x16xf32, #tpu.memory_space<vmem>> -> memref<125x16xf32, #tpu.memory_space<vmem>>
    %dma_wait3A_87 = arith.constant 0 : i32
    %dma_wait3A_88 = tpu.memref_slice %arg8[%dma_wait3A_81, %dma_wait3A_87] : memref<80x125xi32, #tpu.memory_space<vmem>> -> memref<1x125xi32, #tpu.memory_space<vmem>>
    %dma_wait3A_89 = tpu.memref_squeeze %dma_wait3A_88 : memref<1x125xi32, #tpu.memory_space<vmem>> -> memref<125xi32, #tpu.memory_space<vmem>>
    %dma_wait3A_90 = arith.constant 0 : i32
    %dma_wait3A_91 = arith.constant 0 : i32
    %dma_wait3A_92 = tpu.memref_slice %arg12[%dma_wait3A_90, %dma_wait3A_91] : memref<10000x16xf32, #tpu.memory_space<vmem_shared>> -> memref<10000x16xf32, #tpu.memory_space<vmem_shared>>
    %dma_wait3A_93 = tpu.memref_slice %arg11[%dma_wait3A_82] : memref<4x!tpu.dma_semaphore, #tpu.memory_space<semaphore_mem>> -> memref<1x!tpu.dma_semaphore, #tpu.memory_space<semaphore_mem>>
    %dma_wait3A_94 = tpu.memref_squeeze %dma_wait3A_93 : memref<1x!tpu.dma_semaphore, #tpu.memory_space<semaphore_mem>> -> memref<!tpu.dma_semaphore, #tpu.memory_space<semaphore_mem>>
    tpu.wait_indirect_dma semaphore(%dma_wait3A_94 : memref<!tpu.dma_semaphore, #tpu.memory_space<semaphore_mem>>) src(%dma_wait3A_86 : memref<125x16xf32, #tpu.memory_space<vmem>>) dst(%dma_wait3A_92 : memref<10000x16xf32, #tpu.memory_space<vmem_shared>>)
    %dma_wait3A_95 = arith.constant 2 : i32
    %dma_wait3A_96 = arith.constant 78 : i32
    %dma_wait3A_97 = arith.constant 2 : i32
    %dma_wait3A_98 = arith.constant 0 : i32
    %dma_wait3A_99 = arith.constant 0 : i32
    %dma_wait3A_100 = tpu.memref_slice %arg9[%dma_wait3A_95, %dma_wait3A_98, %dma_wait3A_99] : memref<4x125x16xf32, #tpu.memory_space<vmem>> -> memref<1x125x16xf32, #tpu.memory_space<vmem>>
    %dma_wait3A_101 = tpu.memref_squeeze %dma_wait3A_100 : memref<1x125x16xf32, #tpu.memory_space<vmem>> -> memref<125x16xf32, #tpu.memory_space<vmem>>
    %dma_wait3A_102 = arith.constant 0 : i32
    %dma_wait3A_103 = tpu.memref_slice %arg8[%dma_wait3A_96, %dma_wait3A_102] : memref<80x125xi32, #tpu.memory_space<vmem>> -> memref<1x125xi32, #tpu.memory_space<vmem>>
    %dma_wait3A_104 = tpu.memref_squeeze %dma_wait3A_103 : memref<1x125xi32, #tpu.memory_space<vmem>> -> memref<125xi32, #tpu.memory_space<vmem>>
    %dma_wait3A_105 = arith.constant 0 : i32
    %dma_wait3A_106 = arith.constant 0 : i32
    %dma_wait3A_107 = tpu.memref_slice %arg12[%dma_wait3A_105, %dma_wait3A_106] : memref<10000x16xf32, #tpu.memory_space<vmem_shared>> -> memref<10000x16xf32, #tpu.memory_space<vmem_shared>>
    %dma_wait3A_108 = tpu.memref_slice %arg11[%dma_wait3A_97] : memref<4x!tpu.dma_semaphore, #tpu.memory_space<semaphore_mem>> -> memref<1x!tpu.dma_semaphore, #tpu.memory_space<semaphore_mem>>
    %dma_wait3A_109 = tpu.memref_squeeze %dma_wait3A_108 : memref<1x!tpu.dma_semaphore, #tpu.memory_space<semaphore_mem>> -> memref<!tpu.dma_semaphore, #tpu.memory_space<semaphore_mem>>
    tpu.wait_indirect_dma semaphore(%dma_wait3A_109 : memref<!tpu.dma_semaphore, #tpu.memory_space<semaphore_mem>>) src(%dma_wait3A_101 : memref<125x16xf32, #tpu.memory_space<vmem>>) dst(%dma_wait3A_107 : memref<10000x16xf32, #tpu.memory_space<vmem_shared>>)
    %dma_wait3A_110 = arith.constant 3 : i32
    %dma_wait3A_111 = arith.constant 79 : i32
    %dma_wait3A_112 = arith.constant 3 : i32
    %dma_wait3A_113 = arith.constant 0 : i32
    %dma_wait3A_114 = arith.constant 0 : i32
    %dma_wait3A_115 = tpu.memref_slice %arg9[%dma_wait3A_110, %dma_wait3A_113, %dma_wait3A_114] : memref<4x125x16xf32, #tpu.memory_space<vmem>> -> memref<1x125x16xf32, #tpu.memory_space<vmem>>
    %dma_wait3A_116 = tpu.memref_squeeze %dma_wait3A_115 : memref<1x125x16xf32, #tpu.memory_space<vmem>> -> memref<125x16xf32, #tpu.memory_space<vmem>>
    %dma_wait3A_117 = arith.constant 0 : i32
    %dma_wait3A_118 = tpu.memref_slice %arg8[%dma_wait3A_111, %dma_wait3A_117] : memref<80x125xi32, #tpu.memory_space<vmem>> -> memref<1x125xi32, #tpu.memory_space<vmem>>
    %dma_wait3A_119 = tpu.memref_squeeze %dma_wait3A_118 : memref<1x125xi32, #tpu.memory_space<vmem>> -> memref<125xi32, #tpu.memory_space<vmem>>
    %dma_wait3A_120 = arith.constant 0 : i32
    %dma_wait3A_121 = arith.constant 0 : i32
    %dma_wait3A_122 = tpu.memref_slice %arg12[%dma_wait3A_120, %dma_wait3A_121] : memref<10000x16xf32, #tpu.memory_space<vmem_shared>> -> memref<10000x16xf32, #tpu.memory_space<vmem_shared>>
    %dma_wait3A_123 = tpu.memref_slice %arg11[%dma_wait3A_112] : memref<4x!tpu.dma_semaphore, #tpu.memory_space<semaphore_mem>> -> memref<1x!tpu.dma_semaphore, #tpu.memory_space<semaphore_mem>>
    %dma_wait3A_124 = tpu.memref_squeeze %dma_wait3A_123 : memref<1x!tpu.dma_semaphore, #tpu.memory_space<semaphore_mem>> -> memref<!tpu.dma_semaphore, #tpu.memory_space<semaphore_mem>>
    tpu.wait_indirect_dma semaphore(%dma_wait3A_124 : memref<!tpu.dma_semaphore, #tpu.memory_space<semaphore_mem>>) src(%dma_wait3A_116 : memref<125x16xf32, #tpu.memory_space<vmem>>) dst(%dma_wait3A_122 : memref<10000x16xf32, #tpu.memory_space<vmem_shared>>)
    %barrier3A_125 = arith.constant 0 : index
    tpu.barrier barrier_id(%barrier3A_125)
    %lt3A_126 = arith.constant 10 : i32
    %lt3A_127 = arith.cmpi slt, %arg1, %lt3A_126 : i32
    %convert_element_type3A_128 = arith.extui %lt3A_127 : i1 to i32
    %cond3A_129 = arith.constant 0 : i32
    %cond3A_130 = arith.cmpi ne, %convert_element_type3A_128, %cond3A_129 : i32
    scf.if %cond3A_130 {
      %mul3A_131 = arith.constant 1000 : i32
      %mul3A_132 = arith.muli %arg1, %mul3A_131 : i32
      %mul3A_133 = arith.constant 1000 : i32
      %mul3A_134 = arith.muli %arg1, %mul3A_133 : i32
      "tpu.region"() ({
        %run_scoped3A = tpu.sem_alloc : memref<!tpu.dma_semaphore, #tpu.memory_space<semaphore_mem>>
        %dma_start3A_135 = arith.constant 0 : i32
        %dma_start3A_136 = tpu.memref_slice %arg6[%arg0, %mul3A_134, %dma_start3A_135] : memref<2x10000x16xf32, #tpu.memory_space<hbm>> -> memref<1x1000x16xf32, #tpu.memory_space<hbm>>
        %dma_start3A_137 = tpu.memref_squeeze %dma_start3A_136 : memref<1x1000x16xf32, #tpu.memory_space<hbm>> -> memref<1000x16xf32, #tpu.memory_space<hbm>>
        %dma_start3A_138 = arith.constant 0 : i32
        %dma_start3A_139 = tpu.memref_slice %arg12[%mul3A_132, %dma_start3A_138] : memref<10000x16xf32, #tpu.memory_space<vmem_shared>> -> memref<1000x16xf32, #tpu.memory_space<vmem_shared>>
        tpu.enqueue_dma source(%dma_start3A_139 : memref<1000x16xf32, #tpu.memory_space<vmem_shared>>) target(%dma_start3A_137 : memref<1000x16xf32, #tpu.memory_space<hbm>>) target_semaphore(%run_scoped3A : memref<!tpu.dma_semaphore, #tpu.memory_space<semaphore_mem>>)
        %dma_wait3A_140 = arith.constant 0 : i32
        %dma_wait3A_141 = tpu.memref_slice %arg6[%arg0, %mul3A_134, %dma_wait3A_140] : memref<2x10000x16xf32, #tpu.memory_space<hbm>> -> memref<1x1000x16xf32, #tpu.memory_space<hbm>>
        %dma_wait3A_142 = tpu.memref_squeeze %dma_wait3A_141 : memref<1x1000x16xf32, #tpu.memory_space<hbm>> -> memref<1000x16xf32, #tpu.memory_space<hbm>>
        %dma_wait3A_143 = arith.constant 0 : i32
        %dma_wait3A_144 = tpu.memref_slice %arg12[%mul3A_132, %dma_wait3A_143] : memref<10000x16xf32, #tpu.memory_space<vmem_shared>> -> memref<1000x16xf32, #tpu.memory_space<vmem_shared>>
        tpu.wait_dma2 semaphore(%run_scoped3A : memref<!tpu.dma_semaphore, #tpu.memory_space<semaphore_mem>>) src(%dma_wait3A_144 : memref<1000x16xf32, #tpu.memory_space<vmem_shared>>) dst(%dma_wait3A_142 : memref<1000x16xf32, #tpu.memory_space<hbm>>)
        tpu.yield
      }) : () -> ()
    } else {
    }
    return
  }
}

module attributes {stable_mosaic.version = 14 : i64} {
  func.func @_tc1_body(%arg0: i32, %arg1: memref<2x1000x1xf32, #tpu.memory_space<vmem>>, %arg2: memref<1000x128xf32, #tpu.memory_space<vmem>>, %arg3: memref<128x64xf32, #tpu.memory_space<vmem>>, %arg4: memref<1000x1xf32, #tpu.memory_space<vmem>>, %arg5: memref<1000x64xf32, #tpu.memory_space<vmem>>) attributes {dimension_semantics = [#tpu.dimension_semantics<arbitrary>], iteration_bounds = array<i64: 10>, scalar_prefetch = 0 : i64, scratch_operands = 0 : i64, tpu.core_type = #tpu.core_type<tc>, window_params = [{transform_indices = @transform_0, window_bounds = array<i64: 2, 1000, 1>}, {transform_indices = @transform_1, window_bounds = array<i64: 1000, 128>}, {pipeline_mode = #tpu.pipeline_mode<synchronous>, transform_indices = @transform_2, window_bounds = array<i64: 128, 64>}, {transform_indices = @transform_3, window_bounds = array<i64: 1000, 1>}, {transform_indices = @transform_4, window_bounds = array<i64: 1000, 64>}]} {
    %get3A = arith.constant 0 : index
    %get3A_0 = arith.constant 0 : index
    %get3A_1 = arith.constant 0 : index
    %get3A_2 = vector.load %arg1[%get3A, %get3A_0, %get3A_1] : memref<2x1000x1xf32, #tpu.memory_space<vmem>>, vector<1x1000x1xf32>
    %get3A_3 = vector.shape_cast %get3A_2 : vector<1x1000x1xf32> to vector<1000x1xf32>
    %get3A_4 = arith.constant 1 : index
    %get3A_5 = arith.constant 0 : index
    %get3A_6 = arith.constant 0 : index
    %get3A_7 = vector.load %arg1[%get3A_4, %get3A_5, %get3A_6] : memref<2x1000x1xf32, #tpu.memory_space<vmem>>, vector<1x1000x1xf32>
    %get3A_8 = vector.shape_cast %get3A_7 : vector<1x1000x1xf32> to vector<1000x1xf32>
    %add3A = arith.addf %get3A_3, %get3A_8 : vector<1000x1xf32>
    %add3A_9 = arith.constant 1.000000e+00 : f32
    %add3A_10 = vector.broadcast %add3A_9 : f32 to vector<1000x1xf32>
    %add3A_11 = arith.addf %add3A, %add3A_10 : vector<1000x1xf32>
    %rsqrt3A = math.rsqrt %add3A_11 : vector<1000x1xf32>
    %swap3A = arith.constant 0 : index
    %swap3A_12 = arith.constant 0 : index
    %swap3A_13 = vector.load %arg4[%swap3A, %swap3A_12] : memref<1000x1xf32, #tpu.memory_space<vmem>>, vector<1000x1xf32>
    tpu.vector_store %arg4[%swap3A, %swap3A_12], %rsqrt3A {strides = array<i32>} : memref<1000x1xf32, #tpu.memory_space<vmem>>, vector<1000x1xf32>,
    %get3A_14 = arith.constant 0 : index
    %get3A_15 = arith.constant 0 : index
    %get3A_16 = vector.load %arg2[%get3A_14, %get3A_15] : memref<1000x128xf32, #tpu.memory_space<vmem>>, vector<1000x128xf32>
    %get3A_17 = arith.constant 0 : index
    %get3A_18 = arith.constant 0 : index
    %get3A_19 = vector.load %arg3[%get3A_17, %get3A_18] : memref<128x64xf32, #tpu.memory_space<vmem>>, vector<128x64xf32>
    %dot_general3A = arith.constant dense<0.000000e+00> : vector<1000x64xf32>
    %dot_general3A_20 = tpu.matmul %get3A_16, %get3A_19, %dot_general3A {dimension_numbers = #tpu.dot_dimension_numbers<[1], [0], [0], [1], [0, 0, 1, 1], [], []>, transpose_lhs_hint = false} : vector<1000x128xf32>, vector<128x64xf32>, vector<1000x64xf32> -> vector<1000x64xf32>
    %mul3A = vector.broadcast %rsqrt3A : vector<1000x1xf32> to vector<1000x64xf32>
    %mul3A_21 = arith.mulf %dot_general3A_20, %mul3A : vector<1000x64xf32>
    %swap3A_22 = arith.constant 0 : index
    %swap3A_23 = arith.constant 0 : index
    %swap3A_24 = vector.load %arg5[%swap3A_22, %swap3A_23] : memref<1000x64xf32, #tpu.memory_space<vmem>>, vector<1000x64xf32>
    tpu.vector_store %arg5[%swap3A_22, %swap3A_23], %mul3A_21 {strides = array<i32>} : memref<1000x64xf32, #tpu.memory_space<vmem>>, vector<1000x64xf32>,
    return
  }
  func.func @transform_0(%arg0: i32) -> (i32, i32, i32) {
    %c0_i32 = arith.constant 0 : i32
    %c0_i32_0 = arith.constant 0 : i32
    %c0_i32_1 = arith.constant 0 : i32
    return %c0_i32, %arg0, %c0_i32_0 : i32, i32, i32
  }
  func.func @transform_1(%arg0: i32) -> (i32, i32) {
    %c0_i32 = arith.constant 0 : i32
    %c0_i32_0 = arith.constant 0 : i32
    return %arg0, %c0_i32 : i32, i32
  }
  func.func @transform_2(%arg0: i32) -> (i32, i32) {
    %c0_i32 = arith.constant 0 : i32
    %c0_i32_0 = arith.constant 0 : i32
    %c0_i32_1 = arith.constant 0 : i32
    return %c0_i32, %c0_i32_0 : i32, i32
  }
  func.func @transform_3(%arg0: i32) -> (i32, i32) {
    %c0_i32 = arith.constant 0 : i32
    %c0_i32_0 = arith.constant 0 : i32
    return %arg0, %c0_i32 : i32, i32
  }
  func.func @transform_4(%arg0: i32) -> (i32, i32) {
    %c0_i32 = arith.constant 0 : i32
    %c0_i32_0 = arith.constant 0 : i32
    return %arg0, %c0_i32 : i32, i32
  }
}

module attributes {stable_mosaic.version = 14 : i64} {
  func.func @_tc_layer_body(%arg0: i32, %arg1: memref<2x1000x64xf32, #tpu.memory_space<vmem>>, %arg2: memref<1000x64xf32, #tpu.memory_space<vmem>>, %arg3: memref<1000x1xf32, #tpu.memory_space<vmem>>, %arg4: memref<1x64xf32, #tpu.memory_space<vmem>>, %arg5: memref<64x64xf32, #tpu.memory_space<vmem>>, %arg6: memref<1000x64xf32, #tpu.memory_space<vmem>>, %arg7: memref<1000x64xf32, #tpu.memory_space<vmem>>) attributes {dimension_semantics = [#tpu.dimension_semantics<arbitrary>], iteration_bounds = array<i64: 10>, scalar_prefetch = 0 : i64, scratch_operands = 0 : i64, tpu.core_type = #tpu.core_type<tc>, window_params = [{transform_indices = @transform_0, window_bounds = array<i64: 2, 1000, 64>}, {transform_indices = @transform_1, window_bounds = array<i64: 1000, 64>}, {transform_indices = @transform_2, window_bounds = array<i64: 1000, 1>}, {pipeline_mode = #tpu.pipeline_mode<synchronous>, transform_indices = @transform_3, window_bounds = array<i64: 1, 64>}, {pipeline_mode = #tpu.pipeline_mode<synchronous>, transform_indices = @transform_4, window_bounds = array<i64: 64, 64>}, {transform_indices = @transform_5, window_bounds = array<i64: 1000, 64>}, {transform_indices = @transform_6, window_bounds = array<i64: 1000, 64>}]} {
    %get3A = arith.constant 0 : index
    %get3A_0 = arith.constant 0 : index
    %get3A_1 = vector.load %arg3[%get3A, %get3A_0] : memref<1000x1xf32, #tpu.memory_space<vmem>>, vector<1000x1xf32>
    %get3A_2 = arith.constant 0 : index
    %get3A_3 = arith.constant 0 : index
    %get3A_4 = arith.constant 0 : index
    %get3A_5 = vector.load %arg1[%get3A_2, %get3A_3, %get3A_4] : memref<2x1000x64xf32, #tpu.memory_space<vmem>>, vector<1x1000x64xf32>
    %get3A_6 = vector.shape_cast %get3A_5 : vector<1x1000x64xf32> to vector<1000x64xf32>
    %get3A_7 = arith.constant 1 : index
    %get3A_8 = arith.constant 0 : index
    %get3A_9 = arith.constant 0 : index
    %get3A_10 = vector.load %arg1[%get3A_7, %get3A_8, %get3A_9] : memref<2x1000x64xf32, #tpu.memory_space<vmem>>, vector<1x1000x64xf32>
    %get3A_11 = vector.shape_cast %get3A_10 : vector<1x1000x64xf32> to vector<1000x64xf32>
    %add3A = arith.addf %get3A_6, %get3A_11 : vector<1000x64xf32>
    %get3A_12 = arith.constant 0 : index
    %get3A_13 = arith.constant 0 : index
    %get3A_14 = vector.load %arg2[%get3A_12, %get3A_13] : memref<1000x64xf32, #tpu.memory_space<vmem>>, vector<1000x64xf32>
    %add3A_15 = arith.addf %add3A, %get3A_14 : vector<1000x64xf32>
    %mul3A = vector.broadcast %get3A_1 : vector<1000x1xf32> to vector<1000x64xf32>
    %mul3A_16 = arith.mulf %mul3A, %add3A_15 : vector<1000x64xf32>
    %get3A_17 = arith.constant 0 : index
    %get3A_18 = arith.constant 0 : index
    %get3A_19 = vector.load %arg4[%get3A_17, %get3A_18] : memref<1x64xf32, #tpu.memory_space<vmem>>, vector<1x64xf32>
    %add3A_20 = vector.broadcast %get3A_19 : vector<1x64xf32> to vector<1000x64xf32>
    %add3A_21 = arith.addf %mul3A_16, %add3A_20 : vector<1000x64xf32>
    %max3A = arith.constant 0.000000e+00 : f32
    %max3A_22 = vector.broadcast %max3A : f32 to vector<1000x64xf32>
    %max3A_23 = arith.maximumf %add3A_21, %max3A_22 : vector<1000x64xf32>
    %swap3A = arith.constant 0 : index
    %swap3A_24 = arith.constant 0 : index
    %swap3A_25 = vector.load %arg6[%swap3A, %swap3A_24] : memref<1000x64xf32, #tpu.memory_space<vmem>>, vector<1000x64xf32>
    tpu.vector_store %arg6[%swap3A, %swap3A_24], %max3A_23 {strides = array<i32>} : memref<1000x64xf32, #tpu.memory_space<vmem>>, vector<1000x64xf32>,
    %get3A_26 = arith.constant 0 : index
    %get3A_27 = arith.constant 0 : index
    %get3A_28 = vector.load %arg5[%get3A_26, %get3A_27] : memref<64x64xf32, #tpu.memory_space<vmem>>, vector<64x64xf32>
    %dot_general3A = arith.constant dense<0.000000e+00> : vector<1000x64xf32>
    %dot_general3A_29 = tpu.matmul %max3A_23, %get3A_28, %dot_general3A {dimension_numbers = #tpu.dot_dimension_numbers<[1], [0], [0], [1], [0, 0, 1, 1], [], []>, transpose_lhs_hint = false} : vector<1000x64xf32>, vector<64x64xf32>, vector<1000x64xf32> -> vector<1000x64xf32>
    %get3A_30 = arith.constant 0 : index
    %get3A_31 = arith.constant 0 : index
    %get3A_32 = vector.load %arg3[%get3A_30, %get3A_31] : memref<1000x1xf32, #tpu.memory_space<vmem>>, vector<1000x1xf32>
    %mul3A_33 = vector.broadcast %get3A_32 : vector<1000x1xf32> to vector<1000x64xf32>
    %mul3A_34 = arith.mulf %dot_general3A_29, %mul3A_33 : vector<1000x64xf32>
    %swap3A_35 = arith.constant 0 : index
    %swap3A_36 = arith.constant 0 : index
    %swap3A_37 = vector.load %arg7[%swap3A_35, %swap3A_36] : memref<1000x64xf32, #tpu.memory_space<vmem>>, vector<1000x64xf32>
    tpu.vector_store %arg7[%swap3A_35, %swap3A_36], %mul3A_34 {strides = array<i32>} : memref<1000x64xf32, #tpu.memory_space<vmem>>, vector<1000x64xf32>,
    return
  }
  func.func @transform_0(%arg0: i32) -> (i32, i32, i32) {
    %c0_i32 = arith.constant 0 : i32
    %c0_i32_0 = arith.constant 0 : i32
    %c0_i32_1 = arith.constant 0 : i32
    return %c0_i32, %arg0, %c0_i32_0 : i32, i32, i32
  }
  func.func @transform_1(%arg0: i32) -> (i32, i32) {
    %c0_i32 = arith.constant 0 : i32
    %c0_i32_0 = arith.constant 0 : i32
    return %arg0, %c0_i32 : i32, i32
  }
  func.func @transform_2(%arg0: i32) -> (i32, i32) {
    %c0_i32 = arith.constant 0 : i32
    %c0_i32_0 = arith.constant 0 : i32
    return %arg0, %c0_i32 : i32, i32
  }
  func.func @transform_3(%arg0: i32) -> (i32, i32) {
    %c0_i32 = arith.constant 0 : i32
    %c0_i32_0 = arith.constant 0 : i32
    %c0_i32_1 = arith.constant 0 : i32
    return %c0_i32, %c0_i32_0 : i32, i32
  }
  func.func @transform_4(%arg0: i32) -> (i32, i32) {
    %c0_i32 = arith.constant 0 : i32
    %c0_i32_0 = arith.constant 0 : i32
    %c0_i32_1 = arith.constant 0 : i32
    return %c0_i32, %c0_i32_0 : i32, i32
  }
  func.func @transform_5(%arg0: i32) -> (i32, i32) {
    %c0_i32 = arith.constant 0 : i32
    %c0_i32_0 = arith.constant 0 : i32
    return %arg0, %c0_i32 : i32, i32
  }
  func.func @transform_6(%arg0: i32) -> (i32, i32) {
    %c0_i32 = arith.constant 0 : i32
    %c0_i32_0 = arith.constant 0 : i32
    return %arg0, %c0_i32 : i32, i32
  }
}

module attributes {stable_mosaic.version = 14 : i64} {
  func.func @_tc_score_body(%arg0: i32, %arg1: memref<2x1000x64xf32, #tpu.memory_space<vmem>>, %arg2: memref<1000x64xf32, #tpu.memory_space<vmem>>, %arg3: memref<1000x1xf32, #tpu.memory_space<vmem>>, %arg4: memref<1x64xf32, #tpu.memory_space<vmem>>, %arg5: memref<1000x64xf32, #tpu.memory_space<vmem>>, %arg6: memref<1000x64xf32, #tpu.memory_space<vmem>>, %arg7: memref<64x1xf32, #tpu.memory_space<vmem>>, %arg8: memref<64x1xf32, #tpu.memory_space<vmem>>, %arg9: memref<64x1xf32, #tpu.memory_space<vmem>>, %arg10: memref<1000x64xf32, #tpu.memory_space<vmem>>, %arg11: memref<1000x16xf32, #tpu.memory_space<vmem>>) attributes {dimension_semantics = [#tpu.dimension_semantics<arbitrary>], iteration_bounds = array<i64: 10>, scalar_prefetch = 0 : i64, scratch_operands = 0 : i64, tpu.core_type = #tpu.core_type<tc>, window_params = [{transform_indices = @transform_0, window_bounds = array<i64: 2, 1000, 64>}, {transform_indices = @transform_1, window_bounds = array<i64: 1000, 64>}, {transform_indices = @transform_2, window_bounds = array<i64: 1000, 1>}, {pipeline_mode = #tpu.pipeline_mode<synchronous>, transform_indices = @transform_3, window_bounds = array<i64: 1, 64>}, {transform_indices = @transform_4, window_bounds = array<i64: 1000, 64>}, {transform_indices = @transform_5, window_bounds = array<i64: 1000, 64>}, {pipeline_mode = #tpu.pipeline_mode<synchronous>, transform_indices = @transform_6, window_bounds = array<i64: 64, 1>}, {pipeline_mode = #tpu.pipeline_mode<synchronous>, transform_indices = @transform_7, window_bounds = array<i64: 64, 1>}, {pipeline_mode = #tpu.pipeline_mode<synchronous>, transform_indices = @transform_8, window_bounds = array<i64: 64, 1>}, {transform_indices = @transform_9, window_bounds = array<i64: 1000, 64>}, {transform_indices = @transform_10, window_bounds = array<i64: 1000, 16>}]} {
    %get3A = arith.constant 0 : index
    %get3A_0 = arith.constant 0 : index
    %get3A_1 = vector.load %arg3[%get3A, %get3A_0] : memref<1000x1xf32, #tpu.memory_space<vmem>>, vector<1000x1xf32>
    %get3A_2 = arith.constant 0 : index
    %get3A_3 = arith.constant 0 : index
    %get3A_4 = arith.constant 0 : index
    %get3A_5 = vector.load %arg1[%get3A_2, %get3A_3, %get3A_4] : memref<2x1000x64xf32, #tpu.memory_space<vmem>>, vector<1x1000x64xf32>
    %get3A_6 = vector.shape_cast %get3A_5 : vector<1x1000x64xf32> to vector<1000x64xf32>
    %get3A_7 = arith.constant 1 : index
    %get3A_8 = arith.constant 0 : index
    %get3A_9 = arith.constant 0 : index
    %get3A_10 = vector.load %arg1[%get3A_7, %get3A_8, %get3A_9] : memref<2x1000x64xf32, #tpu.memory_space<vmem>>, vector<1x1000x64xf32>
    %get3A_11 = vector.shape_cast %get3A_10 : vector<1x1000x64xf32> to vector<1000x64xf32>
    %add3A = arith.addf %get3A_6, %get3A_11 : vector<1000x64xf32>
    %get3A_12 = arith.constant 0 : index
    %get3A_13 = arith.constant 0 : index
    %get3A_14 = vector.load %arg2[%get3A_12, %get3A_13] : memref<1000x64xf32, #tpu.memory_space<vmem>>, vector<1000x64xf32>
    %add3A_15 = arith.addf %add3A, %get3A_14 : vector<1000x64xf32>
    %mul3A = vector.broadcast %get3A_1 : vector<1000x1xf32> to vector<1000x64xf32>
    %mul3A_16 = arith.mulf %mul3A, %add3A_15 : vector<1000x64xf32>
    %get3A_17 = arith.constant 0 : index
    %get3A_18 = arith.constant 0 : index
    %get3A_19 = vector.load %arg4[%get3A_17, %get3A_18] : memref<1x64xf32, #tpu.memory_space<vmem>>, vector<1x64xf32>
    %add3A_20 = vector.broadcast %get3A_19 : vector<1x64xf32> to vector<1000x64xf32>
    %add3A_21 = arith.addf %mul3A_16, %add3A_20 : vector<1000x64xf32>
    %max3A = arith.constant 0.000000e+00 : f32
    %max3A_22 = vector.broadcast %max3A : f32 to vector<1000x64xf32>
    %max3A_23 = arith.maximumf %add3A_21, %max3A_22 : vector<1000x64xf32>
    %swap3A = arith.constant 0 : index
    %swap3A_24 = arith.constant 0 : index
    %swap3A_25 = vector.load %arg10[%swap3A, %swap3A_24] : memref<1000x64xf32, #tpu.memory_space<vmem>>, vector<1000x64xf32>
    tpu.vector_store %arg10[%swap3A, %swap3A_24], %max3A_23 {strides = array<i32>} : memref<1000x64xf32, #tpu.memory_space<vmem>>, vector<1000x64xf32>,
    %get3A_26 = arith.constant 0 : index
    %get3A_27 = arith.constant 0 : index
    %get3A_28 = vector.load %arg5[%get3A_26, %get3A_27] : memref<1000x64xf32, #tpu.memory_space<vmem>>, vector<1000x64xf32>
    %get3A_29 = arith.constant 0 : index
    %get3A_30 = arith.constant 0 : index
    %get3A_31 = vector.load %arg7[%get3A_29, %get3A_30] : memref<64x1xf32, #tpu.memory_space<vmem>>, vector<64x1xf32>
    %dot_general3A = arith.constant dense<0.000000e+00> : vector<1000x1xf32>
    %dot_general3A_32 = tpu.matmul %get3A_28, %get3A_31, %dot_general3A {dimension_numbers = #tpu.dot_dimension_numbers<[1], [0], [0], [1], [0, 0, 1, 1], [], []>, transpose_lhs_hint = false} : vector<1000x64xf32>, vector<64x1xf32>, vector<1000x1xf32> -> vector<1000x1xf32>
    %get3A_33 = arith.constant 0 : index
    %get3A_34 = arith.constant 0 : index
    %get3A_35 = vector.load %arg6[%get3A_33, %get3A_34] : memref<1000x64xf32, #tpu.memory_space<vmem>>, vector<1000x64xf32>
    %get3A_36 = arith.constant 0 : index
    %get3A_37 = arith.constant 0 : index
    %get3A_38 = vector.load %arg8[%get3A_36, %get3A_37] : memref<64x1xf32, #tpu.memory_space<vmem>>, vector<64x1xf32>
    %dot_general3A_39 = arith.constant dense<0.000000e+00> : vector<1000x1xf32>
    %dot_general3A_40 = tpu.matmul %get3A_35, %get3A_38, %dot_general3A_39 {dimension_numbers = #tpu.dot_dimension_numbers<[1], [0], [0], [1], [0, 0, 1, 1], [], []>, transpose_lhs_hint = false} : vector<1000x64xf32>, vector<64x1xf32>, vector<1000x1xf32> -> vector<1000x1xf32>
    %add3A_41 = arith.addf %dot_general3A_32, %dot_general3A_40 : vector<1000x1xf32>
    %get3A_42 = arith.constant 0 : index
    %get3A_43 = arith.constant 0 : index
    %get3A_44 = vector.load %arg9[%get3A_42, %get3A_43] : memref<64x1xf32, #tpu.memory_space<vmem>>, vector<64x1xf32>
    %dot_general3A_45 = arith.constant dense<0.000000e+00> : vector<1000x1xf32>
    %dot_general3A_46 = tpu.matmul %max3A_23, %get3A_44, %dot_general3A_45 {dimension_numbers = #tpu.dot_dimension_numbers<[1], [0], [0], [1], [0, 0, 1, 1], [], []>, transpose_lhs_hint = false} : vector<1000x64xf32>, vector<64x1xf32>, vector<1000x1xf32> -> vector<1000x1xf32>
    %add3A_47 = arith.addf %add3A_41, %dot_general3A_46 : vector<1000x1xf32>
    %get3A_48 = arith.constant 0 : index
    %get3A_49 = arith.constant 0 : index
    %get3A_50 = vector.load %arg3[%get3A_48, %get3A_49] : memref<1000x1xf32, #tpu.memory_space<vmem>>, vector<1000x1xf32>
    %mul3A_51 = arith.mulf %add3A_47, %get3A_50 : vector<1000x1xf32>
    %broadcast_in_dim3A = vector.shape_cast %mul3A_51 : vector<1000x1xf32> to vector<1000x1xf32>
    %broadcast_in_dim3A_52 = vector.broadcast %broadcast_in_dim3A : vector<1000x1xf32> to vector<1000x16xf32>
    %swap3A_53 = arith.constant 0 : index
    %swap3A_54 = arith.constant 0 : index
    %swap3A_55 = vector.load %arg11[%swap3A_53, %swap3A_54] : memref<1000x16xf32, #tpu.memory_space<vmem>>, vector<1000x16xf32>
    tpu.vector_store %arg11[%swap3A_53, %swap3A_54], %broadcast_in_dim3A_52 {strides = array<i32>} : memref<1000x16xf32, #tpu.memory_space<vmem>>, vector<1000x16xf32>,
    return
  }
  func.func @transform_0(%arg0: i32) -> (i32, i32, i32) {
    %c0_i32 = arith.constant 0 : i32
    %c0_i32_0 = arith.constant 0 : i32
    %c0_i32_1 = arith.constant 0 : i32
    return %c0_i32, %arg0, %c0_i32_0 : i32, i32, i32
  }
  func.func @transform_1(%arg0: i32) -> (i32, i32) {
    %c0_i32 = arith.constant 0 : i32
    %c0_i32_0 = arith.constant 0 : i32
    return %arg0, %c0_i32 : i32, i32
  }
  func.func @transform_2(%arg0: i32) -> (i32, i32) {
    %c0_i32 = arith.constant 0 : i32
    %c0_i32_0 = arith.constant 0 : i32
    return %arg0, %c0_i32 : i32, i32
  }
  func.func @transform_3(%arg0: i32) -> (i32, i32) {
    %c0_i32 = arith.constant 0 : i32
    %c0_i32_0 = arith.constant 0 : i32
    %c0_i32_1 = arith.constant 0 : i32
    return %c0_i32, %c0_i32_0 : i32, i32
  }
  func.func @transform_4(%arg0: i32) -> (i32, i32) {
    %c0_i32 = arith.constant 0 : i32
    %c0_i32_0 = arith.constant 0 : i32
    return %arg0, %c0_i32 : i32, i32
  }
  func.func @transform_5(%arg0: i32) -> (i32, i32) {
    %c0_i32 = arith.constant 0 : i32
    %c0_i32_0 = arith.constant 0 : i32
    return %arg0, %c0_i32 : i32, i32
  }
  func.func @transform_6(%arg0: i32) -> (i32, i32) {
    %c0_i32 = arith.constant 0 : i32
    %c0_i32_0 = arith.constant 0 : i32
    %c0_i32_1 = arith.constant 0 : i32
    return %c0_i32, %c0_i32_0 : i32, i32
  }
  func.func @transform_7(%arg0: i32) -> (i32, i32) {
    %c0_i32 = arith.constant 0 : i32
    %c0_i32_0 = arith.constant 0 : i32
    %c0_i32_1 = arith.constant 0 : i32
    return %c0_i32, %c0_i32_0 : i32, i32
  }
  func.func @transform_8(%arg0: i32) -> (i32, i32) {
    %c0_i32 = arith.constant 0 : i32
    %c0_i32_0 = arith.constant 0 : i32
    %c0_i32_1 = arith.constant 0 : i32
    return %c0_i32, %c0_i32_0 : i32, i32
  }
  func.func @transform_9(%arg0: i32) -> (i32, i32) {
    %c0_i32 = arith.constant 0 : i32
    %c0_i32_0 = arith.constant 0 : i32
    return %arg0, %c0_i32 : i32, i32
  }
  func.func @transform_10(%arg0: i32) -> (i32, i32) {
    %c0_i32 = arith.constant 0 : i32
    %c0_i32_0 = arith.constant 0 : i32
    return %arg0, %c0_i32 : i32, i32
  }
}

module attributes {stable_mosaic.version = 14 : i64} {
  func.func @_tc_mask_body(%arg0: memref<2x8x1250xf32, #tpu.memory_space<vmem>>, %arg1: memref<8x1250xf32, #tpu.memory_space<vmem>>, %arg2: memref<8x1250xf32, #tpu.memory_space<vmem>>, %arg3: memref<1x1xf32, #tpu.memory_space<vmem>>, %arg4: memref<8x1250xf32, #tpu.memory_space<vmem>>, %arg5: memref<8x1250xf32, #tpu.memory_space<vmem>>) attributes {dimension_semantics = [], scalar_prefetch = 0 : i64, scratch_operands = 0 : i64, tpu.core_type = #tpu.core_type<tc>} {
    %get3A = arith.constant 0 : index
    %get3A_0 = arith.constant 0 : index
    %get3A_1 = vector.load %arg2[%get3A, %get3A_0] : memref<8x1250xf32, #tpu.memory_space<vmem>>, vector<8x1250xf32>
    %get3A_2 = arith.constant 0 : index
    %get3A_3 = arith.constant 0 : index
    %get3A_4 = arith.constant 0 : index
    %get3A_5 = vector.load %arg0[%get3A_2, %get3A_3, %get3A_4] : memref<2x8x1250xf32, #tpu.memory_space<vmem>>, vector<1x8x1250xf32>
    %get3A_6 = vector.shape_cast %get3A_5 : vector<1x8x1250xf32> to vector<8x1250xf32>
    %get3A_7 = arith.constant 1 : index
    %get3A_8 = arith.constant 0 : index
    %get3A_9 = arith.constant 0 : index
    %get3A_10 = vector.load %arg0[%get3A_7, %get3A_8, %get3A_9] : memref<2x8x1250xf32, #tpu.memory_space<vmem>>, vector<1x8x1250xf32>
    %get3A_11 = vector.shape_cast %get3A_10 : vector<1x8x1250xf32> to vector<8x1250xf32>
    %add3A = arith.addf %get3A_6, %get3A_11 : vector<8x1250xf32>
    %get3A_12 = arith.constant 0 : index
    %get3A_13 = arith.constant 0 : index
    %get3A_14 = vector.load %arg1[%get3A_12, %get3A_13] : memref<8x1250xf32, #tpu.memory_space<vmem>>, vector<8x1250xf32>
    %add3A_15 = arith.addf %add3A, %get3A_14 : vector<8x1250xf32>
    %mul3A = arith.mulf %get3A_1, %add3A_15 : vector<8x1250xf32>
    %get3A_16 = arith.constant 0 : index
    %get3A_17 = arith.constant 0 : index
    %get3A_18 = vector.load %arg3[%get3A_16, %get3A_17] : memref<1x1xf32, #tpu.memory_space<vmem>>, vector<1x1xf32>
    %add3A_19 = vector.broadcast %get3A_18 : vector<1x1xf32> to vector<8x1250xf32>
    %add3A_20 = arith.addf %mul3A, %add3A_19 : vector<8x1250xf32>
    %bitcast_convert_type3A = tpu.bitcast %add3A_20 : vector<8x1250xf32> -> vector<8x1250xi32>
    %ge3A = arith.constant -2147483648 : i32
    %ge3A_21 = vector.broadcast %ge3A : i32 to vector<8x1250xi32>
    %ge3A_22 = arith.cmpi uge, %bitcast_convert_type3A, %ge3A_21 : vector<8x1250xi32>
    %jit3A = arith.constant -1 : i32
    %jit3A_23 = arith.constant -2147483648 : i32
    %broadcast_in_dim3A = vector.broadcast %jit3A : i32 to vector<8x1250xi32>
    %broadcast_in_dim3A_24 = vector.broadcast %jit3A_23 : i32 to vector<8x1250xi32>
    %select_n3A = arith.select %ge3A_22, %broadcast_in_dim3A, %broadcast_in_dim3A_24 : vector<8x1250xi1>, vector<8x1250xi32>
    %xor3A = arith.xori %bitcast_convert_type3A, %select_n3A : vector<8x1250xi32>
    %broadcast_in_dim3A_25 = arith.constant 0 : i32
    %broadcast_in_dim3A_26 = vector.broadcast %broadcast_in_dim3A_25 : i32 to vector<8x1xi32>
    %or3A = arith.constant -2147483648 : i32
    %or3A_27 = vector.broadcast %or3A : i32 to vector<8x1xi32>
    %or3A_28 = arith.ori %broadcast_in_dim3A_26, %or3A_27 : vector<8x1xi32>
    %ge3A_29 = vector.broadcast %or3A_28 : vector<8x1xi32> to vector<8x1250xi32>
    %ge3A_30 = arith.cmpi uge, %xor3A, %ge3A_29 : vector<8x1250xi32>
    %convert_element_type3A = arith.extui %ge3A_30 : vector<8x1250xi1> to vector<8x1250xi32>
    %reduce_sum3A = arith.constant dense<0> : vector<8xi32>
    %reduce_sum3A_31 = vector.multi_reduction <add>, %convert_element_type3A, %reduce_sum3A [1] : vector<8x1250xi32> to vector<8xi32>
    %broadcast_in_dim3A_32 = vector.shape_cast %reduce_sum3A_31 : vector<8xi32> to vector<8x1xi32>
    %ge3A_33 = arith.constant 625 : i32
    %ge3A_34 = vector.broadcast %ge3A_33 : i32 to vector<8x1xi32>
    %ge3A_35 = arith.cmpi sge, %broadcast_in_dim3A_32, %ge3A_34 : vector<8x1xi32>
    %select_n3A_36 = arith.select %ge3A_35, %or3A_28, %broadcast_in_dim3A_26 : vector<8x1xi1>, vector<8x1xi32>
    %or3A_37 = arith.constant 1073741824 : i32
    %or3A_38 = vector.broadcast %or3A_37 : i32 to vector<8x1xi32>
    %or3A_39 = arith.ori %select_n3A_36, %or3A_38 : vector<8x1xi32>
    %ge3A_40 = vector.broadcast %or3A_39 : vector<8x1xi32> to vector<8x1250xi32>
    %ge3A_41 = arith.cmpi uge, %xor3A, %ge3A_40 : vector<8x1250xi32>
    %convert_element_type3A_42 = arith.extui %ge3A_41 : vector<8x1250xi1> to vector<8x1250xi32>
    %reduce_sum3A_43 = arith.constant dense<0> : vector<8xi32>
    %reduce_sum3A_44 = vector.multi_reduction <add>, %convert_element_type3A_42, %reduce_sum3A_43 [1] : vector<8x1250xi32> to vector<8xi32>
    %broadcast_in_dim3A_45 = vector.shape_cast %reduce_sum3A_44 : vector<8xi32> to vector<8x1xi32>
    %ge3A_46 = arith.constant 625 : i32
    %ge3A_47 = vector.broadcast %ge3A_46 : i32 to vector<8x1xi32>
    %ge3A_48 = arith.cmpi sge, %broadcast_in_dim3A_45, %ge3A_47 : vector<8x1xi32>
    %select_n3A_49 = arith.select %ge3A_48, %or3A_39, %select_n3A_36 : vector<8x1xi1>, vector<8x1xi32>
    %or3A_50 = arith.constant 536870912 : i32
    %or3A_51 = vector.broadcast %or3A_50 : i32 to vector<8x1xi32>
    %or3A_52 = arith.ori %select_n3A_49, %or3A_51 : vector<8x1xi32>
    %ge3A_53 = vector.broadcast %or3A_52 : vector<8x1xi32> to vector<8x1250xi32>
    %ge3A_54 = arith.cmpi uge, %xor3A, %ge3A_53 : vector<8x1250xi32>
    %convert_element_type3A_55 = arith.extui %ge3A_54 : vector<8x1250xi1> to vector<8x1250xi32>
    %reduce_sum3A_56 = arith.constant dense<0> : vector<8xi32>
    %reduce_sum3A_57 = vector.multi_reduction <add>, %convert_element_type3A_55, %reduce_sum3A_56 [1] : vector<8x1250xi32> to vector<8xi32>
    %broadcast_in_dim3A_58 = vector.shape_cast %reduce_sum3A_57 : vector<8xi32> to vector<8x1xi32>
    %ge3A_59 = arith.constant 625 : i32
    %ge3A_60 = vector.broadcast %ge3A_59 : i32 to vector<8x1xi32>
    %ge3A_61 = arith.cmpi sge, %broadcast_in_dim3A_58, %ge3A_60 : vector<8x1xi32>
    %select_n3A_62 = arith.select %ge3A_61, %or3A_52, %select_n3A_49 : vector<8x1xi1>, vector<8x1xi32>
    %or3A_63 = arith.constant 268435456 : i32
    %or3A_64 = vector.broadcast %or3A_63 : i32 to vector<8x1xi32>
    %or3A_65 = arith.ori %select_n3A_62, %or3A_64 : vector<8x1xi32>
    %ge3A_66 = vector.broadcast %or3A_65 : vector<8x1xi32> to vector<8x1250xi32>
    %ge3A_67 = arith.cmpi uge, %xor3A, %ge3A_66 : vector<8x1250xi32>
    %convert_element_type3A_68 = arith.extui %ge3A_67 : vector<8x1250xi1> to vector<8x1250xi32>
    %reduce_sum3A_69 = arith.constant dense<0> : vector<8xi32>
    %reduce_sum3A_70 = vector.multi_reduction <add>, %convert_element_type3A_68, %reduce_sum3A_69 [1] : vector<8x1250xi32> to vector<8xi32>
    %broadcast_in_dim3A_71 = vector.shape_cast %reduce_sum3A_70 : vector<8xi32> to vector<8x1xi32>
    %ge3A_72 = arith.constant 625 : i32
    %ge3A_73 = vector.broadcast %ge3A_72 : i32 to vector<8x1xi32>
    %ge3A_74 = arith.cmpi sge, %broadcast_in_dim3A_71, %ge3A_73 : vector<8x1xi32>
    %select_n3A_75 = arith.select %ge3A_74, %or3A_65, %select_n3A_62 : vector<8x1xi1>, vector<8x1xi32>
    %or3A_76 = arith.constant 134217728 : i32
    %or3A_77 = vector.broadcast %or3A_76 : i32 to vector<8x1xi32>
    %or3A_78 = arith.ori %select_n3A_75, %or3A_77 : vector<8x1xi32>
    %ge3A_79 = vector.broadcast %or3A_78 : vector<8x1xi32> to vector<8x1250xi32>
    %ge3A_80 = arith.cmpi uge, %xor3A, %ge3A_79 : vector<8x1250xi32>
    %convert_element_type3A_81 = arith.extui %ge3A_80 : vector<8x1250xi1> to vector<8x1250xi32>
    %reduce_sum3A_82 = arith.constant dense<0> : vector<8xi32>
    %reduce_sum3A_83 = vector.multi_reduction <add>, %convert_element_type3A_81, %reduce_sum3A_82 [1] : vector<8x1250xi32> to vector<8xi32>
    %broadcast_in_dim3A_84 = vector.shape_cast %reduce_sum3A_83 : vector<8xi32> to vector<8x1xi32>
    %ge3A_85 = arith.constant 625 : i32
    %ge3A_86 = vector.broadcast %ge3A_85 : i32 to vector<8x1xi32>
    %ge3A_87 = arith.cmpi sge, %broadcast_in_dim3A_84, %ge3A_86 : vector<8x1xi32>
    %select_n3A_88 = arith.select %ge3A_87, %or3A_78, %select_n3A_75 : vector<8x1xi1>, vector<8x1xi32>
    %or3A_89 = arith.constant 67108864 : i32
    %or3A_90 = vector.broadcast %or3A_89 : i32 to vector<8x1xi32>
    %or3A_91 = arith.ori %select_n3A_88, %or3A_90 : vector<8x1xi32>
    %ge3A_92 = vector.broadcast %or3A_91 : vector<8x1xi32> to vector<8x1250xi32>
    %ge3A_93 = arith.cmpi uge, %xor3A, %ge3A_92 : vector<8x1250xi32>
    %convert_element_type3A_94 = arith.extui %ge3A_93 : vector<8x1250xi1> to vector<8x1250xi32>
    %reduce_sum3A_95 = arith.constant dense<0> : vector<8xi32>
    %reduce_sum3A_96 = vector.multi_reduction <add>, %convert_element_type3A_94, %reduce_sum3A_95 [1] : vector<8x1250xi32> to vector<8xi32>
    %broadcast_in_dim3A_97 = vector.shape_cast %reduce_sum3A_96 : vector<8xi32> to vector<8x1xi32>
    %ge3A_98 = arith.constant 625 : i32
    %ge3A_99 = vector.broadcast %ge3A_98 : i32 to vector<8x1xi32>
    %ge3A_100 = arith.cmpi sge, %broadcast_in_dim3A_97, %ge3A_99 : vector<8x1xi32>
    %select_n3A_101 = arith.select %ge3A_100, %or3A_91, %select_n3A_88 : vector<8x1xi1>, vector<8x1xi32>
    %or3A_102 = arith.constant 33554432 : i32
    %or3A_103 = vector.broadcast %or3A_102 : i32 to vector<8x1xi32>
    %or3A_104 = arith.ori %select_n3A_101, %or3A_103 : vector<8x1xi32>
    %ge3A_105 = vector.broadcast %or3A_104 : vector<8x1xi32> to vector<8x1250xi32>
    %ge3A_106 = arith.cmpi uge, %xor3A, %ge3A_105 : vector<8x1250xi32>
    %convert_element_type3A_107 = arith.extui %ge3A_106 : vector<8x1250xi1> to vector<8x1250xi32>
    %reduce_sum3A_108 = arith.constant dense<0> : vector<8xi32>
    %reduce_sum3A_109 = vector.multi_reduction <add>, %convert_element_type3A_107, %reduce_sum3A_108 [1] : vector<8x1250xi32> to vector<8xi32>
    %broadcast_in_dim3A_110 = vector.shape_cast %reduce_sum3A_109 : vector<8xi32> to vector<8x1xi32>
    %ge3A_111 = arith.constant 625 : i32
    %ge3A_112 = vector.broadcast %ge3A_111 : i32 to vector<8x1xi32>
    %ge3A_113 = arith.cmpi sge, %broadcast_in_dim3A_110, %ge3A_112 : vector<8x1xi32>
    %select_n3A_114 = arith.select %ge3A_113, %or3A_104, %select_n3A_101 : vector<8x1xi1>, vector<8x1xi32>
    %or3A_115 = arith.constant 16777216 : i32
    %or3A_116 = vector.broadcast %or3A_115 : i32 to vector<8x1xi32>
    %or3A_117 = arith.ori %select_n3A_114, %or3A_116 : vector<8x1xi32>
    %ge3A_118 = vector.broadcast %or3A_117 : vector<8x1xi32> to vector<8x1250xi32>
    %ge3A_119 = arith.cmpi uge, %xor3A, %ge3A_118 : vector<8x1250xi32>
    %convert_element_type3A_120 = arith.extui %ge3A_119 : vector<8x1250xi1> to vector<8x1250xi32>
    %reduce_sum3A_121 = arith.constant dense<0> : vector<8xi32>
    %reduce_sum3A_122 = vector.multi_reduction <add>, %convert_element_type3A_120, %reduce_sum3A_121 [1] : vector<8x1250xi32> to vector<8xi32>
    %broadcast_in_dim3A_123 = vector.shape_cast %reduce_sum3A_122 : vector<8xi32> to vector<8x1xi32>
    %ge3A_124 = arith.constant 625 : i32
    %ge3A_125 = vector.broadcast %ge3A_124 : i32 to vector<8x1xi32>
    %ge3A_126 = arith.cmpi sge, %broadcast_in_dim3A_123, %ge3A_125 : vector<8x1xi32>
    %select_n3A_127 = arith.select %ge3A_126, %or3A_117, %select_n3A_114 : vector<8x1xi1>, vector<8x1xi32>
    %or3A_128 = arith.constant 8388608 : i32
    %or3A_129 = vector.broadcast %or3A_128 : i32 to vector<8x1xi32>
    %or3A_130 = arith.ori %select_n3A_127, %or3A_129 : vector<8x1xi32>
    %ge3A_131 = vector.broadcast %or3A_130 : vector<8x1xi32> to vector<8x1250xi32>
    %ge3A_132 = arith.cmpi uge, %xor3A, %ge3A_131 : vector<8x1250xi32>
    %convert_element_type3A_133 = arith.extui %ge3A_132 : vector<8x1250xi1> to vector<8x1250xi32>
    %reduce_sum3A_134 = arith.constant dense<0> : vector<8xi32>
    %reduce_sum3A_135 = vector.multi_reduction <add>, %convert_element_type3A_133, %reduce_sum3A_134 [1] : vector<8x1250xi32> to vector<8xi32>
    %broadcast_in_dim3A_136 = vector.shape_cast %reduce_sum3A_135 : vector<8xi32> to vector<8x1xi32>
    %ge3A_137 = arith.constant 625 : i32
    %ge3A_138 = vector.broadcast %ge3A_137 : i32 to vector<8x1xi32>
    %ge3A_139 = arith.cmpi sge, %broadcast_in_dim3A_136, %ge3A_138 : vector<8x1xi32>
    %select_n3A_140 = arith.select %ge3A_139, %or3A_130, %select_n3A_127 : vector<8x1xi1>, vector<8x1xi32>
    %or3A_141 = arith.constant 4194304 : i32
    %or3A_142 = vector.broadcast %or3A_141 : i32 to vector<8x1xi32>
    %or3A_143 = arith.ori %select_n3A_140, %or3A_142 : vector<8x1xi32>
    %ge3A_144 = vector.broadcast %or3A_143 : vector<8x1xi32> to vector<8x1250xi32>
    %ge3A_145 = arith.cmpi uge, %xor3A, %ge3A_144 : vector<8x1250xi32>
    %convert_element_type3A_146 = arith.extui %ge3A_145 : vector<8x1250xi1> to vector<8x1250xi32>
    %reduce_sum3A_147 = arith.constant dense<0> : vector<8xi32>
    %reduce_sum3A_148 = vector.multi_reduction <add>, %convert_element_type3A_146, %reduce_sum3A_147 [1] : vector<8x1250xi32> to vector<8xi32>
    %broadcast_in_dim3A_149 = vector.shape_cast %reduce_sum3A_148 : vector<8xi32> to vector<8x1xi32>
    %ge3A_150 = arith.constant 625 : i32
    %ge3A_151 = vector.broadcast %ge3A_150 : i32 to vector<8x1xi32>
    %ge3A_152 = arith.cmpi sge, %broadcast_in_dim3A_149, %ge3A_151 : vector<8x1xi32>
    %select_n3A_153 = arith.select %ge3A_152, %or3A_143, %select_n3A_140 : vector<8x1xi1>, vector<8x1xi32>
    %or3A_154 = arith.constant 2097152 : i32
    %or3A_155 = vector.broadcast %or3A_154 : i32 to vector<8x1xi32>
    %or3A_156 = arith.ori %select_n3A_153, %or3A_155 : vector<8x1xi32>
    %ge3A_157 = vector.broadcast %or3A_156 : vector<8x1xi32> to vector<8x1250xi32>
    %ge3A_158 = arith.cmpi uge, %xor3A, %ge3A_157 : vector<8x1250xi32>
    %convert_element_type3A_159 = arith.extui %ge3A_158 : vector<8x1250xi1> to vector<8x1250xi32>
    %reduce_sum3A_160 = arith.constant dense<0> : vector<8xi32>
    %reduce_sum3A_161 = vector.multi_reduction <add>, %convert_element_type3A_159, %reduce_sum3A_160 [1] : vector<8x1250xi32> to vector<8xi32>
    %broadcast_in_dim3A_162 = vector.shape_cast %reduce_sum3A_161 : vector<8xi32> to vector<8x1xi32>
    %ge3A_163 = arith.constant 625 : i32
    %ge3A_164 = vector.broadcast %ge3A_163 : i32 to vector<8x1xi32>
    %ge3A_165 = arith.cmpi sge, %broadcast_in_dim3A_162, %ge3A_164 : vector<8x1xi32>
    %select_n3A_166 = arith.select %ge3A_165, %or3A_156, %select_n3A_153 : vector<8x1xi1>, vector<8x1xi32>
    %or3A_167 = arith.constant 1048576 : i32
    %or3A_168 = vector.broadcast %or3A_167 : i32 to vector<8x1xi32>
    %or3A_169 = arith.ori %select_n3A_166, %or3A_168 : vector<8x1xi32>
    %ge3A_170 = vector.broadcast %or3A_169 : vector<8x1xi32> to vector<8x1250xi32>
    %ge3A_171 = arith.cmpi uge, %xor3A, %ge3A_170 : vector<8x1250xi32>
    %convert_element_type3A_172 = arith.extui %ge3A_171 : vector<8x1250xi1> to vector<8x1250xi32>
    %reduce_sum3A_173 = arith.constant dense<0> : vector<8xi32>
    %reduce_sum3A_174 = vector.multi_reduction <add>, %convert_element_type3A_172, %reduce_sum3A_173 [1] : vector<8x1250xi32> to vector<8xi32>
    %broadcast_in_dim3A_175 = vector.shape_cast %reduce_sum3A_174 : vector<8xi32> to vector<8x1xi32>
    %ge3A_176 = arith.constant 625 : i32
    %ge3A_177 = vector.broadcast %ge3A_176 : i32 to vector<8x1xi32>
    %ge3A_178 = arith.cmpi sge, %broadcast_in_dim3A_175, %ge3A_177 : vector<8x1xi32>
    %select_n3A_179 = arith.select %ge3A_178, %or3A_169, %select_n3A_166 : vector<8x1xi1>, vector<8x1xi32>
    %or3A_180 = arith.constant 524288 : i32
    %or3A_181 = vector.broadcast %or3A_180 : i32 to vector<8x1xi32>
    %or3A_182 = arith.ori %select_n3A_179, %or3A_181 : vector<8x1xi32>
    %ge3A_183 = vector.broadcast %or3A_182 : vector<8x1xi32> to vector<8x1250xi32>
    %ge3A_184 = arith.cmpi uge, %xor3A, %ge3A_183 : vector<8x1250xi32>
    %convert_element_type3A_185 = arith.extui %ge3A_184 : vector<8x1250xi1> to vector<8x1250xi32>
    %reduce_sum3A_186 = arith.constant dense<0> : vector<8xi32>
    %reduce_sum3A_187 = vector.multi_reduction <add>, %convert_element_type3A_185, %reduce_sum3A_186 [1] : vector<8x1250xi32> to vector<8xi32>
    %broadcast_in_dim3A_188 = vector.shape_cast %reduce_sum3A_187 : vector<8xi32> to vector<8x1xi32>
    %ge3A_189 = arith.constant 625 : i32
    %ge3A_190 = vector.broadcast %ge3A_189 : i32 to vector<8x1xi32>
    %ge3A_191 = arith.cmpi sge, %broadcast_in_dim3A_188, %ge3A_190 : vector<8x1xi32>
    %select_n3A_192 = arith.select %ge3A_191, %or3A_182, %select_n3A_179 : vector<8x1xi1>, vector<8x1xi32>
    %or3A_193 = arith.constant 262144 : i32
    %or3A_194 = vector.broadcast %or3A_193 : i32 to vector<8x1xi32>
    %or3A_195 = arith.ori %select_n3A_192, %or3A_194 : vector<8x1xi32>
    %ge3A_196 = vector.broadcast %or3A_195 : vector<8x1xi32> to vector<8x1250xi32>
    %ge3A_197 = arith.cmpi uge, %xor3A, %ge3A_196 : vector<8x1250xi32>
    %convert_element_type3A_198 = arith.extui %ge3A_197 : vector<8x1250xi1> to vector<8x1250xi32>
    %reduce_sum3A_199 = arith.constant dense<0> : vector<8xi32>
    %reduce_sum3A_200 = vector.multi_reduction <add>, %convert_element_type3A_198, %reduce_sum3A_199 [1] : vector<8x1250xi32> to vector<8xi32>
    %broadcast_in_dim3A_201 = vector.shape_cast %reduce_sum3A_200 : vector<8xi32> to vector<8x1xi32>
    %ge3A_202 = arith.constant 625 : i32
    %ge3A_203 = vector.broadcast %ge3A_202 : i32 to vector<8x1xi32>
    %ge3A_204 = arith.cmpi sge, %broadcast_in_dim3A_201, %ge3A_203 : vector<8x1xi32>
    %select_n3A_205 = arith.select %ge3A_204, %or3A_195, %select_n3A_192 : vector<8x1xi1>, vector<8x1xi32>
    %or3A_206 = arith.constant 131072 : i32
    %or3A_207 = vector.broadcast %or3A_206 : i32 to vector<8x1xi32>
    %or3A_208 = arith.ori %select_n3A_205, %or3A_207 : vector<8x1xi32>
    %ge3A_209 = vector.broadcast %or3A_208 : vector<8x1xi32> to vector<8x1250xi32>
    %ge3A_210 = arith.cmpi uge, %xor3A, %ge3A_209 : vector<8x1250xi32>
    %convert_element_type3A_211 = arith.extui %ge3A_210 : vector<8x1250xi1> to vector<8x1250xi32>
    %reduce_sum3A_212 = arith.constant dense<0> : vector<8xi32>
    %reduce_sum3A_213 = vector.multi_reduction <add>, %convert_element_type3A_211, %reduce_sum3A_212 [1] : vector<8x1250xi32> to vector<8xi32>
    %broadcast_in_dim3A_214 = vector.shape_cast %reduce_sum3A_213 : vector<8xi32> to vector<8x1xi32>
    %ge3A_215 = arith.constant 625 : i32
    %ge3A_216 = vector.broadcast %ge3A_215 : i32 to vector<8x1xi32>
    %ge3A_217 = arith.cmpi sge, %broadcast_in_dim3A_214, %ge3A_216 : vector<8x1xi32>
    %select_n3A_218 = arith.select %ge3A_217, %or3A_208, %select_n3A_205 : vector<8x1xi1>, vector<8x1xi32>
    %or3A_219 = arith.constant 65536 : i32
    %or3A_220 = vector.broadcast %or3A_219 : i32 to vector<8x1xi32>
    %or3A_221 = arith.ori %select_n3A_218, %or3A_220 : vector<8x1xi32>
    %ge3A_222 = vector.broadcast %or3A_221 : vector<8x1xi32> to vector<8x1250xi32>
    %ge3A_223 = arith.cmpi uge, %xor3A, %ge3A_222 : vector<8x1250xi32>
    %convert_element_type3A_224 = arith.extui %ge3A_223 : vector<8x1250xi1> to vector<8x1250xi32>
    %reduce_sum3A_225 = arith.constant dense<0> : vector<8xi32>
    %reduce_sum3A_226 = vector.multi_reduction <add>, %convert_element_type3A_224, %reduce_sum3A_225 [1] : vector<8x1250xi32> to vector<8xi32>
    %broadcast_in_dim3A_227 = vector.shape_cast %reduce_sum3A_226 : vector<8xi32> to vector<8x1xi32>
    %ge3A_228 = arith.constant 625 : i32
    %ge3A_229 = vector.broadcast %ge3A_228 : i32 to vector<8x1xi32>
    %ge3A_230 = arith.cmpi sge, %broadcast_in_dim3A_227, %ge3A_229 : vector<8x1xi32>
    %select_n3A_231 = arith.select %ge3A_230, %or3A_221, %select_n3A_218 : vector<8x1xi1>, vector<8x1xi32>
    %or3A_232 = arith.constant 32768 : i32
    %or3A_233 = vector.broadcast %or3A_232 : i32 to vector<8x1xi32>
    %or3A_234 = arith.ori %select_n3A_231, %or3A_233 : vector<8x1xi32>
    %ge3A_235 = vector.broadcast %or3A_234 : vector<8x1xi32> to vector<8x1250xi32>
    %ge3A_236 = arith.cmpi uge, %xor3A, %ge3A_235 : vector<8x1250xi32>
    %convert_element_type3A_237 = arith.extui %ge3A_236 : vector<8x1250xi1> to vector<8x1250xi32>
    %reduce_sum3A_238 = arith.constant dense<0> : vector<8xi32>
    %reduce_sum3A_239 = vector.multi_reduction <add>, %convert_element_type3A_237, %reduce_sum3A_238 [1] : vector<8x1250xi32> to vector<8xi32>
    %broadcast_in_dim3A_240 = vector.shape_cast %reduce_sum3A_239 : vector<8xi32> to vector<8x1xi32>
    %ge3A_241 = arith.constant 625 : i32
    %ge3A_242 = vector.broadcast %ge3A_241 : i32 to vector<8x1xi32>
    %ge3A_243 = arith.cmpi sge, %broadcast_in_dim3A_240, %ge3A_242 : vector<8x1xi32>
    %select_n3A_244 = arith.select %ge3A_243, %or3A_234, %select_n3A_231 : vector<8x1xi1>, vector<8x1xi32>
    %or3A_245 = arith.constant 16384 : i32
    %or3A_246 = vector.broadcast %or3A_245 : i32 to vector<8x1xi32>
    %or3A_247 = arith.ori %select_n3A_244, %or3A_246 : vector<8x1xi32>
    %ge3A_248 = vector.broadcast %or3A_247 : vector<8x1xi32> to vector<8x1250xi32>
    %ge3A_249 = arith.cmpi uge, %xor3A, %ge3A_248 : vector<8x1250xi32>
    %convert_element_type3A_250 = arith.extui %ge3A_249 : vector<8x1250xi1> to vector<8x1250xi32>
    %reduce_sum3A_251 = arith.constant dense<0> : vector<8xi32>
    %reduce_sum3A_252 = vector.multi_reduction <add>, %convert_element_type3A_250, %reduce_sum3A_251 [1] : vector<8x1250xi32> to vector<8xi32>
    %broadcast_in_dim3A_253 = vector.shape_cast %reduce_sum3A_252 : vector<8xi32> to vector<8x1xi32>
    %ge3A_254 = arith.constant 625 : i32
    %ge3A_255 = vector.broadcast %ge3A_254 : i32 to vector<8x1xi32>
    %ge3A_256 = arith.cmpi sge, %broadcast_in_dim3A_253, %ge3A_255 : vector<8x1xi32>
    %select_n3A_257 = arith.select %ge3A_256, %or3A_247, %select_n3A_244 : vector<8x1xi1>, vector<8x1xi32>
    %or3A_258 = arith.constant 8192 : i32
    %or3A_259 = vector.broadcast %or3A_258 : i32 to vector<8x1xi32>
    %or3A_260 = arith.ori %select_n3A_257, %or3A_259 : vector<8x1xi32>
    %ge3A_261 = vector.broadcast %or3A_260 : vector<8x1xi32> to vector<8x1250xi32>
    %ge3A_262 = arith.cmpi uge, %xor3A, %ge3A_261 : vector<8x1250xi32>
    %convert_element_type3A_263 = arith.extui %ge3A_262 : vector<8x1250xi1> to vector<8x1250xi32>
    %reduce_sum3A_264 = arith.constant dense<0> : vector<8xi32>
    %reduce_sum3A_265 = vector.multi_reduction <add>, %convert_element_type3A_263, %reduce_sum3A_264 [1] : vector<8x1250xi32> to vector<8xi32>
    %broadcast_in_dim3A_266 = vector.shape_cast %reduce_sum3A_265 : vector<8xi32> to vector<8x1xi32>
    %ge3A_267 = arith.constant 625 : i32
    %ge3A_268 = vector.broadcast %ge3A_267 : i32 to vector<8x1xi32>
    %ge3A_269 = arith.cmpi sge, %broadcast_in_dim3A_266, %ge3A_268 : vector<8x1xi32>
    %select_n3A_270 = arith.select %ge3A_269, %or3A_260, %select_n3A_257 : vector<8x1xi1>, vector<8x1xi32>
    %or3A_271 = arith.constant 4096 : i32
    %or3A_272 = vector.broadcast %or3A_271 : i32 to vector<8x1xi32>
    %or3A_273 = arith.ori %select_n3A_270, %or3A_272 : vector<8x1xi32>
    %ge3A_274 = vector.broadcast %or3A_273 : vector<8x1xi32> to vector<8x1250xi32>
    %ge3A_275 = arith.cmpi uge, %xor3A, %ge3A_274 : vector<8x1250xi32>
    %convert_element_type3A_276 = arith.extui %ge3A_275 : vector<8x1250xi1> to vector<8x1250xi32>
    %reduce_sum3A_277 = arith.constant dense<0> : vector<8xi32>
    %reduce_sum3A_278 = vector.multi_reduction <add>, %convert_element_type3A_276, %reduce_sum3A_277 [1] : vector<8x1250xi32> to vector<8xi32>
    %broadcast_in_dim3A_279 = vector.shape_cast %reduce_sum3A_278 : vector<8xi32> to vector<8x1xi32>
    %ge3A_280 = arith.constant 625 : i32
    %ge3A_281 = vector.broadcast %ge3A_280 : i32 to vector<8x1xi32>
    %ge3A_282 = arith.cmpi sge, %broadcast_in_dim3A_279, %ge3A_281 : vector<8x1xi32>
    %select_n3A_283 = arith.select %ge3A_282, %or3A_273, %select_n3A_270 : vector<8x1xi1>, vector<8x1xi32>
    %or3A_284 = arith.constant 2048 : i32
    %or3A_285 = vector.broadcast %or3A_284 : i32 to vector<8x1xi32>
    %or3A_286 = arith.ori %select_n3A_283, %or3A_285 : vector<8x1xi32>
    %ge3A_287 = vector.broadcast %or3A_286 : vector<8x1xi32> to vector<8x1250xi32>
    %ge3A_288 = arith.cmpi uge, %xor3A, %ge3A_287 : vector<8x1250xi32>
    %convert_element_type3A_289 = arith.extui %ge3A_288 : vector<8x1250xi1> to vector<8x1250xi32>
    %reduce_sum3A_290 = arith.constant dense<0> : vector<8xi32>
    %reduce_sum3A_291 = vector.multi_reduction <add>, %convert_element_type3A_289, %reduce_sum3A_290 [1] : vector<8x1250xi32> to vector<8xi32>
    %broadcast_in_dim3A_292 = vector.shape_cast %reduce_sum3A_291 : vector<8xi32> to vector<8x1xi32>
    %ge3A_293 = arith.constant 625 : i32
    %ge3A_294 = vector.broadcast %ge3A_293 : i32 to vector<8x1xi32>
    %ge3A_295 = arith.cmpi sge, %broadcast_in_dim3A_292, %ge3A_294 : vector<8x1xi32>
    %select_n3A_296 = arith.select %ge3A_295, %or3A_286, %select_n3A_283 : vector<8x1xi1>, vector<8x1xi32>
    %or3A_297 = arith.constant 1024 : i32
    %or3A_298 = vector.broadcast %or3A_297 : i32 to vector<8x1xi32>
    %or3A_299 = arith.ori %select_n3A_296, %or3A_298 : vector<8x1xi32>
    %ge3A_300 = vector.broadcast %or3A_299 : vector<8x1xi32> to vector<8x1250xi32>
    %ge3A_301 = arith.cmpi uge, %xor3A, %ge3A_300 : vector<8x1250xi32>
    %convert_element_type3A_302 = arith.extui %ge3A_301 : vector<8x1250xi1> to vector<8x1250xi32>
    %reduce_sum3A_303 = arith.constant dense<0> : vector<8xi32>
    %reduce_sum3A_304 = vector.multi_reduction <add>, %convert_element_type3A_302, %reduce_sum3A_303 [1] : vector<8x1250xi32> to vector<8xi32>
    %broadcast_in_dim3A_305 = vector.shape_cast %reduce_sum3A_304 : vector<8xi32> to vector<8x1xi32>
    %ge3A_306 = arith.constant 625 : i32
    %ge3A_307 = vector.broadcast %ge3A_306 : i32 to vector<8x1xi32>
    %ge3A_308 = arith.cmpi sge, %broadcast_in_dim3A_305, %ge3A_307 : vector<8x1xi32>
    %select_n3A_309 = arith.select %ge3A_308, %or3A_299, %select_n3A_296 : vector<8x1xi1>, vector<8x1xi32>
    %or3A_310 = arith.constant 512 : i32
    %or3A_311 = vector.broadcast %or3A_310 : i32 to vector<8x1xi32>
    %or3A_312 = arith.ori %select_n3A_309, %or3A_311 : vector<8x1xi32>
    %ge3A_313 = vector.broadcast %or3A_312 : vector<8x1xi32> to vector<8x1250xi32>
    %ge3A_314 = arith.cmpi uge, %xor3A, %ge3A_313 : vector<8x1250xi32>
    %convert_element_type3A_315 = arith.extui %ge3A_314 : vector<8x1250xi1> to vector<8x1250xi32>
    %reduce_sum3A_316 = arith.constant dense<0> : vector<8xi32>
    %reduce_sum3A_317 = vector.multi_reduction <add>, %convert_element_type3A_315, %reduce_sum3A_316 [1] : vector<8x1250xi32> to vector<8xi32>
    %broadcast_in_dim3A_318 = vector.shape_cast %reduce_sum3A_317 : vector<8xi32> to vector<8x1xi32>
    %ge3A_319 = arith.constant 625 : i32
    %ge3A_320 = vector.broadcast %ge3A_319 : i32 to vector<8x1xi32>
    %ge3A_321 = arith.cmpi sge, %broadcast_in_dim3A_318, %ge3A_320 : vector<8x1xi32>
    %select_n3A_322 = arith.select %ge3A_321, %or3A_312, %select_n3A_309 : vector<8x1xi1>, vector<8x1xi32>
    %or3A_323 = arith.constant 256 : i32
    %or3A_324 = vector.broadcast %or3A_323 : i32 to vector<8x1xi32>
    %or3A_325 = arith.ori %select_n3A_322, %or3A_324 : vector<8x1xi32>
    %ge3A_326 = vector.broadcast %or3A_325 : vector<8x1xi32> to vector<8x1250xi32>
    %ge3A_327 = arith.cmpi uge, %xor3A, %ge3A_326 : vector<8x1250xi32>
    %convert_element_type3A_328 = arith.extui %ge3A_327 : vector<8x1250xi1> to vector<8x1250xi32>
    %reduce_sum3A_329 = arith.constant dense<0> : vector<8xi32>
    %reduce_sum3A_330 = vector.multi_reduction <add>, %convert_element_type3A_328, %reduce_sum3A_329 [1] : vector<8x1250xi32> to vector<8xi32>
    %broadcast_in_dim3A_331 = vector.shape_cast %reduce_sum3A_330 : vector<8xi32> to vector<8x1xi32>
    %ge3A_332 = arith.constant 625 : i32
    %ge3A_333 = vector.broadcast %ge3A_332 : i32 to vector<8x1xi32>
    %ge3A_334 = arith.cmpi sge, %broadcast_in_dim3A_331, %ge3A_333 : vector<8x1xi32>
    %select_n3A_335 = arith.select %ge3A_334, %or3A_325, %select_n3A_322 : vector<8x1xi1>, vector<8x1xi32>
    %or3A_336 = arith.constant 128 : i32
    %or3A_337 = vector.broadcast %or3A_336 : i32 to vector<8x1xi32>
    %or3A_338 = arith.ori %select_n3A_335, %or3A_337 : vector<8x1xi32>
    %ge3A_339 = vector.broadcast %or3A_338 : vector<8x1xi32> to vector<8x1250xi32>
    %ge3A_340 = arith.cmpi uge, %xor3A, %ge3A_339 : vector<8x1250xi32>
    %convert_element_type3A_341 = arith.extui %ge3A_340 : vector<8x1250xi1> to vector<8x1250xi32>
    %reduce_sum3A_342 = arith.constant dense<0> : vector<8xi32>
    %reduce_sum3A_343 = vector.multi_reduction <add>, %convert_element_type3A_341, %reduce_sum3A_342 [1] : vector<8x1250xi32> to vector<8xi32>
    %broadcast_in_dim3A_344 = vector.shape_cast %reduce_sum3A_343 : vector<8xi32> to vector<8x1xi32>
    %ge3A_345 = arith.constant 625 : i32
    %ge3A_346 = vector.broadcast %ge3A_345 : i32 to vector<8x1xi32>
    %ge3A_347 = arith.cmpi sge, %broadcast_in_dim3A_344, %ge3A_346 : vector<8x1xi32>
    %select_n3A_348 = arith.select %ge3A_347, %or3A_338, %select_n3A_335 : vector<8x1xi1>, vector<8x1xi32>
    %or3A_349 = arith.constant 64 : i32
    %or3A_350 = vector.broadcast %or3A_349 : i32 to vector<8x1xi32>
    %or3A_351 = arith.ori %select_n3A_348, %or3A_350 : vector<8x1xi32>
    %ge3A_352 = vector.broadcast %or3A_351 : vector<8x1xi32> to vector<8x1250xi32>
    %ge3A_353 = arith.cmpi uge, %xor3A, %ge3A_352 : vector<8x1250xi32>
    %convert_element_type3A_354 = arith.extui %ge3A_353 : vector<8x1250xi1> to vector<8x1250xi32>
    %reduce_sum3A_355 = arith.constant dense<0> : vector<8xi32>
    %reduce_sum3A_356 = vector.multi_reduction <add>, %convert_element_type3A_354, %reduce_sum3A_355 [1] : vector<8x1250xi32> to vector<8xi32>
    %broadcast_in_dim3A_357 = vector.shape_cast %reduce_sum3A_356 : vector<8xi32> to vector<8x1xi32>
    %ge3A_358 = arith.constant 625 : i32
    %ge3A_359 = vector.broadcast %ge3A_358 : i32 to vector<8x1xi32>
    %ge3A_360 = arith.cmpi sge, %broadcast_in_dim3A_357, %ge3A_359 : vector<8x1xi32>
    %select_n3A_361 = arith.select %ge3A_360, %or3A_351, %select_n3A_348 : vector<8x1xi1>, vector<8x1xi32>
    %or3A_362 = arith.constant 32 : i32
    %or3A_363 = vector.broadcast %or3A_362 : i32 to vector<8x1xi32>
    %or3A_364 = arith.ori %select_n3A_361, %or3A_363 : vector<8x1xi32>
    %ge3A_365 = vector.broadcast %or3A_364 : vector<8x1xi32> to vector<8x1250xi32>
    %ge3A_366 = arith.cmpi uge, %xor3A, %ge3A_365 : vector<8x1250xi32>
    %convert_element_type3A_367 = arith.extui %ge3A_366 : vector<8x1250xi1> to vector<8x1250xi32>
    %reduce_sum3A_368 = arith.constant dense<0> : vector<8xi32>
    %reduce_sum3A_369 = vector.multi_reduction <add>, %convert_element_type3A_367, %reduce_sum3A_368 [1] : vector<8x1250xi32> to vector<8xi32>
    %broadcast_in_dim3A_370 = vector.shape_cast %reduce_sum3A_369 : vector<8xi32> to vector<8x1xi32>
    %ge3A_371 = arith.constant 625 : i32
    %ge3A_372 = vector.broadcast %ge3A_371 : i32 to vector<8x1xi32>
    %ge3A_373 = arith.cmpi sge, %broadcast_in_dim3A_370, %ge3A_372 : vector<8x1xi32>
    %select_n3A_374 = arith.select %ge3A_373, %or3A_364, %select_n3A_361 : vector<8x1xi1>, vector<8x1xi32>
    %or3A_375 = arith.constant 16 : i32
    %or3A_376 = vector.broadcast %or3A_375 : i32 to vector<8x1xi32>
    %or3A_377 = arith.ori %select_n3A_374, %or3A_376 : vector<8x1xi32>
    %ge3A_378 = vector.broadcast %or3A_377 : vector<8x1xi32> to vector<8x1250xi32>
    %ge3A_379 = arith.cmpi uge, %xor3A, %ge3A_378 : vector<8x1250xi32>
    %convert_element_type3A_380 = arith.extui %ge3A_379 : vector<8x1250xi1> to vector<8x1250xi32>
    %reduce_sum3A_381 = arith.constant dense<0> : vector<8xi32>
    %reduce_sum3A_382 = vector.multi_reduction <add>, %convert_element_type3A_380, %reduce_sum3A_381 [1] : vector<8x1250xi32> to vector<8xi32>
    %broadcast_in_dim3A_383 = vector.shape_cast %reduce_sum3A_382 : vector<8xi32> to vector<8x1xi32>
    %ge3A_384 = arith.constant 625 : i32
    %ge3A_385 = vector.broadcast %ge3A_384 : i32 to vector<8x1xi32>
    %ge3A_386 = arith.cmpi sge, %broadcast_in_dim3A_383, %ge3A_385 : vector<8x1xi32>
    %select_n3A_387 = arith.select %ge3A_386, %or3A_377, %select_n3A_374 : vector<8x1xi1>, vector<8x1xi32>
    %or3A_388 = arith.constant 8 : i32
    %or3A_389 = vector.broadcast %or3A_388 : i32 to vector<8x1xi32>
    %or3A_390 = arith.ori %select_n3A_387, %or3A_389 : vector<8x1xi32>
    %ge3A_391 = vector.broadcast %or3A_390 : vector<8x1xi32> to vector<8x1250xi32>
    %ge3A_392 = arith.cmpi uge, %xor3A, %ge3A_391 : vector<8x1250xi32>
    %convert_element_type3A_393 = arith.extui %ge3A_392 : vector<8x1250xi1> to vector<8x1250xi32>
    %reduce_sum3A_394 = arith.constant dense<0> : vector<8xi32>
    %reduce_sum3A_395 = vector.multi_reduction <add>, %convert_element_type3A_393, %reduce_sum3A_394 [1] : vector<8x1250xi32> to vector<8xi32>
    %broadcast_in_dim3A_396 = vector.shape_cast %reduce_sum3A_395 : vector<8xi32> to vector<8x1xi32>
    %ge3A_397 = arith.constant 625 : i32
    %ge3A_398 = vector.broadcast %ge3A_397 : i32 to vector<8x1xi32>
    %ge3A_399 = arith.cmpi sge, %broadcast_in_dim3A_396, %ge3A_398 : vector<8x1xi32>
    %select_n3A_400 = arith.select %ge3A_399, %or3A_390, %select_n3A_387 : vector<8x1xi1>, vector<8x1xi32>
    %or3A_401 = arith.constant 4 : i32
    %or3A_402 = vector.broadcast %or3A_401 : i32 to vector<8x1xi32>
    %or3A_403 = arith.ori %select_n3A_400, %or3A_402 : vector<8x1xi32>
    %ge3A_404 = vector.broadcast %or3A_403 : vector<8x1xi32> to vector<8x1250xi32>
    %ge3A_405 = arith.cmpi uge, %xor3A, %ge3A_404 : vector<8x1250xi32>
    %convert_element_type3A_406 = arith.extui %ge3A_405 : vector<8x1250xi1> to vector<8x1250xi32>
    %reduce_sum3A_407 = arith.constant dense<0> : vector<8xi32>
    %reduce_sum3A_408 = vector.multi_reduction <add>, %convert_element_type3A_406, %reduce_sum3A_407 [1] : vector<8x1250xi32> to vector<8xi32>
    %broadcast_in_dim3A_409 = vector.shape_cast %reduce_sum3A_408 : vector<8xi32> to vector<8x1xi32>
    %ge3A_410 = arith.constant 625 : i32
    %ge3A_411 = vector.broadcast %ge3A_410 : i32 to vector<8x1xi32>
    %ge3A_412 = arith.cmpi sge, %broadcast_in_dim3A_409, %ge3A_411 : vector<8x1xi32>
    %select_n3A_413 = arith.select %ge3A_412, %or3A_403, %select_n3A_400 : vector<8x1xi1>, vector<8x1xi32>
    %or3A_414 = arith.constant 2 : i32
    %or3A_415 = vector.broadcast %or3A_414 : i32 to vector<8x1xi32>
    %or3A_416 = arith.ori %select_n3A_413, %or3A_415 : vector<8x1xi32>
    %ge3A_417 = vector.broadcast %or3A_416 : vector<8x1xi32> to vector<8x1250xi32>
    %ge3A_418 = arith.cmpi uge, %xor3A, %ge3A_417 : vector<8x1250xi32>
    %convert_element_type3A_419 = arith.extui %ge3A_418 : vector<8x1250xi1> to vector<8x1250xi32>
    %reduce_sum3A_420 = arith.constant dense<0> : vector<8xi32>
    %reduce_sum3A_421 = vector.multi_reduction <add>, %convert_element_type3A_419, %reduce_sum3A_420 [1] : vector<8x1250xi32> to vector<8xi32>
    %broadcast_in_dim3A_422 = vector.shape_cast %reduce_sum3A_421 : vector<8xi32> to vector<8x1xi32>
    %ge3A_423 = arith.constant 625 : i32
    %ge3A_424 = vector.broadcast %ge3A_423 : i32 to vector<8x1xi32>
    %ge3A_425 = arith.cmpi sge, %broadcast_in_dim3A_422, %ge3A_424 : vector<8x1xi32>
    %select_n3A_426 = arith.select %ge3A_425, %or3A_416, %select_n3A_413 : vector<8x1xi1>, vector<8x1xi32>
    %or3A_427 = arith.constant 1 : i32
    %or3A_428 = vector.broadcast %or3A_427 : i32 to vector<8x1xi32>
    %or3A_429 = arith.ori %select_n3A_426, %or3A_428 : vector<8x1xi32>
    %ge3A_430 = vector.broadcast %or3A_429 : vector<8x1xi32> to vector<8x1250xi32>
    %ge3A_431 = arith.cmpi uge, %xor3A, %ge3A_430 : vector<8x1250xi32>
    %convert_element_type3A_432 = arith.extui %ge3A_431 : vector<8x1250xi1> to vector<8x1250xi32>
    %reduce_sum3A_433 = arith.constant dense<0> : vector<8xi32>
    %reduce_sum3A_434 = vector.multi_reduction <add>, %convert_element_type3A_432, %reduce_sum3A_433 [1] : vector<8x1250xi32> to vector<8xi32>
    %broadcast_in_dim3A_435 = vector.shape_cast %reduce_sum3A_434 : vector<8xi32> to vector<8x1xi32>
    %ge3A_436 = arith.constant 625 : i32
    %ge3A_437 = vector.broadcast %ge3A_436 : i32 to vector<8x1xi32>
    %ge3A_438 = arith.cmpi sge, %broadcast_in_dim3A_435, %ge3A_437 : vector<8x1xi32>
    %select_n3A_439 = arith.select %ge3A_438, %or3A_429, %select_n3A_426 : vector<8x1xi1>, vector<8x1xi32>
    %gt3A = vector.broadcast %select_n3A_439 : vector<8x1xi32> to vector<8x1250xi32>
    %gt3A_440 = arith.cmpi ugt, %xor3A, %gt3A : vector<8x1250xi32>
    %eq3A = vector.broadcast %select_n3A_439 : vector<8x1xi32> to vector<8x1250xi32>
    %eq3A_441 = arith.cmpi eq, %xor3A, %eq3A : vector<8x1250xi32>
    %convert_element_type3A_442 = arith.extui %gt3A_440 : vector<8x1250xi1> to vector<8x1250xi32>
    %reduce_sum3A_443 = arith.constant dense<0> : vector<8xi32>
    %reduce_sum3A_444 = vector.multi_reduction <add>, %convert_element_type3A_442, %reduce_sum3A_443 [1] : vector<8x1250xi32> to vector<8xi32>
    %broadcast_in_dim3A_445 = vector.shape_cast %reduce_sum3A_444 : vector<8xi32> to vector<8x1xi32>
    %sub3A = arith.constant 625 : i32
    %sub3A_446 = vector.broadcast %sub3A : i32 to vector<8x1xi32>
    %sub3A_447 = arith.subi %sub3A_446, %broadcast_in_dim3A_445 : vector<8x1xi32>
    %iota3A = tpu.iota {dimensions = array<i32: 1>} : vector<8x1250xi32>
    %broadcast_in_dim3A_448 = arith.constant 0 : i32
    %broadcast_in_dim3A_449 = vector.broadcast %broadcast_in_dim3A_448 : i32 to vector<8x1xi32>
    %broadcast_in_dim3A_450 = arith.constant 1249 : i32
    %broadcast_in_dim3A_451 = vector.broadcast %broadcast_in_dim3A_450 : i32 to vector<8x1xi32>
    %add3A_452 = arith.addi %broadcast_in_dim3A_449, %broadcast_in_dim3A_451 : vector<8x1xi32>
    %jit3A_453 = arith.constant 2 : i32
    %div3A = vector.broadcast %jit3A_453 : i32 to vector<8x1xi32>
    %div3A_454 = arith.divsi %add3A_452, %div3A : vector<8x1xi32>
    %sign3A = arith.constant 0 : i32
    %sign3A_455 = vector.broadcast %sign3A : i32 to vector<8x1xi32>
    %sign3A_456 = arith.cmpi sgt, %add3A_452, %sign3A_455 : vector<8x1xi32>
    %sign3A_457 = arith.extui %sign3A_456 : vector<8x1xi1> to vector<8x1xi32>
    %sign3A_458 = arith.constant 0 : i32
    %sign3A_459 = vector.broadcast %sign3A_458 : i32 to vector<8x1xi32>
    %sign3A_460 = arith.cmpi slt, %add3A_452, %sign3A_459 : vector<8x1xi32>
    %sign3A_461 = arith.extui %sign3A_460 : vector<8x1xi1> to vector<8x1xi32>
    %sign3A_462 = arith.subi %sign3A_457, %sign3A_461 : vector<8x1xi32>
    %sign3A_463 = arith.constant 0 : i32
    %sign3A_464 = arith.cmpi sgt, %jit3A_453, %sign3A_463 : i32
    %sign3A_465 = arith.extui %sign3A_464 : i1 to i32
    %sign3A_466 = arith.constant 0 : i32
    %sign3A_467 = arith.cmpi slt, %jit3A_453, %sign3A_466 : i32
    %sign3A_468 = arith.extui %sign3A_467 : i1 to i32
    %sign3A_469 = arith.subi %sign3A_465, %sign3A_468 : i32
    %ne3A = vector.broadcast %sign3A_469 : i32 to vector<8x1xi32>
    %ne3A_470 = arith.cmpi ne, %sign3A_462, %ne3A : vector<8x1xi32>
    %rem3A = vector.broadcast %jit3A_453 : i32 to vector<8x1xi32>
    %rem3A_471 = arith.remsi %add3A_452, %rem3A : vector<8x1xi32>
    %ne3A_472 = arith.constant 0 : i32
    %ne3A_473 = vector.broadcast %ne3A_472 : i32 to vector<8x1xi32>
    %ne3A_474 = arith.cmpi ne, %rem3A_471, %ne3A_473 : vector<8x1xi32>
    %and3A = arith.andi %ne3A_470, %ne3A_474 : vector<8x1xi1>
    %sub3A_475 = arith.constant 1 : i32
    %sub3A_476 = vector.broadcast %sub3A_475 : i32 to vector<8x1xi32>
    %sub3A_477 = arith.subi %div3A_454, %sub3A_476 : vector<8x1xi32>
    %select_n3A_478 = arith.select %and3A, %sub3A_477, %div3A_454 : vector<8x1xi1>, vector<8x1xi32>
    %le3A = vector.broadcast %select_n3A_478 : vector<8x1xi32> to vector<8x1250xi32>
    %le3A_479 = arith.cmpi sle, %iota3A, %le3A : vector<8x1250xi32>
    %and3A_480 = arith.andi %eq3A_441, %le3A_479 : vector<8x1250xi1>
    %convert_element_type3A_481 = arith.extui %and3A_480 : vector<8x1250xi1> to vector<8x1250xi32>
    %reduce_sum3A_482 = arith.constant dense<0> : vector<8xi32>
    %reduce_sum3A_483 = vector.multi_reduction <add>, %convert_element_type3A_481, %reduce_sum3A_482 [1] : vector<8x1250xi32> to vector<8xi32>
    %broadcast_in_dim3A_484 = vector.shape_cast %reduce_sum3A_483 : vector<8xi32> to vector<8x1xi32>
    %ge3A_485 = arith.cmpi sge, %broadcast_in_dim3A_484, %sub3A_447 : vector<8x1xi32>
    %select_n3A_486 = arith.select %ge3A_485, %select_n3A_478, %broadcast_in_dim3A_451 : vector<8x1xi1>, vector<8x1xi32>
    %add3A_487 = arith.constant 1 : i32
    %add3A_488 = vector.broadcast %add3A_487 : i32 to vector<8x1xi32>
    %add3A_489 = arith.addi %select_n3A_478, %add3A_488 : vector<8x1xi32>
    %select_n3A_490 = arith.select %ge3A_485, %broadcast_in_dim3A_449, %add3A_489 : vector<8x1xi1>, vector<8x1xi32>
    %add3A_491 = arith.addi %select_n3A_490, %select_n3A_486 : vector<8x1xi32>
    %jit3A_492 = arith.constant 2 : i32
    %div3A_493 = vector.broadcast %jit3A_492 : i32 to vector<8x1xi32>
    %div3A_494 = arith.divsi %add3A_491, %div3A_493 : vector<8x1xi32>
    %sign3A_495 = arith.constant 0 : i32
    %sign3A_496 = vector.broadcast %sign3A_495 : i32 to vector<8x1xi32>
    %sign3A_497 = arith.cmpi sgt, %add3A_491, %sign3A_496 : vector<8x1xi32>
    %sign3A_498 = arith.extui %sign3A_497 : vector<8x1xi1> to vector<8x1xi32>
    %sign3A_499 = arith.constant 0 : i32
    %sign3A_500 = vector.broadcast %sign3A_499 : i32 to vector<8x1xi32>
    %sign3A_501 = arith.cmpi slt, %add3A_491, %sign3A_500 : vector<8x1xi32>
    %sign3A_502 = arith.extui %sign3A_501 : vector<8x1xi1> to vector<8x1xi32>
    %sign3A_503 = arith.subi %sign3A_498, %sign3A_502 : vector<8x1xi32>
    %sign3A_504 = arith.constant 0 : i32
    %sign3A_505 = arith.cmpi sgt, %jit3A_492, %sign3A_504 : i32
    %sign3A_506 = arith.extui %sign3A_505 : i1 to i32
    %sign3A_507 = arith.constant 0 : i32
    %sign3A_508 = arith.cmpi slt, %jit3A_492, %sign3A_507 : i32
    %sign3A_509 = arith.extui %sign3A_508 : i1 to i32
    %sign3A_510 = arith.subi %sign3A_506, %sign3A_509 : i32
    %ne3A_511 = vector.broadcast %sign3A_510 : i32 to vector<8x1xi32>
    %ne3A_512 = arith.cmpi ne, %sign3A_503, %ne3A_511 : vector<8x1xi32>
    %rem3A_513 = vector.broadcast %jit3A_492 : i32 to vector<8x1xi32>
    %rem3A_514 = arith.remsi %add3A_491, %rem3A_513 : vector<8x1xi32>
    %ne3A_515 = arith.constant 0 : i32
    %ne3A_516 = vector.broadcast %ne3A_515 : i32 to vector<8x1xi32>
    %ne3A_517 = arith.cmpi ne, %rem3A_514, %ne3A_516 : vector<8x1xi32>
    %and3A_518 = arith.andi %ne3A_512, %ne3A_517 : vector<8x1xi1>
    %sub3A_519 = arith.constant 1 : i32
    %sub3A_520 = vector.broadcast %sub3A_519 : i32 to vector<8x1xi32>
    %sub3A_521 = arith.subi %div3A_494, %sub3A_520 : vector<8x1xi32>
    %select_n3A_522 = arith.select %and3A_518, %sub3A_521, %div3A_494 : vector<8x1xi1>, vector<8x1xi32>
    %le3A_523 = vector.broadcast %select_n3A_522 : vector<8x1xi32> to vector<8x1250xi32>
    %le3A_524 = arith.cmpi sle, %iota3A, %le3A_523 : vector<8x1250xi32>
    %and3A_525 = arith.andi %eq3A_441, %le3A_524 : vector<8x1250xi1>
    %convert_element_type3A_526 = arith.extui %and3A_525 : vector<8x1250xi1> to vector<8x1250xi32>
    %reduce_sum3A_527 = arith.constant dense<0> : vector<8xi32>
    %reduce_sum3A_528 = vector.multi_reduction <add>, %convert_element_type3A_526, %reduce_sum3A_527 [1] : vector<8x1250xi32> to vector<8xi32>
    %broadcast_in_dim3A_529 = vector.shape_cast %reduce_sum3A_528 : vector<8xi32> to vector<8x1xi32>
    %ge3A_530 = arith.cmpi sge, %broadcast_in_dim3A_529, %sub3A_447 : vector<8x1xi32>
    %select_n3A_531 = arith.select %ge3A_530, %select_n3A_522, %select_n3A_486 : vector<8x1xi1>, vector<8x1xi32>
    %add3A_532 = arith.constant 1 : i32
    %add3A_533 = vector.broadcast %add3A_532 : i32 to vector<8x1xi32>
    %add3A_534 = arith.addi %select_n3A_522, %add3A_533 : vector<8x1xi32>
    %select_n3A_535 = arith.select %ge3A_530, %select_n3A_490, %add3A_534 : vector<8x1xi1>, vector<8x1xi32>
    %add3A_536 = arith.addi %select_n3A_535, %select_n3A_531 : vector<8x1xi32>
    %jit3A_537 = arith.constant 2 : i32
    %div3A_538 = vector.broadcast %jit3A_537 : i32 to vector<8x1xi32>
    %div3A_539 = arith.divsi %add3A_536, %div3A_538 : vector<8x1xi32>
    %sign3A_540 = arith.constant 0 : i32
    %sign3A_541 = vector.broadcast %sign3A_540 : i32 to vector<8x1xi32>
    %sign3A_542 = arith.cmpi sgt, %add3A_536, %sign3A_541 : vector<8x1xi32>
    %sign3A_543 = arith.extui %sign3A_542 : vector<8x1xi1> to vector<8x1xi32>
    %sign3A_544 = arith.constant 0 : i32
    %sign3A_545 = vector.broadcast %sign3A_544 : i32 to vector<8x1xi32>
    %sign3A_546 = arith.cmpi slt, %add3A_536, %sign3A_545 : vector<8x1xi32>
    %sign3A_547 = arith.extui %sign3A_546 : vector<8x1xi1> to vector<8x1xi32>
    %sign3A_548 = arith.subi %sign3A_543, %sign3A_547 : vector<8x1xi32>
    %sign3A_549 = arith.constant 0 : i32
    %sign3A_550 = arith.cmpi sgt, %jit3A_537, %sign3A_549 : i32
    %sign3A_551 = arith.extui %sign3A_550 : i1 to i32
    %sign3A_552 = arith.constant 0 : i32
    %sign3A_553 = arith.cmpi slt, %jit3A_537, %sign3A_552 : i32
    %sign3A_554 = arith.extui %sign3A_553 : i1 to i32
    %sign3A_555 = arith.subi %sign3A_551, %sign3A_554 : i32
    %ne3A_556 = vector.broadcast %sign3A_555 : i32 to vector<8x1xi32>
    %ne3A_557 = arith.cmpi ne, %sign3A_548, %ne3A_556 : vector<8x1xi32>
    %rem3A_558 = vector.broadcast %jit3A_537 : i32 to vector<8x1xi32>
    %rem3A_559 = arith.remsi %add3A_536, %rem3A_558 : vector<8x1xi32>
    %ne3A_560 = arith.constant 0 : i32
    %ne3A_561 = vector.broadcast %ne3A_560 : i32 to vector<8x1xi32>
    %ne3A_562 = arith.cmpi ne, %rem3A_559, %ne3A_561 : vector<8x1xi32>
    %and3A_563 = arith.andi %ne3A_557, %ne3A_562 : vector<8x1xi1>
    %sub3A_564 = arith.constant 1 : i32
    %sub3A_565 = vector.broadcast %sub3A_564 : i32 to vector<8x1xi32>
    %sub3A_566 = arith.subi %div3A_539, %sub3A_565 : vector<8x1xi32>
    %select_n3A_567 = arith.select %and3A_563, %sub3A_566, %div3A_539 : vector<8x1xi1>, vector<8x1xi32>
    %le3A_568 = vector.broadcast %select_n3A_567 : vector<8x1xi32> to vector<8x1250xi32>
    %le3A_569 = arith.cmpi sle, %iota3A, %le3A_568 : vector<8x1250xi32>
    %and3A_570 = arith.andi %eq3A_441, %le3A_569 : vector<8x1250xi1>
    %convert_element_type3A_571 = arith.extui %and3A_570 : vector<8x1250xi1> to vector<8x1250xi32>
    %reduce_sum3A_572 = arith.constant dense<0> : vector<8xi32>
    %reduce_sum3A_573 = vector.multi_reduction <add>, %convert_element_type3A_571, %reduce_sum3A_572 [1] : vector<8x1250xi32> to vector<8xi32>
    %broadcast_in_dim3A_574 = vector.shape_cast %reduce_sum3A_573 : vector<8xi32> to vector<8x1xi32>
    %ge3A_575 = arith.cmpi sge, %broadcast_in_dim3A_574, %sub3A_447 : vector<8x1xi32>
    %select_n3A_576 = arith.select %ge3A_575, %select_n3A_567, %select_n3A_531 : vector<8x1xi1>, vector<8x1xi32>
    %add3A_577 = arith.constant 1 : i32
    %add3A_578 = vector.broadcast %add3A_577 : i32 to vector<8x1xi32>
    %add3A_579 = arith.addi %select_n3A_567, %add3A_578 : vector<8x1xi32>
    %select_n3A_580 = arith.select %ge3A_575, %select_n3A_535, %add3A_579 : vector<8x1xi1>, vector<8x1xi32>
    %add3A_581 = arith.addi %select_n3A_580, %select_n3A_576 : vector<8x1xi32>
    %jit3A_582 = arith.constant 2 : i32
    %div3A_583 = vector.broadcast %jit3A_582 : i32 to vector<8x1xi32>
    %div3A_584 = arith.divsi %add3A_581, %div3A_583 : vector<8x1xi32>
    %sign3A_585 = arith.constant 0 : i32
    %sign3A_586 = vector.broadcast %sign3A_585 : i32 to vector<8x1xi32>
    %sign3A_587 = arith.cmpi sgt, %add3A_581, %sign3A_586 : vector<8x1xi32>
    %sign3A_588 = arith.extui %sign3A_587 : vector<8x1xi1> to vector<8x1xi32>
    %sign3A_589 = arith.constant 0 : i32
    %sign3A_590 = vector.broadcast %sign3A_589 : i32 to vector<8x1xi32>
    %sign3A_591 = arith.cmpi slt, %add3A_581, %sign3A_590 : vector<8x1xi32>
    %sign3A_592 = arith.extui %sign3A_591 : vector<8x1xi1> to vector<8x1xi32>
    %sign3A_593 = arith.subi %sign3A_588, %sign3A_592 : vector<8x1xi32>
    %sign3A_594 = arith.constant 0 : i32
    %sign3A_595 = arith.cmpi sgt, %jit3A_582, %sign3A_594 : i32
    %sign3A_596 = arith.extui %sign3A_595 : i1 to i32
    %sign3A_597 = arith.constant 0 : i32
    %sign3A_598 = arith.cmpi slt, %jit3A_582, %sign3A_597 : i32
    %sign3A_599 = arith.extui %sign3A_598 : i1 to i32
    %sign3A_600 = arith.subi %sign3A_596, %sign3A_599 : i32
    %ne3A_601 = vector.broadcast %sign3A_600 : i32 to vector<8x1xi32>
    %ne3A_602 = arith.cmpi ne, %sign3A_593, %ne3A_601 : vector<8x1xi32>
    %rem3A_603 = vector.broadcast %jit3A_582 : i32 to vector<8x1xi32>
    %rem3A_604 = arith.remsi %add3A_581, %rem3A_603 : vector<8x1xi32>
    %ne3A_605 = arith.constant 0 : i32
    %ne3A_606 = vector.broadcast %ne3A_605 : i32 to vector<8x1xi32>
    %ne3A_607 = arith.cmpi ne, %rem3A_604, %ne3A_606 : vector<8x1xi32>
    %and3A_608 = arith.andi %ne3A_602, %ne3A_607 : vector<8x1xi1>
    %sub3A_609 = arith.constant 1 : i32
    %sub3A_610 = vector.broadcast %sub3A_609 : i32 to vector<8x1xi32>
    %sub3A_611 = arith.subi %div3A_584, %sub3A_610 : vector<8x1xi32>
    %select_n3A_612 = arith.select %and3A_608, %sub3A_611, %div3A_584 : vector<8x1xi1>, vector<8x1xi32>
    %le3A_613 = vector.broadcast %select_n3A_612 : vector<8x1xi32> to vector<8x1250xi32>
    %le3A_614 = arith.cmpi sle, %iota3A, %le3A_613 : vector<8x1250xi32>
    %and3A_615 = arith.andi %eq3A_441, %le3A_614 : vector<8x1250xi1>
    %convert_element_type3A_616 = arith.extui %and3A_615 : vector<8x1250xi1> to vector<8x1250xi32>
    %reduce_sum3A_617 = arith.constant dense<0> : vector<8xi32>
    %reduce_sum3A_618 = vector.multi_reduction <add>, %convert_element_type3A_616, %reduce_sum3A_617 [1] : vector<8x1250xi32> to vector<8xi32>
    %broadcast_in_dim3A_619 = vector.shape_cast %reduce_sum3A_618 : vector<8xi32> to vector<8x1xi32>
    %ge3A_620 = arith.cmpi sge, %broadcast_in_dim3A_619, %sub3A_447 : vector<8x1xi32>
    %select_n3A_621 = arith.select %ge3A_620, %select_n3A_612, %select_n3A_576 : vector<8x1xi1>, vector<8x1xi32>
    %add3A_622 = arith.constant 1 : i32
    %add3A_623 = vector.broadcast %add3A_622 : i32 to vector<8x1xi32>
    %add3A_624 = arith.addi %select_n3A_612, %add3A_623 : vector<8x1xi32>
    %select_n3A_625 = arith.select %ge3A_620, %select_n3A_580, %add3A_624 : vector<8x1xi1>, vector<8x1xi32>
    %add3A_626 = arith.addi %select_n3A_625, %select_n3A_621 : vector<8x1xi32>
    %jit3A_627 = arith.constant 2 : i32
    %div3A_628 = vector.broadcast %jit3A_627 : i32 to vector<8x1xi32>
    %div3A_629 = arith.divsi %add3A_626, %div3A_628 : vector<8x1xi32>
    %sign3A_630 = arith.constant 0 : i32
    %sign3A_631 = vector.broadcast %sign3A_630 : i32 to vector<8x1xi32>
    %sign3A_632 = arith.cmpi sgt, %add3A_626, %sign3A_631 : vector<8x1xi32>
    %sign3A_633 = arith.extui %sign3A_632 : vector<8x1xi1> to vector<8x1xi32>
    %sign3A_634 = arith.constant 0 : i32
    %sign3A_635 = vector.broadcast %sign3A_634 : i32 to vector<8x1xi32>
    %sign3A_636 = arith.cmpi slt, %add3A_626, %sign3A_635 : vector<8x1xi32>
    %sign3A_637 = arith.extui %sign3A_636 : vector<8x1xi1> to vector<8x1xi32>
    %sign3A_638 = arith.subi %sign3A_633, %sign3A_637 : vector<8x1xi32>
    %sign3A_639 = arith.constant 0 : i32
    %sign3A_640 = arith.cmpi sgt, %jit3A_627, %sign3A_639 : i32
    %sign3A_641 = arith.extui %sign3A_640 : i1 to i32
    %sign3A_642 = arith.constant 0 : i32
    %sign3A_643 = arith.cmpi slt, %jit3A_627, %sign3A_642 : i32
    %sign3A_644 = arith.extui %sign3A_643 : i1 to i32
    %sign3A_645 = arith.subi %sign3A_641, %sign3A_644 : i32
    %ne3A_646 = vector.broadcast %sign3A_645 : i32 to vector<8x1xi32>
    %ne3A_647 = arith.cmpi ne, %sign3A_638, %ne3A_646 : vector<8x1xi32>
    %rem3A_648 = vector.broadcast %jit3A_627 : i32 to vector<8x1xi32>
    %rem3A_649 = arith.remsi %add3A_626, %rem3A_648 : vector<8x1xi32>
    %ne3A_650 = arith.constant 0 : i32
    %ne3A_651 = vector.broadcast %ne3A_650 : i32 to vector<8x1xi32>
    %ne3A_652 = arith.cmpi ne, %rem3A_649, %ne3A_651 : vector<8x1xi32>
    %and3A_653 = arith.andi %ne3A_647, %ne3A_652 : vector<8x1xi1>
    %sub3A_654 = arith.constant 1 : i32
    %sub3A_655 = vector.broadcast %sub3A_654 : i32 to vector<8x1xi32>
    %sub3A_656 = arith.subi %div3A_629, %sub3A_655 : vector<8x1xi32>
    %select_n3A_657 = arith.select %and3A_653, %sub3A_656, %div3A_629 : vector<8x1xi1>, vector<8x1xi32>
    %le3A_658 = vector.broadcast %select_n3A_657 : vector<8x1xi32> to vector<8x1250xi32>
    %le3A_659 = arith.cmpi sle, %iota3A, %le3A_658 : vector<8x1250xi32>
    %and3A_660 = arith.andi %eq3A_441, %le3A_659 : vector<8x1250xi1>
    %convert_element_type3A_661 = arith.extui %and3A_660 : vector<8x1250xi1> to vector<8x1250xi32>
    %reduce_sum3A_662 = arith.constant dense<0> : vector<8xi32>
    %reduce_sum3A_663 = vector.multi_reduction <add>, %convert_element_type3A_661, %reduce_sum3A_662 [1] : vector<8x1250xi32> to vector<8xi32>
    %broadcast_in_dim3A_664 = vector.shape_cast %reduce_sum3A_663 : vector<8xi32> to vector<8x1xi32>
    %ge3A_665 = arith.cmpi sge, %broadcast_in_dim3A_664, %sub3A_447 : vector<8x1xi32>
    %select_n3A_666 = arith.select %ge3A_665, %select_n3A_657, %select_n3A_621 : vector<8x1xi1>, vector<8x1xi32>
    %add3A_667 = arith.constant 1 : i32
    %add3A_668 = vector.broadcast %add3A_667 : i32 to vector<8x1xi32>
    %add3A_669 = arith.addi %select_n3A_657, %add3A_668 : vector<8x1xi32>
    %select_n3A_670 = arith.select %ge3A_665, %select_n3A_625, %add3A_669 : vector<8x1xi1>, vector<8x1xi32>
    %add3A_671 = arith.addi %select_n3A_670, %select_n3A_666 : vector<8x1xi32>
    %jit3A_672 = arith.constant 2 : i32
    %div3A_673 = vector.broadcast %jit3A_672 : i32 to vector<8x1xi32>
    %div3A_674 = arith.divsi %add3A_671, %div3A_673 : vector<8x1xi32>
    %sign3A_675 = arith.constant 0 : i32
    %sign3A_676 = vector.broadcast %sign3A_675 : i32 to vector<8x1xi32>
    %sign3A_677 = arith.cmpi sgt, %add3A_671, %sign3A_676 : vector<8x1xi32>
    %sign3A_678 = arith.extui %sign3A_677 : vector<8x1xi1> to vector<8x1xi32>
    %sign3A_679 = arith.constant 0 : i32
    %sign3A_680 = vector.broadcast %sign3A_679 : i32 to vector<8x1xi32>
    %sign3A_681 = arith.cmpi slt, %add3A_671, %sign3A_680 : vector<8x1xi32>
    %sign3A_682 = arith.extui %sign3A_681 : vector<8x1xi1> to vector<8x1xi32>
    %sign3A_683 = arith.subi %sign3A_678, %sign3A_682 : vector<8x1xi32>
    %sign3A_684 = arith.constant 0 : i32
    %sign3A_685 = arith.cmpi sgt, %jit3A_672, %sign3A_684 : i32
    %sign3A_686 = arith.extui %sign3A_685 : i1 to i32
    %sign3A_687 = arith.constant 0 : i32
    %sign3A_688 = arith.cmpi slt, %jit3A_672, %sign3A_687 : i32
    %sign3A_689 = arith.extui %sign3A_688 : i1 to i32
    %sign3A_690 = arith.subi %sign3A_686, %sign3A_689 : i32
    %ne3A_691 = vector.broadcast %sign3A_690 : i32 to vector<8x1xi32>
    %ne3A_692 = arith.cmpi ne, %sign3A_683, %ne3A_691 : vector<8x1xi32>
    %rem3A_693 = vector.broadcast %jit3A_672 : i32 to vector<8x1xi32>
    %rem3A_694 = arith.remsi %add3A_671, %rem3A_693 : vector<8x1xi32>
    %ne3A_695 = arith.constant 0 : i32
    %ne3A_696 = vector.broadcast %ne3A_695 : i32 to vector<8x1xi32>
    %ne3A_697 = arith.cmpi ne, %rem3A_694, %ne3A_696 : vector<8x1xi32>
    %and3A_698 = arith.andi %ne3A_692, %ne3A_697 : vector<8x1xi1>
    %sub3A_699 = arith.constant 1 : i32
    %sub3A_700 = vector.broadcast %sub3A_699 : i32 to vector<8x1xi32>
    %sub3A_701 = arith.subi %div3A_674, %sub3A_700 : vector<8x1xi32>
    %select_n3A_702 = arith.select %and3A_698, %sub3A_701, %div3A_674 : vector<8x1xi1>, vector<8x1xi32>
    %le3A_703 = vector.broadcast %select_n3A_702 : vector<8x1xi32> to vector<8x1250xi32>
    %le3A_704 = arith.cmpi sle, %iota3A, %le3A_703 : vector<8x1250xi32>
    %and3A_705 = arith.andi %eq3A_441, %le3A_704 : vector<8x1250xi1>
    %convert_element_type3A_706 = arith.extui %and3A_705 : vector<8x1250xi1> to vector<8x1250xi32>
    %reduce_sum3A_707 = arith.constant dense<0> : vector<8xi32>
    %reduce_sum3A_708 = vector.multi_reduction <add>, %convert_element_type3A_706, %reduce_sum3A_707 [1] : vector<8x1250xi32> to vector<8xi32>
    %broadcast_in_dim3A_709 = vector.shape_cast %reduce_sum3A_708 : vector<8xi32> to vector<8x1xi32>
    %ge3A_710 = arith.cmpi sge, %broadcast_in_dim3A_709, %sub3A_447 : vector<8x1xi32>
    %select_n3A_711 = arith.select %ge3A_710, %select_n3A_702, %select_n3A_666 : vector<8x1xi1>, vector<8x1xi32>
    %add3A_712 = arith.constant 1 : i32
    %add3A_713 = vector.broadcast %add3A_712 : i32 to vector<8x1xi32>
    %add3A_714 = arith.addi %select_n3A_702, %add3A_713 : vector<8x1xi32>
    %select_n3A_715 = arith.select %ge3A_710, %select_n3A_670, %add3A_714 : vector<8x1xi1>, vector<8x1xi32>
    %add3A_716 = arith.addi %select_n3A_715, %select_n3A_711 : vector<8x1xi32>
    %jit3A_717 = arith.constant 2 : i32
    %div3A_718 = vector.broadcast %jit3A_717 : i32 to vector<8x1xi32>
    %div3A_719 = arith.divsi %add3A_716, %div3A_718 : vector<8x1xi32>
    %sign3A_720 = arith.constant 0 : i32
    %sign3A_721 = vector.broadcast %sign3A_720 : i32 to vector<8x1xi32>
    %sign3A_722 = arith.cmpi sgt, %add3A_716, %sign3A_721 : vector<8x1xi32>
    %sign3A_723 = arith.extui %sign3A_722 : vector<8x1xi1> to vector<8x1xi32>
    %sign3A_724 = arith.constant 0 : i32
    %sign3A_725 = vector.broadcast %sign3A_724 : i32 to vector<8x1xi32>
    %sign3A_726 = arith.cmpi slt, %add3A_716, %sign3A_725 : vector<8x1xi32>
    %sign3A_727 = arith.extui %sign3A_726 : vector<8x1xi1> to vector<8x1xi32>
    %sign3A_728 = arith.subi %sign3A_723, %sign3A_727 : vector<8x1xi32>
    %sign3A_729 = arith.constant 0 : i32
    %sign3A_730 = arith.cmpi sgt, %jit3A_717, %sign3A_729 : i32
    %sign3A_731 = arith.extui %sign3A_730 : i1 to i32
    %sign3A_732 = arith.constant 0 : i32
    %sign3A_733 = arith.cmpi slt, %jit3A_717, %sign3A_732 : i32
    %sign3A_734 = arith.extui %sign3A_733 : i1 to i32
    %sign3A_735 = arith.subi %sign3A_731, %sign3A_734 : i32
    %ne3A_736 = vector.broadcast %sign3A_735 : i32 to vector<8x1xi32>
    %ne3A_737 = arith.cmpi ne, %sign3A_728, %ne3A_736 : vector<8x1xi32>
    %rem3A_738 = vector.broadcast %jit3A_717 : i32 to vector<8x1xi32>
    %rem3A_739 = arith.remsi %add3A_716, %rem3A_738 : vector<8x1xi32>
    %ne3A_740 = arith.constant 0 : i32
    %ne3A_741 = vector.broadcast %ne3A_740 : i32 to vector<8x1xi32>
    %ne3A_742 = arith.cmpi ne, %rem3A_739, %ne3A_741 : vector<8x1xi32>
    %and3A_743 = arith.andi %ne3A_737, %ne3A_742 : vector<8x1xi1>
    %sub3A_744 = arith.constant 1 : i32
    %sub3A_745 = vector.broadcast %sub3A_744 : i32 to vector<8x1xi32>
    %sub3A_746 = arith.subi %div3A_719, %sub3A_745 : vector<8x1xi32>
    %select_n3A_747 = arith.select %and3A_743, %sub3A_746, %div3A_719 : vector<8x1xi1>, vector<8x1xi32>
    %le3A_748 = vector.broadcast %select_n3A_747 : vector<8x1xi32> to vector<8x1250xi32>
    %le3A_749 = arith.cmpi sle, %iota3A, %le3A_748 : vector<8x1250xi32>
    %and3A_750 = arith.andi %eq3A_441, %le3A_749 : vector<8x1250xi1>
    %convert_element_type3A_751 = arith.extui %and3A_750 : vector<8x1250xi1> to vector<8x1250xi32>
    %reduce_sum3A_752 = arith.constant dense<0> : vector<8xi32>
    %reduce_sum3A_753 = vector.multi_reduction <add>, %convert_element_type3A_751, %reduce_sum3A_752 [1] : vector<8x1250xi32> to vector<8xi32>
    %broadcast_in_dim3A_754 = vector.shape_cast %reduce_sum3A_753 : vector<8xi32> to vector<8x1xi32>
    %ge3A_755 = arith.cmpi sge, %broadcast_in_dim3A_754, %sub3A_447 : vector<8x1xi32>
    %select_n3A_756 = arith.select %ge3A_755, %select_n3A_747, %select_n3A_711 : vector<8x1xi1>, vector<8x1xi32>
    %add3A_757 = arith.constant 1 : i32
    %add3A_758 = vector.broadcast %add3A_757 : i32 to vector<8x1xi32>
    %add3A_759 = arith.addi %select_n3A_747, %add3A_758 : vector<8x1xi32>
    %select_n3A_760 = arith.select %ge3A_755, %select_n3A_715, %add3A_759 : vector<8x1xi1>, vector<8x1xi32>
    %add3A_761 = arith.addi %select_n3A_760, %select_n3A_756 : vector<8x1xi32>
    %jit3A_762 = arith.constant 2 : i32
    %div3A_763 = vector.broadcast %jit3A_762 : i32 to vector<8x1xi32>
    %div3A_764 = arith.divsi %add3A_761, %div3A_763 : vector<8x1xi32>
    %sign3A_765 = arith.constant 0 : i32
    %sign3A_766 = vector.broadcast %sign3A_765 : i32 to vector<8x1xi32>
    %sign3A_767 = arith.cmpi sgt, %add3A_761, %sign3A_766 : vector<8x1xi32>
    %sign3A_768 = arith.extui %sign3A_767 : vector<8x1xi1> to vector<8x1xi32>
    %sign3A_769 = arith.constant 0 : i32
    %sign3A_770 = vector.broadcast %sign3A_769 : i32 to vector<8x1xi32>
    %sign3A_771 = arith.cmpi slt, %add3A_761, %sign3A_770 : vector<8x1xi32>
    %sign3A_772 = arith.extui %sign3A_771 : vector<8x1xi1> to vector<8x1xi32>
    %sign3A_773 = arith.subi %sign3A_768, %sign3A_772 : vector<8x1xi32>
    %sign3A_774 = arith.constant 0 : i32
    %sign3A_775 = arith.cmpi sgt, %jit3A_762, %sign3A_774 : i32
    %sign3A_776 = arith.extui %sign3A_775 : i1 to i32
    %sign3A_777 = arith.constant 0 : i32
    %sign3A_778 = arith.cmpi slt, %jit3A_762, %sign3A_777 : i32
    %sign3A_779 = arith.extui %sign3A_778 : i1 to i32
    %sign3A_780 = arith.subi %sign3A_776, %sign3A_779 : i32
    %ne3A_781 = vector.broadcast %sign3A_780 : i32 to vector<8x1xi32>
    %ne3A_782 = arith.cmpi ne, %sign3A_773, %ne3A_781 : vector<8x1xi32>
    %rem3A_783 = vector.broadcast %jit3A_762 : i32 to vector<8x1xi32>
    %rem3A_784 = arith.remsi %add3A_761, %rem3A_783 : vector<8x1xi32>
    %ne3A_785 = arith.constant 0 : i32
    %ne3A_786 = vector.broadcast %ne3A_785 : i32 to vector<8x1xi32>
    %ne3A_787 = arith.cmpi ne, %rem3A_784, %ne3A_786 : vector<8x1xi32>
    %and3A_788 = arith.andi %ne3A_782, %ne3A_787 : vector<8x1xi1>
    %sub3A_789 = arith.constant 1 : i32
    %sub3A_790 = vector.broadcast %sub3A_789 : i32 to vector<8x1xi32>
    %sub3A_791 = arith.subi %div3A_764, %sub3A_790 : vector<8x1xi32>
    %select_n3A_792 = arith.select %and3A_788, %sub3A_791, %div3A_764 : vector<8x1xi1>, vector<8x1xi32>
    %le3A_793 = vector.broadcast %select_n3A_792 : vector<8x1xi32> to vector<8x1250xi32>
    %le3A_794 = arith.cmpi sle, %iota3A, %le3A_793 : vector<8x1250xi32>
    %and3A_795 = arith.andi %eq3A_441, %le3A_794 : vector<8x1250xi1>
    %convert_element_type3A_796 = arith.extui %and3A_795 : vector<8x1250xi1> to vector<8x1250xi32>
    %reduce_sum3A_797 = arith.constant dense<0> : vector<8xi32>
    %reduce_sum3A_798 = vector.multi_reduction <add>, %convert_element_type3A_796, %reduce_sum3A_797 [1] : vector<8x1250xi32> to vector<8xi32>
    %broadcast_in_dim3A_799 = vector.shape_cast %reduce_sum3A_798 : vector<8xi32> to vector<8x1xi32>
    %ge3A_800 = arith.cmpi sge, %broadcast_in_dim3A_799, %sub3A_447 : vector<8x1xi32>
    %select_n3A_801 = arith.select %ge3A_800, %select_n3A_792, %select_n3A_756 : vector<8x1xi1>, vector<8x1xi32>
    %add3A_802 = arith.constant 1 : i32
    %add3A_803 = vector.broadcast %add3A_802 : i32 to vector<8x1xi32>
    %add3A_804 = arith.addi %select_n3A_792, %add3A_803 : vector<8x1xi32>
    %select_n3A_805 = arith.select %ge3A_800, %select_n3A_760, %add3A_804 : vector<8x1xi1>, vector<8x1xi32>
    %add3A_806 = arith.addi %select_n3A_805, %select_n3A_801 : vector<8x1xi32>
    %jit3A_807 = arith.constant 2 : i32
    %div3A_808 = vector.broadcast %jit3A_807 : i32 to vector<8x1xi32>
    %div3A_809 = arith.divsi %add3A_806, %div3A_808 : vector<8x1xi32>
    %sign3A_810 = arith.constant 0 : i32
    %sign3A_811 = vector.broadcast %sign3A_810 : i32 to vector<8x1xi32>
    %sign3A_812 = arith.cmpi sgt, %add3A_806, %sign3A_811 : vector<8x1xi32>
    %sign3A_813 = arith.extui %sign3A_812 : vector<8x1xi1> to vector<8x1xi32>
    %sign3A_814 = arith.constant 0 : i32
    %sign3A_815 = vector.broadcast %sign3A_814 : i32 to vector<8x1xi32>
    %sign3A_816 = arith.cmpi slt, %add3A_806, %sign3A_815 : vector<8x1xi32>
    %sign3A_817 = arith.extui %sign3A_816 : vector<8x1xi1> to vector<8x1xi32>
    %sign3A_818 = arith.subi %sign3A_813, %sign3A_817 : vector<8x1xi32>
    %sign3A_819 = arith.constant 0 : i32
    %sign3A_820 = arith.cmpi sgt, %jit3A_807, %sign3A_819 : i32
    %sign3A_821 = arith.extui %sign3A_820 : i1 to i32
    %sign3A_822 = arith.constant 0 : i32
    %sign3A_823 = arith.cmpi slt, %jit3A_807, %sign3A_822 : i32
    %sign3A_824 = arith.extui %sign3A_823 : i1 to i32
    %sign3A_825 = arith.subi %sign3A_821, %sign3A_824 : i32
    %ne3A_826 = vector.broadcast %sign3A_825 : i32 to vector<8x1xi32>
    %ne3A_827 = arith.cmpi ne, %sign3A_818, %ne3A_826 : vector<8x1xi32>
    %rem3A_828 = vector.broadcast %jit3A_807 : i32 to vector<8x1xi32>
    %rem3A_829 = arith.remsi %add3A_806, %rem3A_828 : vector<8x1xi32>
    %ne3A_830 = arith.constant 0 : i32
    %ne3A_831 = vector.broadcast %ne3A_830 : i32 to vector<8x1xi32>
    %ne3A_832 = arith.cmpi ne, %rem3A_829, %ne3A_831 : vector<8x1xi32>
    %and3A_833 = arith.andi %ne3A_827, %ne3A_832 : vector<8x1xi1>
    %sub3A_834 = arith.constant 1 : i32
    %sub3A_835 = vector.broadcast %sub3A_834 : i32 to vector<8x1xi32>
    %sub3A_836 = arith.subi %div3A_809, %sub3A_835 : vector<8x1xi32>
    %select_n3A_837 = arith.select %and3A_833, %sub3A_836, %div3A_809 : vector<8x1xi1>, vector<8x1xi32>
    %le3A_838 = vector.broadcast %select_n3A_837 : vector<8x1xi32> to vector<8x1250xi32>
    %le3A_839 = arith.cmpi sle, %iota3A, %le3A_838 : vector<8x1250xi32>
    %and3A_840 = arith.andi %eq3A_441, %le3A_839 : vector<8x1250xi1>
    %convert_element_type3A_841 = arith.extui %and3A_840 : vector<8x1250xi1> to vector<8x1250xi32>
    %reduce_sum3A_842 = arith.constant dense<0> : vector<8xi32>
    %reduce_sum3A_843 = vector.multi_reduction <add>, %convert_element_type3A_841, %reduce_sum3A_842 [1] : vector<8x1250xi32> to vector<8xi32>
    %broadcast_in_dim3A_844 = vector.shape_cast %reduce_sum3A_843 : vector<8xi32> to vector<8x1xi32>
    %ge3A_845 = arith.cmpi sge, %broadcast_in_dim3A_844, %sub3A_447 : vector<8x1xi32>
    %select_n3A_846 = arith.select %ge3A_845, %select_n3A_837, %select_n3A_801 : vector<8x1xi1>, vector<8x1xi32>
    %add3A_847 = arith.constant 1 : i32
    %add3A_848 = vector.broadcast %add3A_847 : i32 to vector<8x1xi32>
    %add3A_849 = arith.addi %select_n3A_837, %add3A_848 : vector<8x1xi32>
    %select_n3A_850 = arith.select %ge3A_845, %select_n3A_805, %add3A_849 : vector<8x1xi1>, vector<8x1xi32>
    %add3A_851 = arith.addi %select_n3A_850, %select_n3A_846 : vector<8x1xi32>
    %jit3A_852 = arith.constant 2 : i32
    %div3A_853 = vector.broadcast %jit3A_852 : i32 to vector<8x1xi32>
    %div3A_854 = arith.divsi %add3A_851, %div3A_853 : vector<8x1xi32>
    %sign3A_855 = arith.constant 0 : i32
    %sign3A_856 = vector.broadcast %sign3A_855 : i32 to vector<8x1xi32>
    %sign3A_857 = arith.cmpi sgt, %add3A_851, %sign3A_856 : vector<8x1xi32>
    %sign3A_858 = arith.extui %sign3A_857 : vector<8x1xi1> to vector<8x1xi32>
    %sign3A_859 = arith.constant 0 : i32
    %sign3A_860 = vector.broadcast %sign3A_859 : i32 to vector<8x1xi32>
    %sign3A_861 = arith.cmpi slt, %add3A_851, %sign3A_860 : vector<8x1xi32>
    %sign3A_862 = arith.extui %sign3A_861 : vector<8x1xi1> to vector<8x1xi32>
    %sign3A_863 = arith.subi %sign3A_858, %sign3A_862 : vector<8x1xi32>
    %sign3A_864 = arith.constant 0 : i32
    %sign3A_865 = arith.cmpi sgt, %jit3A_852, %sign3A_864 : i32
    %sign3A_866 = arith.extui %sign3A_865 : i1 to i32
    %sign3A_867 = arith.constant 0 : i32
    %sign3A_868 = arith.cmpi slt, %jit3A_852, %sign3A_867 : i32
    %sign3A_869 = arith.extui %sign3A_868 : i1 to i32
    %sign3A_870 = arith.subi %sign3A_866, %sign3A_869 : i32
    %ne3A_871 = vector.broadcast %sign3A_870 : i32 to vector<8x1xi32>
    %ne3A_872 = arith.cmpi ne, %sign3A_863, %ne3A_871 : vector<8x1xi32>
    %rem3A_873 = vector.broadcast %jit3A_852 : i32 to vector<8x1xi32>
    %rem3A_874 = arith.remsi %add3A_851, %rem3A_873 : vector<8x1xi32>
    %ne3A_875 = arith.constant 0 : i32
    %ne3A_876 = vector.broadcast %ne3A_875 : i32 to vector<8x1xi32>
    %ne3A_877 = arith.cmpi ne, %rem3A_874, %ne3A_876 : vector<8x1xi32>
    %and3A_878 = arith.andi %ne3A_872, %ne3A_877 : vector<8x1xi1>
    %sub3A_879 = arith.constant 1 : i32
    %sub3A_880 = vector.broadcast %sub3A_879 : i32 to vector<8x1xi32>
    %sub3A_881 = arith.subi %div3A_854, %sub3A_880 : vector<8x1xi32>
    %select_n3A_882 = arith.select %and3A_878, %sub3A_881, %div3A_854 : vector<8x1xi1>, vector<8x1xi32>
    %le3A_883 = vector.broadcast %select_n3A_882 : vector<8x1xi32> to vector<8x1250xi32>
    %le3A_884 = arith.cmpi sle, %iota3A, %le3A_883 : vector<8x1250xi32>
    %and3A_885 = arith.andi %eq3A_441, %le3A_884 : vector<8x1250xi1>
    %convert_element_type3A_886 = arith.extui %and3A_885 : vector<8x1250xi1> to vector<8x1250xi32>
    %reduce_sum3A_887 = arith.constant dense<0> : vector<8xi32>
    %reduce_sum3A_888 = vector.multi_reduction <add>, %convert_element_type3A_886, %reduce_sum3A_887 [1] : vector<8x1250xi32> to vector<8xi32>
    %broadcast_in_dim3A_889 = vector.shape_cast %reduce_sum3A_888 : vector<8xi32> to vector<8x1xi32>
    %ge3A_890 = arith.cmpi sge, %broadcast_in_dim3A_889, %sub3A_447 : vector<8x1xi32>
    %select_n3A_891 = arith.select %ge3A_890, %select_n3A_882, %select_n3A_846 : vector<8x1xi1>, vector<8x1xi32>
    %add3A_892 = arith.constant 1 : i32
    %add3A_893 = vector.broadcast %add3A_892 : i32 to vector<8x1xi32>
    %add3A_894 = arith.addi %select_n3A_882, %add3A_893 : vector<8x1xi32>
    %select_n3A_895 = arith.select %ge3A_890, %select_n3A_850, %add3A_894 : vector<8x1xi1>, vector<8x1xi32>
    %add3A_896 = arith.addi %select_n3A_895, %select_n3A_891 : vector<8x1xi32>
    %jit3A_897 = arith.constant 2 : i32
    %div3A_898 = vector.broadcast %jit3A_897 : i32 to vector<8x1xi32>
    %div3A_899 = arith.divsi %add3A_896, %div3A_898 : vector<8x1xi32>
    %sign3A_900 = arith.constant 0 : i32
    %sign3A_901 = vector.broadcast %sign3A_900 : i32 to vector<8x1xi32>
    %sign3A_902 = arith.cmpi sgt, %add3A_896, %sign3A_901 : vector<8x1xi32>
    %sign3A_903 = arith.extui %sign3A_902 : vector<8x1xi1> to vector<8x1xi32>
    %sign3A_904 = arith.constant 0 : i32
    %sign3A_905 = vector.broadcast %sign3A_904 : i32 to vector<8x1xi32>
    %sign3A_906 = arith.cmpi slt, %add3A_896, %sign3A_905 : vector<8x1xi32>
    %sign3A_907 = arith.extui %sign3A_906 : vector<8x1xi1> to vector<8x1xi32>
    %sign3A_908 = arith.subi %sign3A_903, %sign3A_907 : vector<8x1xi32>
    %sign3A_909 = arith.constant 0 : i32
    %sign3A_910 = arith.cmpi sgt, %jit3A_897, %sign3A_909 : i32
    %sign3A_911 = arith.extui %sign3A_910 : i1 to i32
    %sign3A_912 = arith.constant 0 : i32
    %sign3A_913 = arith.cmpi slt, %jit3A_897, %sign3A_912 : i32
    %sign3A_914 = arith.extui %sign3A_913 : i1 to i32
    %sign3A_915 = arith.subi %sign3A_911, %sign3A_914 : i32
    %ne3A_916 = vector.broadcast %sign3A_915 : i32 to vector<8x1xi32>
    %ne3A_917 = arith.cmpi ne, %sign3A_908, %ne3A_916 : vector<8x1xi32>
    %rem3A_918 = vector.broadcast %jit3A_897 : i32 to vector<8x1xi32>
    %rem3A_919 = arith.remsi %add3A_896, %rem3A_918 : vector<8x1xi32>
    %ne3A_920 = arith.constant 0 : i32
    %ne3A_921 = vector.broadcast %ne3A_920 : i32 to vector<8x1xi32>
    %ne3A_922 = arith.cmpi ne, %rem3A_919, %ne3A_921 : vector<8x1xi32>
    %and3A_923 = arith.andi %ne3A_917, %ne3A_922 : vector<8x1xi1>
    %sub3A_924 = arith.constant 1 : i32
    %sub3A_925 = vector.broadcast %sub3A_924 : i32 to vector<8x1xi32>
    %sub3A_926 = arith.subi %div3A_899, %sub3A_925 : vector<8x1xi32>
    %select_n3A_927 = arith.select %and3A_923, %sub3A_926, %div3A_899 : vector<8x1xi1>, vector<8x1xi32>
    %le3A_928 = vector.broadcast %select_n3A_927 : vector<8x1xi32> to vector<8x1250xi32>
    %le3A_929 = arith.cmpi sle, %iota3A, %le3A_928 : vector<8x1250xi32>
    %and3A_930 = arith.andi %eq3A_441, %le3A_929 : vector<8x1250xi1>
    %convert_element_type3A_931 = arith.extui %and3A_930 : vector<8x1250xi1> to vector<8x1250xi32>
    %reduce_sum3A_932 = arith.constant dense<0> : vector<8xi32>
    %reduce_sum3A_933 = vector.multi_reduction <add>, %convert_element_type3A_931, %reduce_sum3A_932 [1] : vector<8x1250xi32> to vector<8xi32>
    %broadcast_in_dim3A_934 = vector.shape_cast %reduce_sum3A_933 : vector<8xi32> to vector<8x1xi32>
    %ge3A_935 = arith.cmpi sge, %broadcast_in_dim3A_934, %sub3A_447 : vector<8x1xi32>
    %add3A_936 = arith.constant 1 : i32
    %add3A_937 = vector.broadcast %add3A_936 : i32 to vector<8x1xi32>
    %add3A_938 = arith.addi %select_n3A_927, %add3A_937 : vector<8x1xi32>
    %select_n3A_939 = arith.select %ge3A_935, %select_n3A_895, %add3A_938 : vector<8x1xi1>, vector<8x1xi32>
    %le3A_940 = vector.broadcast %select_n3A_939 : vector<8x1xi32> to vector<8x1250xi32>
    %le3A_941 = arith.cmpi sle, %iota3A, %le3A_940 : vector<8x1250xi32>
    %and3A_942 = arith.andi %eq3A_441, %le3A_941 : vector<8x1250xi1>
    %or3A_943 = arith.ori %gt3A_440, %and3A_942 : vector<8x1250xi1>
    %tanh3A = math.tanh %add3A_20 : vector<8x1250xf32>
    %jit3A_944 = arith.constant 0.000000e+00 : f32
    %broadcast_in_dim3A_945 = vector.broadcast %jit3A_944 : f32 to vector<8x1250xf32>
    %select_n3A_946 = arith.select %or3A_943, %tanh3A, %broadcast_in_dim3A_945 : vector<8x1250xi1>, vector<8x1250xf32>
    %swap3A = arith.constant 0 : index
    %swap3A_947 = arith.constant 0 : index
    %swap3A_948 = vector.load %arg4[%swap3A, %swap3A_947] : memref<8x1250xf32, #tpu.memory_space<vmem>>, vector<8x1250xf32>
    tpu.vector_store %arg4[%swap3A, %swap3A_947], %select_n3A_946 {strides = array<i32>} : memref<8x1250xf32, #tpu.memory_space<vmem>>, vector<8x1250xf32>,
    %jit3A_949 = arith.constant 0.000000e+00 : f32
    %jit3A_950 = arith.constant -3.400000e+38 : f32
    %broadcast_in_dim3A_951 = vector.broadcast %jit3A_949 : f32 to vector<8x1250xf32>
    %broadcast_in_dim3A_952 = vector.broadcast %jit3A_950 : f32 to vector<8x1250xf32>
    %select_n3A_953 = arith.select %or3A_943, %broadcast_in_dim3A_951, %broadcast_in_dim3A_952 : vector<8x1250xi1>, vector<8x1250xf32>
    %swap3A_954 = arith.constant 0 : index
    %swap3A_955 = arith.constant 0 : index
    %swap3A_956 = vector.load %arg5[%swap3A_954, %swap3A_955] : memref<8x1250xf32, #tpu.memory_space<vmem>>, vector<8x1250xf32>
    tpu.vector_store %arg5[%swap3A_954, %swap3A_955], %select_n3A_953 {strides = array<i32>} : memref<8x1250xf32, #tpu.memory_space<vmem>>, vector<8x1250xf32>,
    return
  }
}

module attributes {stable_mosaic.version = 14 : i64} {
  func.func @_tc_pool_body(%arg0: i32, %arg1: memref<1x1250x64xf32, #tpu.memory_space<vmem>>, %arg2: memref<1x1250x64xf32, #tpu.memory_space<vmem>>, %arg3: memref<1x1250x64xf32, #tpu.memory_space<vmem>>, %arg4: memref<1x1250x1xf32, #tpu.memory_space<vmem>>, %arg5: memref<1x1250x1xf32, #tpu.memory_space<vmem>>, %arg6: memref<384x64xf32, #tpu.memory_space<vmem>>, %arg7: memref<1x64xf32, #tpu.memory_space<vmem>>, %arg8: memref<64x32xf32, #tpu.memory_space<vmem>>, %arg9: memref<1x32xf32, #tpu.memory_space<vmem>>, %arg10: memref<32x10xf32, #tpu.memory_space<vmem>>, %arg11: memref<1x10xf32, #tpu.memory_space<vmem>>, %arg12: memref<1x1x10xf32, #tpu.memory_space<vmem>>) attributes {dimension_semantics = [#tpu.dimension_semantics<arbitrary>], iteration_bounds = array<i64: 8>, scalar_prefetch = 0 : i64, scratch_operands = 0 : i64, tpu.core_type = #tpu.core_type<tc>, window_params = [{transform_indices = @transform_0, window_bounds = array<i64: 1, 1250, 64>}, {transform_indices = @transform_1, window_bounds = array<i64: 1, 1250, 64>}, {transform_indices = @transform_2, window_bounds = array<i64: 1, 1250, 64>}, {transform_indices = @transform_3, window_bounds = array<i64: 1, 1250, 1>}, {transform_indices = @transform_4, window_bounds = array<i64: 1, 1250, 1>}, {pipeline_mode = #tpu.pipeline_mode<synchronous>, transform_indices = @transform_5, window_bounds = array<i64: 384, 64>}, {pipeline_mode = #tpu.pipeline_mode<synchronous>, transform_indices = @transform_6, window_bounds = array<i64: 1, 64>}, {pipeline_mode = #tpu.pipeline_mode<synchronous>, transform_indices = @transform_7, window_bounds = array<i64: 64, 32>}, {pipeline_mode = #tpu.pipeline_mode<synchronous>, transform_indices = @transform_8, window_bounds = array<i64: 1, 32>}, {pipeline_mode = #tpu.pipeline_mode<synchronous>, transform_indices = @transform_9, window_bounds = array<i64: 32, 10>}, {pipeline_mode = #tpu.pipeline_mode<synchronous>, transform_indices = @transform_10, window_bounds = array<i64: 1, 10>}, {transform_indices = @transform_11, window_bounds = array<i64: 1, 1, 10>}]} {
    %get3A = arith.constant 0 : index
    %get3A_0 = arith.constant 0 : index
    %get3A_1 = arith.constant 0 : index
    %get3A_2 = vector.load %arg4[%get3A, %get3A_0, %get3A_1] : memref<1x1250x1xf32, #tpu.memory_space<vmem>>, vector<1x1250x1xf32>
    %get3A_3 = vector.shape_cast %get3A_2 : vector<1x1250x1xf32> to vector<1250x1xf32>
    %get3A_4 = arith.constant 0 : index
    %get3A_5 = arith.constant 0 : index
    %get3A_6 = arith.constant 0 : index
    %get3A_7 = vector.load %arg5[%get3A_4, %get3A_5, %get3A_6] : memref<1x1250x1xf32, #tpu.memory_space<vmem>>, vector<1x1250x1xf32>
    %get3A_8 = vector.shape_cast %get3A_7 : vector<1x1250x1xf32> to vector<1250x1xf32>
    %get3A_9 = arith.constant 0 : index
    %get3A_10 = arith.constant 0 : index
    %get3A_11 = arith.constant 0 : index
    %get3A_12 = vector.load %arg1[%get3A_9, %get3A_10, %get3A_11] : memref<1x1250x64xf32, #tpu.memory_space<vmem>>, vector<1x1250x64xf32>
    %get3A_13 = vector.shape_cast %get3A_12 : vector<1x1250x64xf32> to vector<1250x64xf32>
    %mul3A = vector.broadcast %get3A_3 : vector<1250x1xf32> to vector<1250x64xf32>
    %mul3A_14 = arith.mulf %get3A_13, %mul3A : vector<1250x64xf32>
    %get3A_15 = arith.constant 0 : index
    %get3A_16 = arith.constant 0 : index
    %get3A_17 = arith.constant 0 : index
    %get3A_18 = vector.load %arg2[%get3A_15, %get3A_16, %get3A_17] : memref<1x1250x64xf32, #tpu.memory_space<vmem>>, vector<1x1250x64xf32>
    %get3A_19 = vector.shape_cast %get3A_18 : vector<1x1250x64xf32> to vector<1250x64xf32>
    %mul3A_20 = vector.broadcast %get3A_3 : vector<1250x1xf32> to vector<1250x64xf32>
    %mul3A_21 = arith.mulf %get3A_19, %mul3A_20 : vector<1250x64xf32>
    %get3A_22 = arith.constant 0 : index
    %get3A_23 = arith.constant 0 : index
    %get3A_24 = arith.constant 0 : index
    %get3A_25 = vector.load %arg3[%get3A_22, %get3A_23, %get3A_24] : memref<1x1250x64xf32, #tpu.memory_space<vmem>>, vector<1x1250x64xf32>
    %get3A_26 = vector.shape_cast %get3A_25 : vector<1x1250x64xf32> to vector<1250x64xf32>
    %mul3A_27 = vector.broadcast %get3A_3 : vector<1250x1xf32> to vector<1250x64xf32>
    %mul3A_28 = arith.mulf %get3A_26, %mul3A_27 : vector<1250x64xf32>
    %add3A = vector.broadcast %get3A_8 : vector<1250x1xf32> to vector<1250x64xf32>
    %add3A_29 = arith.addf %mul3A_14, %add3A : vector<1250x64xf32>
    %reduce_max3A = arith.constant dense<0xFF800000> : vector<64xf32>
    %reduce_max3A_30 = vector.multi_reduction <maximumf>, %add3A_29, %reduce_max3A [0] : vector<1250x64xf32> to vector<64xf32>
    %broadcast_in_dim3A = vector.shape_cast %reduce_max3A_30 : vector<64xf32> to vector<1x64xf32>
    %add3A_31 = vector.broadcast %get3A_8 : vector<1250x1xf32> to vector<1250x64xf32>
    %add3A_32 = arith.addf %mul3A_21, %add3A_31 : vector<1250x64xf32>
    %reduce_max3A_33 = arith.constant dense<0xFF800000> : vector<64xf32>
    %reduce_max3A_34 = vector.multi_reduction <maximumf>, %add3A_32, %reduce_max3A_33 [0] : vector<1250x64xf32> to vector<64xf32>
    %broadcast_in_dim3A_35 = vector.shape_cast %reduce_max3A_34 : vector<64xf32> to vector<1x64xf32>
    %add3A_36 = vector.broadcast %get3A_8 : vector<1250x1xf32> to vector<1250x64xf32>
    %add3A_37 = arith.addf %mul3A_28, %add3A_36 : vector<1250x64xf32>
    %reduce_max3A_38 = arith.constant dense<0xFF800000> : vector<64xf32>
    %reduce_max3A_39 = vector.multi_reduction <maximumf>, %add3A_37, %reduce_max3A_38 [0] : vector<1250x64xf32> to vector<64xf32>
    %broadcast_in_dim3A_40 = vector.shape_cast %reduce_max3A_39 : vector<64xf32> to vector<1x64xf32>
    %reduce_sum3A = arith.constant dense<0.000000e+00> : vector<64xf32>
    %reduce_sum3A_41 = vector.multi_reduction <add>, %mul3A_14, %reduce_sum3A [0] : vector<1250x64xf32> to vector<64xf32>
    %broadcast_in_dim3A_42 = vector.shape_cast %reduce_sum3A_41 : vector<64xf32> to vector<1x64xf32>
    %mul3A_43 = arith.constant 1.600000e-03 : f32
    %mul3A_44 = vector.broadcast %mul3A_43 : f32 to vector<1x64xf32>
    %mul3A_45 = arith.mulf %broadcast_in_dim3A_42, %mul3A_44 : vector<1x64xf32>
    %reduce_sum3A_46 = arith.constant dense<0.000000e+00> : vector<64xf32>
    %reduce_sum3A_47 = vector.multi_reduction <add>, %mul3A_21, %reduce_sum3A_46 [0] : vector<1250x64xf32> to vector<64xf32>
    %broadcast_in_dim3A_48 = vector.shape_cast %reduce_sum3A_47 : vector<64xf32> to vector<1x64xf32>
    %mul3A_49 = arith.constant 1.600000e-03 : f32
    %mul3A_50 = vector.broadcast %mul3A_49 : f32 to vector<1x64xf32>
    %mul3A_51 = arith.mulf %broadcast_in_dim3A_48, %mul3A_50 : vector<1x64xf32>
    %reduce_sum3A_52 = arith.constant dense<0.000000e+00> : vector<64xf32>
    %reduce_sum3A_53 = vector.multi_reduction <add>, %mul3A_28, %reduce_sum3A_52 [0] : vector<1250x64xf32> to vector<64xf32>
    %broadcast_in_dim3A_54 = vector.shape_cast %reduce_sum3A_53 : vector<64xf32> to vector<1x64xf32>
    %mul3A_55 = arith.constant 1.600000e-03 : f32
    %mul3A_56 = vector.broadcast %mul3A_55 : f32 to vector<1x64xf32>
    %mul3A_57 = arith.mulf %broadcast_in_dim3A_54, %mul3A_56 : vector<1x64xf32>
    %concatenate3A = tpu.concatenate %broadcast_in_dim3A, %broadcast_in_dim3A_35, %broadcast_in_dim3A_40, %mul3A_45, %mul3A_51, %mul3A_57 in 1 : vector<1x64xf32>, vector<1x64xf32>, vector<1x64xf32>, vector<1x64xf32>, vector<1x64xf32>, vector<1x64xf32> -> vector<1x384xf32>
    %get3A_58 = arith.constant 0 : index
    %get3A_59 = arith.constant 0 : index
    %get3A_60 = vector.load %arg6[%get3A_58, %get3A_59] : memref<384x64xf32, #tpu.memory_space<vmem>>, vector<384x64xf32>
    %dot_general3A = arith.constant dense<0.000000e+00> : vector<1x64xf32>
    %dot_general3A_61 = tpu.matmul %concatenate3A, %get3A_60, %dot_general3A {dimension_numbers = #tpu.dot_dimension_numbers<[1], [0], [0], [1], [0, 0, 1, 1], [], []>, transpose_lhs_hint = false} : vector<1x384xf32>, vector<384x64xf32>, vector<1x64xf32> -> vector<1x64xf32>
    %get3A_62 = arith.constant 0 : index
    %get3A_63 = arith.constant 0 : index
    %get3A_64 = vector.load %arg7[%get3A_62, %get3A_63] : memref<1x64xf32, #tpu.memory_space<vmem>>, vector<1x64xf32>
    %add3A_65 = arith.addf %dot_general3A_61, %get3A_64 : vector<1x64xf32>
    %max3A = arith.constant 0.000000e+00 : f32
    %max3A_66 = vector.broadcast %max3A : f32 to vector<1x64xf32>
    %max3A_67 = arith.maximumf %add3A_65, %max3A_66 : vector<1x64xf32>
    %get3A_68 = arith.constant 0 : index
    %get3A_69 = arith.constant 0 : index
    %get3A_70 = vector.load %arg8[%get3A_68, %get3A_69] : memref<64x32xf32, #tpu.memory_space<vmem>>, vector<64x32xf32>
    %dot_general3A_71 = arith.constant dense<0.000000e+00> : vector<1x32xf32>
    %dot_general3A_72 = tpu.matmul %max3A_67, %get3A_70, %dot_general3A_71 {dimension_numbers = #tpu.dot_dimension_numbers<[1], [0], [0], [1], [0, 0, 1, 1], [], []>, transpose_lhs_hint = false} : vector<1x64xf32>, vector<64x32xf32>, vector<1x32xf32> -> vector<1x32xf32>
    %get3A_73 = arith.constant 0 : index
    %get3A_74 = arith.constant 0 : index
    %get3A_75 = vector.load %arg9[%get3A_73, %get3A_74] : memref<1x32xf32, #tpu.memory_space<vmem>>, vector<1x32xf32>
    %add3A_76 = arith.addf %dot_general3A_72, %get3A_75 : vector<1x32xf32>
    %max3A_77 = arith.constant 0.000000e+00 : f32
    %max3A_78 = vector.broadcast %max3A_77 : f32 to vector<1x32xf32>
    %max3A_79 = arith.maximumf %add3A_76, %max3A_78 : vector<1x32xf32>
    %get3A_80 = arith.constant 0 : index
    %get3A_81 = arith.constant 0 : index
    %get3A_82 = vector.load %arg10[%get3A_80, %get3A_81] : memref<32x10xf32, #tpu.memory_space<vmem>>, vector<32x10xf32>
    %dot_general3A_83 = arith.constant dense<0.000000e+00> : vector<1x10xf32>
    %dot_general3A_84 = tpu.matmul %max3A_79, %get3A_82, %dot_general3A_83 {dimension_numbers = #tpu.dot_dimension_numbers<[1], [0], [0], [1], [0, 0, 1, 1], [], []>, transpose_lhs_hint = false} : vector<1x32xf32>, vector<32x10xf32>, vector<1x10xf32> -> vector<1x10xf32>
    %get3A_85 = arith.constant 0 : index
    %get3A_86 = arith.constant 0 : index
    %get3A_87 = vector.load %arg11[%get3A_85, %get3A_86] : memref<1x10xf32, #tpu.memory_space<vmem>>, vector<1x10xf32>
    %add3A_88 = arith.addf %dot_general3A_84, %get3A_87 : vector<1x10xf32>
    %reduce_max3A_89 = arith.constant dense<0xFF800000> : vector<1xf32>
    %reduce_max3A_90 = vector.multi_reduction <maximumf>, %add3A_88, %reduce_max3A_89 [1] : vector<1x10xf32> to vector<1xf32>
    %broadcast_in_dim3A_91 = vector.shape_cast %reduce_max3A_90 : vector<1xf32> to vector<1x1xf32>
    %sub3A = vector.broadcast %broadcast_in_dim3A_91 : vector<1x1xf32> to vector<1x10xf32>
    %sub3A_92 = arith.subf %add3A_88, %sub3A : vector<1x10xf32>
    %exp3A = math.exp %sub3A_92 : vector<1x10xf32>
    %reduce_sum3A_93 = arith.constant dense<0.000000e+00> : vector<1xf32>
    %reduce_sum3A_94 = vector.multi_reduction <add>, %exp3A, %reduce_sum3A_93 [1] : vector<1x10xf32> to vector<1xf32>
    %broadcast_in_dim3A_95 = vector.shape_cast %reduce_sum3A_94 : vector<1xf32> to vector<1x1xf32>
    %log3A = math.log %broadcast_in_dim3A_95 : vector<1x1xf32>
    %sub3A_96 = vector.broadcast %log3A : vector<1x1xf32> to vector<1x10xf32>
    %sub3A_97 = arith.subf %sub3A_92, %sub3A_96 : vector<1x10xf32>
    %swap3A = arith.constant 0 : index
    %swap3A_98 = arith.constant 0 : index
    %swap3A_99 = arith.constant 0 : index
    %swap3A_100 = vector.load %arg12[%swap3A, %swap3A_98, %swap3A_99] : memref<1x1x10xf32, #tpu.memory_space<vmem>>, vector<1x1x10xf32>
    %swap3A_101 = vector.shape_cast %swap3A_100 : vector<1x1x10xf32> to vector<1x10xf32>
    %swap3A_102 = vector.shape_cast %sub3A_97 : vector<1x10xf32> to vector<1x1x10xf32>
    tpu.vector_store %arg12[%swap3A, %swap3A_98, %swap3A_99], %swap3A_102 {strides = array<i32>} : memref<1x1x10xf32, #tpu.memory_space<vmem>>, vector<1x1x10xf32>,
    return
  }
  func.func @transform_0(%arg0: i32) -> (i32, i32, i32) {
    %c0_i32 = arith.constant 0 : i32
    %c0_i32_0 = arith.constant 0 : i32
    %c0_i32_1 = arith.constant 0 : i32
    return %arg0, %c0_i32, %c0_i32_0 : i32, i32, i32
  }
  func.func @transform_1(%arg0: i32) -> (i32, i32, i32) {
    %c0_i32 = arith.constant 0 : i32
    %c0_i32_0 = arith.constant 0 : i32
    %c0_i32_1 = arith.constant 0 : i32
    return %arg0, %c0_i32, %c0_i32_0 : i32, i32, i32
  }
  func.func @transform_2(%arg0: i32) -> (i32, i32, i32) {
    %c0_i32 = arith.constant 0 : i32
    %c0_i32_0 = arith.constant 0 : i32
    %c0_i32_1 = arith.constant 0 : i32
    return %arg0, %c0_i32, %c0_i32_0 : i32, i32, i32
  }
  func.func @transform_3(%arg0: i32) -> (i32, i32, i32) {
    %c0_i32 = arith.constant 0 : i32
    %c0_i32_0 = arith.constant 0 : i32
    %c0_i32_1 = arith.constant 0 : i32
    return %arg0, %c0_i32, %c0_i32_0 : i32, i32, i32
  }
  func.func @transform_4(%arg0: i32) -> (i32, i32, i32) {
    %c0_i32 = arith.constant 0 : i32
    %c0_i32_0 = arith.constant 0 : i32
    %c0_i32_1 = arith.constant 0 : i32
    return %arg0, %c0_i32, %c0_i32_0 : i32, i32, i32
  }
  func.func @transform_5(%arg0: i32) -> (i32, i32) {
    %c0_i32 = arith.constant 0 : i32
    %c0_i32_0 = arith.constant 0 : i32
    %c0_i32_1 = arith.constant 0 : i32
    return %c0_i32, %c0_i32_0 : i32, i32
  }
  func.func @transform_6(%arg0: i32) -> (i32, i32) {
    %c0_i32 = arith.constant 0 : i32
    %c0_i32_0 = arith.constant 0 : i32
    %c0_i32_1 = arith.constant 0 : i32
    return %c0_i32, %c0_i32_0 : i32, i32
  }
  func.func @transform_7(%arg0: i32) -> (i32, i32) {
    %c0_i32 = arith.constant 0 : i32
    %c0_i32_0 = arith.constant 0 : i32
    %c0_i32_1 = arith.constant 0 : i32
    return %c0_i32, %c0_i32_0 : i32, i32
  }
  func.func @transform_8(%arg0: i32) -> (i32, i32) {
    %c0_i32 = arith.constant 0 : i32
    %c0_i32_0 = arith.constant 0 : i32
    %c0_i32_1 = arith.constant 0 : i32
    return %c0_i32, %c0_i32_0 : i32, i32
  }
  func.func @transform_9(%arg0: i32) -> (i32, i32) {
    %c0_i32 = arith.constant 0 : i32
    %c0_i32_0 = arith.constant 0 : i32
    %c0_i32_1 = arith.constant 0 : i32
    return %c0_i32, %c0_i32_0 : i32, i32
  }
  func.func @transform_10(%arg0: i32) -> (i32, i32) {
    %c0_i32 = arith.constant 0 : i32
    %c0_i32_0 = arith.constant 0 : i32
    %c0_i32_1 = arith.constant 0 : i32
    return %c0_i32, %c0_i32_0 : i32, i32
  }
  func.func @transform_11(%arg0: i32) -> (i32, i32, i32) {
    %c0_i32 = arith.constant 0 : i32
    %c0_i32_0 = arith.constant 0 : i32
    %c0_i32_1 = arith.constant 0 : i32
    return %arg0, %c0_i32, %c0_i32_0 : i32, i32, i32
  }
}

</mosaic_0001>

<sc_bundles>
// kernel: kernel.13.cloned.1.call-start
scs
__scs_entry_jumppad:
0x0: {  	(pc) =	sbr.rel $0x88, $3  }
0x1: {  	(tag) =	ssettag $0x0;
	lr =	simm.s32 $0x1  }
0x2: {  	[smem:$0x3F91] =	sst lr;
	_ =	strace $0xD0000000  }
0x3: {  	_ = 	snop  }
0x4: {  	_ = 	snop  }
0x5: {  	_ = 	snop  }
0x6: {  	_ = 	snop  }
0x7: {  	_ = 	snop  }
__scs_overlays_trampoline_lowered:
0x8: {  	[smem:$0x3FA0] =	sst s0  }
0x9: {  	[smem:$0x3FA1] =	sst s1  }
0xa: {  	[smem:$0x3FA2] =	sst s2  }
0xb: {  	[smem:$0x3FA3] =	sst s3  }
0xc: {  	[smem:$0x3FA4] =	sst s4  }
0xd: {  	[smem:$0x3FA5] =	sst s5  }
0xe: {  	[smem:$0x3FA6] =	sst s6  }
0xf: {  	[smem:$0x3FA7] =	sst s7  }
0x10: {  	[smem:$0x3FA8] =	sst s8  }
0x11: {  	[smem:$0x3FA9] =	sst s9;
	s0 =	simm.s32 @!p0 $0x0  }
0x12: {  	s1 =	sld [smem:$0x3F8F];
	s0 =	simm.s32 @p0 $0x1  }
0x13: {  	[smem:$0x3FAA] =	sst s0;
	s0 =	simm.s32 @!p1 $0x0  }
0x14: {  	s2 =	sld [smem:$0x3F8E];
	s0 =	simm.s32 @p1 $0x1  }
0x15: {  	[smem:$0x3FAB] =	sst s0;
	s0 =	simm.s32 @!p2 $0x0  }
0x16: {  	s3 =	sld [smem:$0x3FDB];
	s0 =	simm.s32 @p2 $0x1  }
0x17: {  	s4 =	simm.s32 $0x1BF5;
	[smem:$0x3FAD] =	sst s0  }
0x18: {  	s0 =	sld [smem:$0x3F90];
	_ =	swait.ge [sflag:s4], $0x0  }
0x19: {  	s7 =	sld [smem:$0x3F91]  }
0x1a: {  	s8 =	sadd.s32 $0xFFFFE003, lr  }
0x1b: {  	s9 =	sadd.s32 $0xFFFFFEF7, lr;
	s5 =	simm.s32 $0xFFFFFFFF;
	p2 =	slt.u32 s8, $0xFFFFF086  }
0x1c: {  	p1 =	slt.u32 s9, $0xF7A;
	s5 =	simm.s32 @!p2 $0x0  }
0x1d: {  	s5 =	simm.s32 @p1 $0x1;
	p0 =	seq.s32 s7, s2  }
0x1e: {  	s7 =	smul.u32 @!p0 $0xF7A, s2;
	p2 =	seq.s32 @!p0 s5, $0x0  }
0x1f: {  	s9 =	smul.u32 $0xF7A, s1;
	s8 =	simm.s32 @!p0 $0x1BF5;
	p2 =	por !p2, p0  }
0x20: {  	[sflag:s8] =	ssyncset.s32 @!p0 $0xFFFFF086;
	s6 =	sadd.s32 @!p0 s3, s7;
	s7 =	simm.s32 @!p0 $0x108  }
0x21: {  	s3 =	sadd.s32 s3, s9;
	s6 =	sadd.s32 @!p0 $0x88, s6;
	s7 =	simm.s32 @p2 $0x1082  }
0x22: {  	[simem:s7], [sflag:s8] =	dma.local @!p0 [hbm:s6], $0xF7A  }
0x23: {  	s9 =	sor.u32 $0xD0000000, s2;
	s6 =	simm.s32 $0x108;
	_ =	swait.ge @!p0 [sflag:s8], $0x0  }
0x24: {  	s3 =	sadd.s32 $0x88, s3;
	s6 =	simm.s32 @!p1 $0x1082;
	[sflag:s4] =	ssyncset.s32 $0xFFFFF086  }
0x25: {  	[simem:s6], [sflag:s4] =	dma.local [hbm:s3], $0xF7A  }
0x26: {  	[smem:$0x3F91] =	sst s1;
	(tag) =	ssettag s2;
	_ =	strace s9  }
0x27: {  	s1 =	sld [smem:$0x3FA1]  }
0x28: {  	s2 =	sld [smem:$0x3FA2]  }
0x29: {  	s4 =	sld [smem:$0x3FA4]  }
0x2a: {  	p0 =	seq.s32 s5, $0x0;
	s5 =	sld [smem:$0x3FA5]  }
0x2b: {  	s6 =	sld [smem:$0x3FA6]  }
0x2c: {  	s7 =	sld [smem:$0x3FA7]  }
0x2d: {  	s3 =	simm.s32 $0x108;
	s8 =	sld [smem:$0x3FA8]  }
0x2e: {  	s3 =	simm.s32 @!p0 $0x1082;
	s9 =	sld [smem:$0x3FA9]  }
0x2f: {  	lr =	sadd.s32 s0, s3;
	s0 =	sld [smem:$0x3FA0]  }
0x30: {  	s3 =	sld [smem:$0x3FA3]  }
0x31: {  	[smem:$0x3FAC] =	sst s10  }
0x32: {  	s10 =	sld [smem:$0x3FAA];
	_ =	sdelay $0x3  }
0x33: {  	p0 =	seq.s32 s10, $0x1;
	s10 =	sld [smem:$0x3FAC];
	_ =	sdelay $0x3  }
0x34: {  	[smem:$0x3FAC] =	sst s10  }
0x35: {  	s10 =	sld [smem:$0x3FAB];
	_ =	sdelay $0x3  }
0x36: {  	p1 =	seq.s32 s10, $0x1;
	s10 =	sld [smem:$0x3FAC];
	_ =	sdelay $0x3  }
0x37: {  	[smem:$0x3FAC] =	sst s10  }
0x38: {  	s10 =	sld [smem:$0x3FAD]  }
0x39: {  	_ = 	snop;
	(pc) =	sbr.ind lr, $3  }
0x3a: {  	_ = 	snop  }
0x3b: {  	_ = 	snop  }
0x3c: {  	p2 =	seq.s32 s10, $0x1;
	s10 =	sld [smem:$0x3FAC]  }
0x3d: {  	_ =	shalt  }
0x3e: {  	_ =	shalt  }
0x3f: {  	_ =	shalt  }
0x40: {  	_ =	shalt  }
0x41: {  	_ =	shalt  }
0x42: {  	_ =	shalt  }
0x43: {  	_ =	shalt  }
0x44: {  	_ =	shalt  }
0x45: {  	_ =	shalt  }
0x46: {  	_ =	shalt  }
0x47: {  	_ =	shalt  }
0x48: {  	_ =	shalt  }
0x49: {  	_ =	shalt  }
0x4a: {  	_ =	shalt  }
0x4b: {  	_ =	shalt  }
0x4c: {  	_ =	shalt  }
0x4d: {  	_ =	shalt  }
0x4e: {  	_ =	shalt  }
0x4f: {  	_ =	shalt  }
0x50: {  	_ =	shalt  }
0x51: {  	_ =	shalt  }
0x52: {  	_ =	shalt  }
0x53: {  	_ =	shalt  }
0x54: {  	_ =	shalt  }
0x55: {  	_ =	shalt  }
0x56: {  	_ =	shalt  }
0x57: {  	_ =	shalt  }
0x58: {  	_ =	shalt  }
0x59: {  	_ =	shalt  }
0x5a: {  	_ =	shalt  }
0x5b: {  	_ =	shalt  }
0x5c: {  	_ =	shalt  }
0x5d: {  	_ =	shalt  }
0x5e: {  	_ =	shalt  }
0x5f: {  	_ =	shalt  }
0x60: {  	_ =	shalt  }
0x61: {  	_ =	shalt  }
0x62: {  	_ =	shalt  }
0x63: {  	_ =	shalt  }
0x64: {  	_ =	shalt  }
0x65: {  	_ =	shalt  }
0x66: {  	_ =	shalt  }
0x67: {  	_ =	shalt  }
0x68: {  	_ =	shalt  }
0x69: {  	_ =	shalt  }
0x6a: {  	_ =	shalt  }
0x6b: {  	_ =	shalt  }
0x6c: {  	_ =	shalt  }
0x6d: {  	_ =	shalt  }
0x6e: {  	_ =	shalt  }
0x6f: {  	_ =	shalt  }
0x70: {  	_ =	shalt  }
0x71: {  	_ =	shalt  }
0x72: {  	_ =	shalt  }
0x73: {  	_ =	shalt  }
0x74: {  	_ =	shalt  }
0x75: {  	_ =	shalt  }
0x76: {  	_ =	shalt  }
0x77: {  	_ =	shalt  }
0x78: {  	_ =	shalt  }
0x79: {  	_ =	shalt  }
0x7a: {  	_ =	shalt  }
0x7b: {  	_ =	shalt  }
0x7c: {  	_ =	shalt  }
0x7d: {  	_ =	shalt  }
0x7e: {  	_ =	shalt  }
0x7f: {  	_ =	shalt  }
0x80: {  	_ =	shalt  }
0x81: {  	_ =	shalt  }
0x82: {  	_ =	shalt  }
0x83: {  	_ =	shalt  }
0x84: {  	_ =	shalt  }
0x85: {  	_ =	shalt  }
0x86: {  	_ =	shalt  }
0x87: {  	_ =	shalt  }
.Lfunc_end0:
.L_simem_size_0:
called_computation_lowered:
.L_overlay_start_0:
0x88: {  	s2 =	sld [smem:$0x3FD9]  }
0x89: {  	s3 =	sld [smem:$0x3FFE];
	_ =	sdelay $0x1  }
0x8a: {  	s1 =	srdreg.scid  }
0x8b: {  	s0 =	sand.u32 $0x1, s1  }
0x8c: {  	s16 =	sshll.u32 s0, $0xA;
	s2 =	sadd.s32 s3, s2  }
0x8d: {  	s2 =	sadd.s32 s2, s16  }
0x8e: {  	[smem:$0x3FB8] =	sst s2  }
0x8f: {  	_ = 	snop  }
0x90: {  	(tm) =	ssettm $0x1  }
0x91: {  	s17 =	sld [smem:$0x3FFB];
	_ =	sdelay $0x3  }
0x92: {  	_ =	strace s17  }
0x93: {  	s2 =	sld [smem:$0x3FFC];
	_ =	sdelay $0x3  }
0x94: {  	_ =	strace s2  }
0x95: {  	s2 =	sld [smem:$0x3FFD];
	_ =	sdelay $0x3  }
0x96: {  	_ =	strace s2  }
0x97: {  	_ =	strace $0x8FFFFFFF  }
0x98: {  	s18 =	sld [smem:$0x3FDB];
	_ =	sdelay $0x1  }
0x99: {  	s19 =	simm.s32 $_scs_section_size  }
0x9a: {  	s4 =	simm.s32 $_size__tile_overlayer_lowered;
	s5 =	simm.s32 $_tile_overlayer_lowered  }
0x9b: {  	s22 =	simm.s32 $0x1BFF;
	s21 =	sshll.u32 s5, $0x1;
	s2 =	sadd.s32 s19, s18  }
0x9c: {  	s6 =	simm.s32 $0x0;
	s20 =	sshll.u32 s4, $0x1;
	s4 =	sadd.s32 s21, s2  }
0x9d: {  	[timem:s6], [sflag:s22] =	dma.local [hbm:s4], s20  }
0x9e: {  	_ =	swait.ge [sflag:s22], s20  }
0x9f: {  	s3 =	ssub.s32 $0x0, s20;
	[sflag:s22] =	ssyncset.done $0x0  }
0xa0: {  	[sflag:s22] =	ssyncadd.s32 s3;
	_ =	sdelay $0x1  }
0xa1: {  	s23 =	simm.s32 $0x1B8B  }
0xa2: {  	_ =	swait.ge [sflag:s23], $0x1  }
0xa3: {  	[sflag:s23] =	ssyncset.done $0x0  }
0xa4: {  	s25 =	simm.s32 $0x1B8E;
	s24 =	sld [smem:$0x3FFE];
	[sflag:s23] =	ssyncadd.s32 $0xFFFFFFFF  }
0xa5: {  	s26 =	simm.s32 $execute0_lowered;
	[smem:$0x3FD2] =	sst s25  }
0xa6: {  	s4 =	sshll.u32 s26, $0x1;
	_ =	strace $0x80000046;
	[dreg:$0x1] =	wrdreg $0xFFFFFFFF  }
0xa7: {  	s28 =	simm.s32 $_size_execute0_lowered;
	s2 =	sadd.s32 s2, s4;
	[dreg:$0x0] =	wrdreg $0x0  }
0xa8: {  	s4 =	sshll.u32 s28, $0x1;
	[dreg:$0x2] =	wrdreg s2  }
0xa9: {  	[dreg:$0x3] =	wrdreg s4  }
0xaa: {  	[dreg:$0x4] =	wrdreg $0xC0  }
0xab: {  	_ =	task [dreg:s6], $0x5FFFF  }
0xac: {  	[dreg:$0x1] =	wrdreg $0xFFFFFFFF  }
0xad: {  	[dreg:$0x0] =	wrdreg $0x60  }
0xae: {  	[dreg:$0x2] =	wrdreg s24  }
0xaf: {  	[dreg:$0x3] =	wrdreg $0x2FD00  }
0xb0: {  	[dreg:$0x4] =	wrdreg $0x9  }
0xb1: {  	_ =	task.clear_ibuf [dreg:s6], $0x5FFFF;
	_ =	strace $0x90000046  }
0xb2: {  	s29 =	simm.s32 $0x9;
	_ =	strace $0x80000048  }
0xb3: {  	_ =	swait.ge [sflag:s29], $0x1  }
0xb4: {  	[sflag:s29] =	ssyncadd.s32 $0xFFFFFFFF  }
0xb5: {  	_ =	strace $0x90000048  }
0xb6: {  	_ =	sfence  }
0xb7: {  	s30 =	sld [smem:$0x0];
	_ =	sdelay $0x2  }
0xb8: {  	s31 =	sshll.u32 s1, $0xD;
	s1 =	sshrl.u32 s1, $0x2  }
0xb9: {  	s3 =	sand.u32 $0x4000, s31;
	s1 =	sadd.s32 s1, s30  }
0xba: {  	s0 =	sor.u32 s3, s0;
	s1 =	sshll.u32 s1, $0x11  }
0xbb: {  	s0 =	sor.u32 s1, s0  }
0xbc: {  	s0 =	sadd.s32 $0x8F2B, s0  }
0xbd: {  	[sflag:s0] =	ssyncadd.remote.s32 $0x1  }
0xbe: {  	_ =	sfence.sel $0xFFFF  }
0xbf: {  	[dreg:$0x0] =	wrdreg $0xFFFFFFFF;
	(pc) =	sbr.abs _section_cstart, $3  }
0xc0: {  	[dreg:$0x1] =	wrdreg $0xFFFFFFFF  }
0xc1: {  	_ =	task.clear_ibuf [dreg:s6], $0x2FFFF;
	_ =	strace $0x9FFFFFFF  }
0xc2: {  	(tm) =	ssettm $0x7FFFFFFF  }
0xc3: {  	_ =	shalt  }
tec
execute0_lowered:
.L_overlay_start_1:
0x0: {  	(tag) =	ssettag $0x1  }
0x1: {  	s6 =	rddreg [dreg:$0x0]  }
0x2: {  	s0 =	srdreg.scid;
	s2 =	rddreg [dreg:$0x1];
	s3 =	simm.s32 $0x0  }
0x3: {  	s13 =	simm.s32 $0x7D;
	s14 =	simm.s32 $0x80;
	s15 =	simm.s32 $0x100  }
0x4: {  	s16 =	simm.s32 $0x180;
	s17 =	simm.s32 $0x1;
	s18 =	simm.s32 $0x2  }
0x5: {  	s19 =	simm.s32 $0x3;
	s20 =	simm.s32 $0x4;
	s5 =	sand.u32 $0x1, s0  }
0x6: {  	s22 =	simm.s32 $0x0;
	s0 =	stileid.u32;
	s7 =	smul.u32 $0x27100, s5  }
0x7: {  	[smem:$0x7FF] =	sst s3;
	s1 =	sshll.u32 s5, $0x4;
	s8 =	smul.u32 $0x3E80, s0  }
0x8: {  	s10 =	ssub.s32 $0x2, s5;
	s11 =	smul.u32 $0xFA00, s0;
	s5 =	sadd.s32 $0xEE00, s6  }
0x9: {  	p0 =	sgt.u32 s0, $0x9;
	s1 =	sor.u32 s0, s1;
	s12 =	sshrl.u32 s10, $0x1  }
0xa: {  	s4 =	smul.u32 $0x500, s1;
	s1 =	rddreg [dreg:$0x2];
	_ =	strace $0x80000047  }
0xb: {  	s7 =	sadd.s32 s8, s7;
	s10 =	ssub.s32 s10, s12;
	s11 =	sshrl.u32 s11, $0x2  }
0xc: {  	s21 =	sadd.s32 s8, s2;
	s7 =	sshrl.u32 s7, $0x3;
	s12 =	sadd.s32 s11, s2  }
0xd: {  	s8 =	smax.u32 s10, $0x1;
	s10 =	simm.s32 $0x2800;
	s11 =	sshll.u32 @!p0 s0, $0x6  }
0xe: {  	s21 =	sshrl.u32 @!p0 s21, $0x3;
	s9 =	sadd.s32 s4, s6;
	s4 =	sadd.s32 $0xE600, s6  }
0xf: {  	s7 =	sadd.s32 s7, s6;
	s11 =	sor.u32 @!p0 $0x1C05, s11;
	s12 =	sshrl.u32 @!p0 s12, $0x3  }
0x10: {  	s6 =	sadd.s32 $0x4600, s9;
	s7 =	sadd.s32 $0xF000, s7;
	s9 =	simm.s32 $0x5  }
.LBB2_1:
0x11: {  	[tilespmem:s3], [sflag:$0x5] =	stream.linear.gather [hbm4b:s6+s3], $0x2800, $0x38;
	[tilespmem:$0x56E0] =	vst v63  }
0x12: {  	_ =	swait.ge [sflag:s9], $0x2800  }
0x13: {  	[sflag:s9] =	ssyncset.done $0x0  }
0x14: {  	[sflag:s9] =	ssyncadd.s32 $0xFFFFD800  }
0x15: {  	[tilespmem:s10], [sflag:$0x5] =	stream.linear.gather [hbm4b:s5+s3], $0x7D0, $0x38;
	[tilespmem:$0x56E0] =	vst v63  }
0x16: {  	_ =	swait.ge [sflag:s9], $0x7D0  }
0x17: {  	[sflag:s9] =	ssyncset.done $0x0  }
0x18: {  	s23 =	simm.s32 @!p0 $0x5;
	[sflag:s9] =	ssyncadd.s32 $0xFFFFF830  }
0x19: {  	[spmem:s12], [sflag:s11] =	dma.local @!p0 [hbm:s4], $0x7D0  }
0x1a: {  	_ =	swait.ge @!p0 [sflag:s23], $0x7D0  }
0x1b: {  	[sflag:s23] =	ssyncset.done @!p0 $0x0  }
0x1c: {  	[sflag:s23] =	ssyncadd.s32 @!p0 $0xFFFFF830  }
0x1d: {  	[bflag:$0x0] =	sbarrier.arrive $0xFFFF  }
0x1e: {  	[spmem:s2] =	stream.indirect.scatter.add.f32 [tilespmem:s10], [sflag:$0x1], $0x10, s3, s13, $0xb8;
	[tilespmem:$0x56E0] =	vst v63  }
0x1f: {  	_ = 	snop  }
0x20: {  	[spmem:s2] =	stream.indirect.scatter.add.f32 [tilespmem:s10], [sflag:$0x2], $0x10, s14, s13, $0xb8;
	[tilespmem:$0x56E0] =	vst v63  }
0x21: {  	s31 =	sand.u32 $0x3, s20  }
0x22: {  	[spmem:s2] =	stream.indirect.scatter.add.f32 [tilespmem:s10], [sflag:$0x3], $0x10, s15, s13, $0xb8;
	[tilespmem:$0x56E0] =	vst v63  }
0x23: {  	s24 =	sadd.s32 $0x1, s31  }
0x24: {  	[spmem:s2] =	stream.indirect.scatter.add.f32 [tilespmem:s10], [sflag:$0x4], $0x10, s16, s13, $0xb8;
	[tilespmem:$0x56E0] =	vst v63  }
0x25: {  	_ =	swait.ge [sflag:s24], $0x7D0  }
0x26: {  	s25 =	simm.s32 $0x5;
	[sflag:s24] =	ssyncset.done $0x0  }
0x27: {  	s25 =	sand.u32 $0x3, s25;
	s23 =	simm.s32 $0x200;
	[sflag:s24] =	ssyncadd.s32 $0xFFFFF830  }
0x28: {  	[spmem:s2] =	stream.indirect.scatter.add.f32 [tilespmem:s10], [sflag:s24], $0x10, s23, s13, $0xb8;
	[tilespmem:$0x56E0] =	vst v63  }
0x29: {  	s24 =	sadd.s32 $0x1, s25  }
0x2a: {  	s25 =	simm.s32 $0x6;
	_ =	swait.ge [sflag:s24], $0x7D0  }
.LBB2_2:
0x2b: {  	s26 =	sand.u32 $0x3, s25  }
0x2c: {  	[sflag:s24] =	ssyncset.done $0x0;
	s23 =	sadd.s32 $0x80, s23;
	p1 =	sne.s32 s25, $0x4F  }
.Ltmp0:
0x2d: {  	s26 =	sadd.s32 $0x1, s26;
	[sflag:s24] =	ssyncadd.s32 $0xFFFFF830;
	(pc) =	sbr.rel @p1 .LBB2_2-.Ltmp0, $3  }
0x2e: {  	[spmem:s2] =	stream.indirect.scatter.add.f32 [tilespmem:s10], [sflag:s24], $0x10, s23, s13, $0xb8;
	[tilespmem:$0x56E0] =	vst v63  }
0x2f: {  	s24 =	smov.u32 s26;
	_ =	swait.ge [sflag:s26], $0x7D0;
	_ =	sdelay $0x1  }
0x30: {  	s25 =	sadd.s32 $0x1, s25  }
0x31: {  	[sflag:s24] =	ssyncset.done $0x0  }
0x32: {  	s23 =	sadd.s32 $0x80, s23;
	[sflag:s24] =	ssyncadd.s32 $0xFFFFF830  }
0x33: {  	[spmem:s2] =	stream.indirect.scatter.add.f32 [tilespmem:s10], [sflag:s24], $0x10, s23, s13, $0xb8;
	[tilespmem:$0x56E0] =	vst v63  }
0x34: {  	_ =	swait.ge [sflag:s17], $0x7D0  }
0x35: {  	[sflag:s17] =	ssyncset.done $0x0  }
0x36: {  	[sflag:s17] =	ssyncadd.s32 $0xFFFFF830  }
0x37: {  	_ =	swait.ge [sflag:s18], $0x7D0  }
0x38: {  	[sflag:s18] =	ssyncset.done $0x0  }
0x39: {  	[sflag:s18] =	ssyncadd.s32 $0xFFFFF830  }
0x3a: {  	_ =	swait.ge [sflag:s19], $0x7D0  }
0x3b: {  	[sflag:s19] =	ssyncset.done $0x0  }
0x3c: {  	[sflag:s19] =	ssyncadd.s32 $0xFFFFF830  }
0x3d: {  	_ =	swait.ge [sflag:s20], $0x7D0  }
0x3e: {  	s22 =	sadd.s32 $0x1, s22;
	[sflag:s20] =	ssyncset.done $0x0  }
0x3f: {  	p1 =	sne.s32 s22, s8;
	[sflag:s20] =	ssyncadd.s32 $0xFFFFF830  }
.Ltmp1:
0x40: {  	s23 =	simm.s32 @!p0 $0x5;
	[bflag:$0x0] =	sbarrier.arrive $0xFFFF;
	(pc) =	sbr.rel @p1 .LBB2_1-.Ltmp1, $4  }
0x41: {  	[hbm:s7], [sflag:s11] =	dma.local @!p0 [spmem:s21], $0x7D0  }
0x42: {  	_ =	swait.ge @!p0 [sflag:s23], $0x7D0  }
0x43: {  	[sflag:s23] =	ssyncset.done @!p0 $0x0  }
0x44: {  	[sflag:s23] =	ssyncadd.s32 @!p0 $0xFFFFF830  }
0x45: {  	_ =	sfence.sel $0x180000  }
0x46: {  	[bflag:$0x0] =	sbarrier.arrive $0xFFFF  }
0x47: {  	p0 =	sne.s32 s0, $0x0;
	_ =	strace $0x90000047  }
0x48: {  	s0 =	sadd.s32 @!p0 $0x100000, s1;
	[bflag:$0x2] =	sbarrier.arrive $0xFFFF  }
0x49: {  	[sflag:s0] =	ssyncadd.tile.s32 @!p0 $0x1;
	_ =	shalt  }
.Lfunc_end2:
_tile_overlayer_lowered:
.L_overlay_start_2:
0x4a: {  	(tag) =	ssettag $0x2  }
0x4b: {  	s0 =	rddreg [dreg:$0x0];
	s2 =	stileid.u32  }
0x4c: {  	s1 =	rddreg [dreg:$0x1];
	p0 =	sne.s32 s2, $0x0  }
0x4d: {  	s3 =	rddreg [dreg:$0x2];
	[bflag:$0x3] =	sbarrier.arrive $0xFFFF;
	s2 =	simm.s32 @!p0 $0x1C05  }
0x4e: {  	[timem:s3], [sflag:s2] =	dma.local @!p0 [hbm:s0], s1  }
0x4f: {  	s0 =	simm.s32 @!p0 $0x5  }
0x50: {  	_ =	swait.ge @!p0 [sflag:s0], s1  }
0x51: {  	s1 =	ssub.s32 @!p0 $0x0, s1;
	[sflag:s0] =	ssyncset.done @!p0 $0x0  }
0x52: {  	[sflag:s0] =	ssyncadd.s32 @!p0 s1  }
0x53: {  	[bflag:$0x3] =	sbarrier.arrive $0xFFFF  }
0x54: {  	_ =	shalt  }

// kernel: kernel.16.cloned.1.call-start
scs
__scs_entry_jumppad:
0x0: {  	(pc) =	sbr.rel $0x88, $3  }
0x1: {  	(tag) =	ssettag $0x0;
	lr =	simm.s32 $0x1  }
0x2: {  	[smem:$0x3F91] =	sst lr;
	_ =	strace $0xD0000000  }
0x3: {  	_ = 	snop  }
0x4: {  	_ = 	snop  }
0x5: {  	_ = 	snop  }
0x6: {  	_ = 	snop  }
0x7: {  	_ = 	snop  }
__scs_overlays_trampoline_lowered:
0x8: {  	[smem:$0x3FA0] =	sst s0  }
0x9: {  	[smem:$0x3FA1] =	sst s1  }
0xa: {  	[smem:$0x3FA2] =	sst s2  }
0xb: {  	[smem:$0x3FA3] =	sst s3  }
0xc: {  	[smem:$0x3FA4] =	sst s4  }
0xd: {  	[smem:$0x3FA5] =	sst s5  }
0xe: {  	[smem:$0x3FA6] =	sst s6  }
0xf: {  	[smem:$0x3FA7] =	sst s7  }
0x10: {  	[smem:$0x3FA8] =	sst s8  }
0x11: {  	[smem:$0x3FA9] =	sst s9;
	s0 =	simm.s32 @!p0 $0x0  }
0x12: {  	s1 =	sld [smem:$0x3F8F];
	s0 =	simm.s32 @p0 $0x1  }
0x13: {  	[smem:$0x3FAA] =	sst s0;
	s0 =	simm.s32 @!p1 $0x0  }
0x14: {  	s2 =	sld [smem:$0x3F8E];
	s0 =	simm.s32 @p1 $0x1  }
0x15: {  	[smem:$0x3FAB] =	sst s0;
	s0 =	simm.s32 @!p2 $0x0  }
0x16: {  	s3 =	sld [smem:$0x3FDB];
	s0 =	simm.s32 @p2 $0x1  }
0x17: {  	s4 =	simm.s32 $0x1BF5;
	[smem:$0x3FAD] =	sst s0  }
0x18: {  	s0 =	sld [smem:$0x3F90];
	_ =	swait.ge [sflag:s4], $0x0  }
0x19: {  	s7 =	sld [smem:$0x3F91]  }
0x1a: {  	s8 =	sadd.s32 $0xFFFFE003, lr  }
0x1b: {  	s9 =	sadd.s32 $0xFFFFFEF7, lr;
	s5 =	simm.s32 $0xFFFFFFFF;
	p2 =	slt.u32 s8, $0xFFFFF086  }
0x1c: {  	p1 =	slt.u32 s9, $0xF7A;
	s5 =	simm.s32 @!p2 $0x0  }
0x1d: {  	s5 =	simm.s32 @p1 $0x1;
	p0 =	seq.s32 s7, s2  }
0x1e: {  	s7 =	smul.u32 @!p0 $0xF7A, s2;
	p2 =	seq.s32 @!p0 s5, $0x0  }
0x1f: {  	s9 =	smul.u32 $0xF7A, s1;
	s8 =	simm.s32 @!p0 $0x1BF5;
	p2 =	por !p2, p0  }
0x20: {  	[sflag:s8] =	ssyncset.s32 @!p0 $0xFFFFF086;
	s6 =	sadd.s32 @!p0 s3, s7;
	s7 =	simm.s32 @!p0 $0x108  }
0x21: {  	s3 =	sadd.s32 s3, s9;
	s6 =	sadd.s32 @!p0 $0x88, s6;
	s7 =	simm.s32 @p2 $0x1082  }
0x22: {  	[simem:s7], [sflag:s8] =	dma.local @!p0 [hbm:s6], $0xF7A  }
0x23: {  	s9 =	sor.u32 $0xD0000000, s2;
	s6 =	simm.s32 $0x108;
	_ =	swait.ge @!p0 [sflag:s8], $0x0  }
0x24: {  	s3 =	sadd.s32 $0x88, s3;
	s6 =	simm.s32 @!p1 $0x1082;
	[sflag:s4] =	ssyncset.s32 $0xFFFFF086  }
0x25: {  	[simem:s6], [sflag:s4] =	dma.local [hbm:s3], $0xF7A  }
0x26: {  	[smem:$0x3F91] =	sst s1;
	(tag) =	ssettag s2;
	_ =	strace s9  }
0x27: {  	s1 =	sld [smem:$0x3FA1]  }
0x28: {  	s2 =	sld [smem:$0x3FA2]  }
0x29: {  	s4 =	sld [smem:$0x3FA4]  }
0x2a: {  	p0 =	seq.s32 s5, $0x0;
	s5 =	sld [smem:$0x3FA5]  }
0x2b: {  	s6 =	sld [smem:$0x3FA6]  }
0x2c: {  	s7 =	sld [smem:$0x3FA7]  }
0x2d: {  	s3 =	simm.s32 $0x108;
	s8 =	sld [smem:$0x3FA8]  }
0x2e: {  	s3 =	simm.s32 @!p0 $0x1082;
	s9 =	sld [smem:$0x3FA9]  }
0x2f: {  	lr =	sadd.s32 s0, s3;
	s0 =	sld [smem:$0x3FA0]  }
0x30: {  	s3 =	sld [smem:$0x3FA3]  }
0x31: {  	[smem:$0x3FAC] =	sst s10  }
0x32: {  	s10 =	sld [smem:$0x3FAA];
	_ =	sdelay $0x3  }
0x33: {  	p0 =	seq.s32 s10, $0x1;
	s10 =	sld [smem:$0x3FAC];
	_ =	sdelay $0x3  }
0x34: {  	[smem:$0x3FAC] =	sst s10  }
0x35: {  	s10 =	sld [smem:$0x3FAB];
	_ =	sdelay $0x3  }
0x36: {  	p1 =	seq.s32 s10, $0x1;
	s10 =	sld [smem:$0x3FAC];
	_ =	sdelay $0x3  }
0x37: {  	[smem:$0x3FAC] =	sst s10  }
0x38: {  	s10 =	sld [smem:$0x3FAD]  }
0x39: {  	_ = 	snop;
	(pc) =	sbr.ind lr, $3  }
0x3a: {  	_ = 	snop  }
0x3b: {  	_ = 	snop  }
0x3c: {  	p2 =	seq.s32 s10, $0x1;
	s10 =	sld [smem:$0x3FAC]  }
0x3d: {  	_ =	shalt  }
0x3e: {  	_ =	shalt  }
0x3f: {  	_ =	shalt  }
0x40: {  	_ =	shalt  }
0x41: {  	_ =	shalt  }
0x42: {  	_ =	shalt  }
0x43: {  	_ =	shalt  }
0x44: {  	_ =	shalt  }
0x45: {  	_ =	shalt  }
0x46: {  	_ =	shalt  }
0x47: {  	_ =	shalt  }
0x48: {  	_ =	shalt  }
0x49: {  	_ =	shalt  }
0x4a: {  	_ =	shalt  }
0x4b: {  	_ =	shalt  }
0x4c: {  	_ =	shalt  }
0x4d: {  	_ =	shalt  }
0x4e: {  	_ =	shalt  }
0x4f: {  	_ =	shalt  }
0x50: {  	_ =	shalt  }
0x51: {  	_ =	shalt  }
0x52: {  	_ =	shalt  }
0x53: {  	_ =	shalt  }
0x54: {  	_ =	shalt  }
0x55: {  	_ =	shalt  }
0x56: {  	_ =	shalt  }
0x57: {  	_ =	shalt  }
0x58: {  	_ =	shalt  }
0x59: {  	_ =	shalt  }
0x5a: {  	_ =	shalt  }
0x5b: {  	_ =	shalt  }
0x5c: {  	_ =	shalt  }
0x5d: {  	_ =	shalt  }
0x5e: {  	_ =	shalt  }
0x5f: {  	_ =	shalt  }
0x60: {  	_ =	shalt  }
0x61: {  	_ =	shalt  }
0x62: {  	_ =	shalt  }
0x63: {  	_ =	shalt  }
0x64: {  	_ =	shalt  }
0x65: {  	_ =	shalt  }
0x66: {  	_ =	shalt  }
0x67: {  	_ =	shalt  }
0x68: {  	_ =	shalt  }
0x69: {  	_ =	shalt  }
0x6a: {  	_ =	shalt  }
0x6b: {  	_ =	shalt  }
0x6c: {  	_ =	shalt  }
0x6d: {  	_ =	shalt  }
0x6e: {  	_ =	shalt  }
0x6f: {  	_ =	shalt  }
0x70: {  	_ =	shalt  }
0x71: {  	_ =	shalt  }
0x72: {  	_ =	shalt  }
0x73: {  	_ =	shalt  }
0x74: {  	_ =	shalt  }
0x75: {  	_ =	shalt  }
0x76: {  	_ =	shalt  }
0x77: {  	_ =	shalt  }
0x78: {  	_ =	shalt  }
0x79: {  	_ =	shalt  }
0x7a: {  	_ =	shalt  }
0x7b: {  	_ =	shalt  }
0x7c: {  	_ =	shalt  }
0x7d: {  	_ =	shalt  }
0x7e: {  	_ =	shalt  }
0x7f: {  	_ =	shalt  }
0x80: {  	_ =	shalt  }
0x81: {  	_ =	shalt  }
0x82: {  	_ =	shalt  }
0x83: {  	_ =	shalt  }
0x84: {  	_ =	shalt  }
0x85: {  	_ =	shalt  }
0x86: {  	_ =	shalt  }
0x87: {  	_ =	shalt  }
.Lfunc_end0:
.L_simem_size_0:
called_computation.1_lowered:
.L_overlay_start_0:
0x88: {  	s2 =	sld [smem:$0x3FD9]  }
0x89: {  	s3 =	sld [smem:$0x3FFE];
	_ =	sdelay $0x1  }
0x8a: {  	s1 =	srdreg.scid  }
0x8b: {  	s0 =	sand.u32 $0x1, s1  }
0x8c: {  	s16 =	sshll.u32 s0, $0xA;
	s2 =	sadd.s32 s3, s2  }
0x8d: {  	s2 =	sadd.s32 s2, s16  }
0x8e: {  	[smem:$0x3FB8] =	sst s2  }
0x8f: {  	_ = 	snop  }
0x90: {  	(tm) =	ssettm $0x1  }
0x91: {  	s17 =	sld [smem:$0x3FFB];
	_ =	sdelay $0x3  }
0x92: {  	_ =	strace s17  }
0x93: {  	s2 =	sld [smem:$0x3FFC];
	_ =	sdelay $0x3  }
0x94: {  	_ =	strace s2  }
0x95: {  	s2 =	sld [smem:$0x3FFD];
	_ =	sdelay $0x3  }
0x96: {  	_ =	strace s2  }
0x97: {  	_ =	strace $0x8FFFFFFF  }
0x98: {  	s18 =	sld [smem:$0x3FDB];
	_ =	sdelay $0x1  }
0x99: {  	s19 =	simm.s32 $_scs_section_size  }
0x9a: {  	s4 =	simm.s32 $_size__tile_overlayer_lowered;
	s5 =	simm.s32 $_tile_overlayer_lowered  }
0x9b: {  	s22 =	simm.s32 $0x1BFF;
	s21 =	sshll.u32 s5, $0x1;
	s2 =	sadd.s32 s19, s18  }
0x9c: {  	s6 =	simm.s32 $0x0;
	s20 =	sshll.u32 s4, $0x1;
	s4 =	sadd.s32 s21, s2  }
0x9d: {  	[timem:s6], [sflag:s22] =	dma.local [hbm:s4], s20  }
0x9e: {  	_ =	swait.ge [sflag:s22], s20  }
0x9f: {  	s3 =	ssub.s32 $0x0, s20;
	[sflag:s22] =	ssyncset.done $0x0  }
0xa0: {  	[sflag:s22] =	ssyncadd.s32 s3;
	_ =	sdelay $0x1  }
0xa1: {  	s23 =	simm.s32 $0x1B8B  }
0xa2: {  	_ =	swait.ge [sflag:s23], $0x1  }
0xa3: {  	[sflag:s23] =	ssyncset.done $0x0  }
0xa4: {  	s25 =	simm.s32 $0x1B8E;
	s24 =	sld [smem:$0x3FFE];
	[sflag:s23] =	ssyncadd.s32 $0xFFFFFFFF  }
0xa5: {  	s26 =	simm.s32 $execute0_lowered;
	[smem:$0x3FD2] =	sst s25  }
0xa6: {  	s4 =	sshll.u32 s26, $0x1;
	_ =	strace $0x80000049;
	[dreg:$0x1] =	wrdreg $0xFFFFFFFF  }
0xa7: {  	s28 =	simm.s32 $_size_execute0_lowered;
	s2 =	sadd.s32 s2, s4;
	[dreg:$0x0] =	wrdreg $0x0  }
0xa8: {  	s4 =	sshll.u32 s28, $0x1;
	[dreg:$0x2] =	wrdreg s2  }
0xa9: {  	[dreg:$0x3] =	wrdreg s4  }
0xaa: {  	[dreg:$0x4] =	wrdreg $0xC0  }
0xab: {  	_ =	task [dreg:s6], $0x5FFFF  }
0xac: {  	[dreg:$0x1] =	wrdreg $0xFFFFFFFF  }
0xad: {  	[dreg:$0x0] =	wrdreg $0x60  }
0xae: {  	[dreg:$0x2] =	wrdreg s24  }
0xaf: {  	[dreg:$0x3] =	wrdreg $0xCD000  }
0xb0: {  	[dreg:$0x4] =	wrdreg $0x9  }
0xb1: {  	_ =	task.clear_ibuf [dreg:s6], $0x5FFFF;
	_ =	strace $0x90000049  }
0xb2: {  	s29 =	simm.s32 $0x9;
	_ =	strace $0x8000004B  }
0xb3: {  	_ =	swait.ge [sflag:s29], $0x1  }
0xb4: {  	[sflag:s29] =	ssyncadd.s32 $0xFFFFFFFF  }
0xb5: {  	_ =	strace $0x9000004B  }
0xb6: {  	_ =	sfence  }
0xb7: {  	s30 =	sld [smem:$0x0];
	_ =	sdelay $0x2  }
0xb8: {  	s31 =	sshll.u32 s1, $0xD;
	s1 =	sshrl.u32 s1, $0x2  }
0xb9: {  	s3 =	sand.u32 $0x4000, s31;
	s1 =	sadd.s32 s1, s30  }
0xba: {  	s0 =	sor.u32 s3, s0;
	s1 =	sshll.u32 s1, $0x11  }
0xbb: {  	s0 =	sor.u32 s1, s0  }
0xbc: {  	s0 =	sadd.s32 $0x8F2B, s0  }
0xbd: {  	[sflag:s0] =	ssyncadd.remote.s32 $0x1  }
0xbe: {  	_ =	sfence.sel $0xFFFF  }
0xbf: {  	[dreg:$0x0] =	wrdreg $0xFFFFFFFF;
	(pc) =	sbr.abs _section_cstart, $3  }
0xc0: {  	[dreg:$0x1] =	wrdreg $0xFFFFFFFF  }
0xc1: {  	_ =	task.clear_ibuf [dreg:s6], $0x2FFFF;
	_ =	strace $0x9FFFFFFF  }
0xc2: {  	(tm) =	ssettm $0x7FFFFFFF  }
0xc3: {  	_ =	shalt  }
tec
execute0_lowered:
.L_overlay_start_1:
0x0: {  	(tag) =	ssettag $0x1  }
0x1: {  	s0 =	srdreg.scid;
	s6 =	rddreg [dreg:$0x0]  }
0x2: {  	s12 =	stileid.u32;
	s2 =	rddreg [dreg:$0x1];
	s3 =	simm.s32 $0x0  }
0x3: {  	s14 =	simm.s32 $0x7D;
	s21 =	simm.s32 $0xADC0;
	s22 =	simm.s32 $0x5  }
0x4: {  	s23 =	simm.s32 $0x6;
	s24 =	simm.s32 $0x7;
	s26 =	simm.s32 $0x8  }
0x5: {  	s28 =	simm.s32 $0x0;
	s0 =	sand.u32 $0x1, s0;
	s9 =	smul.u32 $0xFA00, s12  }
0x6: {  	[smem:$0x7FF] =	sst s3;
	s4 =	sadd.s32 $0x22E00, s6;
	s10 =	smul.u32 $0x3E800, s12  }
0x7: {  	p0 =	sgt.u32 s12, $0x9;
	s1 =	sshll.u32 s0, $0x4;
	s5 =	smul.u32 $0x9C400, s0  }
0x8: {  	_ =	strace $0x8000004A;
	s0 =	ssub.s32 $0x2, s0;
	s1 =	sor.u32 s12, s1  }
0x9: {  	s8 =	sshrl.u32 s0, $0x1;
	s31 =	sshrl.u32 s10, $0x2;
	s15 =	sadd.s32 s9, s2  }
0xa: {  	s10 =	simm.s32 $0x9;
	s1 =	smul.u32 $0x500, s1;
	s5 =	sadd.s32 s9, s5  }
0xb: {  	s0 =	ssub.s32 s0, s8;
	s25 =	sshrl.u32 @!p0 s15, $0x3;
	s7 =	sshrl.u32 s5, $0x3  }
0xc: {  	s5 =	sadd.s32 $0xEE00, s6;
	s9 =	smax.u32 s0, $0x1;
	s0 =	sshll.u32 @!p0 s12, $0x6  }
0xd: {  	s1 =	sadd.s32 s1, s6;
	s11 =	sadd.s32 s7, s6;
	s12 =	sor.u32 @!p0 $0x1C09, s0  }
0xe: {  	s6 =	sadd.s32 $0x18E00, s1;
	s7 =	sadd.s32 $0x4600, s1;
	s1 =	sadd.s32 s31, s2  }
0xf: {  	s8 =	sadd.s32 $0x36800, s11;
	s11 =	simm.s32 $0x2800;
	s13 =	sshrl.u32 @!p0 s1, $0x3  }
.LBB2_1:
0x10: {  	[tilespmem:s3], [sflag:$0x9] =	stream.linear.gather [hbm4b:s6+s3], $0x2800, $0x38;
	[tilespmem:$0x16940] =	vst v63  }
0x11: {  	_ =	swait.ge [sflag:s10], $0x2800  }
0x12: {  	[sflag:s10] =	ssyncset.done $0x0  }
0x13: {  	[sflag:s10] =	ssyncadd.s32 $0xFFFFD800  }
0x14: {  	[tilespmem:s11], [sflag:$0x9] =	stream.linear.gather [hbm4b:s7+s3], $0x2800, $0x38;
	[tilespmem:$0x16940] =	vst v63  }
0x15: {  	_ =	swait.ge [sflag:s10], $0x2800  }
0x16: {  	[sflag:s10] =	ssyncset.done $0x0  }
0x17: {  	s0 =	simm.s32 @!p0 $0x9;
	[sflag:s10] =	ssyncadd.s32 $0xFFFFD800  }
0x18: {  	[spmem:s13], [sflag:s12] =	dma.local @!p0 [hbm:s5], $0x1F40  }
0x19: {  	_ =	swait.ge @!p0 [sflag:s0], $0x1F40  }
0x1a: {  	[sflag:s0] =	ssyncset.done @!p0 $0x0  }
0x1b: {  	[sflag:s0] =	ssyncadd.s32 @!p0 $0xFFFFE0C0  }
0x1c: {  	s1 =	simm.s32 $0x5000;
	[bflag:$0x0] =	sbarrier.arrive $0xFFFF  }
0x1d: {  	[tilespmem:s1], [sflag:$0x1] =	stream.indirect.gather [hbm4b:s4+s14], $0x40, s3, s14, $0xb8;
	[tilespmem:$0x16940] =	vst v63  }
0x1e: {  	s15 =	simm.s32 $0x80;
	s1 =	simm.s32 $0x6F40  }
0x1f: {  	[tilespmem:s1], [sflag:$0x2] =	stream.indirect.gather [hbm4b:s4+s14], $0x40, s15, s14, $0xb8;
	[tilespmem:$0x16940] =	vst v63  }
0x20: {  	s16 =	simm.s32 $0x100;
	s17 =	simm.s32 $0x8E80;
	s19 =	sand.u32 $0x3, s3  }
0x21: {  	[tilespmem:s17], [sflag:$0x3] =	stream.indirect.gather [hbm4b:s4+s14], $0x40, s16, s14, $0xb8;
	[tilespmem:$0x16940] =	vst v63  }
0x22: {  	s18 =	simm.s32 $0x180;
	s20 =	smul.u32 $0x7D00, s19;
	s31 =	sadd.s32 $0x1, s19  }
0x23: {  	[tilespmem:s21], [sflag:$0x4] =	stream.indirect.gather [hbm4b:s4+s14], $0x40, s18, s14, $0xb8;
	[tilespmem:$0x16940] =	vst v63  }
0x24: {  	p1 =	por $0x0, $0x0;
	_ =	swait.ge [sflag:s31], $0x1F40  }
0x25: {  	s30 =	simm.s32 $0x2880;
	s1 =	sshrl.u32 s20, $0x2;
	[sflag:s31] =	ssyncset.done $0x0  }
0x26: {  	s17 =	sadd.s32 $0x5000, s1;
	s18 =	sadd.s32 $0x5, s19;
	[sflag:s31] =	ssyncadd.s32 $0xFFFFE0C0  }
0x27: {  	[spmem:s2] =	stream.indirect.scatter.add.f32 [tilespmem:s17], [sflag:s18], $0x40, s11, s14, $0xb8;
	[tilespmem:$0x16940] =	vst v63  }
0x28: {  	s29 =	simm.s32 $0x280;
	s15 =	simm.s32 $0x1;
	_ =	swait.ge @!p1 [sflag:s18], $0x1F40  }
0x29: {  	s0 =	sand.u32 $0x3, s15;
	s1 =	simm.s32 $0x200;
	[sflag:s18] =	ssyncset.done @!p1 $0x0  }
0x2a: {  	s16 =	simm.s32 $0x2;
	[sflag:s18] =	ssyncadd.s32 @!p1 $0xFFFFE0C0;
	s18 =	simm.s32 @!p1 $0x7D  }
.LBB2_2:
0x2b: {  	[tilespmem:s17], [sflag:s31] =	stream.indirect.gather @!p1 [hbm4b:s4+s18], $0x40, s1, s18, $0xb8;
	[tilespmem:$0x16940] =	vst v63  }
0x2c: {  	s18 =	smov.u32 s16;
	s1 =	smov.u32 s29;
	s19 =	sand.u32 $0x3, s16  }
0x2d: {  	s17 =	smul.u32 $0x7D00, s0;
	s31 =	sadd.s32 $0x1, s0;
	s16 =	sadd.s32 $0x1, s16  }
0x2e: {  	p1 =	sgt.u32 s15, $0x4B;
	s20 =	sadd.s32 $0x5, s0;
	_ =	swait.ge [sflag:s31], $0x1F40  }
0x2f: {  	p2 =	sne.s32 s16, $0x50;
	s15 =	sshrl.u32 s17, $0x2;
	[sflag:s31] =	ssyncset.done $0x0  }
.Ltmp0:
0x30: {  	s17 =	sadd.s32 $0x5000, s15;
	[sflag:s31] =	ssyncadd.s32 $0xFFFFE0C0;
	(pc) =	sbr.rel @p2 .LBB2_2-.Ltmp0, $4  }
0x31: {  	[spmem:s2] =	stream.indirect.scatter.add.f32 [tilespmem:s17], [sflag:s20], $0x40, s30, s14, $0xb8;
	[tilespmem:$0x16940] =	vst v63  }
0x32: {  	s0 =	smov.u32 s19;
	_ =	swait.ge @!p1 [sflag:s20], $0x1F40  }
0x33: {  	s15 =	smov.u32 s18;
	s30 =	sadd.s32 $0x80, s30;
	[sflag:s20] =	ssyncset.done @!p1 $0x0  }
0x34: {  	s29 =	sadd.s32 $0x80, s29;
	s18 =	simm.s32 @!p1 $0x7D;
	[sflag:s20] =	ssyncadd.s32 @!p1 $0xFFFFE0C0  }
0x35: {  	[tilespmem:s17], [sflag:s31] =	stream.indirect.gather @!p1 [hbm4b:s4+s18], $0x40, s1, s18, $0xb8;
	[tilespmem:$0x16940] =	vst v63  }
0x36: {  	s31 =	smul.u32 $0x7D00, s0;
	s16 =	sadd.s32 $0x1, s0  }
0x37: {  	_ =	swait.ge [sflag:s16], $0x1F40  }
0x38: {  	p1 =	sgt.u32 s15, $0x4B;
	s1 =	sshrl.u32 s31, $0x2;
	[sflag:s16] =	ssyncset.done $0x0  }
0x39: {  	s0 =	sadd.s32 $0x5, s0;
	s1 =	sadd.s32 $0x5000, s1;
	[sflag:s16] =	ssyncadd.s32 $0xFFFFE0C0  }
0x3a: {  	[spmem:s2] =	stream.indirect.scatter.add.f32 [tilespmem:s1], [sflag:s0], $0x40, s30, s14, $0xb8;
	[tilespmem:$0x16940] =	vst v63  }
0x3b: {  	_ =	swait.ge @!p1 [sflag:s0], $0x1F40  }
0x3c: {  	[sflag:s0] =	ssyncset.done @!p1 $0x0  }
0x3d: {  	[sflag:s0] =	ssyncadd.s32 @!p1 $0xFFFFE0C0;
	s0 =	simm.s32 @!p1 $0x7D  }
0x3e: {  	[tilespmem:s1], [sflag:s16] =	stream.indirect.gather @!p1 [hbm4b:s4+s0], $0x40, s29, s0, $0xb8;
	[tilespmem:$0x16940] =	vst v63  }
0x3f: {  	_ =	swait.ge [sflag:s22], $0x1F40  }
0x40: {  	[sflag:s22] =	ssyncset.done $0x0  }
0x41: {  	[sflag:s22] =	ssyncadd.s32 $0xFFFFE0C0  }
0x42: {  	_ =	swait.ge [sflag:s23], $0x1F40  }
0x43: {  	[sflag:s23] =	ssyncset.done $0x0  }
0x44: {  	[sflag:s23] =	ssyncadd.s32 $0xFFFFE0C0  }
0x45: {  	_ =	swait.ge [sflag:s24], $0x1F40  }
0x46: {  	[sflag:s24] =	ssyncset.done $0x0  }
0x47: {  	[sflag:s24] =	ssyncadd.s32 $0xFFFFE0C0  }
0x48: {  	_ =	swait.ge [sflag:s26], $0x1F40  }
0x49: {  	s28 =	sadd.s32 $0x1, s28;
	[sflag:s26] =	ssyncset.done $0x0  }
0x4a: {  	p1 =	sne.s32 s28, s9;
	[sflag:s26] =	ssyncadd.s32 $0xFFFFE0C0  }
.Ltmp1:
0x4b: {  	s0 =	simm.s32 @!p0 $0x9;
	[bflag:$0x0] =	sbarrier.arrive $0xFFFF;
	(pc) =	sbr.rel @p1 .LBB2_1-.Ltmp1, $4  }
0x4c: {  	[hbm:s8], [sflag:s12] =	dma.local @!p0 [spmem:s25], $0x1F40  }
0x4d: {  	_ =	swait.ge @!p0 [sflag:s0], $0x1F40  }
0x4e: {  	[sflag:s0] =	ssyncset.done @!p0 $0x0  }
0x4f: {  	[sflag:s0] =	ssyncadd.s32 @!p0 $0xFFFFE0C0  }
0x50: {  	_ =	sfence.sel $0x180000  }
0x51: {  	[bflag:$0x0] =	sbarrier.arrive $0xFFFF  }
0x52: {  	_ =	strace $0x9000004A  }
0x53: {  	s0 =	stileid.u32;
	[bflag:$0x2] =	sbarrier.arrive $0xFFFF  }
0x54: {  	p0 =	sne.s32 s0, $0x0;
	s0 =	rddreg [dreg:$0x2]  }
0x55: {  	s0 =	sadd.s32 @!p0 $0x100000, s0  }
0x56: {  	[sflag:s0] =	ssyncadd.tile.s32 @!p0 $0x1;
	_ =	shalt  }
.Lfunc_end2:
_tile_overlayer_lowered:
.L_overlay_start_2:
0x57: {  	(tag) =	ssettag $0x2  }
0x58: {  	s0 =	rddreg [dreg:$0x0];
	s2 =	stileid.u32  }
0x59: {  	s1 =	rddreg [dreg:$0x1];
	p0 =	sne.s32 s2, $0x0  }
0x5a: {  	s3 =	rddreg [dreg:$0x2];
	[bflag:$0x3] =	sbarrier.arrive $0xFFFF;
	s2 =	simm.s32 @!p0 $0x1C09  }
0x5b: {  	[timem:s3], [sflag:s2] =	dma.local @!p0 [hbm:s0], s1  }
0x5c: {  	s0 =	simm.s32 @!p0 $0x9  }
0x5d: {  	_ =	swait.ge @!p0 [sflag:s0], s1  }
0x5e: {  	s1 =	ssub.s32 @!p0 $0x0, s1;
	[sflag:s0] =	ssyncset.done @!p0 $0x0  }
0x5f: {  	[sflag:s0] =	ssyncadd.s32 @!p0 s1  }
0x60: {  	[bflag:$0x3] =	sbarrier.arrive $0xFFFF  }
0x61: {  	_ =	shalt  }

// kernel: kernel.19.cloned.1.call-start
scs
__scs_entry_jumppad:
0x0: {  	(pc) =	sbr.rel $0x88, $3  }
0x1: {  	(tag) =	ssettag $0x0;
	lr =	simm.s32 $0x1  }
0x2: {  	[smem:$0x3F91] =	sst lr;
	_ =	strace $0xD0000000  }
0x3: {  	_ = 	snop  }
0x4: {  	_ = 	snop  }
0x5: {  	_ = 	snop  }
0x6: {  	_ = 	snop  }
0x7: {  	_ = 	snop  }
__scs_overlays_trampoline_lowered:
0x8: {  	[smem:$0x3FA0] =	sst s0  }
0x9: {  	[smem:$0x3FA1] =	sst s1  }
0xa: {  	[smem:$0x3FA2] =	sst s2  }
0xb: {  	[smem:$0x3FA3] =	sst s3  }
0xc: {  	[smem:$0x3FA4] =	sst s4  }
0xd: {  	[smem:$0x3FA5] =	sst s5  }
0xe: {  	[smem:$0x3FA6] =	sst s6  }
0xf: {  	[smem:$0x3FA7] =	sst s7  }
0x10: {  	[smem:$0x3FA8] =	sst s8  }
0x11: {  	[smem:$0x3FA9] =	sst s9;
	s0 =	simm.s32 @!p0 $0x0  }
0x12: {  	s1 =	sld [smem:$0x3F8F];
	s0 =	simm.s32 @p0 $0x1  }
0x13: {  	[smem:$0x3FAA] =	sst s0;
	s0 =	simm.s32 @!p1 $0x0  }
0x14: {  	s2 =	sld [smem:$0x3F8E];
	s0 =	simm.s32 @p1 $0x1  }
0x15: {  	[smem:$0x3FAB] =	sst s0;
	s0 =	simm.s32 @!p2 $0x0  }
0x16: {  	s3 =	sld [smem:$0x3FDB];
	s0 =	simm.s32 @p2 $0x1  }
0x17: {  	s4 =	simm.s32 $0x1BF5;
	[smem:$0x3FAD] =	sst s0  }
0x18: {  	s0 =	sld [smem:$0x3F90];
	_ =	swait.ge [sflag:s4], $0x0  }
0x19: {  	s7 =	sld [smem:$0x3F91]  }
0x1a: {  	s8 =	sadd.s32 $0xFFFFE003, lr  }
0x1b: {  	s9 =	sadd.s32 $0xFFFFFEF7, lr;
	s5 =	simm.s32 $0xFFFFFFFF;
	p2 =	slt.u32 s8, $0xFFFFF086  }
0x1c: {  	p1 =	slt.u32 s9, $0xF7A;
	s5 =	simm.s32 @!p2 $0x0  }
0x1d: {  	s5 =	simm.s32 @p1 $0x1;
	p0 =	seq.s32 s7, s2  }
0x1e: {  	s7 =	smul.u32 @!p0 $0xF7A, s2;
	p2 =	seq.s32 @!p0 s5, $0x0  }
0x1f: {  	s9 =	smul.u32 $0xF7A, s1;
	s8 =	simm.s32 @!p0 $0x1BF5;
	p2 =	por !p2, p0  }
0x20: {  	[sflag:s8] =	ssyncset.s32 @!p0 $0xFFFFF086;
	s6 =	sadd.s32 @!p0 s3, s7;
	s7 =	simm.s32 @!p0 $0x108  }
0x21: {  	s3 =	sadd.s32 s3, s9;
	s6 =	sadd.s32 @!p0 $0x88, s6;
	s7 =	simm.s32 @p2 $0x1082  }
0x22: {  	[simem:s7], [sflag:s8] =	dma.local @!p0 [hbm:s6], $0xF7A  }
0x23: {  	s9 =	sor.u32 $0xD0000000, s2;
	s6 =	simm.s32 $0x108;
	_ =	swait.ge @!p0 [sflag:s8], $0x0  }
0x24: {  	s3 =	sadd.s32 $0x88, s3;
	s6 =	simm.s32 @!p1 $0x1082;
	[sflag:s4] =	ssyncset.s32 $0xFFFFF086  }
0x25: {  	[simem:s6], [sflag:s4] =	dma.local [hbm:s3], $0xF7A  }
0x26: {  	[smem:$0x3F91] =	sst s1;
	(tag) =	ssettag s2;
	_ =	strace s9  }
0x27: {  	s1 =	sld [smem:$0x3FA1]  }
0x28: {  	s2 =	sld [smem:$0x3FA2]  }
0x29: {  	s4 =	sld [smem:$0x3FA4]  }
0x2a: {  	p0 =	seq.s32 s5, $0x0;
	s5 =	sld [smem:$0x3FA5]  }
0x2b: {  	s6 =	sld [smem:$0x3FA6]  }
0x2c: {  	s7 =	sld [smem:$0x3FA7]  }
0x2d: {  	s3 =	simm.s32 $0x108;
	s8 =	sld [smem:$0x3FA8]  }
0x2e: {  	s3 =	simm.s32 @!p0 $0x1082;
	s9 =	sld [smem:$0x3FA9]  }
0x2f: {  	lr =	sadd.s32 s0, s3;
	s0 =	sld [smem:$0x3FA0]  }
0x30: {  	s3 =	sld [smem:$0x3FA3]  }
0x31: {  	[smem:$0x3FAC] =	sst s10  }
0x32: {  	s10 =	sld [smem:$0x3FAA];
	_ =	sdelay $0x3  }
0x33: {  	p0 =	seq.s32 s10, $0x1;
	s10 =	sld [smem:$0x3FAC];
	_ =	sdelay $0x3  }
0x34: {  	[smem:$0x3FAC] =	sst s10  }
0x35: {  	s10 =	sld [smem:$0x3FAB];
	_ =	sdelay $0x3  }
0x36: {  	p1 =	seq.s32 s10, $0x1;
	s10 =	sld [smem:$0x3FAC];
	_ =	sdelay $0x3  }
0x37: {  	[smem:$0x3FAC] =	sst s10  }
0x38: {  	s10 =	sld [smem:$0x3FAD]  }
0x39: {  	_ = 	snop;
	(pc) =	sbr.ind lr, $3  }
0x3a: {  	_ = 	snop  }
0x3b: {  	_ = 	snop  }
0x3c: {  	p2 =	seq.s32 s10, $0x1;
	s10 =	sld [smem:$0x3FAC]  }
0x3d: {  	_ =	shalt  }
0x3e: {  	_ =	shalt  }
0x3f: {  	_ =	shalt  }
0x40: {  	_ =	shalt  }
0x41: {  	_ =	shalt  }
0x42: {  	_ =	shalt  }
0x43: {  	_ =	shalt  }
0x44: {  	_ =	shalt  }
0x45: {  	_ =	shalt  }
0x46: {  	_ =	shalt  }
0x47: {  	_ =	shalt  }
0x48: {  	_ =	shalt  }
0x49: {  	_ =	shalt  }
0x4a: {  	_ =	shalt  }
0x4b: {  	_ =	shalt  }
0x4c: {  	_ =	shalt  }
0x4d: {  	_ =	shalt  }
0x4e: {  	_ =	shalt  }
0x4f: {  	_ =	shalt  }
0x50: {  	_ =	shalt  }
0x51: {  	_ =	shalt  }
0x52: {  	_ =	shalt  }
0x53: {  	_ =	shalt  }
0x54: {  	_ =	shalt  }
0x55: {  	_ =	shalt  }
0x56: {  	_ =	shalt  }
0x57: {  	_ =	shalt  }
0x58: {  	_ =	shalt  }
0x59: {  	_ =	shalt  }
0x5a: {  	_ =	shalt  }
0x5b: {  	_ =	shalt  }
0x5c: {  	_ =	shalt  }
0x5d: {  	_ =	shalt  }
0x5e: {  	_ =	shalt  }
0x5f: {  	_ =	shalt  }
0x60: {  	_ =	shalt  }
0x61: {  	_ =	shalt  }
0x62: {  	_ =	shalt  }
0x63: {  	_ =	shalt  }
0x64: {  	_ =	shalt  }
0x65: {  	_ =	shalt  }
0x66: {  	_ =	shalt  }
0x67: {  	_ =	shalt  }
0x68: {  	_ =	shalt  }
0x69: {  	_ =	shalt  }
0x6a: {  	_ =	shalt  }
0x6b: {  	_ =	shalt  }
0x6c: {  	_ =	shalt  }
0x6d: {  	_ =	shalt  }
0x6e: {  	_ =	shalt  }
0x6f: {  	_ =	shalt  }
0x70: {  	_ =	shalt  }
0x71: {  	_ =	shalt  }
0x72: {  	_ =	shalt  }
0x73: {  	_ =	shalt  }
0x74: {  	_ =	shalt  }
0x75: {  	_ =	shalt  }
0x76: {  	_ =	shalt  }
0x77: {  	_ =	shalt  }
0x78: {  	_ =	shalt  }
0x79: {  	_ =	shalt  }
0x7a: {  	_ =	shalt  }
0x7b: {  	_ =	shalt  }
0x7c: {  	_ =	shalt  }
0x7d: {  	_ =	shalt  }
0x7e: {  	_ =	shalt  }
0x7f: {  	_ =	shalt  }
0x80: {  	_ =	shalt  }
0x81: {  	_ =	shalt  }
0x82: {  	_ =	shalt  }
0x83: {  	_ =	shalt  }
0x84: {  	_ =	shalt  }
0x85: {  	_ =	shalt  }
0x86: {  	_ =	shalt  }
0x87: {  	_ =	shalt  }
.Lfunc_end0:
.L_simem_size_0:
called_computation.2_lowered:
.L_overlay_start_0:
0x88: {  	s2 =	sld [smem:$0x3FD9]  }
0x89: {  	s3 =	sld [smem:$0x3FFE];
	_ =	sdelay $0x1  }
0x8a: {  	s1 =	srdreg.scid  }
0x8b: {  	s0 =	sand.u32 $0x1, s1  }
0x8c: {  	s16 =	sshll.u32 s0, $0xA;
	s2 =	sadd.s32 s3, s2  }
0x8d: {  	s2 =	sadd.s32 s2, s16  }
0x8e: {  	[smem:$0x3FB8] =	sst s2  }
0x8f: {  	_ = 	snop  }
0x90: {  	(tm) =	ssettm $0x1  }
0x91: {  	s17 =	sld [smem:$0x3FFB];
	_ =	sdelay $0x3  }
0x92: {  	_ =	strace s17  }
0x93: {  	s2 =	sld [smem:$0x3FFC];
	_ =	sdelay $0x3  }
0x94: {  	_ =	strace s2  }
0x95: {  	s2 =	sld [smem:$0x3FFD];
	_ =	sdelay $0x3  }
0x96: {  	_ =	strace s2  }
0x97: {  	_ =	strace $0x8FFFFFFF  }
0x98: {  	s18 =	sld [smem:$0x3FDB];
	_ =	sdelay $0x1  }
0x99: {  	s19 =	simm.s32 $_scs_section_size  }
0x9a: {  	s4 =	simm.s32 $_size__tile_overlayer_lowered;
	s5 =	simm.s32 $_tile_overlayer_lowered  }
0x9b: {  	s22 =	simm.s32 $0x1BFF;
	s21 =	sshll.u32 s5, $0x1;
	s2 =	sadd.s32 s19, s18  }
0x9c: {  	s6 =	simm.s32 $0x0;
	s20 =	sshll.u32 s4, $0x1;
	s4 =	sadd.s32 s21, s2  }
0x9d: {  	[timem:s6], [sflag:s22] =	dma.local [hbm:s4], s20  }
0x9e: {  	_ =	swait.ge [sflag:s22], s20  }
0x9f: {  	s3 =	ssub.s32 $0x0, s20;
	[sflag:s22] =	ssyncset.done $0x0  }
0xa0: {  	[sflag:s22] =	ssyncadd.s32 s3;
	_ =	sdelay $0x1  }
0xa1: {  	s23 =	simm.s32 $0x1B8B  }
0xa2: {  	_ =	swait.ge [sflag:s23], $0x1  }
0xa3: {  	[sflag:s23] =	ssyncset.done $0x0  }
0xa4: {  	s25 =	simm.s32 $0x1B8E;
	s24 =	sld [smem:$0x3FFE];
	[sflag:s23] =	ssyncadd.s32 $0xFFFFFFFF  }
0xa5: {  	s26 =	simm.s32 $execute0_lowered;
	[smem:$0x3FD2] =	sst s25  }
0xa6: {  	s4 =	sshll.u32 s26, $0x1;
	_ =	strace $0x8000004C;
	[dreg:$0x1] =	wrdreg $0xFFFFFFFF  }
0xa7: {  	s28 =	simm.s32 $_size_execute0_lowered;
	s2 =	sadd.s32 s2, s4;
	[dreg:$0x0] =	wrdreg $0x0  }
0xa8: {  	s4 =	sshll.u32 s28, $0x1;
	[dreg:$0x2] =	wrdreg s2  }
0xa9: {  	[dreg:$0x3] =	wrdreg s4  }
0xaa: {  	[dreg:$0x4] =	wrdreg $0xC0  }
0xab: {  	_ =	task [dreg:s6], $0x5FFFF  }
0xac: {  	[dreg:$0x1] =	wrdreg $0xFFFFFFFF  }
0xad: {  	[dreg:$0x0] =	wrdreg $0x60  }
0xae: {  	[dreg:$0x2] =	wrdreg s24  }
0xaf: {  	[dreg:$0x3] =	wrdreg $0xCD000  }
0xb0: {  	[dreg:$0x4] =	wrdreg $0x9  }
0xb1: {  	_ =	task.clear_ibuf [dreg:s6], $0x5FFFF;
	_ =	strace $0x9000004C  }
0xb2: {  	s29 =	simm.s32 $0x9;
	_ =	strace $0x8000004E  }
0xb3: {  	_ =	swait.ge [sflag:s29], $0x1  }
0xb4: {  	[sflag:s29] =	ssyncadd.s32 $0xFFFFFFFF  }
0xb5: {  	_ =	strace $0x9000004E  }
0xb6: {  	_ =	sfence  }
0xb7: {  	s30 =	sld [smem:$0x0];
	_ =	sdelay $0x2  }
0xb8: {  	s31 =	sshll.u32 s1, $0xD;
	s1 =	sshrl.u32 s1, $0x2  }
0xb9: {  	s3 =	sand.u32 $0x4000, s31;
	s1 =	sadd.s32 s1, s30  }
0xba: {  	s0 =	sor.u32 s3, s0;
	s1 =	sshll.u32 s1, $0x11  }
0xbb: {  	s0 =	sor.u32 s1, s0  }
0xbc: {  	s0 =	sadd.s32 $0x8F2B, s0  }
0xbd: {  	[sflag:s0] =	ssyncadd.remote.s32 $0x1  }
0xbe: {  	_ =	sfence.sel $0xFFFF  }
0xbf: {  	[dreg:$0x0] =	wrdreg $0xFFFFFFFF;
	(pc) =	sbr.abs _section_cstart, $3  }
0xc0: {  	[dreg:$0x1] =	wrdreg $0xFFFFFFFF  }
0xc1: {  	_ =	task.clear_ibuf [dreg:s6], $0x2FFFF;
	_ =	strace $0x9FFFFFFF  }
0xc2: {  	(tm) =	ssettm $0x7FFFFFFF  }
0xc3: {  	_ =	shalt  }
tec
execute0_lowered:
.L_overlay_start_1:
0x0: {  	(tag) =	ssettag $0x1  }
0x1: {  	s0 =	srdreg.scid;
	s6 =	rddreg [dreg:$0x0]  }
0x2: {  	s12 =	stileid.u32;
	s2 =	rddreg [dreg:$0x1];
	s3 =	simm.s32 $0x0  }
0x3: {  	s14 =	simm.s32 $0x7D;
	s21 =	simm.s32 $0xADC0;
	s22 =	simm.s32 $0x5  }
0x4: {  	s23 =	simm.s32 $0x6;
	s24 =	simm.s32 $0x7;
	s26 =	simm.s32 $0x8  }
0x5: {  	s28 =	simm.s32 $0x0;
	s0 =	sand.u32 $0x1, s0;
	s9 =	smul.u32 $0xFA00, s12  }
0x6: {  	[smem:$0x7FF] =	sst s3;
	s4 =	sadd.s32 $0x4A000, s6;
	s10 =	smul.u32 $0x3E800, s12  }
0x7: {  	p0 =	sgt.u32 s12, $0x9;
	s1 =	sshll.u32 s0, $0x4;
	s5 =	smul.u32 $0x9C400, s0  }
0x8: {  	_ =	strace $0x8000004D;
	s0 =	ssub.s32 $0x2, s0;
	s1 =	sor.u32 s12, s1  }
0x9: {  	s8 =	sshrl.u32 s0, $0x1;
	s31 =	sshrl.u32 s10, $0x2;
	s15 =	sadd.s32 s9, s2  }
0xa: {  	s10 =	simm.s32 $0x9;
	s1 =	smul.u32 $0x500, s1;
	s5 =	sadd.s32 s9, s5  }
0xb: {  	s0 =	ssub.s32 s0, s8;
	s25 =	sshrl.u32 @!p0 s15, $0x3;
	s7 =	sshrl.u32 s5, $0x3  }
0xc: {  	s5 =	sadd.s32 $0xEE00, s6;
	s9 =	smax.u32 s0, $0x1;
	s0 =	sshll.u32 @!p0 s12, $0x6  }
0xd: {  	s1 =	sadd.s32 s1, s6;
	s11 =	sadd.s32 s7, s6;
	s12 =	sor.u32 @!p0 $0x1C09, s0  }
0xe: {  	s6 =	sadd.s32 $0x18E00, s1;
	s7 =	sadd.s32 $0x4600, s1;
	s1 =	sadd.s32 s31, s2  }
0xf: {  	s8 =	sadd.s32 $0x5DA00, s11;
	s11 =	simm.s32 $0x2800;
	s13 =	sshrl.u32 @!p0 s1, $0x3  }
.LBB2_1:
0x10: {  	[tilespmem:s3], [sflag:$0x9] =	stream.linear.gather [hbm4b:s6+s3], $0x2800, $0x38;
	[tilespmem:$0x16940] =	vst v63  }
0x11: {  	_ =	swait.ge [sflag:s10], $0x2800  }
0x12: {  	[sflag:s10] =	ssyncset.done $0x0  }
0x13: {  	[sflag:s10] =	ssyncadd.s32 $0xFFFFD800  }
0x14: {  	[tilespmem:s11], [sflag:$0x9] =	stream.linear.gather [hbm4b:s7+s3], $0x2800, $0x38;
	[tilespmem:$0x16940] =	vst v63  }
0x15: {  	_ =	swait.ge [sflag:s10], $0x2800  }
0x16: {  	[sflag:s10] =	ssyncset.done $0x0  }
0x17: {  	s0 =	simm.s32 @!p0 $0x9;
	[sflag:s10] =	ssyncadd.s32 $0xFFFFD800  }
0x18: {  	[spmem:s13], [sflag:s12] =	dma.local @!p0 [hbm:s5], $0x1F40  }
0x19: {  	_ =	swait.ge @!p0 [sflag:s0], $0x1F40  }
0x1a: {  	[sflag:s0] =	ssyncset.done @!p0 $0x0  }
0x1b: {  	[sflag:s0] =	ssyncadd.s32 @!p0 $0xFFFFE0C0  }
0x1c: {  	s1 =	simm.s32 $0x5000;
	[bflag:$0x0] =	sbarrier.arrive $0xFFFF  }
0x1d: {  	[tilespmem:s1], [sflag:$0x1] =	stream.indirect.gather [hbm4b:s4+s14], $0x40, s3, s14, $0xb8;
	[tilespmem:$0x16940] =	vst v63  }
0x1e: {  	s15 =	simm.s32 $0x80;
	s1 =	simm.s32 $0x6F40  }
0x1f: {  	[tilespmem:s1], [sflag:$0x2] =	stream.indirect.gather [hbm4b:s4+s14], $0x40, s15, s14, $0xb8;
	[tilespmem:$0x16940] =	vst v63  }
0x20: {  	s16 =	simm.s32 $0x100;
	s17 =	simm.s32 $0x8E80;
	s19 =	sand.u32 $0x3, s3  }
0x21: {  	[tilespmem:s17], [sflag:$0x3] =	stream.indirect.gather [hbm4b:s4+s14], $0x40, s16, s14, $0xb8;
	[tilespmem:$0x16940] =	vst v63  }
0x22: {  	s18 =	simm.s32 $0x180;
	s20 =	smul.u32 $0x7D00, s19;
	s31 =	sadd.s32 $0x1, s19  }
0x23: {  	[tilespmem:s21], [sflag:$0x4] =	stream.indirect.gather [hbm4b:s4+s14], $0x40, s18, s14, $0xb8;
	[tilespmem:$0x16940] =	vst v63  }
0x24: {  	p1 =	por $0x0, $0x0;
	_ =	swait.ge [sflag:s31], $0x1F40  }
0x25: {  	s30 =	simm.s32 $0x2880;
	s1 =	sshrl.u32 s20, $0x2;
	[sflag:s31] =	ssyncset.done $0x0  }
0x26: {  	s17 =	sadd.s32 $0x5000, s1;
	s18 =	sadd.s32 $0x5, s19;
	[sflag:s31] =	ssyncadd.s32 $0xFFFFE0C0  }
0x27: {  	[spmem:s2] =	stream.indirect.scatter.add.f32 [tilespmem:s17], [sflag:s18], $0x40, s11, s14, $0xb8;
	[tilespmem:$0x16940] =	vst v63  }
0x28: {  	s29 =	simm.s32 $0x280;
	s15 =	simm.s32 $0x1;
	_ =	swait.ge @!p1 [sflag:s18], $0x1F40  }
0x29: {  	s0 =	sand.u32 $0x3, s15;
	s1 =	simm.s32 $0x200;
	[sflag:s18] =	ssyncset.done @!p1 $0x0  }
0x2a: {  	s16 =	simm.s32 $0x2;
	[sflag:s18] =	ssyncadd.s32 @!p1 $0xFFFFE0C0;
	s18 =	simm.s32 @!p1 $0x7D  }
.LBB2_2:
0x2b: {  	[tilespmem:s17], [sflag:s31] =	stream.indirect.gather @!p1 [hbm4b:s4+s18], $0x40, s1, s18, $0xb8;
	[tilespmem:$0x16940] =	vst v63  }
0x2c: {  	s18 =	smov.u32 s16;
	s1 =	smov.u32 s29;
	s19 =	sand.u32 $0x3, s16  }
0x2d: {  	s17 =	smul.u32 $0x7D00, s0;
	s31 =	sadd.s32 $0x1, s0;
	s16 =	sadd.s32 $0x1, s16  }
0x2e: {  	p1 =	sgt.u32 s15, $0x4B;
	s20 =	sadd.s32 $0x5, s0;
	_ =	swait.ge [sflag:s31], $0x1F40  }
0x2f: {  	p2 =	sne.s32 s16, $0x50;
	s15 =	sshrl.u32 s17, $0x2;
	[sflag:s31] =	ssyncset.done $0x0  }
.Ltmp0:
0x30: {  	s17 =	sadd.s32 $0x5000, s15;
	[sflag:s31] =	ssyncadd.s32 $0xFFFFE0C0;
	(pc) =	sbr.rel @p2 .LBB2_2-.Ltmp0, $4  }
0x31: {  	[spmem:s2] =	stream.indirect.scatter.add.f32 [tilespmem:s17], [sflag:s20], $0x40, s30, s14, $0xb8;
	[tilespmem:$0x16940] =	vst v63  }
0x32: {  	s0 =	smov.u32 s19;
	_ =	swait.ge @!p1 [sflag:s20], $0x1F40  }
0x33: {  	s15 =	smov.u32 s18;
	s30 =	sadd.s32 $0x80, s30;
	[sflag:s20] =	ssyncset.done @!p1 $0x0  }
0x34: {  	s29 =	sadd.s32 $0x80, s29;
	s18 =	simm.s32 @!p1 $0x7D;
	[sflag:s20] =	ssyncadd.s32 @!p1 $0xFFFFE0C0  }
0x35: {  	[tilespmem:s17], [sflag:s31] =	stream.indirect.gather @!p1 [hbm4b:s4+s18], $0x40, s1, s18, $0xb8;
	[tilespmem:$0x16940] =	vst v63  }
0x36: {  	s31 =	smul.u32 $0x7D00, s0;
	s16 =	sadd.s32 $0x1, s0  }
0x37: {  	_ =	swait.ge [sflag:s16], $0x1F40  }
0x38: {  	p1 =	sgt.u32 s15, $0x4B;
	s1 =	sshrl.u32 s31, $0x2;
	[sflag:s16] =	ssyncset.done $0x0  }
0x39: {  	s0 =	sadd.s32 $0x5, s0;
	s1 =	sadd.s32 $0x5000, s1;
	[sflag:s16] =	ssyncadd.s32 $0xFFFFE0C0  }
0x3a: {  	[spmem:s2] =	stream.indirect.scatter.add.f32 [tilespmem:s1], [sflag:s0], $0x40, s30, s14, $0xb8;
	[tilespmem:$0x16940] =	vst v63  }
0x3b: {  	_ =	swait.ge @!p1 [sflag:s0], $0x1F40  }
0x3c: {  	[sflag:s0] =	ssyncset.done @!p1 $0x0  }
0x3d: {  	[sflag:s0] =	ssyncadd.s32 @!p1 $0xFFFFE0C0;
	s0 =	simm.s32 @!p1 $0x7D  }
0x3e: {  	[tilespmem:s1], [sflag:s16] =	stream.indirect.gather @!p1 [hbm4b:s4+s0], $0x40, s29, s0, $0xb8;
	[tilespmem:$0x16940] =	vst v63  }
0x3f: {  	_ =	swait.ge [sflag:s22], $0x1F40  }
0x40: {  	[sflag:s22] =	ssyncset.done $0x0  }
0x41: {  	[sflag:s22] =	ssyncadd.s32 $0xFFFFE0C0  }
0x42: {  	_ =	swait.ge [sflag:s23], $0x1F40  }
0x43: {  	[sflag:s23] =	ssyncset.done $0x0  }
0x44: {  	[sflag:s23] =	ssyncadd.s32 $0xFFFFE0C0  }
0x45: {  	_ =	swait.ge [sflag:s24], $0x1F40  }
0x46: {  	[sflag:s24] =	ssyncset.done $0x0  }
0x47: {  	[sflag:s24] =	ssyncadd.s32 $0xFFFFE0C0  }
0x48: {  	_ =	swait.ge [sflag:s26], $0x1F40  }
0x49: {  	s28 =	sadd.s32 $0x1, s28;
	[sflag:s26] =	ssyncset.done $0x0  }
0x4a: {  	p1 =	sne.s32 s28, s9;
	[sflag:s26] =	ssyncadd.s32 $0xFFFFE0C0  }
.Ltmp1:
0x4b: {  	s0 =	simm.s32 @!p0 $0x9;
	[bflag:$0x0] =	sbarrier.arrive $0xFFFF;
	(pc) =	sbr.rel @p1 .LBB2_1-.Ltmp1, $4  }
0x4c: {  	[hbm:s8], [sflag:s12] =	dma.local @!p0 [spmem:s25], $0x1F40  }
0x4d: {  	_ =	swait.ge @!p0 [sflag:s0], $0x1F40  }
0x4e: {  	[sflag:s0] =	ssyncset.done @!p0 $0x0  }
0x4f: {  	[sflag:s0] =	ssyncadd.s32 @!p0 $0xFFFFE0C0  }
0x50: {  	_ =	sfence.sel $0x180000  }
0x51: {  	[bflag:$0x0] =	sbarrier.arrive $0xFFFF  }
0x52: {  	_ =	strace $0x9000004D  }
0x53: {  	s0 =	stileid.u32;
	[bflag:$0x2] =	sbarrier.arrive $0xFFFF  }
0x54: {  	p0 =	sne.s32 s0, $0x0;
	s0 =	rddreg [dreg:$0x2]  }
0x55: {  	s0 =	sadd.s32 @!p0 $0x100000, s0  }
0x56: {  	[sflag:s0] =	ssyncadd.tile.s32 @!p0 $0x1;
	_ =	shalt  }
.Lfunc_end2:
_tile_overlayer_lowered:
.L_overlay_start_2:
0x57: {  	(tag) =	ssettag $0x2  }
0x58: {  	s0 =	rddreg [dreg:$0x0];
	s2 =	stileid.u32  }
0x59: {  	s1 =	rddreg [dreg:$0x1];
	p0 =	sne.s32 s2, $0x0  }
0x5a: {  	s3 =	rddreg [dreg:$0x2];
	[bflag:$0x3] =	sbarrier.arrive $0xFFFF;
	s2 =	simm.s32 @!p0 $0x1C09  }
0x5b: {  	[timem:s3], [sflag:s2] =	dma.local @!p0 [hbm:s0], s1  }
0x5c: {  	s0 =	simm.s32 @!p0 $0x9  }
0x5d: {  	_ =	swait.ge @!p0 [sflag:s0], s1  }
0x5e: {  	s1 =	ssub.s32 @!p0 $0x0, s1;
	[sflag:s0] =	ssyncset.done @!p0 $0x0  }
0x5f: {  	[sflag:s0] =	ssyncadd.s32 @!p0 s1  }
0x60: {  	[bflag:$0x3] =	sbarrier.arrive $0xFFFF  }
0x61: {  	_ =	shalt  }

// kernel: kernel.22.cloned.1.call-start
scs
__scs_entry_jumppad:
0x0: {  	(pc) =	sbr.rel $0x88, $3  }
0x1: {  	(tag) =	ssettag $0x0;
	lr =	simm.s32 $0x1  }
0x2: {  	[smem:$0x3F91] =	sst lr;
	_ =	strace $0xD0000000  }
0x3: {  	_ = 	snop  }
0x4: {  	_ = 	snop  }
0x5: {  	_ = 	snop  }
0x6: {  	_ = 	snop  }
0x7: {  	_ = 	snop  }
__scs_overlays_trampoline_lowered:
0x8: {  	[smem:$0x3FA0] =	sst s0  }
0x9: {  	[smem:$0x3FA1] =	sst s1  }
0xa: {  	[smem:$0x3FA2] =	sst s2  }
0xb: {  	[smem:$0x3FA3] =	sst s3  }
0xc: {  	[smem:$0x3FA4] =	sst s4  }
0xd: {  	[smem:$0x3FA5] =	sst s5  }
0xe: {  	[smem:$0x3FA6] =	sst s6  }
0xf: {  	[smem:$0x3FA7] =	sst s7  }
0x10: {  	[smem:$0x3FA8] =	sst s8  }
0x11: {  	[smem:$0x3FA9] =	sst s9;
	s0 =	simm.s32 @!p0 $0x0  }
0x12: {  	s1 =	sld [smem:$0x3F8F];
	s0 =	simm.s32 @p0 $0x1  }
0x13: {  	[smem:$0x3FAA] =	sst s0;
	s0 =	simm.s32 @!p1 $0x0  }
0x14: {  	s2 =	sld [smem:$0x3F8E];
	s0 =	simm.s32 @p1 $0x1  }
0x15: {  	[smem:$0x3FAB] =	sst s0;
	s0 =	simm.s32 @!p2 $0x0  }
0x16: {  	s3 =	sld [smem:$0x3FDB];
	s0 =	simm.s32 @p2 $0x1  }
0x17: {  	s4 =	simm.s32 $0x1BF5;
	[smem:$0x3FAD] =	sst s0  }
0x18: {  	s0 =	sld [smem:$0x3F90];
	_ =	swait.ge [sflag:s4], $0x0  }
0x19: {  	s7 =	sld [smem:$0x3F91]  }
0x1a: {  	s8 =	sadd.s32 $0xFFFFE003, lr  }
0x1b: {  	s9 =	sadd.s32 $0xFFFFFEF7, lr;
	s5 =	simm.s32 $0xFFFFFFFF;
	p2 =	slt.u32 s8, $0xFFFFF086  }
0x1c: {  	p1 =	slt.u32 s9, $0xF7A;
	s5 =	simm.s32 @!p2 $0x0  }
0x1d: {  	s5 =	simm.s32 @p1 $0x1;
	p0 =	seq.s32 s7, s2  }
0x1e: {  	s7 =	smul.u32 @!p0 $0xF7A, s2;
	p2 =	seq.s32 @!p0 s5, $0x0  }
0x1f: {  	s9 =	smul.u32 $0xF7A, s1;
	s8 =	simm.s32 @!p0 $0x1BF5;
	p2 =	por !p2, p0  }
0x20: {  	[sflag:s8] =	ssyncset.s32 @!p0 $0xFFFFF086;
	s6 =	sadd.s32 @!p0 s3, s7;
	s7 =	simm.s32 @!p0 $0x108  }
0x21: {  	s3 =	sadd.s32 s3, s9;
	s6 =	sadd.s32 @!p0 $0x88, s6;
	s7 =	simm.s32 @p2 $0x1082  }
0x22: {  	[simem:s7], [sflag:s8] =	dma.local @!p0 [hbm:s6], $0xF7A  }
0x23: {  	s9 =	sor.u32 $0xD0000000, s2;
	s6 =	simm.s32 $0x108;
	_ =	swait.ge @!p0 [sflag:s8], $0x0  }
0x24: {  	s3 =	sadd.s32 $0x88, s3;
	s6 =	simm.s32 @!p1 $0x1082;
	[sflag:s4] =	ssyncset.s32 $0xFFFFF086  }
0x25: {  	[simem:s6], [sflag:s4] =	dma.local [hbm:s3], $0xF7A  }
0x26: {  	[smem:$0x3F91] =	sst s1;
	(tag) =	ssettag s2;
	_ =	strace s9  }
0x27: {  	s1 =	sld [smem:$0x3FA1]  }
0x28: {  	s2 =	sld [smem:$0x3FA2]  }
0x29: {  	s4 =	sld [smem:$0x3FA4]  }
0x2a: {  	p0 =	seq.s32 s5, $0x0;
	s5 =	sld [smem:$0x3FA5]  }
0x2b: {  	s6 =	sld [smem:$0x3FA6]  }
0x2c: {  	s7 =	sld [smem:$0x3FA7]  }
0x2d: {  	s3 =	simm.s32 $0x108;
	s8 =	sld [smem:$0x3FA8]  }
0x2e: {  	s3 =	simm.s32 @!p0 $0x1082;
	s9 =	sld [smem:$0x3FA9]  }
0x2f: {  	lr =	sadd.s32 s0, s3;
	s0 =	sld [smem:$0x3FA0]  }
0x30: {  	s3 =	sld [smem:$0x3FA3]  }
0x31: {  	[smem:$0x3FAC] =	sst s10  }
0x32: {  	s10 =	sld [smem:$0x3FAA];
	_ =	sdelay $0x3  }
0x33: {  	p0 =	seq.s32 s10, $0x1;
	s10 =	sld [smem:$0x3FAC];
	_ =	sdelay $0x3  }
0x34: {  	[smem:$0x3FAC] =	sst s10  }
0x35: {  	s10 =	sld [smem:$0x3FAB];
	_ =	sdelay $0x3  }
0x36: {  	p1 =	seq.s32 s10, $0x1;
	s10 =	sld [smem:$0x3FAC];
	_ =	sdelay $0x3  }
0x37: {  	[smem:$0x3FAC] =	sst s10  }
0x38: {  	s10 =	sld [smem:$0x3FAD]  }
0x39: {  	_ = 	snop;
	(pc) =	sbr.ind lr, $3  }
0x3a: {  	_ = 	snop  }
0x3b: {  	_ = 	snop  }
0x3c: {  	p2 =	seq.s32 s10, $0x1;
	s10 =	sld [smem:$0x3FAC]  }
0x3d: {  	_ =	shalt  }
0x3e: {  	_ =	shalt  }
0x3f: {  	_ =	shalt  }
0x40: {  	_ =	shalt  }
0x41: {  	_ =	shalt  }
0x42: {  	_ =	shalt  }
0x43: {  	_ =	shalt  }
0x44: {  	_ =	shalt  }
0x45: {  	_ =	shalt  }
0x46: {  	_ =	shalt  }
0x47: {  	_ =	shalt  }
0x48: {  	_ =	shalt  }
0x49: {  	_ =	shalt  }
0x4a: {  	_ =	shalt  }
0x4b: {  	_ =	shalt  }
0x4c: {  	_ =	shalt  }
0x4d: {  	_ =	shalt  }
0x4e: {  	_ =	shalt  }
0x4f: {  	_ =	shalt  }
0x50: {  	_ =	shalt  }
0x51: {  	_ =	shalt  }
0x52: {  	_ =	shalt  }
0x53: {  	_ =	shalt  }
0x54: {  	_ =	shalt  }
0x55: {  	_ =	shalt  }
0x56: {  	_ =	shalt  }
0x57: {  	_ =	shalt  }
0x58: {  	_ =	shalt  }
0x59: {  	_ =	shalt  }
0x5a: {  	_ =	shalt  }
0x5b: {  	_ =	shalt  }
0x5c: {  	_ =	shalt  }
0x5d: {  	_ =	shalt  }
0x5e: {  	_ =	shalt  }
0x5f: {  	_ =	shalt  }
0x60: {  	_ =	shalt  }
0x61: {  	_ =	shalt  }
0x62: {  	_ =	shalt  }
0x63: {  	_ =	shalt  }
0x64: {  	_ =	shalt  }
0x65: {  	_ =	shalt  }
0x66: {  	_ =	shalt  }
0x67: {  	_ =	shalt  }
0x68: {  	_ =	shalt  }
0x69: {  	_ =	shalt  }
0x6a: {  	_ =	shalt  }
0x6b: {  	_ =	shalt  }
0x6c: {  	_ =	shalt  }
0x6d: {  	_ =	shalt  }
0x6e: {  	_ =	shalt  }
0x6f: {  	_ =	shalt  }
0x70: {  	_ =	shalt  }
0x71: {  	_ =	shalt  }
0x72: {  	_ =	shalt  }
0x73: {  	_ =	shalt  }
0x74: {  	_ =	shalt  }
0x75: {  	_ =	shalt  }
0x76: {  	_ =	shalt  }
0x77: {  	_ =	shalt  }
0x78: {  	_ =	shalt  }
0x79: {  	_ =	shalt  }
0x7a: {  	_ =	shalt  }
0x7b: {  	_ =	shalt  }
0x7c: {  	_ =	shalt  }
0x7d: {  	_ =	shalt  }
0x7e: {  	_ =	shalt  }
0x7f: {  	_ =	shalt  }
0x80: {  	_ =	shalt  }
0x81: {  	_ =	shalt  }
0x82: {  	_ =	shalt  }
0x83: {  	_ =	shalt  }
0x84: {  	_ =	shalt  }
0x85: {  	_ =	shalt  }
0x86: {  	_ =	shalt  }
0x87: {  	_ =	shalt  }
.Lfunc_end0:
.L_simem_size_0:
called_computation.3_lowered:
.L_overlay_start_0:
0x88: {  	s2 =	sld [smem:$0x3FD9]  }
0x89: {  	s3 =	sld [smem:$0x3FFE];
	_ =	sdelay $0x1  }
0x8a: {  	s1 =	srdreg.scid  }
0x8b: {  	s0 =	sand.u32 $0x1, s1  }
0x8c: {  	s16 =	sshll.u32 s0, $0xA;
	s2 =	sadd.s32 s3, s2  }
0x8d: {  	s2 =	sadd.s32 s2, s16  }
0x8e: {  	[smem:$0x3FB8] =	sst s2  }
0x8f: {  	_ = 	snop  }
0x90: {  	(tm) =	ssettm $0x1  }
0x91: {  	s17 =	sld [smem:$0x3FFB];
	_ =	sdelay $0x3  }
0x92: {  	_ =	strace s17  }
0x93: {  	s2 =	sld [smem:$0x3FFC];
	_ =	sdelay $0x3  }
0x94: {  	_ =	strace s2  }
0x95: {  	s2 =	sld [smem:$0x3FFD];
	_ =	sdelay $0x3  }
0x96: {  	_ =	strace s2  }
0x97: {  	_ =	strace $0x8FFFFFFF  }
0x98: {  	s18 =	sld [smem:$0x3FDB];
	_ =	sdelay $0x1  }
0x99: {  	s19 =	simm.s32 $_scs_section_size  }
0x9a: {  	s4 =	simm.s32 $_size__tile_overlayer_lowered;
	s5 =	simm.s32 $_tile_overlayer_lowered  }
0x9b: {  	s22 =	simm.s32 $0x1BFF;
	s21 =	sshll.u32 s5, $0x1;
	s2 =	sadd.s32 s19, s18  }
0x9c: {  	s6 =	simm.s32 $0x0;
	s20 =	sshll.u32 s4, $0x1;
	s4 =	sadd.s32 s21, s2  }
0x9d: {  	[timem:s6], [sflag:s22] =	dma.local [hbm:s4], s20  }
0x9e: {  	_ =	swait.ge [sflag:s22], s20  }
0x9f: {  	s3 =	ssub.s32 $0x0, s20;
	[sflag:s22] =	ssyncset.done $0x0  }
0xa0: {  	[sflag:s22] =	ssyncadd.s32 s3;
	_ =	sdelay $0x1  }
0xa1: {  	s23 =	simm.s32 $0x1B8B  }
0xa2: {  	_ =	swait.ge [sflag:s23], $0x1  }
0xa3: {  	[sflag:s23] =	ssyncset.done $0x0  }
0xa4: {  	s25 =	simm.s32 $0x1B8E;
	s24 =	sld [smem:$0x3FFE];
	[sflag:s23] =	ssyncadd.s32 $0xFFFFFFFF  }
0xa5: {  	s26 =	simm.s32 $execute0_lowered;
	[smem:$0x3FD2] =	sst s25  }
0xa6: {  	s4 =	sshll.u32 s26, $0x1;
	_ =	strace $0x8000004F;
	[dreg:$0x1] =	wrdreg $0xFFFFFFFF  }
0xa7: {  	s28 =	simm.s32 $_size_execute0_lowered;
	s2 =	sadd.s32 s2, s4;
	[dreg:$0x0] =	wrdreg $0x0  }
0xa8: {  	s4 =	sshll.u32 s28, $0x1;
	[dreg:$0x2] =	wrdreg s2  }
0xa9: {  	[dreg:$0x3] =	wrdreg s4  }
0xaa: {  	[dreg:$0x4] =	wrdreg $0xC0  }
0xab: {  	_ =	task [dreg:s6], $0x5FFFF  }
0xac: {  	[dreg:$0x1] =	wrdreg $0xFFFFFFFF  }
0xad: {  	[dreg:$0x0] =	wrdreg $0x60  }
0xae: {  	[dreg:$0x2] =	wrdreg s24  }
0xaf: {  	[dreg:$0x3] =	wrdreg $0xCD000  }
0xb0: {  	[dreg:$0x4] =	wrdreg $0x9  }
0xb1: {  	_ =	task.clear_ibuf [dreg:s6], $0x5FFFF;
	_ =	strace $0x9000004F  }
0xb2: {  	s29 =	simm.s32 $0x9;
	_ =	strace $0x80000051  }
0xb3: {  	_ =	swait.ge [sflag:s29], $0x1  }
0xb4: {  	[sflag:s29] =	ssyncadd.s32 $0xFFFFFFFF  }
0xb5: {  	_ =	strace $0x90000051  }
0xb6: {  	_ =	sfence  }
0xb7: {  	s30 =	sld [smem:$0x0];
	_ =	sdelay $0x2  }
0xb8: {  	s31 =	sshll.u32 s1, $0xD;
	s1 =	sshrl.u32 s1, $0x2  }
0xb9: {  	s3 =	sand.u32 $0x4000, s31;
	s1 =	sadd.s32 s1, s30  }
0xba: {  	s0 =	sor.u32 s3, s0;
	s1 =	sshll.u32 s1, $0x11  }
0xbb: {  	s0 =	sor.u32 s1, s0  }
0xbc: {  	s0 =	sadd.s32 $0x8F2B, s0  }
0xbd: {  	[sflag:s0] =	ssyncadd.remote.s32 $0x1  }
0xbe: {  	_ =	sfence.sel $0xFFFF  }
0xbf: {  	[dreg:$0x0] =	wrdreg $0xFFFFFFFF;
	(pc) =	sbr.abs _section_cstart, $3  }
0xc0: {  	[dreg:$0x1] =	wrdreg $0xFFFFFFFF  }
0xc1: {  	_ =	task.clear_ibuf [dreg:s6], $0x2FFFF;
	_ =	strace $0x9FFFFFFF  }
0xc2: {  	(tm) =	ssettm $0x7FFFFFFF  }
0xc3: {  	_ =	shalt  }
tec
execute0_lowered:
.L_overlay_start_1:
0x0: {  	(tag) =	ssettag $0x1  }
0x1: {  	s0 =	srdreg.scid;
	s6 =	rddreg [dreg:$0x0]  }
0x2: {  	s12 =	stileid.u32;
	s2 =	rddreg [dreg:$0x1];
	s3 =	simm.s32 $0x0  }
0x3: {  	s14 =	simm.s32 $0x7D;
	s21 =	simm.s32 $0xADC0;
	s22 =	simm.s32 $0x5  }
0x4: {  	s23 =	simm.s32 $0x6;
	s24 =	simm.s32 $0x7;
	s26 =	simm.s32 $0x8  }
0x5: {  	s28 =	simm.s32 $0x0;
	s0 =	sand.u32 $0x1, s0;
	s9 =	smul.u32 $0xFA00, s12  }
0x6: {  	[smem:$0x7FF] =	sst s3;
	s4 =	sadd.s32 $0x71200, s6;
	s10 =	smul.u32 $0x3E800, s12  }
0x7: {  	p0 =	sgt.u32 s12, $0x9;
	s1 =	sshll.u32 s0, $0x4;
	s5 =	smul.u32 $0x9C400, s0  }
0x8: {  	_ =	strace $0x80000050;
	s0 =	ssub.s32 $0x2, s0;
	s1 =	sor.u32 s12, s1  }
0x9: {  	s8 =	sshrl.u32 s0, $0x1;
	s31 =	sshrl.u32 s10, $0x2;
	s15 =	sadd.s32 s9, s2  }
0xa: {  	s10 =	simm.s32 $0x9;
	s1 =	smul.u32 $0x500, s1;
	s5 =	sadd.s32 s9, s5  }
0xb: {  	s0 =	ssub.s32 s0, s8;
	s25 =	sshrl.u32 @!p0 s15, $0x3;
	s7 =	sshrl.u32 s5, $0x3  }
0xc: {  	s5 =	sadd.s32 $0xEE00, s6;
	s9 =	smax.u32 s0, $0x1;
	s0 =	sshll.u32 @!p0 s12, $0x6  }
0xd: {  	s1 =	sadd.s32 s1, s6;
	s11 =	sadd.s32 s7, s6;
	s12 =	sor.u32 @!p0 $0x1C09, s0  }
0xe: {  	s6 =	sadd.s32 $0x18E00, s1;
	s7 =	sadd.s32 $0x4600, s1;
	s1 =	sadd.s32 s31, s2  }
0xf: {  	s8 =	sadd.s32 $0x84C00, s11;
	s11 =	simm.s32 $0x2800;
	s13 =	sshrl.u32 @!p0 s1, $0x3  }
.LBB2_1:
0x10: {  	[tilespmem:s3], [sflag:$0x9] =	stream.linear.gather [hbm4b:s6+s3], $0x2800, $0x38;
	[tilespmem:$0x16940] =	vst v63  }
0x11: {  	_ =	swait.ge [sflag:s10], $0x2800  }
0x12: {  	[sflag:s10] =	ssyncset.done $0x0  }
0x13: {  	[sflag:s10] =	ssyncadd.s32 $0xFFFFD800  }
0x14: {  	[tilespmem:s11], [sflag:$0x9] =	stream.linear.gather [hbm4b:s7+s3], $0x2800, $0x38;
	[tilespmem:$0x16940] =	vst v63  }
0x15: {  	_ =	swait.ge [sflag:s10], $0x2800  }
0x16: {  	[sflag:s10] =	ssyncset.done $0x0  }
0x17: {  	s0 =	simm.s32 @!p0 $0x9;
	[sflag:s10] =	ssyncadd.s32 $0xFFFFD800  }
0x18: {  	[spmem:s13], [sflag:s12] =	dma.local @!p0 [hbm:s5], $0x1F40  }
0x19: {  	_ =	swait.ge @!p0 [sflag:s0], $0x1F40  }
0x1a: {  	[sflag:s0] =	ssyncset.done @!p0 $0x0  }
0x1b: {  	[sflag:s0] =	ssyncadd.s32 @!p0 $0xFFFFE0C0  }
0x1c: {  	s1 =	simm.s32 $0x5000;
	[bflag:$0x0] =	sbarrier.arrive $0xFFFF  }
0x1d: {  	[tilespmem:s1], [sflag:$0x1] =	stream.indirect.gather [hbm4b:s4+s14], $0x40, s3, s14, $0xb8;
	[tilespmem:$0x16940] =	vst v63  }
0x1e: {  	s15 =	simm.s32 $0x80;
	s1 =	simm.s32 $0x6F40  }
0x1f: {  	[tilespmem:s1], [sflag:$0x2] =	stream.indirect.gather [hbm4b:s4+s14], $0x40, s15, s14, $0xb8;
	[tilespmem:$0x16940] =	vst v63  }
0x20: {  	s16 =	simm.s32 $0x100;
	s17 =	simm.s32 $0x8E80;
	s19 =	sand.u32 $0x3, s3  }
0x21: {  	[tilespmem:s17], [sflag:$0x3] =	stream.indirect.gather [hbm4b:s4+s14], $0x40, s16, s14, $0xb8;
	[tilespmem:$0x16940] =	vst v63  }
0x22: {  	s18 =	simm.s32 $0x180;
	s20 =	smul.u32 $0x7D00, s19;
	s31 =	sadd.s32 $0x1, s19  }
0x23: {  	[tilespmem:s21], [sflag:$0x4] =	stream.indirect.gather [hbm4b:s4+s14], $0x40, s18, s14, $0xb8;
	[tilespmem:$0x16940] =	vst v63  }
0x24: {  	p1 =	por $0x0, $0x0;
	_ =	swait.ge [sflag:s31], $0x1F40  }
0x25: {  	s30 =	simm.s32 $0x2880;
	s1 =	sshrl.u32 s20, $0x2;
	[sflag:s31] =	ssyncset.done $0x0  }
0x26: {  	s17 =	sadd.s32 $0x5000, s1;
	s18 =	sadd.s32 $0x5, s19;
	[sflag:s31] =	ssyncadd.s32 $0xFFFFE0C0  }
0x27: {  	[spmem:s2] =	stream.indirect.scatter.add.f32 [tilespmem:s17], [sflag:s18], $0x40, s11, s14, $0xb8;
	[tilespmem:$0x16940] =	vst v63  }
0x28: {  	s29 =	simm.s32 $0x280;
	s15 =	simm.s32 $0x1;
	_ =	swait.ge @!p1 [sflag:s18], $0x1F40  }
0x29: {  	s0 =	sand.u32 $0x3, s15;
	s1 =	simm.s32 $0x200;
	[sflag:s18] =	ssyncset.done @!p1 $0x0  }
0x2a: {  	s16 =	simm.s32 $0x2;
	[sflag:s18] =	ssyncadd.s32 @!p1 $0xFFFFE0C0;
	s18 =	simm.s32 @!p1 $0x7D  }
.LBB2_2:
0x2b: {  	[tilespmem:s17], [sflag:s31] =	stream.indirect.gather @!p1 [hbm4b:s4+s18], $0x40, s1, s18, $0xb8;
	[tilespmem:$0x16940] =	vst v63  }
0x2c: {  	s18 =	smov.u32 s16;
	s1 =	smov.u32 s29;
	s19 =	sand.u32 $0x3, s16  }
0x2d: {  	s17 =	smul.u32 $0x7D00, s0;
	s31 =	sadd.s32 $0x1, s0;
	s16 =	sadd.s32 $0x1, s16  }
0x2e: {  	p1 =	sgt.u32 s15, $0x4B;
	s20 =	sadd.s32 $0x5, s0;
	_ =	swait.ge [sflag:s31], $0x1F40  }
0x2f: {  	p2 =	sne.s32 s16, $0x50;
	s15 =	sshrl.u32 s17, $0x2;
	[sflag:s31] =	ssyncset.done $0x0  }
.Ltmp0:
0x30: {  	s17 =	sadd.s32 $0x5000, s15;
	[sflag:s31] =	ssyncadd.s32 $0xFFFFE0C0;
	(pc) =	sbr.rel @p2 .LBB2_2-.Ltmp0, $4  }
0x31: {  	[spmem:s2] =	stream.indirect.scatter.add.f32 [tilespmem:s17], [sflag:s20], $0x40, s30, s14, $0xb8;
	[tilespmem:$0x16940] =	vst v63  }
0x32: {  	s0 =	smov.u32 s19;
	_ =	swait.ge @!p1 [sflag:s20], $0x1F40  }
0x33: {  	s15 =	smov.u32 s18;
	s30 =	sadd.s32 $0x80, s30;
	[sflag:s20] =	ssyncset.done @!p1 $0x0  }
0x34: {  	s29 =	sadd.s32 $0x80, s29;
	s18 =	simm.s32 @!p1 $0x7D;
	[sflag:s20] =	ssyncadd.s32 @!p1 $0xFFFFE0C0  }
0x35: {  	[tilespmem:s17], [sflag:s31] =	stream.indirect.gather @!p1 [hbm4b:s4+s18], $0x40, s1, s18, $0xb8;
	[tilespmem:$0x16940] =	vst v63  }
0x36: {  	s31 =	smul.u32 $0x7D00, s0;
	s16 =	sadd.s32 $0x1, s0  }
0x37: {  	_ =	swait.ge [sflag:s16], $0x1F40  }
0x38: {  	p1 =	sgt.u32 s15, $0x4B;
	s1 =	sshrl.u32 s31, $0x2;
	[sflag:s16] =	ssyncset.done $0x0  }
0x39: {  	s0 =	sadd.s32 $0x5, s0;
	s1 =	sadd.s32 $0x5000, s1;
	[sflag:s16] =	ssyncadd.s32 $0xFFFFE0C0  }
0x3a: {  	[spmem:s2] =	stream.indirect.scatter.add.f32 [tilespmem:s1], [sflag:s0], $0x40, s30, s14, $0xb8;
	[tilespmem:$0x16940] =	vst v63  }
0x3b: {  	_ =	swait.ge @!p1 [sflag:s0], $0x1F40  }
0x3c: {  	[sflag:s0] =	ssyncset.done @!p1 $0x0  }
0x3d: {  	[sflag:s0] =	ssyncadd.s32 @!p1 $0xFFFFE0C0;
	s0 =	simm.s32 @!p1 $0x7D  }
0x3e: {  	[tilespmem:s1], [sflag:s16] =	stream.indirect.gather @!p1 [hbm4b:s4+s0], $0x40, s29, s0, $0xb8;
	[tilespmem:$0x16940] =	vst v63  }
0x3f: {  	_ =	swait.ge [sflag:s22], $0x1F40  }
0x40: {  	[sflag:s22] =	ssyncset.done $0x0  }
0x41: {  	[sflag:s22] =	ssyncadd.s32 $0xFFFFE0C0  }
0x42: {  	_ =	swait.ge [sflag:s23], $0x1F40  }
0x43: {  	[sflag:s23] =	ssyncset.done $0x0  }
0x44: {  	[sflag:s23] =	ssyncadd.s32 $0xFFFFE0C0  }
0x45: {  	_ =	swait.ge [sflag:s24], $0x1F40  }
0x46: {  	[sflag:s24] =	ssyncset.done $0x0  }
0x47: {  	[sflag:s24] =	ssyncadd.s32 $0xFFFFE0C0  }
0x48: {  	_ =	swait.ge [sflag:s26], $0x1F40  }
0x49: {  	s28 =	sadd.s32 $0x1, s28;
	[sflag:s26] =	ssyncset.done $0x0  }
0x4a: {  	p1 =	sne.s32 s28, s9;
	[sflag:s26] =	ssyncadd.s32 $0xFFFFE0C0  }
.Ltmp1:
0x4b: {  	s0 =	simm.s32 @!p0 $0x9;
	[bflag:$0x0] =	sbarrier.arrive $0xFFFF;
	(pc) =	sbr.rel @p1 .LBB2_1-.Ltmp1, $4  }
0x4c: {  	[hbm:s8], [sflag:s12] =	dma.local @!p0 [spmem:s25], $0x1F40  }
0x4d: {  	_ =	swait.ge @!p0 [sflag:s0], $0x1F40  }
0x4e: {  	[sflag:s0] =	ssyncset.done @!p0 $0x0  }
0x4f: {  	[sflag:s0] =	ssyncadd.s32 @!p0 $0xFFFFE0C0  }
0x50: {  	_ =	sfence.sel $0x180000  }
0x51: {  	[bflag:$0x0] =	sbarrier.arrive $0xFFFF  }
0x52: {  	_ =	strace $0x90000050  }
0x53: {  	s0 =	stileid.u32;
	[bflag:$0x2] =	sbarrier.arrive $0xFFFF  }
0x54: {  	p0 =	sne.s32 s0, $0x0;
	s0 =	rddreg [dreg:$0x2]  }
0x55: {  	s0 =	sadd.s32 @!p0 $0x100000, s0  }
0x56: {  	[sflag:s0] =	ssyncadd.tile.s32 @!p0 $0x1;
	_ =	shalt  }
.Lfunc_end2:
_tile_overlayer_lowered:
.L_overlay_start_2:
0x57: {  	(tag) =	ssettag $0x2  }
0x58: {  	s0 =	rddreg [dreg:$0x0];
	s2 =	stileid.u32  }
0x59: {  	s1 =	rddreg [dreg:$0x1];
	p0 =	sne.s32 s2, $0x0  }
0x5a: {  	s3 =	rddreg [dreg:$0x2];
	[bflag:$0x3] =	sbarrier.arrive $0xFFFF;
	s2 =	simm.s32 @!p0 $0x1C09  }
0x5b: {  	[timem:s3], [sflag:s2] =	dma.local @!p0 [hbm:s0], s1  }
0x5c: {  	s0 =	simm.s32 @!p0 $0x9  }
0x5d: {  	_ =	swait.ge @!p0 [sflag:s0], s1  }
0x5e: {  	s1 =	ssub.s32 @!p0 $0x0, s1;
	[sflag:s0] =	ssyncset.done @!p0 $0x0  }
0x5f: {  	[sflag:s0] =	ssyncadd.s32 @!p0 s1  }
0x60: {  	[bflag:$0x3] =	sbarrier.arrive $0xFFFF  }
0x61: {  	_ =	shalt  }

// kernel: kernel.25.cloned.1.call-start
scs
__scs_entry_jumppad:
0x0: {  	(pc) =	sbr.rel $0x88, $3  }
0x1: {  	(tag) =	ssettag $0x0;
	lr =	simm.s32 $0x1  }
0x2: {  	[smem:$0x3F91] =	sst lr;
	_ =	strace $0xD0000000  }
0x3: {  	_ = 	snop  }
0x4: {  	_ = 	snop  }
0x5: {  	_ = 	snop  }
0x6: {  	_ = 	snop  }
0x7: {  	_ = 	snop  }
__scs_overlays_trampoline_lowered:
0x8: {  	[smem:$0x3FA0] =	sst s0  }
0x9: {  	[smem:$0x3FA1] =	sst s1  }
0xa: {  	[smem:$0x3FA2] =	sst s2  }
0xb: {  	[smem:$0x3FA3] =	sst s3  }
0xc: {  	[smem:$0x3FA4] =	sst s4  }
0xd: {  	[smem:$0x3FA5] =	sst s5  }
0xe: {  	[smem:$0x3FA6] =	sst s6  }
0xf: {  	[smem:$0x3FA7] =	sst s7  }
0x10: {  	[smem:$0x3FA8] =	sst s8  }
0x11: {  	[smem:$0x3FA9] =	sst s9;
	s0 =	simm.s32 @!p0 $0x0  }
0x12: {  	s1 =	sld [smem:$0x3F8F];
	s0 =	simm.s32 @p0 $0x1  }
0x13: {  	[smem:$0x3FAA] =	sst s0;
	s0 =	simm.s32 @!p1 $0x0  }
0x14: {  	s2 =	sld [smem:$0x3F8E];
	s0 =	simm.s32 @p1 $0x1  }
0x15: {  	[smem:$0x3FAB] =	sst s0;
	s0 =	simm.s32 @!p2 $0x0  }
0x16: {  	s3 =	sld [smem:$0x3FDB];
	s0 =	simm.s32 @p2 $0x1  }
0x17: {  	s4 =	simm.s32 $0x1BF5;
	[smem:$0x3FAD] =	sst s0  }
0x18: {  	s0 =	sld [smem:$0x3F90];
	_ =	swait.ge [sflag:s4], $0x0  }
0x19: {  	s7 =	sld [smem:$0x3F91]  }
0x1a: {  	s8 =	sadd.s32 $0xFFFFE003, lr  }
0x1b: {  	s9 =	sadd.s32 $0xFFFFFEF7, lr;
	s5 =	simm.s32 $0xFFFFFFFF;
	p2 =	slt.u32 s8, $0xFFFFF086  }
0x1c: {  	p1 =	slt.u32 s9, $0xF7A;
	s5 =	simm.s32 @!p2 $0x0  }
0x1d: {  	s5 =	simm.s32 @p1 $0x1;
	p0 =	seq.s32 s7, s2  }
0x1e: {  	s7 =	smul.u32 @!p0 $0xF7A, s2;
	p2 =	seq.s32 @!p0 s5, $0x0  }
0x1f: {  	s9 =	smul.u32 $0xF7A, s1;
	s8 =	simm.s32 @!p0 $0x1BF5;
	p2 =	por !p2, p0  }
0x20: {  	[sflag:s8] =	ssyncset.s32 @!p0 $0xFFFFF086;
	s6 =	sadd.s32 @!p0 s3, s7;
	s7 =	simm.s32 @!p0 $0x108  }
0x21: {  	s3 =	sadd.s32 s3, s9;
	s6 =	sadd.s32 @!p0 $0x88, s6;
	s7 =	simm.s32 @p2 $0x1082  }
0x22: {  	[simem:s7], [sflag:s8] =	dma.local @!p0 [hbm:s6], $0xF7A  }
0x23: {  	s9 =	sor.u32 $0xD0000000, s2;
	s6 =	simm.s32 $0x108;
	_ =	swait.ge @!p0 [sflag:s8], $0x0  }
0x24: {  	s3 =	sadd.s32 $0x88, s3;
	s6 =	simm.s32 @!p1 $0x1082;
	[sflag:s4] =	ssyncset.s32 $0xFFFFF086  }
0x25: {  	[simem:s6], [sflag:s4] =	dma.local [hbm:s3], $0xF7A  }
0x26: {  	[smem:$0x3F91] =	sst s1;
	(tag) =	ssettag s2;
	_ =	strace s9  }
0x27: {  	s1 =	sld [smem:$0x3FA1]  }
0x28: {  	s2 =	sld [smem:$0x3FA2]  }
0x29: {  	s4 =	sld [smem:$0x3FA4]  }
0x2a: {  	p0 =	seq.s32 s5, $0x0;
	s5 =	sld [smem:$0x3FA5]  }
0x2b: {  	s6 =	sld [smem:$0x3FA6]  }
0x2c: {  	s7 =	sld [smem:$0x3FA7]  }
0x2d: {  	s3 =	simm.s32 $0x108;
	s8 =	sld [smem:$0x3FA8]  }
0x2e: {  	s3 =	simm.s32 @!p0 $0x1082;
	s9 =	sld [smem:$0x3FA9]  }
0x2f: {  	lr =	sadd.s32 s0, s3;
	s0 =	sld [smem:$0x3FA0]  }
0x30: {  	s3 =	sld [smem:$0x3FA3]  }
0x31: {  	[smem:$0x3FAC] =	sst s10  }
0x32: {  	s10 =	sld [smem:$0x3FAA];
	_ =	sdelay $0x3  }
0x33: {  	p0 =	seq.s32 s10, $0x1;
	s10 =	sld [smem:$0x3FAC];
	_ =	sdelay $0x3  }
0x34: {  	[smem:$0x3FAC] =	sst s10  }
0x35: {  	s10 =	sld [smem:$0x3FAB];
	_ =	sdelay $0x3  }
0x36: {  	p1 =	seq.s32 s10, $0x1;
	s10 =	sld [smem:$0x3FAC];
	_ =	sdelay $0x3  }
0x37: {  	[smem:$0x3FAC] =	sst s10  }
0x38: {  	s10 =	sld [smem:$0x3FAD]  }
0x39: {  	_ = 	snop;
	(pc) =	sbr.ind lr, $3  }
0x3a: {  	_ = 	snop  }
0x3b: {  	_ = 	snop  }
0x3c: {  	p2 =	seq.s32 s10, $0x1;
	s10 =	sld [smem:$0x3FAC]  }
0x3d: {  	_ =	shalt  }
0x3e: {  	_ =	shalt  }
0x3f: {  	_ =	shalt  }
0x40: {  	_ =	shalt  }
0x41: {  	_ =	shalt  }
0x42: {  	_ =	shalt  }
0x43: {  	_ =	shalt  }
0x44: {  	_ =	shalt  }
0x45: {  	_ =	shalt  }
0x46: {  	_ =	shalt  }
0x47: {  	_ =	shalt  }
0x48: {  	_ =	shalt  }
0x49: {  	_ =	shalt  }
0x4a: {  	_ =	shalt  }
0x4b: {  	_ =	shalt  }
0x4c: {  	_ =	shalt  }
0x4d: {  	_ =	shalt  }
0x4e: {  	_ =	shalt  }
0x4f: {  	_ =	shalt  }
0x50: {  	_ =	shalt  }
0x51: {  	_ =	shalt  }
0x52: {  	_ =	shalt  }
0x53: {  	_ =	shalt  }
0x54: {  	_ =	shalt  }
0x55: {  	_ =	shalt  }
0x56: {  	_ =	shalt  }
0x57: {  	_ =	shalt  }
0x58: {  	_ =	shalt  }
0x59: {  	_ =	shalt  }
0x5a: {  	_ =	shalt  }
0x5b: {  	_ =	shalt  }
0x5c: {  	_ =	shalt  }
0x5d: {  	_ =	shalt  }
0x5e: {  	_ =	shalt  }
0x5f: {  	_ =	shalt  }
0x60: {  	_ =	shalt  }
0x61: {  	_ =	shalt  }
0x62: {  	_ =	shalt  }
0x63: {  	_ =	shalt  }
0x64: {  	_ =	shalt  }
0x65: {  	_ =	shalt  }
0x66: {  	_ =	shalt  }
0x67: {  	_ =	shalt  }
0x68: {  	_ =	shalt  }
0x69: {  	_ =	shalt  }
0x6a: {  	_ =	shalt  }
0x6b: {  	_ =	shalt  }
0x6c: {  	_ =	shalt  }
0x6d: {  	_ =	shalt  }
0x6e: {  	_ =	shalt  }
0x6f: {  	_ =	shalt  }
0x70: {  	_ =	shalt  }
0x71: {  	_ =	shalt  }
0x72: {  	_ =	shalt  }
0x73: {  	_ =	shalt  }
0x74: {  	_ =	shalt  }
0x75: {  	_ =	shalt  }
0x76: {  	_ =	shalt  }
0x77: {  	_ =	shalt  }
0x78: {  	_ =	shalt  }
0x79: {  	_ =	shalt  }
0x7a: {  	_ =	shalt  }
0x7b: {  	_ =	shalt  }
0x7c: {  	_ =	shalt  }
0x7d: {  	_ =	shalt  }
0x7e: {  	_ =	shalt  }
0x7f: {  	_ =	shalt  }
0x80: {  	_ =	shalt  }
0x81: {  	_ =	shalt  }
0x82: {  	_ =	shalt  }
0x83: {  	_ =	shalt  }
0x84: {  	_ =	shalt  }
0x85: {  	_ =	shalt  }
0x86: {  	_ =	shalt  }
0x87: {  	_ =	shalt  }
.Lfunc_end0:
.L_simem_size_0:
called_computation.4_lowered:
.L_overlay_start_0:
0x88: {  	s2 =	sld [smem:$0x3FD9]  }
0x89: {  	s3 =	sld [smem:$0x3FFE];
	_ =	sdelay $0x1  }
0x8a: {  	s1 =	srdreg.scid  }
0x8b: {  	s0 =	sand.u32 $0x1, s1  }
0x8c: {  	s16 =	sshll.u32 s0, $0xA;
	s2 =	sadd.s32 s3, s2  }
0x8d: {  	s2 =	sadd.s32 s2, s16  }
0x8e: {  	[smem:$0x3FB8] =	sst s2  }
0x8f: {  	_ = 	snop  }
0x90: {  	(tm) =	ssettm $0x1  }
0x91: {  	s17 =	sld [smem:$0x3FFB];
	_ =	sdelay $0x3  }
0x92: {  	_ =	strace s17  }
0x93: {  	s2 =	sld [smem:$0x3FFC];
	_ =	sdelay $0x3  }
0x94: {  	_ =	strace s2  }
0x95: {  	s2 =	sld [smem:$0x3FFD];
	_ =	sdelay $0x3  }
0x96: {  	_ =	strace s2  }
0x97: {  	_ =	strace $0x8FFFFFFF  }
0x98: {  	s18 =	sld [smem:$0x3FDB];
	_ =	sdelay $0x1  }
0x99: {  	s19 =	simm.s32 $_scs_section_size  }
0x9a: {  	s4 =	simm.s32 $_size__tile_overlayer_lowered;
	s5 =	simm.s32 $_tile_overlayer_lowered  }
0x9b: {  	s22 =	simm.s32 $0x1BFF;
	s21 =	sshll.u32 s5, $0x1;
	s2 =	sadd.s32 s19, s18  }
0x9c: {  	s6 =	simm.s32 $0x0;
	s20 =	sshll.u32 s4, $0x1;
	s4 =	sadd.s32 s21, s2  }
0x9d: {  	[timem:s6], [sflag:s22] =	dma.local [hbm:s4], s20  }
0x9e: {  	_ =	swait.ge [sflag:s22], s20  }
0x9f: {  	s3 =	ssub.s32 $0x0, s20;
	[sflag:s22] =	ssyncset.done $0x0  }
0xa0: {  	[sflag:s22] =	ssyncadd.s32 s3;
	_ =	sdelay $0x1  }
0xa1: {  	s23 =	simm.s32 $0x1B8B  }
0xa2: {  	_ =	swait.ge [sflag:s23], $0x1  }
0xa3: {  	[sflag:s23] =	ssyncset.done $0x0  }
0xa4: {  	s25 =	simm.s32 $0x1B8E;
	s24 =	sld [smem:$0x3FFE];
	[sflag:s23] =	ssyncadd.s32 $0xFFFFFFFF  }
0xa5: {  	s26 =	simm.s32 $execute0_lowered;
	[smem:$0x3FD2] =	sst s25  }
0xa6: {  	s4 =	sshll.u32 s26, $0x1;
	_ =	strace $0x80000052;
	[dreg:$0x1] =	wrdreg $0xFFFFFFFF  }
0xa7: {  	s28 =	simm.s32 $_size_execute0_lowered;
	s2 =	sadd.s32 s2, s4;
	[dreg:$0x0] =	wrdreg $0x0  }
0xa8: {  	s4 =	sshll.u32 s28, $0x1;
	[dreg:$0x2] =	wrdreg s2  }
0xa9: {  	[dreg:$0x3] =	wrdreg s4  }
0xaa: {  	[dreg:$0x4] =	wrdreg $0xC0  }
0xab: {  	_ =	task [dreg:s6], $0x5FFFF  }
0xac: {  	[dreg:$0x1] =	wrdreg $0xFFFFFFFF  }
0xad: {  	[dreg:$0x0] =	wrdreg $0x60  }
0xae: {  	[dreg:$0x2] =	wrdreg s24  }
0xaf: {  	[dreg:$0x3] =	wrdreg $0x6F400  }
0xb0: {  	[dreg:$0x4] =	wrdreg $0x9  }
0xb1: {  	_ =	task.clear_ibuf [dreg:s6], $0x5FFFF;
	_ =	strace $0x90000052  }
0xb2: {  	s29 =	simm.s32 $0x9;
	_ =	strace $0x80000054  }
0xb3: {  	_ =	swait.ge [sflag:s29], $0x1  }
0xb4: {  	[sflag:s29] =	ssyncadd.s32 $0xFFFFFFFF  }
0xb5: {  	_ =	strace $0x90000054  }
0xb6: {  	_ =	sfence  }
0xb7: {  	s30 =	sld [smem:$0x0];
	_ =	sdelay $0x2  }
0xb8: {  	s31 =	sshll.u32 s1, $0xD;
	s1 =	sshrl.u32 s1, $0x2  }
0xb9: {  	s3 =	sand.u32 $0x4000, s31;
	s1 =	sadd.s32 s1, s30  }
0xba: {  	s0 =	sor.u32 s3, s0;
	s1 =	sshll.u32 s1, $0x11  }
0xbb: {  	s0 =	sor.u32 s1, s0  }
0xbc: {  	s0 =	sadd.s32 $0x8F2B, s0  }
0xbd: {  	[sflag:s0] =	ssyncadd.remote.s32 $0x1  }
0xbe: {  	_ =	sfence.sel $0xFFFF  }
0xbf: {  	[dreg:$0x0] =	wrdreg $0xFFFFFFFF;
	(pc) =	sbr.abs _section_cstart, $3  }
0xc0: {  	[dreg:$0x1] =	wrdreg $0xFFFFFFFF  }
0xc1: {  	_ =	task.clear_ibuf [dreg:s6], $0x2FFFF;
	_ =	strace $0x9FFFFFFF  }
0xc2: {  	(tm) =	ssettm $0x7FFFFFFF  }
0xc3: {  	_ =	shalt  }
tec
execute0_lowered:
.L_overlay_start_1:
0x0: {  	(tag) =	ssettag $0x1  }
0x1: {  	s0 =	srdreg.scid;
	s6 =	rddreg [dreg:$0x0]  }
0x2: {  	s12 =	stileid.u32;
	s2 =	rddreg [dreg:$0x1];
	s3 =	simm.s32 $0x0  }
0x3: {  	s14 =	simm.s32 $0x7D;
	s21 =	simm.s32 $0x6770;
	s22 =	simm.s32 $0x5  }
0x4: {  	s23 =	simm.s32 $0x6;
	s24 =	simm.s32 $0x7;
	s26 =	simm.s32 $0x8  }
0x5: {  	s28 =	simm.s32 $0x0;
	s0 =	sand.u32 $0x1, s0;
	s9 =	smul.u32 $0x3E80, s12  }
0x6: {  	[smem:$0x7FF] =	sst s3;
	s4 =	sadd.s32 $0xEE00, s6;
	s10 =	smul.u32 $0xFA00, s12  }
0x7: {  	p0 =	sgt.u32 s12, $0x9;
	s1 =	sshll.u32 s0, $0x4;
	s5 =	smul.u32 $0x27100, s0  }
0x8: {  	_ =	strace $0x80000053;
	s0 =	ssub.s32 $0x2, s0;
	s1 =	sor.u32 s12, s1  }
0x9: {  	s8 =	sshrl.u32 s0, $0x1;
	s31 =	sshrl.u32 s10, $0x2;
	s15 =	sadd.s32 s9, s2  }
0xa: {  	s10 =	simm.s32 $0x9;
	s1 =	smul.u32 $0x500, s1;
	s5 =	sadd.s32 s9, s5  }
0xb: {  	s0 =	ssub.s32 s0, s8;
	s25 =	sshrl.u32 @!p0 s15, $0x3;
	s7 =	sshrl.u32 s5, $0x3  }
0xc: {  	s5 =	sadd.s32 $0xE600, s6;
	s9 =	smax.u32 s0, $0x1;
	s0 =	sshll.u32 @!p0 s12, $0x6  }
0xd: {  	s1 =	sadd.s32 s1, s6;
	s11 =	sadd.s32 s7, s6;
	s12 =	sor.u32 @!p0 $0x1C09, s0  }
0xe: {  	s6 =	sadd.s32 $0x18E00, s1;
	s7 =	sadd.s32 $0x4600, s1;
	s1 =	sadd.s32 s31, s2  }
0xf: {  	s8 =	sadd.s32 $0x98400, s11;
	s11 =	simm.s32 $0x2800;
	s13 =	sshrl.u32 @!p0 s1, $0x3  }
.LBB2_1:
0x10: {  	[tilespmem:s3], [sflag:$0x9] =	stream.linear.gather [hbm4b:s6+s3], $0x2800, $0x38;
	[tilespmem:$0x9650] =	vst v63  }
0x11: {  	_ =	swait.ge [sflag:s10], $0x2800  }
0x12: {  	[sflag:s10] =	ssyncset.done $0x0  }
0x13: {  	[sflag:s10] =	ssyncadd.s32 $0xFFFFD800  }
0x14: {  	[tilespmem:s11], [sflag:$0x9] =	stream.linear.gather [hbm4b:s7+s3], $0x2800, $0x38;
	[tilespmem:$0x9650] =	vst v63  }
0x15: {  	_ =	swait.ge [sflag:s10], $0x2800  }
0x16: {  	[sflag:s10] =	ssyncset.done $0x0  }
0x17: {  	s0 =	simm.s32 @!p0 $0x9;
	[sflag:s10] =	ssyncadd.s32 $0xFFFFD800  }
0x18: {  	[spmem:s13], [sflag:s12] =	dma.local @!p0 [hbm:s5], $0x7D0  }
0x19: {  	_ =	swait.ge @!p0 [sflag:s0], $0x7D0  }
0x1a: {  	[sflag:s0] =	ssyncset.done @!p0 $0x0  }
0x1b: {  	[sflag:s0] =	ssyncadd.s32 @!p0 $0xFFFFF830  }
0x1c: {  	s1 =	simm.s32 $0x5000;
	[bflag:$0x0] =	sbarrier.arrive $0xFFFF  }
0x1d: {  	[tilespmem:s1], [sflag:$0x1] =	stream.indirect.gather [hbm4b:s4+s14], $0x10, s3, s14, $0xb8;
	[tilespmem:$0x9650] =	vst v63  }
0x1e: {  	s15 =	simm.s32 $0x80;
	s1 =	simm.s32 $0x57D0  }
0x1f: {  	[tilespmem:s1], [sflag:$0x2] =	stream.indirect.gather [hbm4b:s4+s14], $0x10, s15, s14, $0xb8;
	[tilespmem:$0x9650] =	vst v63  }
0x20: {  	s16 =	simm.s32 $0x100;
	s17 =	simm.s32 $0x5FA0;
	s19 =	sand.u32 $0x3, s3  }
0x21: {  	[tilespmem:s17], [sflag:$0x3] =	stream.indirect.gather [hbm4b:s4+s14], $0x10, s16, s14, $0xb8;
	[tilespmem:$0x9650] =	vst v63  }
0x22: {  	s18 =	simm.s32 $0x180;
	s20 =	smul.u32 $0x1F40, s19;
	s31 =	sadd.s32 $0x1, s19  }
0x23: {  	[tilespmem:s21], [sflag:$0x4] =	stream.indirect.gather [hbm4b:s4+s14], $0x10, s18, s14, $0xb8;
	[tilespmem:$0x9650] =	vst v63  }
0x24: {  	p1 =	por $0x0, $0x0;
	_ =	swait.ge [sflag:s31], $0x7D0  }
0x25: {  	s30 =	simm.s32 $0x2880;
	s1 =	sshrl.u32 s20, $0x2;
	[sflag:s31] =	ssyncset.done $0x0  }
0x26: {  	s17 =	sadd.s32 $0x5000, s1;
	s18 =	sadd.s32 $0x5, s19;
	[sflag:s31] =	ssyncadd.s32 $0xFFFFF830  }
0x27: {  	[spmem:s2] =	stream.indirect.scatter.add.f32 [tilespmem:s17], [sflag:s18], $0x10, s11, s14, $0xb8;
	[tilespmem:$0x9650] =	vst v63  }
0x28: {  	s29 =	simm.s32 $0x280;
	s15 =	simm.s32 $0x1;
	_ =	swait.ge @!p1 [sflag:s18], $0x7D0  }
0x29: {  	s0 =	sand.u32 $0x3, s15;
	s1 =	simm.s32 $0x200;
	[sflag:s18] =	ssyncset.done @!p1 $0x0  }
0x2a: {  	s16 =	simm.s32 $0x2;
	[sflag:s18] =	ssyncadd.s32 @!p1 $0xFFFFF830;
	s18 =	simm.s32 @!p1 $0x7D  }
.LBB2_2:
0x2b: {  	[tilespmem:s17], [sflag:s31] =	stream.indirect.gather @!p1 [hbm4b:s4+s18], $0x10, s1, s18, $0xb8;
	[tilespmem:$0x9650] =	vst v63  }
0x2c: {  	s18 =	smov.u32 s16;
	s1 =	smov.u32 s29;
	s19 =	sand.u32 $0x3, s16  }
0x2d: {  	s17 =	smul.u32 $0x1F40, s0;
	s31 =	sadd.s32 $0x1, s0;
	s16 =	sadd.s32 $0x1, s16  }
0x2e: {  	p1 =	sgt.u32 s15, $0x4B;
	s20 =	sadd.s32 $0x5, s0;
	_ =	swait.ge [sflag:s31], $0x7D0  }
0x2f: {  	p2 =	sne.s32 s16, $0x50;
	s15 =	sshrl.u32 s17, $0x2;
	[sflag:s31] =	ssyncset.done $0x0  }
.Ltmp0:
0x30: {  	s17 =	sadd.s32 $0x5000, s15;
	[sflag:s31] =	ssyncadd.s32 $0xFFFFF830;
	(pc) =	sbr.rel @p2 .LBB2_2-.Ltmp0, $4  }
0x31: {  	[spmem:s2] =	stream.indirect.scatter.add.f32 [tilespmem:s17], [sflag:s20], $0x10, s30, s14, $0xb8;
	[tilespmem:$0x9650] =	vst v63  }
0x32: {  	s0 =	smov.u32 s19;
	_ =	swait.ge @!p1 [sflag:s20], $0x7D0  }
0x33: {  	s15 =	smov.u32 s18;
	s30 =	sadd.s32 $0x80, s30;
	[sflag:s20] =	ssyncset.done @!p1 $0x0  }
0x34: {  	s29 =	sadd.s32 $0x80, s29;
	s18 =	simm.s32 @!p1 $0x7D;
	[sflag:s20] =	ssyncadd.s32 @!p1 $0xFFFFF830  }
0x35: {  	[tilespmem:s17], [sflag:s31] =	stream.indirect.gather @!p1 [hbm4b:s4+s18], $0x10, s1, s18, $0xb8;
	[tilespmem:$0x9650] =	vst v63  }
0x36: {  	s31 =	smul.u32 $0x1F40, s0;
	s16 =	sadd.s32 $0x1, s0  }
0x37: {  	_ =	swait.ge [sflag:s16], $0x7D0  }
0x38: {  	p1 =	sgt.u32 s15, $0x4B;
	s1 =	sshrl.u32 s31, $0x2;
	[sflag:s16] =	ssyncset.done $0x0  }
0x39: {  	s0 =	sadd.s32 $0x5, s0;
	s1 =	sadd.s32 $0x5000, s1;
	[sflag:s16] =	ssyncadd.s32 $0xFFFFF830  }
0x3a: {  	[spmem:s2] =	stream.indirect.scatter.add.f32 [tilespmem:s1], [sflag:s0], $0x10, s30, s14, $0xb8;
	[tilespmem:$0x9650] =	vst v63  }
0x3b: {  	_ =	swait.ge @!p1 [sflag:s0], $0x7D0  }
0x3c: {  	[sflag:s0] =	ssyncset.done @!p1 $0x0  }
0x3d: {  	[sflag:s0] =	ssyncadd.s32 @!p1 $0xFFFFF830;
	s0 =	simm.s32 @!p1 $0x7D  }
0x3e: {  	[tilespmem:s1], [sflag:s16] =	stream.indirect.gather @!p1 [hbm4b:s4+s0], $0x10, s29, s0, $0xb8;
	[tilespmem:$0x9650] =	vst v63  }
0x3f: {  	_ =	swait.ge [sflag:s22], $0x7D0  }
0x40: {  	[sflag:s22] =	ssyncset.done $0x0  }
0x41: {  	[sflag:s22] =	ssyncadd.s32 $0xFFFFF830  }
0x42: {  	_ =	swait.ge [sflag:s23], $0x7D0  }
0x43: {  	[sflag:s23] =	ssyncset.done $0x0  }
0x44: {  	[sflag:s23] =	ssyncadd.s32 $0xFFFFF830  }
0x45: {  	_ =	swait.ge [sflag:s24], $0x7D0  }
0x46: {  	[sflag:s24] =	ssyncset.done $0x0  }
0x47: {  	[sflag:s24] =	ssyncadd.s32 $0xFFFFF830  }
0x48: {  	_ =	swait.ge [sflag:s26], $0x7D0  }
0x49: {  	s28 =	sadd.s32 $0x1, s28;
	[sflag:s26] =	ssyncset.done $0x0  }
0x4a: {  	p1 =	sne.s32 s28, s9;
	[sflag:s26] =	ssyncadd.s32 $0xFFFFF830  }
.Ltmp1:
0x4b: {  	s0 =	simm.s32 @!p0 $0x9;
	[bflag:$0x0] =	sbarrier.arrive $0xFFFF;
	(pc) =	sbr.rel @p1 .LBB2_1-.Ltmp1, $4  }
0x4c: {  	[hbm:s8], [sflag:s12] =	dma.local @!p0 [spmem:s25], $0x7D0  }
0x4d: {  	_ =	swait.ge @!p0 [sflag:s0], $0x7D0  }
0x4e: {  	[sflag:s0] =	ssyncset.done @!p0 $0x0  }
0x4f: {  	[sflag:s0] =	ssyncadd.s32 @!p0 $0xFFFFF830  }
0x50: {  	_ =	sfence.sel $0x180000  }
0x51: {  	[bflag:$0x0] =	sbarrier.arrive $0xFFFF  }
0x52: {  	_ =	strace $0x90000053  }
0x53: {  	s0 =	stileid.u32;
	[bflag:$0x2] =	sbarrier.arrive $0xFFFF  }
0x54: {  	p0 =	sne.s32 s0, $0x0;
	s0 =	rddreg [dreg:$0x2]  }
0x55: {  	s0 =	sadd.s32 @!p0 $0x100000, s0  }
0x56: {  	[sflag:s0] =	ssyncadd.tile.s32 @!p0 $0x1;
	_ =	shalt  }
.Lfunc_end2:
_tile_overlayer_lowered:
.L_overlay_start_2:
0x57: {  	(tag) =	ssettag $0x2  }
0x58: {  	s0 =	rddreg [dreg:$0x0];
	s2 =	stileid.u32  }
0x59: {  	s1 =	rddreg [dreg:$0x1];
	p0 =	sne.s32 s2, $0x0  }
0x5a: {  	s3 =	rddreg [dreg:$0x2];
	[bflag:$0x3] =	sbarrier.arrive $0xFFFF;
	s2 =	simm.s32 @!p0 $0x1C09  }
0x5b: {  	[timem:s3], [sflag:s2] =	dma.local @!p0 [hbm:s0], s1  }
0x5c: {  	s0 =	simm.s32 @!p0 $0x9  }
0x5d: {  	_ =	swait.ge @!p0 [sflag:s0], s1  }
0x5e: {  	s1 =	ssub.s32 @!p0 $0x0, s1;
	[sflag:s0] =	ssyncset.done @!p0 $0x0  }
0x5f: {  	[sflag:s0] =	ssyncadd.s32 @!p0 s1  }
0x60: {  	[bflag:$0x3] =	sbarrier.arrive $0xFFFF  }
0x61: {  	_ =	shalt  }

</sc_bundles>
